<compile_context>
chip_gen: v7x
topology: tpu7x:2x2x1
jax: 0.10.2.dev20260603
libtpu: 0.0.44.dev20260713+nightly
codegen_flags: <defaults>
</compile_context>

<pallas_src>
import functools

import jax
import jax.numpy as jnp
from jax import lax
from jax.experimental import pallas as pl
from jax.experimental.pallas import tpu as pltpu
from jax.experimental.pallas import tpu_sc as plsc

N = 10000
D = 256
H = 256
R = 4
E = 40000

NC = 2
NS = 16
HW = D // NC
EPT = E // NS
B = 125
NB = EPT // B
DEGW = 128
ROWS_A = 624
ROWS_B = N - (NS - 1) * ROWS_A


def _sc_body(x0_ref, x1_ref, ei_ref, zg_ref, ones_ref,
             g_out, deg_out,
             src_v, dst_v, rows0_v, rows1_v, g_sh,
             sem0, sem1, dsem):
    c = lax.axis_index("c")
    s = lax.axis_index("s")
    row0 = pl.multiple_of(s * ROWS_A, 16)
    last = s == NS - 1

    def _rowsplit(copy_a, copy_b):
        pl.when(jnp.logical_not(last))(copy_a)
        pl.when(last)(copy_b)

    def _zero():
        _rowsplit(
            lambda: pltpu.sync_copy(zg_ref.at[pl.ds(0, ROWS_A)],
                                    g_sh.at[pl.ds(row0, ROWS_A)]),
            lambda: pltpu.sync_copy(zg_ref, g_sh.at[pl.ds(row0, ROWS_B)]),
        )

    def _relation(r, x_half, col0):
        _zero()
        plsc.subcore_barrier()

        pltpu.sync_copy(ei_ref.at[r, 0, s], src_v)
        pltpu.sync_copy(ei_ref.at[r, 1, s], dst_v)

        def _gather(j, buf, sem):
            return pltpu.async_copy(x_half.at[src_v.at[j]], buf, sem)

        _gather(0, rows0_v, sem0)

        def _pair(i, carry):
            j0 = pl.multiple_of(i * 2, 2)
            pltpu.make_async_copy(x_half.at[src_v.at[0]], rows0_v,
                                  sem0).wait()
            _gather(j0 + 1, rows1_v, sem1)
            pltpu.sync_copy(rows0_v, g_sh.at[dst_v.at[j0]], add=True)
            pltpu.make_async_copy(x_half.at[src_v.at[0]], rows1_v,
                                  sem1).wait()

            @pl.when(j0 + 2 < NB)
            def _():
                _gather(j0 + 2, rows0_v, sem0)

            pltpu.sync_copy(rows1_v, g_sh.at[dst_v.at[j0 + 1]], add=True)
            return carry

        lax.fori_loop(0, NB // 2, _pair, 0)
        plsc.subcore_barrier()

        _rowsplit(
            lambda: pltpu.sync_copy(
                g_sh.at[pl.ds(row0, ROWS_A)],
                g_out.at[r, pl.ds(row0, ROWS_A), pl.ds(col0, HW)]),
            lambda: pltpu.sync_copy(
                g_sh.at[pl.ds(row0, ROWS_B)],
                g_out.at[r, pl.ds(row0, ROWS_B), pl.ds(col0, HW)]),
        )

    def _degree(ra, rb, ci):
        _zero()
        plsc.subcore_barrier()

        def _half(r, ones_v):
            pltpu.sync_copy(ei_ref.at[r, 1, s], dst_v)

            def _batch(j, carry):
                pltpu.async_copy(ones_v, g_sh.at[dst_v.at[j]], dsem, add=True)
                return carry

            lax.fori_loop(0, NB, _batch, 0)

            def _drain(j, carry):
                pltpu.make_async_copy(ones_v, g_sh.at[dst_v.at[0]],
                                      dsem).wait()
                return carry

            lax.fori_loop(0, NB, _drain, 0)

        _half(ra, rows0_v)
        _half(rb, rows1_v)
        plsc.subcore_barrier()
        _rowsplit(
            lambda: pltpu.sync_copy(g_sh.at[pl.ds(row0, ROWS_A)],
                                    deg_out.at[ci, pl.ds(row0, ROWS_A)]),
            lambda: pltpu.sync_copy(g_sh.at[pl.ds(row0, ROWS_B)],
                                    deg_out.at[ci, pl.ds(row0, ROWS_B)]),
        )

    for r in range(R):
        pl.when(c == 0)(lambda: _relation(r, x0_ref, 0))
        pl.when(c == 1)(lambda: _relation(r, x1_ref, HW))
    pltpu.sync_copy(ones_ref.at[0], rows0_v)
    pltpu.sync_copy(ones_ref.at[1], rows1_v)
    pl.when(c == 0)(lambda: _degree(0, 1, 0))
    pl.when(c == 1)(lambda: _degree(2, 3, 1))


@functools.cache
def _sc_segment_sums():
    return pl.kernel(
        _sc_body,
        out_type=(
            jax.ShapeDtypeStruct((R, N, D), jnp.float32),
            jax.ShapeDtypeStruct((NC, N, DEGW), jnp.float32),
        ),
        mesh=plsc.VectorSubcoreMesh(
            core_axis_name="c", subcore_axis_name="s",
            num_cores=NC, num_subcores=NS,
        ),
        scratch_types=[
            pltpu.VMEM((NB, B), jnp.int32),
            pltpu.VMEM((NB, B), jnp.int32),
            pltpu.VMEM((B, HW), jnp.float32),
            pltpu.VMEM((B, HW), jnp.float32),
            pltpu.VMEM_SHARED((N, HW), jnp.float32),
            pltpu.SemaphoreType.DMA,
            pltpu.SemaphoreType.DMA,
            pltpu.SemaphoreType.DMA,
        ],
    )


BN = 1000


def _tc_body(x_ref, g_ref, degw_ref, w_ref, b_ref, out_ref, attn_ref):
    i = pl.program_id(0)
    xb = x_ref[...]
    feats = []
    for r in range(R):
        col = (r % 2) * (HW // 2)
        deg = jnp.maximum(degw_ref[r // 2, :, col:col + 1], 1.0)
        g = g_ref[r] / deg
        f = jnp.dot(g, w_ref[r], preferred_element_type=jnp.float32)
        feats.append(f + b_ref[r][None, :])

    scale = 1.0 / 16.0
    s = {}
    for a in range(R):
        for j in range(a, R):
            v = jnp.sum(feats[a] * feats[j], axis=1, keepdims=True) * scale
            s[(a, j)] = v
            s[(j, a)] = v

    attn_rows = []
    for a in range(R):
        m = jnp.maximum(jnp.maximum(s[(a, 0)], s[(a, 1)]),
                        jnp.maximum(s[(a, 2)], s[(a, 3)]))
        es = [jnp.exp(s[(a, j)] - m) for j in range(R)]
        z = es[0] + es[1] + es[2] + es[3]
        attn_rows.append([e / z for e in es])

    @pl.when(i == 0)
    def _():
        for a in range(R):
            for j in range(R):
                attn_ref[a, j] = 0.0

    for a in range(R):
        for j in range(R):
            attn_ref[a, j] += jnp.sum(attn_rows[a][j]) / float(N)

    rst = jnp.zeros_like(feats[0])
    for j in range(R):
        cj = (attn_rows[0][j] + attn_rows[1][j]
              + attn_rows[2][j] + attn_rows[3][j]) * 0.25
        rst = rst + cj * feats[j]

    out_ref[:, 0:D] = xb
    out_ref[:, D:D + H] = rst


def _tc_fuse(x, g, degw, w, b):
    grid = N // BN
    return pl.pallas_call(
        _tc_body,
        grid=(grid,),
        in_specs=[
            pl.BlockSpec((BN, D), lambda i: (i, 0)),
            pl.BlockSpec((R, BN, D), lambda i: (0, i, 0)),
            pl.BlockSpec((NC, BN, DEGW), lambda i: (0, i, 0)),
            pl.BlockSpec((R, D, H), lambda i: (0, 0, 0)),
            pl.BlockSpec((R, H), lambda i: (0, 0)),
        ],
        out_specs=[
            pl.BlockSpec((BN, D + H), lambda i: (i, 0)),
            pl.BlockSpec(memory_space=pltpu.SMEM),
        ],
        out_shape=[
            jax.ShapeDtypeStruct((N, D + H), jnp.float32),
            jax.ShapeDtypeStruct((R, R), jnp.float32),
        ],
    )(x, g, degw, w, b)


def kernel(x, edge_index, W, b):
    ei = edge_index.reshape(R, 2, NS, NB, B)
    zg = jnp.zeros((ROWS_B, HW), jnp.float32)
    half = jnp.ones((B, HW // 2), jnp.float32)
    zhalf = jnp.zeros((B, HW // 2), jnp.float32)
    ones_b = jnp.stack([jnp.concatenate([half, zhalf], axis=1),
                        jnp.concatenate([zhalf, half], axis=1)])
    x0 = lax.slice(x, (0, 0), (N, HW))
    x1 = lax.slice(x, (0, HW), (N, D))
    g, degw = _sc_segment_sums()(x0, x1, ei, zg, ones_b)
    out, attn_map = _tc_fuse(x, g, degw, W, b)
    return out, attn_map

# --- scband reference (transcript-rebuilt; emitter-appended) ---
"""Pipeline reference for scband-my-rgatconv-56968446214862 (READ-ONLY COPY).

The authoritative reference and input builder live on the scoring server;
editing this copy changes nothing except your own understanding.
"""

import jax, jax.numpy as jnp
import numpy as np

N = 10000   # nodes (single node type)
D = 256     # in_channels / gnn input features
H = 256     # gnn_hidden_features
R = 4       # number of canonical edge types (relations)
E = 40000   # edges per relation


def setup_inputs(seed: int = 0) -> dict:
    key = jax.random.key(seed)
    k1, k2, k3 = jax.random.split(key, 3)
    x = jax.random.normal(k1, (N, D), dtype=jnp.float32)
    edge_index = jax.random.randint(k2, (R, 2, E), 0, N).astype(jnp.int32)
    # Per-relation message-passing weights (the self._mods[etype] sub-modules)
    W = 0.1 * jax.random.normal(k3, (R, D, H), dtype=jnp.float32)
    b = jnp.zeros((R, H), dtype=jnp.float32)
    return {"x": x, "edge_index": edge_index, "W": W, "b": b}


def reference(x, edge_index, W, b):
    # Per canonical etype: rel_graph message passing (mean aggregation of
    # linearly transformed source features into dst nodes), producing
    # dstdata of shape [N_dst, 1, H]; collected into outputs[dtype].
    slots = []
    for r in range(R):
        src = edge_index[r, 0]
        dst = edge_index[r, 1]
        msg = jnp.take(x, src, axis=0) @ W[r]                      # gather + per-edge transform
        agg = jax.ops.segment_sum(msg, dst, num_segments=N)        # scatter-add
        deg = jax.ops.segment_sum(jnp.ones((E,), jnp.float32), dst, num_segments=N)
        agg = agg / jnp.clip(deg, 1.0)[:, None] + b[r]             # mean aggregation + bias
        slots.append(agg[:, None, :])
    # feat = torch.cat(alist, dim=1) -> [N, R, H]
    feat = jnp.concatenate(slots, axis=1)
    # feat, attn = attention(feat, feat, feat): scaled dot-product self-attention
    # across the relation slots
    scores = jnp.matmul(feat, jnp.swapaxes(feat, -1, -2)) / jnp.sqrt(float(H))
    attn = jax.nn.softmax(scores, axis=-1)                          # [N, R, R]
    feat = jnp.matmul(attn, feat)                                   # [N, R, H]
    attn_map = attn.mean(axis=0)                                    # attn.mean(dim=0) -> [R, R]
    # rsts[nty] = rsts[nty].mean(dim=1)
    rst = feat.mean(axis=1)                                         # [N, H]
    # rsts[nty] = torch.cat([dst_inputs[nty], rsts[nty]], dim=1)
    out = jnp.concatenate([x, rst], axis=1)                         # [N, D + H]
    return out, attn_map

if __name__ == "__main__":
    import jax
    _d = setup_inputs()
    print(jax.jit(kernel)(*tuple(_d.values())))

</pallas_src>

<mosaic_0001>
#map = affine_map<(d0, d1) -> (0, 0)>
#map1 = affine_map<(d0, d1) -> (0, 0, 0, 0, 0)>
#map2 = affine_map<(d0, d1) -> (0, 0, 0)>
module attributes {stable_mosaic.version = 14 : i64} {
  func.func @_sc_body(%arg0: i32, %arg1: i32, %arg2: memref<10000x128xf32, #tpu.memory_space<hbm>>, %arg3: memref<10000x128xf32, #tpu.memory_space<hbm>>, %arg4: memref<4x2x16x20x125xi32, #tpu.memory_space<hbm>>, %arg5: memref<640x128xf32, #tpu.memory_space<hbm>>, %arg6: memref<2x125x128xf32, #tpu.memory_space<hbm>>, %arg7: memref<4x10000x256xf32, #tpu.memory_space<hbm>>, %arg8: memref<2x10000x128xf32, #tpu.memory_space<hbm>>, %arg9: memref<20x125xi32, #tpu.memory_space<vmem>>, %arg10: memref<20x125xi32, #tpu.memory_space<vmem>>, %arg11: memref<125x128xf32, #tpu.memory_space<vmem>>, %arg12: memref<125x128xf32, #tpu.memory_space<vmem>>, %arg13: memref<10000x128xf32, #tpu.memory_space<vmem_shared>>, %arg14: memref<!tpu.dma_semaphore, #tpu.memory_space<semaphore_mem>>, %arg15: memref<!tpu.dma_semaphore, #tpu.memory_space<semaphore_mem>>, %arg16: memref<!tpu.dma_semaphore, #tpu.memory_space<semaphore_mem>>) attributes {dimension_semantics = [#tpu.dimension_semantics<core_parallel>, #tpu.dimension_semantics<subcore_parallel>], iteration_bounds = array<i64: 2, 16>, scalar_prefetch = 0 : i64, scratch_operands = 8 : i64, tpu.core_type = #tpu.core_type<sc_vector_subcore>, window_params = [{transform_indices = #map}, {transform_indices = #map}, {transform_indices = #map1}, {transform_indices = #map}, {transform_indices = #map2}, {transform_indices = #map2}, {transform_indices = #map2}]} {
    %mul3A = arith.constant 624 : i32
    %mul3A_0 = arith.muli %arg1, %mul3A : i32
    %multiple_of3A = tpu.assume_multiple %mul3A_0, 16 : i32
    %eq3A = arith.constant 15 : i32
    %eq3A_1 = arith.cmpi eq, %arg1, %eq3A : i32
    %eq3A_2 = arith.constant 0 : i32
    %eq3A_3 = arith.cmpi eq, %arg0, %eq3A_2 : i32
    %convert_element_type3A = arith.extui %eq3A_3 : i1 to i32
    %cond3A = arith.constant 0 : i32
    %cond3A_4 = arith.cmpi ne, %convert_element_type3A, %cond3A : i32
    scf.if %cond3A_4 {
      %not3A = arith.constant true
      %not3A_51 = arith.xori %eq3A_1, %not3A : i1
      %convert_element_type3A_52 = arith.extui %not3A_51 : i1 to i32
      %cond3A_53 = arith.constant 0 : i32
      %cond3A_54 = arith.cmpi ne, %convert_element_type3A_52, %cond3A_53 : i32
      scf.if %cond3A_54 {
        "tpu.region"() ({
          %run_scoped3A_82 = tpu.sem_alloc : memref<!tpu.dma_semaphore, #tpu.memory_space<semaphore_mem>>
          %dma_start3A_83 = arith.constant 0 : i32
          %dma_start3A_84 = tpu.memref_slice %arg13[%multiple_of3A, %dma_start3A_83] : memref<10000x128xf32, #tpu.memory_space<vmem_shared>> -> memref<624x128xf32, #tpu.memory_space<vmem_shared>>
          %dma_start3A_85 = arith.constant 0 : i32
          %dma_start3A_86 = arith.constant 0 : i32
          %dma_start3A_87 = tpu.memref_slice %arg5[%dma_start3A_85, %dma_start3A_86] : memref<640x128xf32, #tpu.memory_space<hbm>> -> memref<624x128xf32, #tpu.memory_space<hbm>>
          tpu.enqueue_dma source(%dma_start3A_87 : memref<624x128xf32, #tpu.memory_space<hbm>>) target(%dma_start3A_84 : memref<624x128xf32, #tpu.memory_space<vmem_shared>>) target_semaphore(%run_scoped3A_82 : memref<!tpu.dma_semaphore, #tpu.memory_space<semaphore_mem>>)
          %dma_wait3A = arith.constant 0 : i32
          %dma_wait3A_88 = tpu.memref_slice %arg13[%multiple_of3A, %dma_wait3A] : memref<10000x128xf32, #tpu.memory_space<vmem_shared>> -> memref<624x128xf32, #tpu.memory_space<vmem_shared>>
          %dma_wait3A_89 = arith.constant 0 : i32
          %dma_wait3A_90 = arith.constant 0 : i32
          %dma_wait3A_91 = tpu.memref_slice %arg5[%dma_wait3A_89, %dma_wait3A_90] : memref<640x128xf32, #tpu.memory_space<hbm>> -> memref<624x128xf32, #tpu.memory_space<hbm>>
          tpu.wait_dma2 semaphore(%run_scoped3A_82 : memref<!tpu.dma_semaphore, #tpu.memory_space<semaphore_mem>>) src(%dma_wait3A_91 : memref<624x128xf32, #tpu.memory_space<hbm>>) dst(%dma_wait3A_88 : memref<624x128xf32, #tpu.memory_space<vmem_shared>>)
          tpu.yield
        }) : () -> ()
      } else {
      }
      %convert_element_type3A_55 = arith.extui %eq3A_1 : i1 to i32
      %cond3A_56 = arith.constant 0 : i32
      %cond3A_57 = arith.cmpi ne, %convert_element_type3A_55, %cond3A_56 : i32
      scf.if %cond3A_57 {
        "tpu.region"() ({
          %run_scoped3A_82 = tpu.sem_alloc : memref<!tpu.dma_semaphore, #tpu.memory_space<semaphore_mem>>
          %dma_start3A_83 = arith.constant 0 : i32
          %dma_start3A_84 = tpu.memref_slice %arg13[%multiple_of3A, %dma_start3A_83] : memref<10000x128xf32, #tpu.memory_space<vmem_shared>> -> memref<640x128xf32, #tpu.memory_space<vmem_shared>>
          tpu.enqueue_dma source(%arg5 : memref<640x128xf32, #tpu.memory_space<hbm>>) target(%dma_start3A_84 : memref<640x128xf32, #tpu.memory_space<vmem_shared>>) target_semaphore(%run_scoped3A_82 : memref<!tpu.dma_semaphore, #tpu.memory_space<semaphore_mem>>)
          %dma_wait3A = arith.constant 0 : i32
          %dma_wait3A_85 = tpu.memref_slice %arg13[%multiple_of3A, %dma_wait3A] : memref<10000x128xf32, #tpu.memory_space<vmem_shared>> -> memref<640x128xf32, #tpu.memory_space<vmem_shared>>
          tpu.wait_dma2 semaphore(%run_scoped3A_82 : memref<!tpu.dma_semaphore, #tpu.memory_space<semaphore_mem>>) src(%arg5 : memref<640x128xf32, #tpu.memory_space<hbm>>) dst(%dma_wait3A_85 : memref<640x128xf32, #tpu.memory_space<vmem_shared>>)
          tpu.yield
        }) : () -> ()
      } else {
      }
      %barrier3A = arith.constant 0 : index
      tpu.barrier barrier_id(%barrier3A)
      %run_scoped3A_58 = arith.constant 0 : i32
      %run_scoped3A_59 = arith.constant 0 : i32
      "tpu.region"() ({
        %run_scoped3A_82 = tpu.sem_alloc : memref<!tpu.dma_semaphore, #tpu.memory_space<semaphore_mem>>
        %dma_start3A_83 = arith.constant 0 : i32
        %dma_start3A_84 = arith.constant 0 : i32
        %dma_start3A_85 = tpu.memref_slice %arg4[%run_scoped3A_58, %run_scoped3A_59, %arg1, %dma_start3A_83, %dma_start3A_84] : memref<4x2x16x20x125xi32, #tpu.memory_space<hbm>> -> memref<1x1x1x20x125xi32, #tpu.memory_space<hbm>>
        %dma_start3A_86 = tpu.memref_squeeze %dma_start3A_85 : memref<1x1x1x20x125xi32, #tpu.memory_space<hbm>> -> memref<20x125xi32, #tpu.memory_space<hbm>>
        %dma_start3A_87 = arith.constant 0 : i32
        %dma_start3A_88 = arith.constant 0 : i32
        %dma_start3A_89 = tpu.memref_slice %arg4[%run_scoped3A_58, %run_scoped3A_59, %arg1, %dma_start3A_87, %dma_start3A_88] : memref<4x2x16x20x125xi32, #tpu.memory_space<hbm>> -> memref<1x1x1x20x125xi32, #tpu.memory_space<hbm>>
        %dma_start3A_90 = tpu.memref_squeeze %dma_start3A_89 : memref<1x1x1x20x125xi32, #tpu.memory_space<hbm>> -> memref<20x125xi32, #tpu.memory_space<hbm>>
        tpu.enqueue_dma source(%dma_start3A_90 : memref<20x125xi32, #tpu.memory_space<hbm>>) target(%arg9 : memref<20x125xi32, #tpu.memory_space<vmem>>) target_semaphore(%run_scoped3A_82 : memref<!tpu.dma_semaphore, #tpu.memory_space<semaphore_mem>>)
        %dma_wait3A = arith.constant 0 : i32
        %dma_wait3A_91 = arith.constant 0 : i32
        %dma_wait3A_92 = tpu.memref_slice %arg4[%run_scoped3A_58, %run_scoped3A_59, %arg1, %dma_wait3A, %dma_wait3A_91] : memref<4x2x16x20x125xi32, #tpu.memory_space<hbm>> -> memref<1x1x1x20x125xi32, #tpu.memory_space<hbm>>
        %dma_wait3A_93 = tpu.memref_squeeze %dma_wait3A_92 : memref<1x1x1x20x125xi32, #tpu.memory_space<hbm>> -> memref<20x125xi32, #tpu.memory_space<hbm>>
        %dma_wait3A_94 = arith.constant 0 : i32
        %dma_wait3A_95 = arith.constant 0 : i32
        %dma_wait3A_96 = tpu.memref_slice %arg4[%run_scoped3A_58, %run_scoped3A_59, %arg1, %dma_wait3A_94, %dma_wait3A_95] : memref<4x2x16x20x125xi32, #tpu.memory_space<hbm>> -> memref<1x1x1x20x125xi32, #tpu.memory_space<hbm>>
        %dma_wait3A_97 = tpu.memref_squeeze %dma_wait3A_96 : memref<1x1x1x20x125xi32, #tpu.memory_space<hbm>> -> memref<20x125xi32, #tpu.memory_space<hbm>>
        tpu.wait_dma2 semaphore(%run_scoped3A_82 : memref<!tpu.dma_semaphore, #tpu.memory_space<semaphore_mem>>) src(%dma_wait3A_97 : memref<20x125xi32, #tpu.memory_space<hbm>>) dst(%arg9 : memref<20x125xi32, #tpu.memory_space<vmem>>)
        tpu.yield
      }) : () -> ()
      %run_scoped3A_60 = arith.constant 0 : i32
      %run_scoped3A_61 = arith.constant 1 : i32
      "tpu.region"() ({
        %run_scoped3A_82 = tpu.sem_alloc : memref<!tpu.dma_semaphore, #tpu.memory_space<semaphore_mem>>
        %dma_start3A_83 = arith.constant 0 : i32
        %dma_start3A_84 = arith.constant 0 : i32
        %dma_start3A_85 = tpu.memref_slice %arg4[%run_scoped3A_60, %run_scoped3A_61, %arg1, %dma_start3A_83, %dma_start3A_84] : memref<4x2x16x20x125xi32, #tpu.memory_space<hbm>> -> memref<1x1x1x20x125xi32, #tpu.memory_space<hbm>>
        %dma_start3A_86 = tpu.memref_squeeze %dma_start3A_85 : memref<1x1x1x20x125xi32, #tpu.memory_space<hbm>> -> memref<20x125xi32, #tpu.memory_space<hbm>>
        %dma_start3A_87 = arith.constant 0 : i32
        %dma_start3A_88 = arith.constant 0 : i32
        %dma_start3A_89 = tpu.memref_slice %arg4[%run_scoped3A_60, %run_scoped3A_61, %arg1, %dma_start3A_87, %dma_start3A_88] : memref<4x2x16x20x125xi32, #tpu.memory_space<hbm>> -> memref<1x1x1x20x125xi32, #tpu.memory_space<hbm>>
        %dma_start3A_90 = tpu.memref_squeeze %dma_start3A_89 : memref<1x1x1x20x125xi32, #tpu.memory_space<hbm>> -> memref<20x125xi32, #tpu.memory_space<hbm>>
        tpu.enqueue_dma source(%dma_start3A_90 : memref<20x125xi32, #tpu.memory_space<hbm>>) target(%arg10 : memref<20x125xi32, #tpu.memory_space<vmem>>) target_semaphore(%run_scoped3A_82 : memref<!tpu.dma_semaphore, #tpu.memory_space<semaphore_mem>>)
        %dma_wait3A = arith.constant 0 : i32
        %dma_wait3A_91 = arith.constant 0 : i32
        %dma_wait3A_92 = tpu.memref_slice %arg4[%run_scoped3A_60, %run_scoped3A_61, %arg1, %dma_wait3A, %dma_wait3A_91] : memref<4x2x16x20x125xi32, #tpu.memory_space<hbm>> -> memref<1x1x1x20x125xi32, #tpu.memory_space<hbm>>
        %dma_wait3A_93 = tpu.memref_squeeze %dma_wait3A_92 : memref<1x1x1x20x125xi32, #tpu.memory_space<hbm>> -> memref<20x125xi32, #tpu.memory_space<hbm>>
        %dma_wait3A_94 = arith.constant 0 : i32
        %dma_wait3A_95 = arith.constant 0 : i32
        %dma_wait3A_96 = tpu.memref_slice %arg4[%run_scoped3A_60, %run_scoped3A_61, %arg1, %dma_wait3A_94, %dma_wait3A_95] : memref<4x2x16x20x125xi32, #tpu.memory_space<hbm>> -> memref<1x1x1x20x125xi32, #tpu.memory_space<hbm>>
        %dma_wait3A_97 = tpu.memref_squeeze %dma_wait3A_96 : memref<1x1x1x20x125xi32, #tpu.memory_space<hbm>> -> memref<20x125xi32, #tpu.memory_space<hbm>>
        tpu.wait_dma2 semaphore(%run_scoped3A_82 : memref<!tpu.dma_semaphore, #tpu.memory_space<semaphore_mem>>) src(%dma_wait3A_97 : memref<20x125xi32, #tpu.memory_space<hbm>>) dst(%arg10 : memref<20x125xi32, #tpu.memory_space<vmem>>)
        tpu.yield
      }) : () -> ()
      %dma_start3A = arith.constant 0 : i32
      %dma_start3A_62 = arith.constant 0 : i32
      %dma_start3A_63 = tpu.memref_slice %arg9[%dma_start3A, %dma_start3A_62] : memref<20x125xi32, #tpu.memory_space<vmem>> -> memref<1x125xi32, #tpu.memory_space<vmem>>
      %dma_start3A_64 = tpu.memref_squeeze %dma_start3A_63 : memref<1x125xi32, #tpu.memory_space<vmem>> -> memref<125xi32, #tpu.memory_space<vmem>>
      %dma_start3A_65 = arith.constant 0 : i32
      %dma_start3A_66 = arith.constant 0 : i32
      %dma_start3A_67 = tpu.memref_slice %arg2[%dma_start3A_65, %dma_start3A_66] : memref<10000x128xf32, #tpu.memory_space<hbm>> -> memref<10000x128xf32, #tpu.memory_space<hbm>>
      tpu.enqueue_indirect_dma source(%dma_start3A_67 : memref<10000x128xf32, #tpu.memory_space<hbm>>) target(%arg11 : memref<125x128xf32, #tpu.memory_space<vmem>>) offsets(%dma_start3A_64 : memref<125xi32, #tpu.memory_space<vmem>>) semaphore(%arg14 : memref<!tpu.dma_semaphore, #tpu.memory_space<semaphore_mem>>)
      %scan3A = arith.constant 0 : i32
      %scan3A_68 = arith.constant 0 : i32
      %scan3A_69 = arith.constant 10 : i32
      %scan3A_70 = arith.addi %scan3A_68, %scan3A_69 : i32
      %scan3A_71 = arith.constant 1 : i32
      scf.for %scan3A_82 = %scan3A_68 to %scan3A_70 step %scan3A_71  : i32 {
        %mul3A_83 = arith.constant 2 : i32
        %mul3A_84 = arith.muli %scan3A_82, %mul3A_83 : i32
        %multiple_of3A_85 = tpu.assume_multiple %mul3A_84, 2 : i32
        %dma_wait3A = arith.constant 0 : i32
        %dma_wait3A_86 = arith.constant 0 : i32
        %dma_wait3A_87 = tpu.memref_slice %arg9[%dma_wait3A, %dma_wait3A_86] : memref<20x125xi32, #tpu.memory_space<vmem>> -> memref<1x125xi32, #tpu.memory_space<vmem>>
        %dma_wait3A_88 = tpu.memref_squeeze %dma_wait3A_87 : memref<1x125xi32, #tpu.memory_space<vmem>> -> memref<125xi32, #tpu.memory_space<vmem>>
        %dma_wait3A_89 = arith.constant 0 : i32
        %dma_wait3A_90 = arith.constant 0 : i32
        %dma_wait3A_91 = tpu.memref_slice %arg2[%dma_wait3A_89, %dma_wait3A_90] : memref<10000x128xf32, #tpu.memory_space<hbm>> -> memref<10000x128xf32, #tpu.memory_space<hbm>>
        tpu.wait_indirect_dma semaphore(%arg14 : memref<!tpu.dma_semaphore, #tpu.memory_space<semaphore_mem>>) src(%dma_wait3A_91 : memref<10000x128xf32, #tpu.memory_space<hbm>>) dst(%arg11 : memref<125x128xf32, #tpu.memory_space<vmem>>)
        %add3A = arith.constant 1 : i32
        %add3A_92 = arith.addi %multiple_of3A_85, %add3A : i32
        %dma_start3A_93 = arith.constant 0 : i32
        %dma_start3A_94 = tpu.memref_slice %arg9[%add3A_92, %dma_start3A_93] : memref<20x125xi32, #tpu.memory_space<vmem>> -> memref<1x125xi32, #tpu.memory_space<vmem>>
        %dma_start3A_95 = tpu.memref_squeeze %dma_start3A_94 : memref<1x125xi32, #tpu.memory_space<vmem>> -> memref<125xi32, #tpu.memory_space<vmem>>
        %dma_start3A_96 = arith.constant 0 : i32
        %dma_start3A_97 = arith.constant 0 : i32
        %dma_start3A_98 = tpu.memref_slice %arg2[%dma_start3A_96, %dma_start3A_97] : memref<10000x128xf32, #tpu.memory_space<hbm>> -> memref<10000x128xf32, #tpu.memory_space<hbm>>
        tpu.enqueue_indirect_dma source(%dma_start3A_98 : memref<10000x128xf32, #tpu.memory_space<hbm>>) target(%arg12 : memref<125x128xf32, #tpu.memory_space<vmem>>) offsets(%dma_start3A_95 : memref<125xi32, #tpu.memory_space<vmem>>) semaphore(%arg15 : memref<!tpu.dma_semaphore, #tpu.memory_space<semaphore_mem>>)
        "tpu.region"() ({
          %run_scoped3A_114 = tpu.sem_alloc : memref<!tpu.dma_semaphore, #tpu.memory_space<semaphore_mem>>
          %dma_start3A_115 = arith.constant 0 : i32
          %dma_start3A_116 = tpu.memref_slice %arg10[%multiple_of3A_85, %dma_start3A_115] : memref<20x125xi32, #tpu.memory_space<vmem>> -> memref<1x125xi32, #tpu.memory_space<vmem>>
          %dma_start3A_117 = tpu.memref_squeeze %dma_start3A_116 : memref<1x125xi32, #tpu.memory_space<vmem>> -> memref<125xi32, #tpu.memory_space<vmem>>
          %dma_start3A_118 = arith.constant 0 : i32
          %dma_start3A_119 = arith.constant 0 : i32
          %dma_start3A_120 = tpu.memref_slice %arg13[%dma_start3A_118, %dma_start3A_119] : memref<10000x128xf32, #tpu.memory_space<vmem_shared>> -> memref<10000x128xf32, #tpu.memory_space<vmem_shared>>
          tpu.enqueue_indirect_dma source(%arg11 : memref<125x128xf32, #tpu.memory_space<vmem>>) target(%dma_start3A_120 : memref<10000x128xf32, #tpu.memory_space<vmem_shared>>) offsets(%dma_start3A_117 : memref<125xi32, #tpu.memory_space<vmem>>) semaphore(%run_scoped3A_114 : memref<!tpu.dma_semaphore, #tpu.memory_space<semaphore_mem>>) {add = true}
          %dma_wait3A_121 = arith.constant 0 : i32
          %dma_wait3A_122 = tpu.memref_slice %arg10[%multiple_of3A_85, %dma_wait3A_121] : memref<20x125xi32, #tpu.memory_space<vmem>> -> memref<1x125xi32, #tpu.memory_space<vmem>>
          %dma_wait3A_123 = tpu.memref_squeeze %dma_wait3A_122 : memref<1x125xi32, #tpu.memory_space<vmem>> -> memref<125xi32, #tpu.memory_space<vmem>>
          %dma_wait3A_124 = arith.constant 0 : i32
          %dma_wait3A_125 = arith.constant 0 : i32
          %dma_wait3A_126 = tpu.memref_slice %arg13[%dma_wait3A_124, %dma_wait3A_125] : memref<10000x128xf32, #tpu.memory_space<vmem_shared>> -> memref<10000x128xf32, #tpu.memory_space<vmem_shared>>
          tpu.wait_indirect_dma semaphore(%run_scoped3A_114 : memref<!tpu.dma_semaphore, #tpu.memory_space<semaphore_mem>>) src(%arg11 : memref<125x128xf32, #tpu.memory_space<vmem>>) dst(%dma_wait3A_126 : memref<10000x128xf32, #tpu.memory_space<vmem_shared>>)
          tpu.yield
        }) : () -> ()
        %dma_wait3A_99 = arith.constant 0 : i32
        %dma_wait3A_100 = arith.constant 0 : i32
        %dma_wait3A_101 = tpu.memref_slice %arg9[%dma_wait3A_99, %dma_wait3A_100] : memref<20x125xi32, #tpu.memory_space<vmem>> -> memref<1x125xi32, #tpu.memory_space<vmem>>
        %dma_wait3A_102 = tpu.memref_squeeze %dma_wait3A_101 : memref<1x125xi32, #tpu.memory_space<vmem>> -> memref<125xi32, #tpu.memory_space<vmem>>
        %dma_wait3A_103 = arith.constant 0 : i32
        %dma_wait3A_104 = arith.constant 0 : i32
        %dma_wait3A_105 = tpu.memref_slice %arg2[%dma_wait3A_103, %dma_wait3A_104] : memref<10000x128xf32, #tpu.memory_space<hbm>> -> memref<10000x128xf32, #tpu.memory_space<hbm>>
        tpu.wait_indirect_dma semaphore(%arg15 : memref<!tpu.dma_semaphore, #tpu.memory_space<semaphore_mem>>) src(%dma_wait3A_105 : memref<10000x128xf32, #tpu.memory_space<hbm>>) dst(%arg12 : memref<125x128xf32, #tpu.memory_space<vmem>>)
        %add3A_106 = arith.constant 2 : i32
        %add3A_107 = arith.addi %multiple_of3A_85, %add3A_106 : i32
        %lt3A = arith.constant 20 : i32
        %lt3A_108 = arith.cmpi slt, %add3A_107, %lt3A : i32
        %convert_element_type3A_109 = arith.extui %lt3A_108 : i1 to i32
        %cond3A_110 = arith.constant 0 : i32
        %cond3A_111 = arith.cmpi ne, %convert_element_type3A_109, %cond3A_110 : i32
        scf.if %cond3A_111 {
          %add3A_114 = arith.constant 2 : i32
          %add3A_115 = arith.addi %multiple_of3A_85, %add3A_114 : i32
          %dma_start3A_116 = arith.constant 0 : i32
          %dma_start3A_117 = tpu.memref_slice %arg9[%add3A_115, %dma_start3A_116] : memref<20x125xi32, #tpu.memory_space<vmem>> -> memref<1x125xi32, #tpu.memory_space<vmem>>
          %dma_start3A_118 = tpu.memref_squeeze %dma_start3A_117 : memref<1x125xi32, #tpu.memory_space<vmem>> -> memref<125xi32, #tpu.memory_space<vmem>>
          %dma_start3A_119 = arith.constant 0 : i32
          %dma_start3A_120 = arith.constant 0 : i32
          %dma_start3A_121 = tpu.memref_slice %arg2[%dma_start3A_119, %dma_start3A_120] : memref<10000x128xf32, #tpu.memory_space<hbm>> -> memref<10000x128xf32, #tpu.memory_space<hbm>>
          tpu.enqueue_indirect_dma source(%dma_start3A_121 : memref<10000x128xf32, #tpu.memory_space<hbm>>) target(%arg11 : memref<125x128xf32, #tpu.memory_space<vmem>>) offsets(%dma_start3A_118 : memref<125xi32, #tpu.memory_space<vmem>>) semaphore(%arg14 : memref<!tpu.dma_semaphore, #tpu.memory_space<semaphore_mem>>)
        } else {
        }
        %add3A_112 = arith.constant 1 : i32
        %add3A_113 = arith.addi %multiple_of3A_85, %add3A_112 : i32
        "tpu.region"() ({
          %run_scoped3A_114 = tpu.sem_alloc : memref<!tpu.dma_semaphore, #tpu.memory_space<semaphore_mem>>
          %dma_start3A_115 = arith.constant 0 : i32
          %dma_start3A_116 = tpu.memref_slice %arg10[%add3A_113, %dma_start3A_115] : memref<20x125xi32, #tpu.memory_space<vmem>> -> memref<1x125xi32, #tpu.memory_space<vmem>>
          %dma_start3A_117 = tpu.memref_squeeze %dma_start3A_116 : memref<1x125xi32, #tpu.memory_space<vmem>> -> memref<125xi32, #tpu.memory_space<vmem>>
          %dma_start3A_118 = arith.constant 0 : i32
          %dma_start3A_119 = arith.constant 0 : i32
          %dma_start3A_120 = tpu.memref_slice %arg13[%dma_start3A_118, %dma_start3A_119] : memref<10000x128xf32, #tpu.memory_space<vmem_shared>> -> memref<10000x128xf32, #tpu.memory_space<vmem_shared>>
          tpu.enqueue_indirect_dma source(%arg12 : memref<125x128xf32, #tpu.memory_space<vmem>>) target(%dma_start3A_120 : memref<10000x128xf32, #tpu.memory_space<vmem_shared>>) offsets(%dma_start3A_117 : memref<125xi32, #tpu.memory_space<vmem>>) semaphore(%run_scoped3A_114 : memref<!tpu.dma_semaphore, #tpu.memory_space<semaphore_mem>>) {add = true}
          %dma_wait3A_121 = arith.constant 0 : i32
          %dma_wait3A_122 = tpu.memref_slice %arg10[%add3A_113, %dma_wait3A_121] : memref<20x125xi32, #tpu.memory_space<vmem>> -> memref<1x125xi32, #tpu.memory_space<vmem>>
          %dma_wait3A_123 = tpu.memref_squeeze %dma_wait3A_122 : memref<1x125xi32, #tpu.memory_space<vmem>> -> memref<125xi32, #tpu.memory_space<vmem>>
          %dma_wait3A_124 = arith.constant 0 : i32
          %dma_wait3A_125 = arith.constant 0 : i32
          %dma_wait3A_126 = tpu.memref_slice %arg13[%dma_wait3A_124, %dma_wait3A_125] : memref<10000x128xf32, #tpu.memory_space<vmem_shared>> -> memref<10000x128xf32, #tpu.memory_space<vmem_shared>>
          tpu.wait_indirect_dma semaphore(%run_scoped3A_114 : memref<!tpu.dma_semaphore, #tpu.memory_space<semaphore_mem>>) src(%arg12 : memref<125x128xf32, #tpu.memory_space<vmem>>) dst(%dma_wait3A_126 : memref<10000x128xf32, #tpu.memory_space<vmem_shared>>)
          tpu.yield
        }) : () -> ()
      }
      %scan3A_72 = arith.constant 10 : i32
      %barrier3A_73 = arith.constant 0 : index
      tpu.barrier barrier_id(%barrier3A_73)
      %not3A_74 = arith.constant true
      %not3A_75 = arith.xori %eq3A_1, %not3A_74 : i1
      %convert_element_type3A_76 = arith.extui %not3A_75 : i1 to i32
      %cond3A_77 = arith.constant 0 : i32
      %cond3A_78 = arith.cmpi ne, %convert_element_type3A_76, %cond3A_77 : i32
      scf.if %cond3A_78 {
        %run_scoped3A_82 = arith.constant 0 : i32
        "tpu.region"() ({
          %run_scoped3A_83 = tpu.sem_alloc : memref<!tpu.dma_semaphore, #tpu.memory_space<semaphore_mem>>
          %dma_start3A_84 = arith.constant 0 : i32
          %dma_start3A_85 = tpu.memref_slice %arg7[%run_scoped3A_82, %multiple_of3A, %dma_start3A_84] : memref<4x10000x256xf32, #tpu.memory_space<hbm>> -> memref<1x624x128xf32, #tpu.memory_space<hbm>>
          %dma_start3A_86 = tpu.memref_squeeze %dma_start3A_85 : memref<1x624x128xf32, #tpu.memory_space<hbm>> -> memref<624x128xf32, #tpu.memory_space<hbm>>
          %dma_start3A_87 = arith.constant 0 : i32
          %dma_start3A_88 = tpu.memref_slice %arg13[%multiple_of3A, %dma_start3A_87] : memref<10000x128xf32, #tpu.memory_space<vmem_shared>> -> memref<624x128xf32, #tpu.memory_space<vmem_shared>>
          tpu.enqueue_dma source(%dma_start3A_88 : memref<624x128xf32, #tpu.memory_space<vmem_shared>>) target(%dma_start3A_86 : memref<624x128xf32, #tpu.memory_space<hbm>>) target_semaphore(%run_scoped3A_83 : memref<!tpu.dma_semaphore, #tpu.memory_space<semaphore_mem>>)
          %dma_wait3A = arith.constant 0 : i32
          %dma_wait3A_89 = tpu.memref_slice %arg7[%run_scoped3A_82, %multiple_of3A, %dma_wait3A] : memref<4x10000x256xf32, #tpu.memory_space<hbm>> -> memref<1x624x128xf32, #tpu.memory_space<hbm>>
          %dma_wait3A_90 = tpu.memref_squeeze %dma_wait3A_89 : memref<1x624x128xf32, #tpu.memory_space<hbm>> -> memref<624x128xf32, #tpu.memory_space<hbm>>
          %dma_wait3A_91 = arith.constant 0 : i32
          %dma_wait3A_92 = tpu.memref_slice %arg13[%multiple_of3A, %dma_wait3A_91] : memref<10000x128xf32, #tpu.memory_space<vmem_shared>> -> memref<624x128xf32, #tpu.memory_space<vmem_shared>>
          tpu.wait_dma2 semaphore(%run_scoped3A_83 : memref<!tpu.dma_semaphore, #tpu.memory_space<semaphore_mem>>) src(%dma_wait3A_92 : memref<624x128xf32, #tpu.memory_space<vmem_shared>>) dst(%dma_wait3A_90 : memref<624x128xf32, #tpu.memory_space<hbm>>)
          tpu.yield
        }) : () -> ()
      } else {
      }
      %convert_element_type3A_79 = arith.extui %eq3A_1 : i1 to i32
      %cond3A_80 = arith.constant 0 : i32
      %cond3A_81 = arith.cmpi ne, %convert_element_type3A_79, %cond3A_80 : i32
      scf.if %cond3A_81 {
        %run_scoped3A_82 = arith.constant 0 : i32
        "tpu.region"() ({
          %run_scoped3A_83 = tpu.sem_alloc : memref<!tpu.dma_semaphore, #tpu.memory_space<semaphore_mem>>
          %dma_start3A_84 = arith.constant 0 : i32
          %dma_start3A_85 = tpu.memref_slice %arg7[%run_scoped3A_82, %multiple_of3A, %dma_start3A_84] : memref<4x10000x256xf32, #tpu.memory_space<hbm>> -> memref<1x640x128xf32, #tpu.memory_space<hbm>>
          %dma_start3A_86 = tpu.memref_squeeze %dma_start3A_85 : memref<1x640x128xf32, #tpu.memory_space<hbm>> -> memref<640x128xf32, #tpu.memory_space<hbm>>
          %dma_start3A_87 = arith.constant 0 : i32
          %dma_start3A_88 = tpu.memref_slice %arg13[%multiple_of3A, %dma_start3A_87] : memref<10000x128xf32, #tpu.memory_space<vmem_shared>> -> memref<640x128xf32, #tpu.memory_space<vmem_shared>>
          tpu.enqueue_dma source(%dma_start3A_88 : memref<640x128xf32, #tpu.memory_space<vmem_shared>>) target(%dma_start3A_86 : memref<640x128xf32, #tpu.memory_space<hbm>>) target_semaphore(%run_scoped3A_83 : memref<!tpu.dma_semaphore, #tpu.memory_space<semaphore_mem>>)
          %dma_wait3A = arith.constant 0 : i32
          %dma_wait3A_89 = tpu.memref_slice %arg7[%run_scoped3A_82, %multiple_of3A, %dma_wait3A] : memref<4x10000x256xf32, #tpu.memory_space<hbm>> -> memref<1x640x128xf32, #tpu.memory_space<hbm>>
          %dma_wait3A_90 = tpu.memref_squeeze %dma_wait3A_89 : memref<1x640x128xf32, #tpu.memory_space<hbm>> -> memref<640x128xf32, #tpu.memory_space<hbm>>
          %dma_wait3A_91 = arith.constant 0 : i32
          %dma_wait3A_92 = tpu.memref_slice %arg13[%multiple_of3A, %dma_wait3A_91] : memref<10000x128xf32, #tpu.memory_space<vmem_shared>> -> memref<640x128xf32, #tpu.memory_space<vmem_shared>>
          tpu.wait_dma2 semaphore(%run_scoped3A_83 : memref<!tpu.dma_semaphore, #tpu.memory_space<semaphore_mem>>) src(%dma_wait3A_92 : memref<640x128xf32, #tpu.memory_space<vmem_shared>>) dst(%dma_wait3A_90 : memref<640x128xf32, #tpu.memory_space<hbm>>)
          tpu.yield
        }) : () -> ()
      } else {
      }
    } else {
    }
    %eq3A_5 = arith.constant 1 : i32
    %eq3A_6 = arith.cmpi eq, %arg0, %eq3A_5 : i32
    %convert_element_type3A_7 = arith.extui %eq3A_6 : i1 to i32
    %cond3A_8 = arith.constant 0 : i32
    %cond3A_9 = arith.cmpi ne, %convert_element_type3A_7, %cond3A_8 : i32
    scf.if %cond3A_9 {
      %not3A = arith.constant true
      %not3A_51 = arith.xori %eq3A_1, %not3A : i1
      %convert_element_type3A_52 = arith.extui %not3A_51 : i1 to i32
      %cond3A_53 = arith.constant 0 : i32
      %cond3A_54 = arith.cmpi ne, %convert_element_type3A_52, %cond3A_53 : i32
      scf.if %cond3A_54 {
        "tpu.region"() ({
          %run_scoped3A_82 = tpu.sem_alloc : memref<!tpu.dma_semaphore, #tpu.memory_space<semaphore_mem>>
          %dma_start3A_83 = arith.constant 0 : i32
          %dma_start3A_84 = tpu.memref_slice %arg13[%multiple_of3A, %dma_start3A_83] : memref<10000x128xf32, #tpu.memory_space<vmem_shared>> -> memref<624x128xf32, #tpu.memory_space<vmem_shared>>
          %dma_start3A_85 = arith.constant 0 : i32
          %dma_start3A_86 = arith.constant 0 : i32
          %dma_start3A_87 = tpu.memref_slice %arg5[%dma_start3A_85, %dma_start3A_86] : memref<640x128xf32, #tpu.memory_space<hbm>> -> memref<624x128xf32, #tpu.memory_space<hbm>>
          tpu.enqueue_dma source(%dma_start3A_87 : memref<624x128xf32, #tpu.memory_space<hbm>>) target(%dma_start3A_84 : memref<624x128xf32, #tpu.memory_space<vmem_shared>>) target_semaphore(%run_scoped3A_82 : memref<!tpu.dma_semaphore, #tpu.memory_space<semaphore_mem>>)
          %dma_wait3A = arith.constant 0 : i32
          %dma_wait3A_88 = tpu.memref_slice %arg13[%multiple_of3A, %dma_wait3A] : memref<10000x128xf32, #tpu.memory_space<vmem_shared>> -> memref<624x128xf32, #tpu.memory_space<vmem_shared>>
          %dma_wait3A_89 = arith.constant 0 : i32
          %dma_wait3A_90 = arith.constant 0 : i32
          %dma_wait3A_91 = tpu.memref_slice %arg5[%dma_wait3A_89, %dma_wait3A_90] : memref<640x128xf32, #tpu.memory_space<hbm>> -> memref<624x128xf32, #tpu.memory_space<hbm>>
          tpu.wait_dma2 semaphore(%run_scoped3A_82 : memref<!tpu.dma_semaphore, #tpu.memory_space<semaphore_mem>>) src(%dma_wait3A_91 : memref<624x128xf32, #tpu.memory_space<hbm>>) dst(%dma_wait3A_88 : memref<624x128xf32, #tpu.memory_space<vmem_shared>>)
          tpu.yield
        }) : () -> ()
      } else {
      }
      %convert_element_type3A_55 = arith.extui %eq3A_1 : i1 to i32
      %cond3A_56 = arith.constant 0 : i32
      %cond3A_57 = arith.cmpi ne, %convert_element_type3A_55, %cond3A_56 : i32
      scf.if %cond3A_57 {
        "tpu.region"() ({
          %run_scoped3A_82 = tpu.sem_alloc : memref<!tpu.dma_semaphore, #tpu.memory_space<semaphore_mem>>
          %dma_start3A_83 = arith.constant 0 : i32
          %dma_start3A_84 = tpu.memref_slice %arg13[%multiple_of3A, %dma_start3A_83] : memref<10000x128xf32, #tpu.memory_space<vmem_shared>> -> memref<640x128xf32, #tpu.memory_space<vmem_shared>>
          tpu.enqueue_dma source(%arg5 : memref<640x128xf32, #tpu.memory_space<hbm>>) target(%dma_start3A_84 : memref<640x128xf32, #tpu.memory_space<vmem_shared>>) target_semaphore(%run_scoped3A_82 : memref<!tpu.dma_semaphore, #tpu.memory_space<semaphore_mem>>)
          %dma_wait3A = arith.constant 0 : i32
          %dma_wait3A_85 = tpu.memref_slice %arg13[%multiple_of3A, %dma_wait3A] : memref<10000x128xf32, #tpu.memory_space<vmem_shared>> -> memref<640x128xf32, #tpu.memory_space<vmem_shared>>
          tpu.wait_dma2 semaphore(%run_scoped3A_82 : memref<!tpu.dma_semaphore, #tpu.memory_space<semaphore_mem>>) src(%arg5 : memref<640x128xf32, #tpu.memory_space<hbm>>) dst(%dma_wait3A_85 : memref<640x128xf32, #tpu.memory_space<vmem_shared>>)
          tpu.yield
        }) : () -> ()
      } else {
      }
      %barrier3A = arith.constant 0 : index
      tpu.barrier barrier_id(%barrier3A)
      %run_scoped3A_58 = arith.constant 0 : i32
      %run_scoped3A_59 = arith.constant 0 : i32
      "tpu.region"() ({
        %run_scoped3A_82 = tpu.sem_alloc : memref<!tpu.dma_semaphore, #tpu.memory_space<semaphore_mem>>
        %dma_start3A_83 = arith.constant 0 : i32
        %dma_start3A_84 = arith.constant 0 : i32
        %dma_start3A_85 = tpu.memref_slice %arg4[%run_scoped3A_58, %run_scoped3A_59, %arg1, %dma_start3A_83, %dma_start3A_84] : memref<4x2x16x20x125xi32, #tpu.memory_space<hbm>> -> memref<1x1x1x20x125xi32, #tpu.memory_space<hbm>>
        %dma_start3A_86 = tpu.memref_squeeze %dma_start3A_85 : memref<1x1x1x20x125xi32, #tpu.memory_space<hbm>> -> memref<20x125xi32, #tpu.memory_space<hbm>>
        %dma_start3A_87 = arith.constant 0 : i32
        %dma_start3A_88 = arith.constant 0 : i32
        %dma_start3A_89 = tpu.memref_slice %arg4[%run_scoped3A_58, %run_scoped3A_59, %arg1, %dma_start3A_87, %dma_start3A_88] : memref<4x2x16x20x125xi32, #tpu.memory_space<hbm>> -> memref<1x1x1x20x125xi32, #tpu.memory_space<hbm>>
        %dma_start3A_90 = tpu.memref_squeeze %dma_start3A_89 : memref<1x1x1x20x125xi32, #tpu.memory_space<hbm>> -> memref<20x125xi32, #tpu.memory_space<hbm>>
        tpu.enqueue_dma source(%dma_start3A_90 : memref<20x125xi32, #tpu.memory_space<hbm>>) target(%arg9 : memref<20x125xi32, #tpu.memory_space<vmem>>) target_semaphore(%run_scoped3A_82 : memref<!tpu.dma_semaphore, #tpu.memory_space<semaphore_mem>>)
        %dma_wait3A = arith.constant 0 : i32
        %dma_wait3A_91 = arith.constant 0 : i32
        %dma_wait3A_92 = tpu.memref_slice %arg4[%run_scoped3A_58, %run_scoped3A_59, %arg1, %dma_wait3A, %dma_wait3A_91] : memref<4x2x16x20x125xi32, #tpu.memory_space<hbm>> -> memref<1x1x1x20x125xi32, #tpu.memory_space<hbm>>
        %dma_wait3A_93 = tpu.memref_squeeze %dma_wait3A_92 : memref<1x1x1x20x125xi32, #tpu.memory_space<hbm>> -> memref<20x125xi32, #tpu.memory_space<hbm>>
        %dma_wait3A_94 = arith.constant 0 : i32
        %dma_wait3A_95 = arith.constant 0 : i32
        %dma_wait3A_96 = tpu.memref_slice %arg4[%run_scoped3A_58, %run_scoped3A_59, %arg1, %dma_wait3A_94, %dma_wait3A_95] : memref<4x2x16x20x125xi32, #tpu.memory_space<hbm>> -> memref<1x1x1x20x125xi32, #tpu.memory_space<hbm>>
        %dma_wait3A_97 = tpu.memref_squeeze %dma_wait3A_96 : memref<1x1x1x20x125xi32, #tpu.memory_space<hbm>> -> memref<20x125xi32, #tpu.memory_space<hbm>>
        tpu.wait_dma2 semaphore(%run_scoped3A_82 : memref<!tpu.dma_semaphore, #tpu.memory_space<semaphore_mem>>) src(%dma_wait3A_97 : memref<20x125xi32, #tpu.memory_space<hbm>>) dst(%arg9 : memref<20x125xi32, #tpu.memory_space<vmem>>)
        tpu.yield
      }) : () -> ()
      %run_scoped3A_60 = arith.constant 0 : i32
      %run_scoped3A_61 = arith.constant 1 : i32
      "tpu.region"() ({
        %run_scoped3A_82 = tpu.sem_alloc : memref<!tpu.dma_semaphore, #tpu.memory_space<semaphore_mem>>
        %dma_start3A_83 = arith.constant 0 : i32
        %dma_start3A_84 = arith.constant 0 : i32
        %dma_start3A_85 = tpu.memref_slice %arg4[%run_scoped3A_60, %run_scoped3A_61, %arg1, %dma_start3A_83, %dma_start3A_84] : memref<4x2x16x20x125xi32, #tpu.memory_space<hbm>> -> memref<1x1x1x20x125xi32, #tpu.memory_space<hbm>>
        %dma_start3A_86 = tpu.memref_squeeze %dma_start3A_85 : memref<1x1x1x20x125xi32, #tpu.memory_space<hbm>> -> memref<20x125xi32, #tpu.memory_space<hbm>>
        %dma_start3A_87 = arith.constant 0 : i32
        %dma_start3A_88 = arith.constant 0 : i32
        %dma_start3A_89 = tpu.memref_slice %arg4[%run_scoped3A_60, %run_scoped3A_61, %arg1, %dma_start3A_87, %dma_start3A_88] : memref<4x2x16x20x125xi32, #tpu.memory_space<hbm>> -> memref<1x1x1x20x125xi32, #tpu.memory_space<hbm>>
        %dma_start3A_90 = tpu.memref_squeeze %dma_start3A_89 : memref<1x1x1x20x125xi32, #tpu.memory_space<hbm>> -> memref<20x125xi32, #tpu.memory_space<hbm>>
        tpu.enqueue_dma source(%dma_start3A_90 : memref<20x125xi32, #tpu.memory_space<hbm>>) target(%arg10 : memref<20x125xi32, #tpu.memory_space<vmem>>) target_semaphore(%run_scoped3A_82 : memref<!tpu.dma_semaphore, #tpu.memory_space<semaphore_mem>>)
        %dma_wait3A = arith.constant 0 : i32
        %dma_wait3A_91 = arith.constant 0 : i32
        %dma_wait3A_92 = tpu.memref_slice %arg4[%run_scoped3A_60, %run_scoped3A_61, %arg1, %dma_wait3A, %dma_wait3A_91] : memref<4x2x16x20x125xi32, #tpu.memory_space<hbm>> -> memref<1x1x1x20x125xi32, #tpu.memory_space<hbm>>
        %dma_wait3A_93 = tpu.memref_squeeze %dma_wait3A_92 : memref<1x1x1x20x125xi32, #tpu.memory_space<hbm>> -> memref<20x125xi32, #tpu.memory_space<hbm>>
        %dma_wait3A_94 = arith.constant 0 : i32
        %dma_wait3A_95 = arith.constant 0 : i32
        %dma_wait3A_96 = tpu.memref_slice %arg4[%run_scoped3A_60, %run_scoped3A_61, %arg1, %dma_wait3A_94, %dma_wait3A_95] : memref<4x2x16x20x125xi32, #tpu.memory_space<hbm>> -> memref<1x1x1x20x125xi32, #tpu.memory_space<hbm>>
        %dma_wait3A_97 = tpu.memref_squeeze %dma_wait3A_96 : memref<1x1x1x20x125xi32, #tpu.memory_space<hbm>> -> memref<20x125xi32, #tpu.memory_space<hbm>>
        tpu.wait_dma2 semaphore(%run_scoped3A_82 : memref<!tpu.dma_semaphore, #tpu.memory_space<semaphore_mem>>) src(%dma_wait3A_97 : memref<20x125xi32, #tpu.memory_space<hbm>>) dst(%arg10 : memref<20x125xi32, #tpu.memory_space<vmem>>)
        tpu.yield
      }) : () -> ()
      %dma_start3A = arith.constant 0 : i32
      %dma_start3A_62 = arith.constant 0 : i32
      %dma_start3A_63 = tpu.memref_slice %arg9[%dma_start3A, %dma_start3A_62] : memref<20x125xi32, #tpu.memory_space<vmem>> -> memref<1x125xi32, #tpu.memory_space<vmem>>
      %dma_start3A_64 = tpu.memref_squeeze %dma_start3A_63 : memref<1x125xi32, #tpu.memory_space<vmem>> -> memref<125xi32, #tpu.memory_space<vmem>>
      %dma_start3A_65 = arith.constant 0 : i32
      %dma_start3A_66 = arith.constant 0 : i32
      %dma_start3A_67 = tpu.memref_slice %arg3[%dma_start3A_65, %dma_start3A_66] : memref<10000x128xf32, #tpu.memory_space<hbm>> -> memref<10000x128xf32, #tpu.memory_space<hbm>>
      tpu.enqueue_indirect_dma source(%dma_start3A_67 : memref<10000x128xf32, #tpu.memory_space<hbm>>) target(%arg11 : memref<125x128xf32, #tpu.memory_space<vmem>>) offsets(%dma_start3A_64 : memref<125xi32, #tpu.memory_space<vmem>>) semaphore(%arg14 : memref<!tpu.dma_semaphore, #tpu.memory_space<semaphore_mem>>)
      %scan3A = arith.constant 0 : i32
      %scan3A_68 = arith.constant 0 : i32
      %scan3A_69 = arith.constant 10 : i32
      %scan3A_70 = arith.addi %scan3A_68, %scan3A_69 : i32
      %scan3A_71 = arith.constant 1 : i32
      scf.for %scan3A_82 = %scan3A_68 to %scan3A_70 step %scan3A_71  : i32 {
        %mul3A_83 = arith.constant 2 : i32
        %mul3A_84 = arith.muli %scan3A_82, %mul3A_83 : i32
        %multiple_of3A_85 = tpu.assume_multiple %mul3A_84, 2 : i32
        %dma_wait3A = arith.constant 0 : i32
        %dma_wait3A_86 = arith.constant 0 : i32
        %dma_wait3A_87 = tpu.memref_slice %arg9[%dma_wait3A, %dma_wait3A_86] : memref<20x125xi32, #tpu.memory_space<vmem>> -> memref<1x125xi32, #tpu.memory_space<vmem>>
        %dma_wait3A_88 = tpu.memref_squeeze %dma_wait3A_87 : memref<1x125xi32, #tpu.memory_space<vmem>> -> memref<125xi32, #tpu.memory_space<vmem>>
        %dma_wait3A_89 = arith.constant 0 : i32
        %dma_wait3A_90 = arith.constant 0 : i32
        %dma_wait3A_91 = tpu.memref_slice %arg3[%dma_wait3A_89, %dma_wait3A_90] : memref<10000x128xf32, #tpu.memory_space<hbm>> -> memref<10000x128xf32, #tpu.memory_space<hbm>>
        tpu.wait_indirect_dma semaphore(%arg14 : memref<!tpu.dma_semaphore, #tpu.memory_space<semaphore_mem>>) src(%dma_wait3A_91 : memref<10000x128xf32, #tpu.memory_space<hbm>>) dst(%arg11 : memref<125x128xf32, #tpu.memory_space<vmem>>)
        %add3A = arith.constant 1 : i32
        %add3A_92 = arith.addi %multiple_of3A_85, %add3A : i32
        %dma_start3A_93 = arith.constant 0 : i32
        %dma_start3A_94 = tpu.memref_slice %arg9[%add3A_92, %dma_start3A_93] : memref<20x125xi32, #tpu.memory_space<vmem>> -> memref<1x125xi32, #tpu.memory_space<vmem>>
        %dma_start3A_95 = tpu.memref_squeeze %dma_start3A_94 : memref<1x125xi32, #tpu.memory_space<vmem>> -> memref<125xi32, #tpu.memory_space<vmem>>
        %dma_start3A_96 = arith.constant 0 : i32
        %dma_start3A_97 = arith.constant 0 : i32
        %dma_start3A_98 = tpu.memref_slice %arg3[%dma_start3A_96, %dma_start3A_97] : memref<10000x128xf32, #tpu.memory_space<hbm>> -> memref<10000x128xf32, #tpu.memory_space<hbm>>
        tpu.enqueue_indirect_dma source(%dma_start3A_98 : memref<10000x128xf32, #tpu.memory_space<hbm>>) target(%arg12 : memref<125x128xf32, #tpu.memory_space<vmem>>) offsets(%dma_start3A_95 : memref<125xi32, #tpu.memory_space<vmem>>) semaphore(%arg15 : memref<!tpu.dma_semaphore, #tpu.memory_space<semaphore_mem>>)
        "tpu.region"() ({
          %run_scoped3A_114 = tpu.sem_alloc : memref<!tpu.dma_semaphore, #tpu.memory_space<semaphore_mem>>
          %dma_start3A_115 = arith.constant 0 : i32
          %dma_start3A_116 = tpu.memref_slice %arg10[%multiple_of3A_85, %dma_start3A_115] : memref<20x125xi32, #tpu.memory_space<vmem>> -> memref<1x125xi32, #tpu.memory_space<vmem>>
          %dma_start3A_117 = tpu.memref_squeeze %dma_start3A_116 : memref<1x125xi32, #tpu.memory_space<vmem>> -> memref<125xi32, #tpu.memory_space<vmem>>
          %dma_start3A_118 = arith.constant 0 : i32
          %dma_start3A_119 = arith.constant 0 : i32
          %dma_start3A_120 = tpu.memref_slice %arg13[%dma_start3A_118, %dma_start3A_119] : memref<10000x128xf32, #tpu.memory_space<vmem_shared>> -> memref<10000x128xf32, #tpu.memory_space<vmem_shared>>
          tpu.enqueue_indirect_dma source(%arg11 : memref<125x128xf32, #tpu.memory_space<vmem>>) target(%dma_start3A_120 : memref<10000x128xf32, #tpu.memory_space<vmem_shared>>) offsets(%dma_start3A_117 : memref<125xi32, #tpu.memory_space<vmem>>) semaphore(%run_scoped3A_114 : memref<!tpu.dma_semaphore, #tpu.memory_space<semaphore_mem>>) {add = true}
          %dma_wait3A_121 = arith.constant 0 : i32
          %dma_wait3A_122 = tpu.memref_slice %arg10[%multiple_of3A_85, %dma_wait3A_121] : memref<20x125xi32, #tpu.memory_space<vmem>> -> memref<1x125xi32, #tpu.memory_space<vmem>>
          %dma_wait3A_123 = tpu.memref_squeeze %dma_wait3A_122 : memref<1x125xi32, #tpu.memory_space<vmem>> -> memref<125xi32, #tpu.memory_space<vmem>>
          %dma_wait3A_124 = arith.constant 0 : i32
          %dma_wait3A_125 = arith.constant 0 : i32
          %dma_wait3A_126 = tpu.memref_slice %arg13[%dma_wait3A_124, %dma_wait3A_125] : memref<10000x128xf32, #tpu.memory_space<vmem_shared>> -> memref<10000x128xf32, #tpu.memory_space<vmem_shared>>
          tpu.wait_indirect_dma semaphore(%run_scoped3A_114 : memref<!tpu.dma_semaphore, #tpu.memory_space<semaphore_mem>>) src(%arg11 : memref<125x128xf32, #tpu.memory_space<vmem>>) dst(%dma_wait3A_126 : memref<10000x128xf32, #tpu.memory_space<vmem_shared>>)
          tpu.yield
        }) : () -> ()
        %dma_wait3A_99 = arith.constant 0 : i32
        %dma_wait3A_100 = arith.constant 0 : i32
        %dma_wait3A_101 = tpu.memref_slice %arg9[%dma_wait3A_99, %dma_wait3A_100] : memref<20x125xi32, #tpu.memory_space<vmem>> -> memref<1x125xi32, #tpu.memory_space<vmem>>
        %dma_wait3A_102 = tpu.memref_squeeze %dma_wait3A_101 : memref<1x125xi32, #tpu.memory_space<vmem>> -> memref<125xi32, #tpu.memory_space<vmem>>
        %dma_wait3A_103 = arith.constant 0 : i32
        %dma_wait3A_104 = arith.constant 0 : i32
        %dma_wait3A_105 = tpu.memref_slice %arg3[%dma_wait3A_103, %dma_wait3A_104] : memref<10000x128xf32, #tpu.memory_space<hbm>> -> memref<10000x128xf32, #tpu.memory_space<hbm>>
        tpu.wait_indirect_dma semaphore(%arg15 : memref<!tpu.dma_semaphore, #tpu.memory_space<semaphore_mem>>) src(%dma_wait3A_105 : memref<10000x128xf32, #tpu.memory_space<hbm>>) dst(%arg12 : memref<125x128xf32, #tpu.memory_space<vmem>>)
        %add3A_106 = arith.constant 2 : i32
        %add3A_107 = arith.addi %multiple_of3A_85, %add3A_106 : i32
        %lt3A = arith.constant 20 : i32
        %lt3A_108 = arith.cmpi slt, %add3A_107, %lt3A : i32
        %convert_element_type3A_109 = arith.extui %lt3A_108 : i1 to i32
        %cond3A_110 = arith.constant 0 : i32
        %cond3A_111 = arith.cmpi ne, %convert_element_type3A_109, %cond3A_110 : i32
        scf.if %cond3A_111 {
          %add3A_114 = arith.constant 2 : i32
          %add3A_115 = arith.addi %multiple_of3A_85, %add3A_114 : i32
          %dma_start3A_116 = arith.constant 0 : i32
          %dma_start3A_117 = tpu.memref_slice %arg9[%add3A_115, %dma_start3A_116] : memref<20x125xi32, #tpu.memory_space<vmem>> -> memref<1x125xi32, #tpu.memory_space<vmem>>
          %dma_start3A_118 = tpu.memref_squeeze %dma_start3A_117 : memref<1x125xi32, #tpu.memory_space<vmem>> -> memref<125xi32, #tpu.memory_space<vmem>>
          %dma_start3A_119 = arith.constant 0 : i32
          %dma_start3A_120 = arith.constant 0 : i32
          %dma_start3A_121 = tpu.memref_slice %arg3[%dma_start3A_119, %dma_start3A_120] : memref<10000x128xf32, #tpu.memory_space<hbm>> -> memref<10000x128xf32, #tpu.memory_space<hbm>>
          tpu.enqueue_indirect_dma source(%dma_start3A_121 : memref<10000x128xf32, #tpu.memory_space<hbm>>) target(%arg11 : memref<125x128xf32, #tpu.memory_space<vmem>>) offsets(%dma_start3A_118 : memref<125xi32, #tpu.memory_space<vmem>>) semaphore(%arg14 : memref<!tpu.dma_semaphore, #tpu.memory_space<semaphore_mem>>)
        } else {
        }
        %add3A_112 = arith.constant 1 : i32
        %add3A_113 = arith.addi %multiple_of3A_85, %add3A_112 : i32
        "tpu.region"() ({
          %run_scoped3A_114 = tpu.sem_alloc : memref<!tpu.dma_semaphore, #tpu.memory_space<semaphore_mem>>
          %dma_start3A_115 = arith.constant 0 : i32
          %dma_start3A_116 = tpu.memref_slice %arg10[%add3A_113, %dma_start3A_115] : memref<20x125xi32, #tpu.memory_space<vmem>> -> memref<1x125xi32, #tpu.memory_space<vmem>>
          %dma_start3A_117 = tpu.memref_squeeze %dma_start3A_116 : memref<1x125xi32, #tpu.memory_space<vmem>> -> memref<125xi32, #tpu.memory_space<vmem>>
          %dma_start3A_118 = arith.constant 0 : i32
          %dma_start3A_119 = arith.constant 0 : i32
          %dma_start3A_120 = tpu.memref_slice %arg13[%dma_start3A_118, %dma_start3A_119] : memref<10000x128xf32, #tpu.memory_space<vmem_shared>> -> memref<10000x128xf32, #tpu.memory_space<vmem_shared>>
          tpu.enqueue_indirect_dma source(%arg12 : memref<125x128xf32, #tpu.memory_space<vmem>>) target(%dma_start3A_120 : memref<10000x128xf32, #tpu.memory_space<vmem_shared>>) offsets(%dma_start3A_117 : memref<125xi32, #tpu.memory_space<vmem>>) semaphore(%run_scoped3A_114 : memref<!tpu.dma_semaphore, #tpu.memory_space<semaphore_mem>>) {add = true}
          %dma_wait3A_121 = arith.constant 0 : i32
          %dma_wait3A_122 = tpu.memref_slice %arg10[%add3A_113, %dma_wait3A_121] : memref<20x125xi32, #tpu.memory_space<vmem>> -> memref<1x125xi32, #tpu.memory_space<vmem>>
          %dma_wait3A_123 = tpu.memref_squeeze %dma_wait3A_122 : memref<1x125xi32, #tpu.memory_space<vmem>> -> memref<125xi32, #tpu.memory_space<vmem>>
          %dma_wait3A_124 = arith.constant 0 : i32
          %dma_wait3A_125 = arith.constant 0 : i32
          %dma_wait3A_126 = tpu.memref_slice %arg13[%dma_wait3A_124, %dma_wait3A_125] : memref<10000x128xf32, #tpu.memory_space<vmem_shared>> -> memref<10000x128xf32, #tpu.memory_space<vmem_shared>>
          tpu.wait_indirect_dma semaphore(%run_scoped3A_114 : memref<!tpu.dma_semaphore, #tpu.memory_space<semaphore_mem>>) src(%arg12 : memref<125x128xf32, #tpu.memory_space<vmem>>) dst(%dma_wait3A_126 : memref<10000x128xf32, #tpu.memory_space<vmem_shared>>)
          tpu.yield
        }) : () -> ()
      }
      %scan3A_72 = arith.constant 10 : i32
      %barrier3A_73 = arith.constant 0 : index
      tpu.barrier barrier_id(%barrier3A_73)
      %not3A_74 = arith.constant true
      %not3A_75 = arith.xori %eq3A_1, %not3A_74 : i1
      %convert_element_type3A_76 = arith.extui %not3A_75 : i1 to i32
      %cond3A_77 = arith.constant 0 : i32
      %cond3A_78 = arith.cmpi ne, %convert_element_type3A_76, %cond3A_77 : i32
      scf.if %cond3A_78 {
        %run_scoped3A_82 = arith.constant 0 : i32
        "tpu.region"() ({
          %run_scoped3A_83 = tpu.sem_alloc : memref<!tpu.dma_semaphore, #tpu.memory_space<semaphore_mem>>
          %dma_start3A_84 = arith.constant 128 : i32
          %dma_start3A_85 = tpu.memref_slice %arg7[%run_scoped3A_82, %multiple_of3A, %dma_start3A_84] : memref<4x10000x256xf32, #tpu.memory_space<hbm>> -> memref<1x624x128xf32, #tpu.memory_space<hbm>>
          %dma_start3A_86 = tpu.memref_squeeze %dma_start3A_85 : memref<1x624x128xf32, #tpu.memory_space<hbm>> -> memref<624x128xf32, #tpu.memory_space<hbm>>
          %dma_start3A_87 = arith.constant 0 : i32
          %dma_start3A_88 = tpu.memref_slice %arg13[%multiple_of3A, %dma_start3A_87] : memref<10000x128xf32, #tpu.memory_space<vmem_shared>> -> memref<624x128xf32, #tpu.memory_space<vmem_shared>>
          tpu.enqueue_dma source(%dma_start3A_88 : memref<624x128xf32, #tpu.memory_space<vmem_shared>>) target(%dma_start3A_86 : memref<624x128xf32, #tpu.memory_space<hbm>>) target_semaphore(%run_scoped3A_83 : memref<!tpu.dma_semaphore, #tpu.memory_space<semaphore_mem>>)
          %dma_wait3A = arith.constant 128 : i32
          %dma_wait3A_89 = tpu.memref_slice %arg7[%run_scoped3A_82, %multiple_of3A, %dma_wait3A] : memref<4x10000x256xf32, #tpu.memory_space<hbm>> -> memref<1x624x128xf32, #tpu.memory_space<hbm>>
          %dma_wait3A_90 = tpu.memref_squeeze %dma_wait3A_89 : memref<1x624x128xf32, #tpu.memory_space<hbm>> -> memref<624x128xf32, #tpu.memory_space<hbm>>
          %dma_wait3A_91 = arith.constant 0 : i32
          %dma_wait3A_92 = tpu.memref_slice %arg13[%multiple_of3A, %dma_wait3A_91] : memref<10000x128xf32, #tpu.memory_space<vmem_shared>> -> memref<624x128xf32, #tpu.memory_space<vmem_shared>>
          tpu.wait_dma2 semaphore(%run_scoped3A_83 : memref<!tpu.dma_semaphore, #tpu.memory_space<semaphore_mem>>) src(%dma_wait3A_92 : memref<624x128xf32, #tpu.memory_space<vmem_shared>>) dst(%dma_wait3A_90 : memref<624x128xf32, #tpu.memory_space<hbm>>)
          tpu.yield
        }) : () -> ()
      } else {
      }
      %convert_element_type3A_79 = arith.extui %eq3A_1 : i1 to i32
      %cond3A_80 = arith.constant 0 : i32
      %cond3A_81 = arith.cmpi ne, %convert_element_type3A_79, %cond3A_80 : i32
      scf.if %cond3A_81 {
        %run_scoped3A_82 = arith.constant 0 : i32
        "tpu.region"() ({
          %run_scoped3A_83 = tpu.sem_alloc : memref<!tpu.dma_semaphore, #tpu.memory_space<semaphore_mem>>
          %dma_start3A_84 = arith.constant 128 : i32
          %dma_start3A_85 = tpu.memref_slice %arg7[%run_scoped3A_82, %multiple_of3A, %dma_start3A_84] : memref<4x10000x256xf32, #tpu.memory_space<hbm>> -> memref<1x640x128xf32, #tpu.memory_space<hbm>>
          %dma_start3A_86 = tpu.memref_squeeze %dma_start3A_85 : memref<1x640x128xf32, #tpu.memory_space<hbm>> -> memref<640x128xf32, #tpu.memory_space<hbm>>
          %dma_start3A_87 = arith.constant 0 : i32
          %dma_start3A_88 = tpu.memref_slice %arg13[%multiple_of3A, %dma_start3A_87] : memref<10000x128xf32, #tpu.memory_space<vmem_shared>> -> memref<640x128xf32, #tpu.memory_space<vmem_shared>>
          tpu.enqueue_dma source(%dma_start3A_88 : memref<640x128xf32, #tpu.memory_space<vmem_shared>>) target(%dma_start3A_86 : memref<640x128xf32, #tpu.memory_space<hbm>>) target_semaphore(%run_scoped3A_83 : memref<!tpu.dma_semaphore, #tpu.memory_space<semaphore_mem>>)
          %dma_wait3A = arith.constant 128 : i32
          %dma_wait3A_89 = tpu.memref_slice %arg7[%run_scoped3A_82, %multiple_of3A, %dma_wait3A] : memref<4x10000x256xf32, #tpu.memory_space<hbm>> -> memref<1x640x128xf32, #tpu.memory_space<hbm>>
          %dma_wait3A_90 = tpu.memref_squeeze %dma_wait3A_89 : memref<1x640x128xf32, #tpu.memory_space<hbm>> -> memref<640x128xf32, #tpu.memory_space<hbm>>
          %dma_wait3A_91 = arith.constant 0 : i32
          %dma_wait3A_92 = tpu.memref_slice %arg13[%multiple_of3A, %dma_wait3A_91] : memref<10000x128xf32, #tpu.memory_space<vmem_shared>> -> memref<640x128xf32, #tpu.memory_space<vmem_shared>>
          tpu.wait_dma2 semaphore(%run_scoped3A_83 : memref<!tpu.dma_semaphore, #tpu.memory_space<semaphore_mem>>) src(%dma_wait3A_92 : memref<640x128xf32, #tpu.memory_space<vmem_shared>>) dst(%dma_wait3A_90 : memref<640x128xf32, #tpu.memory_space<hbm>>)
          tpu.yield
        }) : () -> ()
      } else {
      }
    } else {
    }
    %eq3A_10 = arith.constant 0 : i32
    %eq3A_11 = arith.cmpi eq, %arg0, %eq3A_10 : i32
    %convert_element_type3A_12 = arith.extui %eq3A_11 : i1 to i32
    %cond3A_13 = arith.constant 0 : i32
    %cond3A_14 = arith.cmpi ne, %convert_element_type3A_12, %cond3A_13 : i32
    scf.if %cond3A_14 {
      %not3A = arith.constant true
      %not3A_51 = arith.xori %eq3A_1, %not3A : i1
      %convert_element_type3A_52 = arith.extui %not3A_51 : i1 to i32
      %cond3A_53 = arith.constant 0 : i32
      %cond3A_54 = arith.cmpi ne, %convert_element_type3A_52, %cond3A_53 : i32
      scf.if %cond3A_54 {
        "tpu.region"() ({
          %run_scoped3A_82 = tpu.sem_alloc : memref<!tpu.dma_semaphore, #tpu.memory_space<semaphore_mem>>
          %dma_start3A_83 = arith.constant 0 : i32
          %dma_start3A_84 = tpu.memref_slice %arg13[%multiple_of3A, %dma_start3A_83] : memref<10000x128xf32, #tpu.memory_space<vmem_shared>> -> memref<624x128xf32, #tpu.memory_space<vmem_shared>>
          %dma_start3A_85 = arith.constant 0 : i32
          %dma_start3A_86 = arith.constant 0 : i32
          %dma_start3A_87 = tpu.memref_slice %arg5[%dma_start3A_85, %dma_start3A_86] : memref<640x128xf32, #tpu.memory_space<hbm>> -> memref<624x128xf32, #tpu.memory_space<hbm>>
          tpu.enqueue_dma source(%dma_start3A_87 : memref<624x128xf32, #tpu.memory_space<hbm>>) target(%dma_start3A_84 : memref<624x128xf32, #tpu.memory_space<vmem_shared>>) target_semaphore(%run_scoped3A_82 : memref<!tpu.dma_semaphore, #tpu.memory_space<semaphore_mem>>)
          %dma_wait3A = arith.constant 0 : i32
          %dma_wait3A_88 = tpu.memref_slice %arg13[%multiple_of3A, %dma_wait3A] : memref<10000x128xf32, #tpu.memory_space<vmem_shared>> -> memref<624x128xf32, #tpu.memory_space<vmem_shared>>
          %dma_wait3A_89 = arith.constant 0 : i32
          %dma_wait3A_90 = arith.constant 0 : i32
          %dma_wait3A_91 = tpu.memref_slice %arg5[%dma_wait3A_89, %dma_wait3A_90] : memref<640x128xf32, #tpu.memory_space<hbm>> -> memref<624x128xf32, #tpu.memory_space<hbm>>
          tpu.wait_dma2 semaphore(%run_scoped3A_82 : memref<!tpu.dma_semaphore, #tpu.memory_space<semaphore_mem>>) src(%dma_wait3A_91 : memref<624x128xf32, #tpu.memory_space<hbm>>) dst(%dma_wait3A_88 : memref<624x128xf32, #tpu.memory_space<vmem_shared>>)
          tpu.yield
        }) : () -> ()
      } else {
      }
      %convert_element_type3A_55 = arith.extui %eq3A_1 : i1 to i32
      %cond3A_56 = arith.constant 0 : i32
      %cond3A_57 = arith.cmpi ne, %convert_element_type3A_55, %cond3A_56 : i32
      scf.if %cond3A_57 {
        "tpu.region"() ({
          %run_scoped3A_82 = tpu.sem_alloc : memref<!tpu.dma_semaphore, #tpu.memory_space<semaphore_mem>>
          %dma_start3A_83 = arith.constant 0 : i32
          %dma_start3A_84 = tpu.memref_slice %arg13[%multiple_of3A, %dma_start3A_83] : memref<10000x128xf32, #tpu.memory_space<vmem_shared>> -> memref<640x128xf32, #tpu.memory_space<vmem_shared>>
          tpu.enqueue_dma source(%arg5 : memref<640x128xf32, #tpu.memory_space<hbm>>) target(%dma_start3A_84 : memref<640x128xf32, #tpu.memory_space<vmem_shared>>) target_semaphore(%run_scoped3A_82 : memref<!tpu.dma_semaphore, #tpu.memory_space<semaphore_mem>>)
          %dma_wait3A = arith.constant 0 : i32
          %dma_wait3A_85 = tpu.memref_slice %arg13[%multiple_of3A, %dma_wait3A] : memref<10000x128xf32, #tpu.memory_space<vmem_shared>> -> memref<640x128xf32, #tpu.memory_space<vmem_shared>>
          tpu.wait_dma2 semaphore(%run_scoped3A_82 : memref<!tpu.dma_semaphore, #tpu.memory_space<semaphore_mem>>) src(%arg5 : memref<640x128xf32, #tpu.memory_space<hbm>>) dst(%dma_wait3A_85 : memref<640x128xf32, #tpu.memory_space<vmem_shared>>)
          tpu.yield
        }) : () -> ()
      } else {
      }
      %barrier3A = arith.constant 0 : index
      tpu.barrier barrier_id(%barrier3A)
      %run_scoped3A_58 = arith.constant 1 : i32
      %run_scoped3A_59 = arith.constant 0 : i32
      "tpu.region"() ({
        %run_scoped3A_82 = tpu.sem_alloc : memref<!tpu.dma_semaphore, #tpu.memory_space<semaphore_mem>>
        %dma_start3A_83 = arith.constant 0 : i32
        %dma_start3A_84 = arith.constant 0 : i32
        %dma_start3A_85 = tpu.memref_slice %arg4[%run_scoped3A_58, %run_scoped3A_59, %arg1, %dma_start3A_83, %dma_start3A_84] : memref<4x2x16x20x125xi32, #tpu.memory_space<hbm>> -> memref<1x1x1x20x125xi32, #tpu.memory_space<hbm>>
        %dma_start3A_86 = tpu.memref_squeeze %dma_start3A_85 : memref<1x1x1x20x125xi32, #tpu.memory_space<hbm>> -> memref<20x125xi32, #tpu.memory_space<hbm>>
        %dma_start3A_87 = arith.constant 0 : i32
        %dma_start3A_88 = arith.constant 0 : i32
        %dma_start3A_89 = tpu.memref_slice %arg4[%run_scoped3A_58, %run_scoped3A_59, %arg1, %dma_start3A_87, %dma_start3A_88] : memref<4x2x16x20x125xi32, #tpu.memory_space<hbm>> -> memref<1x1x1x20x125xi32, #tpu.memory_space<hbm>>
        %dma_start3A_90 = tpu.memref_squeeze %dma_start3A_89 : memref<1x1x1x20x125xi32, #tpu.memory_space<hbm>> -> memref<20x125xi32, #tpu.memory_space<hbm>>
        tpu.enqueue_dma source(%dma_start3A_90 : memref<20x125xi32, #tpu.memory_space<hbm>>) target(%arg9 : memref<20x125xi32, #tpu.memory_space<vmem>>) target_semaphore(%run_scoped3A_82 : memref<!tpu.dma_semaphore, #tpu.memory_space<semaphore_mem>>)
        %dma_wait3A = arith.constant 0 : i32
        %dma_wait3A_91 = arith.constant 0 : i32
        %dma_wait3A_92 = tpu.memref_slice %arg4[%run_scoped3A_58, %run_scoped3A_59, %arg1, %dma_wait3A, %dma_wait3A_91] : memref<4x2x16x20x125xi32, #tpu.memory_space<hbm>> -> memref<1x1x1x20x125xi32, #tpu.memory_space<hbm>>
        %dma_wait3A_93 = tpu.memref_squeeze %dma_wait3A_92 : memref<1x1x1x20x125xi32, #tpu.memory_space<hbm>> -> memref<20x125xi32, #tpu.memory_space<hbm>>
        %dma_wait3A_94 = arith.constant 0 : i32
        %dma_wait3A_95 = arith.constant 0 : i32
        %dma_wait3A_96 = tpu.memref_slice %arg4[%run_scoped3A_58, %run_scoped3A_59, %arg1, %dma_wait3A_94, %dma_wait3A_95] : memref<4x2x16x20x125xi32, #tpu.memory_space<hbm>> -> memref<1x1x1x20x125xi32, #tpu.memory_space<hbm>>
        %dma_wait3A_97 = tpu.memref_squeeze %dma_wait3A_96 : memref<1x1x1x20x125xi32, #tpu.memory_space<hbm>> -> memref<20x125xi32, #tpu.memory_space<hbm>>
        tpu.wait_dma2 semaphore(%run_scoped3A_82 : memref<!tpu.dma_semaphore, #tpu.memory_space<semaphore_mem>>) src(%dma_wait3A_97 : memref<20x125xi32, #tpu.memory_space<hbm>>) dst(%arg9 : memref<20x125xi32, #tpu.memory_space<vmem>>)
        tpu.yield
      }) : () -> ()
      %run_scoped3A_60 = arith.constant 1 : i32
      %run_scoped3A_61 = arith.constant 1 : i32
      "tpu.region"() ({
        %run_scoped3A_82 = tpu.sem_alloc : memref<!tpu.dma_semaphore, #tpu.memory_space<semaphore_mem>>
        %dma_start3A_83 = arith.constant 0 : i32
        %dma_start3A_84 = arith.constant 0 : i32
        %dma_start3A_85 = tpu.memref_slice %arg4[%run_scoped3A_60, %run_scoped3A_61, %arg1, %dma_start3A_83, %dma_start3A_84] : memref<4x2x16x20x125xi32, #tpu.memory_space<hbm>> -> memref<1x1x1x20x125xi32, #tpu.memory_space<hbm>>
        %dma_start3A_86 = tpu.memref_squeeze %dma_start3A_85 : memref<1x1x1x20x125xi32, #tpu.memory_space<hbm>> -> memref<20x125xi32, #tpu.memory_space<hbm>>
        %dma_start3A_87 = arith.constant 0 : i32
        %dma_start3A_88 = arith.constant 0 : i32
        %dma_start3A_89 = tpu.memref_slice %arg4[%run_scoped3A_60, %run_scoped3A_61, %arg1, %dma_start3A_87, %dma_start3A_88] : memref<4x2x16x20x125xi32, #tpu.memory_space<hbm>> -> memref<1x1x1x20x125xi32, #tpu.memory_space<hbm>>
        %dma_start3A_90 = tpu.memref_squeeze %dma_start3A_89 : memref<1x1x1x20x125xi32, #tpu.memory_space<hbm>> -> memref<20x125xi32, #tpu.memory_space<hbm>>
        tpu.enqueue_dma source(%dma_start3A_90 : memref<20x125xi32, #tpu.memory_space<hbm>>) target(%arg10 : memref<20x125xi32, #tpu.memory_space<vmem>>) target_semaphore(%run_scoped3A_82 : memref<!tpu.dma_semaphore, #tpu.memory_space<semaphore_mem>>)
        %dma_wait3A = arith.constant 0 : i32
        %dma_wait3A_91 = arith.constant 0 : i32
        %dma_wait3A_92 = tpu.memref_slice %arg4[%run_scoped3A_60, %run_scoped3A_61, %arg1, %dma_wait3A, %dma_wait3A_91] : memref<4x2x16x20x125xi32, #tpu.memory_space<hbm>> -> memref<1x1x1x20x125xi32, #tpu.memory_space<hbm>>
        %dma_wait3A_93 = tpu.memref_squeeze %dma_wait3A_92 : memref<1x1x1x20x125xi32, #tpu.memory_space<hbm>> -> memref<20x125xi32, #tpu.memory_space<hbm>>
        %dma_wait3A_94 = arith.constant 0 : i32
        %dma_wait3A_95 = arith.constant 0 : i32
        %dma_wait3A_96 = tpu.memref_slice %arg4[%run_scoped3A_60, %run_scoped3A_61, %arg1, %dma_wait3A_94, %dma_wait3A_95] : memref<4x2x16x20x125xi32, #tpu.memory_space<hbm>> -> memref<1x1x1x20x125xi32, #tpu.memory_space<hbm>>
        %dma_wait3A_97 = tpu.memref_squeeze %dma_wait3A_96 : memref<1x1x1x20x125xi32, #tpu.memory_space<hbm>> -> memref<20x125xi32, #tpu.memory_space<hbm>>
        tpu.wait_dma2 semaphore(%run_scoped3A_82 : memref<!tpu.dma_semaphore, #tpu.memory_space<semaphore_mem>>) src(%dma_wait3A_97 : memref<20x125xi32, #tpu.memory_space<hbm>>) dst(%arg10 : memref<20x125xi32, #tpu.memory_space<vmem>>)
        tpu.yield
      }) : () -> ()
      %dma_start3A = arith.constant 0 : i32
      %dma_start3A_62 = arith.constant 0 : i32
      %dma_start3A_63 = tpu.memref_slice %arg9[%dma_start3A, %dma_start3A_62] : memref<20x125xi32, #tpu.memory_space<vmem>> -> memref<1x125xi32, #tpu.memory_space<vmem>>
      %dma_start3A_64 = tpu.memref_squeeze %dma_start3A_63 : memref<1x125xi32, #tpu.memory_space<vmem>> -> memref<125xi32, #tpu.memory_space<vmem>>
      %dma_start3A_65 = arith.constant 0 : i32
      %dma_start3A_66 = arith.constant 0 : i32
      %dma_start3A_67 = tpu.memref_slice %arg2[%dma_start3A_65, %dma_start3A_66] : memref<10000x128xf32, #tpu.memory_space<hbm>> -> memref<10000x128xf32, #tpu.memory_space<hbm>>
      tpu.enqueue_indirect_dma source(%dma_start3A_67 : memref<10000x128xf32, #tpu.memory_space<hbm>>) target(%arg11 : memref<125x128xf32, #tpu.memory_space<vmem>>) offsets(%dma_start3A_64 : memref<125xi32, #tpu.memory_space<vmem>>) semaphore(%arg14 : memref<!tpu.dma_semaphore, #tpu.memory_space<semaphore_mem>>)
      %scan3A = arith.constant 0 : i32
      %scan3A_68 = arith.constant 0 : i32
      %scan3A_69 = arith.constant 10 : i32
      %scan3A_70 = arith.addi %scan3A_68, %scan3A_69 : i32
      %scan3A_71 = arith.constant 1 : i32
      scf.for %scan3A_82 = %scan3A_68 to %scan3A_70 step %scan3A_71  : i32 {
        %mul3A_83 = arith.constant 2 : i32
        %mul3A_84 = arith.muli %scan3A_82, %mul3A_83 : i32
        %multiple_of3A_85 = tpu.assume_multiple %mul3A_84, 2 : i32
        %dma_wait3A = arith.constant 0 : i32
        %dma_wait3A_86 = arith.constant 0 : i32
        %dma_wait3A_87 = tpu.memref_slice %arg9[%dma_wait3A, %dma_wait3A_86] : memref<20x125xi32, #tpu.memory_space<vmem>> -> memref<1x125xi32, #tpu.memory_space<vmem>>
        %dma_wait3A_88 = tpu.memref_squeeze %dma_wait3A_87 : memref<1x125xi32, #tpu.memory_space<vmem>> -> memref<125xi32, #tpu.memory_space<vmem>>
        %dma_wait3A_89 = arith.constant 0 : i32
        %dma_wait3A_90 = arith.constant 0 : i32
        %dma_wait3A_91 = tpu.memref_slice %arg2[%dma_wait3A_89, %dma_wait3A_90] : memref<10000x128xf32, #tpu.memory_space<hbm>> -> memref<10000x128xf32, #tpu.memory_space<hbm>>
        tpu.wait_indirect_dma semaphore(%arg14 : memref<!tpu.dma_semaphore, #tpu.memory_space<semaphore_mem>>) src(%dma_wait3A_91 : memref<10000x128xf32, #tpu.memory_space<hbm>>) dst(%arg11 : memref<125x128xf32, #tpu.memory_space<vmem>>)
        %add3A = arith.constant 1 : i32
        %add3A_92 = arith.addi %multiple_of3A_85, %add3A : i32
        %dma_start3A_93 = arith.constant 0 : i32
        %dma_start3A_94 = tpu.memref_slice %arg9[%add3A_92, %dma_start3A_93] : memref<20x125xi32, #tpu.memory_space<vmem>> -> memref<1x125xi32, #tpu.memory_space<vmem>>
        %dma_start3A_95 = tpu.memref_squeeze %dma_start3A_94 : memref<1x125xi32, #tpu.memory_space<vmem>> -> memref<125xi32, #tpu.memory_space<vmem>>
        %dma_start3A_96 = arith.constant 0 : i32
        %dma_start3A_97 = arith.constant 0 : i32
        %dma_start3A_98 = tpu.memref_slice %arg2[%dma_start3A_96, %dma_start3A_97] : memref<10000x128xf32, #tpu.memory_space<hbm>> -> memref<10000x128xf32, #tpu.memory_space<hbm>>
        tpu.enqueue_indirect_dma source(%dma_start3A_98 : memref<10000x128xf32, #tpu.memory_space<hbm>>) target(%arg12 : memref<125x128xf32, #tpu.memory_space<vmem>>) offsets(%dma_start3A_95 : memref<125xi32, #tpu.memory_space<vmem>>) semaphore(%arg15 : memref<!tpu.dma_semaphore, #tpu.memory_space<semaphore_mem>>)
        "tpu.region"() ({
          %run_scoped3A_114 = tpu.sem_alloc : memref<!tpu.dma_semaphore, #tpu.memory_space<semaphore_mem>>
          %dma_start3A_115 = arith.constant 0 : i32
          %dma_start3A_116 = tpu.memref_slice %arg10[%multiple_of3A_85, %dma_start3A_115] : memref<20x125xi32, #tpu.memory_space<vmem>> -> memref<1x125xi32, #tpu.memory_space<vmem>>
          %dma_start3A_117 = tpu.memref_squeeze %dma_start3A_116 : memref<1x125xi32, #tpu.memory_space<vmem>> -> memref<125xi32, #tpu.memory_space<vmem>>
          %dma_start3A_118 = arith.constant 0 : i32
          %dma_start3A_119 = arith.constant 0 : i32
          %dma_start3A_120 = tpu.memref_slice %arg13[%dma_start3A_118, %dma_start3A_119] : memref<10000x128xf32, #tpu.memory_space<vmem_shared>> -> memref<10000x128xf32, #tpu.memory_space<vmem_shared>>
          tpu.enqueue_indirect_dma source(%arg11 : memref<125x128xf32, #tpu.memory_space<vmem>>) target(%dma_start3A_120 : memref<10000x128xf32, #tpu.memory_space<vmem_shared>>) offsets(%dma_start3A_117 : memref<125xi32, #tpu.memory_space<vmem>>) semaphore(%run_scoped3A_114 : memref<!tpu.dma_semaphore, #tpu.memory_space<semaphore_mem>>) {add = true}
          %dma_wait3A_121 = arith.constant 0 : i32
          %dma_wait3A_122 = tpu.memref_slice %arg10[%multiple_of3A_85, %dma_wait3A_121] : memref<20x125xi32, #tpu.memory_space<vmem>> -> memref<1x125xi32, #tpu.memory_space<vmem>>
          %dma_wait3A_123 = tpu.memref_squeeze %dma_wait3A_122 : memref<1x125xi32, #tpu.memory_space<vmem>> -> memref<125xi32, #tpu.memory_space<vmem>>
          %dma_wait3A_124 = arith.constant 0 : i32
          %dma_wait3A_125 = arith.constant 0 : i32
          %dma_wait3A_126 = tpu.memref_slice %arg13[%dma_wait3A_124, %dma_wait3A_125] : memref<10000x128xf32, #tpu.memory_space<vmem_shared>> -> memref<10000x128xf32, #tpu.memory_space<vmem_shared>>
          tpu.wait_indirect_dma semaphore(%run_scoped3A_114 : memref<!tpu.dma_semaphore, #tpu.memory_space<semaphore_mem>>) src(%arg11 : memref<125x128xf32, #tpu.memory_space<vmem>>) dst(%dma_wait3A_126 : memref<10000x128xf32, #tpu.memory_space<vmem_shared>>)
          tpu.yield
        }) : () -> ()
        %dma_wait3A_99 = arith.constant 0 : i32
        %dma_wait3A_100 = arith.constant 0 : i32
        %dma_wait3A_101 = tpu.memref_slice %arg9[%dma_wait3A_99, %dma_wait3A_100] : memref<20x125xi32, #tpu.memory_space<vmem>> -> memref<1x125xi32, #tpu.memory_space<vmem>>
        %dma_wait3A_102 = tpu.memref_squeeze %dma_wait3A_101 : memref<1x125xi32, #tpu.memory_space<vmem>> -> memref<125xi32, #tpu.memory_space<vmem>>
        %dma_wait3A_103 = arith.constant 0 : i32
        %dma_wait3A_104 = arith.constant 0 : i32
        %dma_wait3A_105 = tpu.memref_slice %arg2[%dma_wait3A_103, %dma_wait3A_104] : memref<10000x128xf32, #tpu.memory_space<hbm>> -> memref<10000x128xf32, #tpu.memory_space<hbm>>
        tpu.wait_indirect_dma semaphore(%arg15 : memref<!tpu.dma_semaphore, #tpu.memory_space<semaphore_mem>>) src(%dma_wait3A_105 : memref<10000x128xf32, #tpu.memory_space<hbm>>) dst(%arg12 : memref<125x128xf32, #tpu.memory_space<vmem>>)
        %add3A_106 = arith.constant 2 : i32
        %add3A_107 = arith.addi %multiple_of3A_85, %add3A_106 : i32
        %lt3A = arith.constant 20 : i32
        %lt3A_108 = arith.cmpi slt, %add3A_107, %lt3A : i32
        %convert_element_type3A_109 = arith.extui %lt3A_108 : i1 to i32
        %cond3A_110 = arith.constant 0 : i32
        %cond3A_111 = arith.cmpi ne, %convert_element_type3A_109, %cond3A_110 : i32
        scf.if %cond3A_111 {
          %add3A_114 = arith.constant 2 : i32
          %add3A_115 = arith.addi %multiple_of3A_85, %add3A_114 : i32
          %dma_start3A_116 = arith.constant 0 : i32
          %dma_start3A_117 = tpu.memref_slice %arg9[%add3A_115, %dma_start3A_116] : memref<20x125xi32, #tpu.memory_space<vmem>> -> memref<1x125xi32, #tpu.memory_space<vmem>>
          %dma_start3A_118 = tpu.memref_squeeze %dma_start3A_117 : memref<1x125xi32, #tpu.memory_space<vmem>> -> memref<125xi32, #tpu.memory_space<vmem>>
          %dma_start3A_119 = arith.constant 0 : i32
          %dma_start3A_120 = arith.constant 0 : i32
          %dma_start3A_121 = tpu.memref_slice %arg2[%dma_start3A_119, %dma_start3A_120] : memref<10000x128xf32, #tpu.memory_space<hbm>> -> memref<10000x128xf32, #tpu.memory_space<hbm>>
          tpu.enqueue_indirect_dma source(%dma_start3A_121 : memref<10000x128xf32, #tpu.memory_space<hbm>>) target(%arg11 : memref<125x128xf32, #tpu.memory_space<vmem>>) offsets(%dma_start3A_118 : memref<125xi32, #tpu.memory_space<vmem>>) semaphore(%arg14 : memref<!tpu.dma_semaphore, #tpu.memory_space<semaphore_mem>>)
        } else {
        }
        %add3A_112 = arith.constant 1 : i32
        %add3A_113 = arith.addi %multiple_of3A_85, %add3A_112 : i32
        "tpu.region"() ({
          %run_scoped3A_114 = tpu.sem_alloc : memref<!tpu.dma_semaphore, #tpu.memory_space<semaphore_mem>>
          %dma_start3A_115 = arith.constant 0 : i32
          %dma_start3A_116 = tpu.memref_slice %arg10[%add3A_113, %dma_start3A_115] : memref<20x125xi32, #tpu.memory_space<vmem>> -> memref<1x125xi32, #tpu.memory_space<vmem>>
          %dma_start3A_117 = tpu.memref_squeeze %dma_start3A_116 : memref<1x125xi32, #tpu.memory_space<vmem>> -> memref<125xi32, #tpu.memory_space<vmem>>
          %dma_start3A_118 = arith.constant 0 : i32
          %dma_start3A_119 = arith.constant 0 : i32
          %dma_start3A_120 = tpu.memref_slice %arg13[%dma_start3A_118, %dma_start3A_119] : memref<10000x128xf32, #tpu.memory_space<vmem_shared>> -> memref<10000x128xf32, #tpu.memory_space<vmem_shared>>
          tpu.enqueue_indirect_dma source(%arg12 : memref<125x128xf32, #tpu.memory_space<vmem>>) target(%dma_start3A_120 : memref<10000x128xf32, #tpu.memory_space<vmem_shared>>) offsets(%dma_start3A_117 : memref<125xi32, #tpu.memory_space<vmem>>) semaphore(%run_scoped3A_114 : memref<!tpu.dma_semaphore, #tpu.memory_space<semaphore_mem>>) {add = true}
          %dma_wait3A_121 = arith.constant 0 : i32
          %dma_wait3A_122 = tpu.memref_slice %arg10[%add3A_113, %dma_wait3A_121] : memref<20x125xi32, #tpu.memory_space<vmem>> -> memref<1x125xi32, #tpu.memory_space<vmem>>
          %dma_wait3A_123 = tpu.memref_squeeze %dma_wait3A_122 : memref<1x125xi32, #tpu.memory_space<vmem>> -> memref<125xi32, #tpu.memory_space<vmem>>
          %dma_wait3A_124 = arith.constant 0 : i32
          %dma_wait3A_125 = arith.constant 0 : i32
          %dma_wait3A_126 = tpu.memref_slice %arg13[%dma_wait3A_124, %dma_wait3A_125] : memref<10000x128xf32, #tpu.memory_space<vmem_shared>> -> memref<10000x128xf32, #tpu.memory_space<vmem_shared>>
          tpu.wait_indirect_dma semaphore(%run_scoped3A_114 : memref<!tpu.dma_semaphore, #tpu.memory_space<semaphore_mem>>) src(%arg12 : memref<125x128xf32, #tpu.memory_space<vmem>>) dst(%dma_wait3A_126 : memref<10000x128xf32, #tpu.memory_space<vmem_shared>>)
          tpu.yield
        }) : () -> ()
      }
      %scan3A_72 = arith.constant 10 : i32
      %barrier3A_73 = arith.constant 0 : index
      tpu.barrier barrier_id(%barrier3A_73)
      %not3A_74 = arith.constant true
      %not3A_75 = arith.xori %eq3A_1, %not3A_74 : i1
      %convert_element_type3A_76 = arith.extui %not3A_75 : i1 to i32
      %cond3A_77 = arith.constant 0 : i32
      %cond3A_78 = arith.cmpi ne, %convert_element_type3A_76, %cond3A_77 : i32
      scf.if %cond3A_78 {
        %run_scoped3A_82 = arith.constant 1 : i32
        "tpu.region"() ({
          %run_scoped3A_83 = tpu.sem_alloc : memref<!tpu.dma_semaphore, #tpu.memory_space<semaphore_mem>>
          %dma_start3A_84 = arith.constant 0 : i32
          %dma_start3A_85 = tpu.memref_slice %arg7[%run_scoped3A_82, %multiple_of3A, %dma_start3A_84] : memref<4x10000x256xf32, #tpu.memory_space<hbm>> -> memref<1x624x128xf32, #tpu.memory_space<hbm>>
          %dma_start3A_86 = tpu.memref_squeeze %dma_start3A_85 : memref<1x624x128xf32, #tpu.memory_space<hbm>> -> memref<624x128xf32, #tpu.memory_space<hbm>>
          %dma_start3A_87 = arith.constant 0 : i32
          %dma_start3A_88 = tpu.memref_slice %arg13[%multiple_of3A, %dma_start3A_87] : memref<10000x128xf32, #tpu.memory_space<vmem_shared>> -> memref<624x128xf32, #tpu.memory_space<vmem_shared>>
          tpu.enqueue_dma source(%dma_start3A_88 : memref<624x128xf32, #tpu.memory_space<vmem_shared>>) target(%dma_start3A_86 : memref<624x128xf32, #tpu.memory_space<hbm>>) target_semaphore(%run_scoped3A_83 : memref<!tpu.dma_semaphore, #tpu.memory_space<semaphore_mem>>)
          %dma_wait3A = arith.constant 0 : i32
          %dma_wait3A_89 = tpu.memref_slice %arg7[%run_scoped3A_82, %multiple_of3A, %dma_wait3A] : memref<4x10000x256xf32, #tpu.memory_space<hbm>> -> memref<1x624x128xf32, #tpu.memory_space<hbm>>
          %dma_wait3A_90 = tpu.memref_squeeze %dma_wait3A_89 : memref<1x624x128xf32, #tpu.memory_space<hbm>> -> memref<624x128xf32, #tpu.memory_space<hbm>>
          %dma_wait3A_91 = arith.constant 0 : i32
          %dma_wait3A_92 = tpu.memref_slice %arg13[%multiple_of3A, %dma_wait3A_91] : memref<10000x128xf32, #tpu.memory_space<vmem_shared>> -> memref<624x128xf32, #tpu.memory_space<vmem_shared>>
          tpu.wait_dma2 semaphore(%run_scoped3A_83 : memref<!tpu.dma_semaphore, #tpu.memory_space<semaphore_mem>>) src(%dma_wait3A_92 : memref<624x128xf32, #tpu.memory_space<vmem_shared>>) dst(%dma_wait3A_90 : memref<624x128xf32, #tpu.memory_space<hbm>>)
          tpu.yield
        }) : () -> ()
      } else {
      }
      %convert_element_type3A_79 = arith.extui %eq3A_1 : i1 to i32
      %cond3A_80 = arith.constant 0 : i32
      %cond3A_81 = arith.cmpi ne, %convert_element_type3A_79, %cond3A_80 : i32
      scf.if %cond3A_81 {
        %run_scoped3A_82 = arith.constant 1 : i32
        "tpu.region"() ({
          %run_scoped3A_83 = tpu.sem_alloc : memref<!tpu.dma_semaphore, #tpu.memory_space<semaphore_mem>>
          %dma_start3A_84 = arith.constant 0 : i32
          %dma_start3A_85 = tpu.memref_slice %arg7[%run_scoped3A_82, %multiple_of3A, %dma_start3A_84] : memref<4x10000x256xf32, #tpu.memory_space<hbm>> -> memref<1x640x128xf32, #tpu.memory_space<hbm>>
          %dma_start3A_86 = tpu.memref_squeeze %dma_start3A_85 : memref<1x640x128xf32, #tpu.memory_space<hbm>> -> memref<640x128xf32, #tpu.memory_space<hbm>>
          %dma_start3A_87 = arith.constant 0 : i32
          %dma_start3A_88 = tpu.memref_slice %arg13[%multiple_of3A, %dma_start3A_87] : memref<10000x128xf32, #tpu.memory_space<vmem_shared>> -> memref<640x128xf32, #tpu.memory_space<vmem_shared>>
          tpu.enqueue_dma source(%dma_start3A_88 : memref<640x128xf32, #tpu.memory_space<vmem_shared>>) target(%dma_start3A_86 : memref<640x128xf32, #tpu.memory_space<hbm>>) target_semaphore(%run_scoped3A_83 : memref<!tpu.dma_semaphore, #tpu.memory_space<semaphore_mem>>)
          %dma_wait3A = arith.constant 0 : i32
          %dma_wait3A_89 = tpu.memref_slice %arg7[%run_scoped3A_82, %multiple_of3A, %dma_wait3A] : memref<4x10000x256xf32, #tpu.memory_space<hbm>> -> memref<1x640x128xf32, #tpu.memory_space<hbm>>
          %dma_wait3A_90 = tpu.memref_squeeze %dma_wait3A_89 : memref<1x640x128xf32, #tpu.memory_space<hbm>> -> memref<640x128xf32, #tpu.memory_space<hbm>>
          %dma_wait3A_91 = arith.constant 0 : i32
          %dma_wait3A_92 = tpu.memref_slice %arg13[%multiple_of3A, %dma_wait3A_91] : memref<10000x128xf32, #tpu.memory_space<vmem_shared>> -> memref<640x128xf32, #tpu.memory_space<vmem_shared>>
          tpu.wait_dma2 semaphore(%run_scoped3A_83 : memref<!tpu.dma_semaphore, #tpu.memory_space<semaphore_mem>>) src(%dma_wait3A_92 : memref<640x128xf32, #tpu.memory_space<vmem_shared>>) dst(%dma_wait3A_90 : memref<640x128xf32, #tpu.memory_space<hbm>>)
          tpu.yield
        }) : () -> ()
      } else {
      }
    } else {
    }
    %eq3A_15 = arith.constant 1 : i32
    %eq3A_16 = arith.cmpi eq, %arg0, %eq3A_15 : i32
    %convert_element_type3A_17 = arith.extui %eq3A_16 : i1 to i32
    %cond3A_18 = arith.constant 0 : i32
    %cond3A_19 = arith.cmpi ne, %convert_element_type3A_17, %cond3A_18 : i32
    scf.if %cond3A_19 {
      %not3A = arith.constant true
      %not3A_51 = arith.xori %eq3A_1, %not3A : i1
      %convert_element_type3A_52 = arith.extui %not3A_51 : i1 to i32
      %cond3A_53 = arith.constant 0 : i32
      %cond3A_54 = arith.cmpi ne, %convert_element_type3A_52, %cond3A_53 : i32
      scf.if %cond3A_54 {
        "tpu.region"() ({
          %run_scoped3A_82 = tpu.sem_alloc : memref<!tpu.dma_semaphore, #tpu.memory_space<semaphore_mem>>
          %dma_start3A_83 = arith.constant 0 : i32
          %dma_start3A_84 = tpu.memref_slice %arg13[%multiple_of3A, %dma_start3A_83] : memref<10000x128xf32, #tpu.memory_space<vmem_shared>> -> memref<624x128xf32, #tpu.memory_space<vmem_shared>>
          %dma_start3A_85 = arith.constant 0 : i32
          %dma_start3A_86 = arith.constant 0 : i32
          %dma_start3A_87 = tpu.memref_slice %arg5[%dma_start3A_85, %dma_start3A_86] : memref<640x128xf32, #tpu.memory_space<hbm>> -> memref<624x128xf32, #tpu.memory_space<hbm>>
          tpu.enqueue_dma source(%dma_start3A_87 : memref<624x128xf32, #tpu.memory_space<hbm>>) target(%dma_start3A_84 : memref<624x128xf32, #tpu.memory_space<vmem_shared>>) target_semaphore(%run_scoped3A_82 : memref<!tpu.dma_semaphore, #tpu.memory_space<semaphore_mem>>)
          %dma_wait3A = arith.constant 0 : i32
          %dma_wait3A_88 = tpu.memref_slice %arg13[%multiple_of3A, %dma_wait3A] : memref<10000x128xf32, #tpu.memory_space<vmem_shared>> -> memref<624x128xf32, #tpu.memory_space<vmem_shared>>
          %dma_wait3A_89 = arith.constant 0 : i32
          %dma_wait3A_90 = arith.constant 0 : i32
          %dma_wait3A_91 = tpu.memref_slice %arg5[%dma_wait3A_89, %dma_wait3A_90] : memref<640x128xf32, #tpu.memory_space<hbm>> -> memref<624x128xf32, #tpu.memory_space<hbm>>
          tpu.wait_dma2 semaphore(%run_scoped3A_82 : memref<!tpu.dma_semaphore, #tpu.memory_space<semaphore_mem>>) src(%dma_wait3A_91 : memref<624x128xf32, #tpu.memory_space<hbm>>) dst(%dma_wait3A_88 : memref<624x128xf32, #tpu.memory_space<vmem_shared>>)
          tpu.yield
        }) : () -> ()
      } else {
      }
      %convert_element_type3A_55 = arith.extui %eq3A_1 : i1 to i32
      %cond3A_56 = arith.constant 0 : i32
      %cond3A_57 = arith.cmpi ne, %convert_element_type3A_55, %cond3A_56 : i32
      scf.if %cond3A_57 {
        "tpu.region"() ({
          %run_scoped3A_82 = tpu.sem_alloc : memref<!tpu.dma_semaphore, #tpu.memory_space<semaphore_mem>>
          %dma_start3A_83 = arith.constant 0 : i32
          %dma_start3A_84 = tpu.memref_slice %arg13[%multiple_of3A, %dma_start3A_83] : memref<10000x128xf32, #tpu.memory_space<vmem_shared>> -> memref<640x128xf32, #tpu.memory_space<vmem_shared>>
          tpu.enqueue_dma source(%arg5 : memref<640x128xf32, #tpu.memory_space<hbm>>) target(%dma_start3A_84 : memref<640x128xf32, #tpu.memory_space<vmem_shared>>) target_semaphore(%run_scoped3A_82 : memref<!tpu.dma_semaphore, #tpu.memory_space<semaphore_mem>>)
          %dma_wait3A = arith.constant 0 : i32
          %dma_wait3A_85 = tpu.memref_slice %arg13[%multiple_of3A, %dma_wait3A] : memref<10000x128xf32, #tpu.memory_space<vmem_shared>> -> memref<640x128xf32, #tpu.memory_space<vmem_shared>>
          tpu.wait_dma2 semaphore(%run_scoped3A_82 : memref<!tpu.dma_semaphore, #tpu.memory_space<semaphore_mem>>) src(%arg5 : memref<640x128xf32, #tpu.memory_space<hbm>>) dst(%dma_wait3A_85 : memref<640x128xf32, #tpu.memory_space<vmem_shared>>)
          tpu.yield
        }) : () -> ()
      } else {
      }
      %barrier3A = arith.constant 0 : index
      tpu.barrier barrier_id(%barrier3A)
      %run_scoped3A_58 = arith.constant 1 : i32
      %run_scoped3A_59 = arith.constant 0 : i32
      "tpu.region"() ({
        %run_scoped3A_82 = tpu.sem_alloc : memref<!tpu.dma_semaphore, #tpu.memory_space<semaphore_mem>>
        %dma_start3A_83 = arith.constant 0 : i32
        %dma_start3A_84 = arith.constant 0 : i32
        %dma_start3A_85 = tpu.memref_slice %arg4[%run_scoped3A_58, %run_scoped3A_59, %arg1, %dma_start3A_83, %dma_start3A_84] : memref<4x2x16x20x125xi32, #tpu.memory_space<hbm>> -> memref<1x1x1x20x125xi32, #tpu.memory_space<hbm>>
        %dma_start3A_86 = tpu.memref_squeeze %dma_start3A_85 : memref<1x1x1x20x125xi32, #tpu.memory_space<hbm>> -> memref<20x125xi32, #tpu.memory_space<hbm>>
        %dma_start3A_87 = arith.constant 0 : i32
        %dma_start3A_88 = arith.constant 0 : i32
        %dma_start3A_89 = tpu.memref_slice %arg4[%run_scoped3A_58, %run_scoped3A_59, %arg1, %dma_start3A_87, %dma_start3A_88] : memref<4x2x16x20x125xi32, #tpu.memory_space<hbm>> -> memref<1x1x1x20x125xi32, #tpu.memory_space<hbm>>
        %dma_start3A_90 = tpu.memref_squeeze %dma_start3A_89 : memref<1x1x1x20x125xi32, #tpu.memory_space<hbm>> -> memref<20x125xi32, #tpu.memory_space<hbm>>
        tpu.enqueue_dma source(%dma_start3A_90 : memref<20x125xi32, #tpu.memory_space<hbm>>) target(%arg9 : memref<20x125xi32, #tpu.memory_space<vmem>>) target_semaphore(%run_scoped3A_82 : memref<!tpu.dma_semaphore, #tpu.memory_space<semaphore_mem>>)
        %dma_wait3A = arith.constant 0 : i32
        %dma_wait3A_91 = arith.constant 0 : i32
        %dma_wait3A_92 = tpu.memref_slice %arg4[%run_scoped3A_58, %run_scoped3A_59, %arg1, %dma_wait3A, %dma_wait3A_91] : memref<4x2x16x20x125xi32, #tpu.memory_space<hbm>> -> memref<1x1x1x20x125xi32, #tpu.memory_space<hbm>>
        %dma_wait3A_93 = tpu.memref_squeeze %dma_wait3A_92 : memref<1x1x1x20x125xi32, #tpu.memory_space<hbm>> -> memref<20x125xi32, #tpu.memory_space<hbm>>
        %dma_wait3A_94 = arith.constant 0 : i32
        %dma_wait3A_95 = arith.constant 0 : i32
        %dma_wait3A_96 = tpu.memref_slice %arg4[%run_scoped3A_58, %run_scoped3A_59, %arg1, %dma_wait3A_94, %dma_wait3A_95] : memref<4x2x16x20x125xi32, #tpu.memory_space<hbm>> -> memref<1x1x1x20x125xi32, #tpu.memory_space<hbm>>
        %dma_wait3A_97 = tpu.memref_squeeze %dma_wait3A_96 : memref<1x1x1x20x125xi32, #tpu.memory_space<hbm>> -> memref<20x125xi32, #tpu.memory_space<hbm>>
        tpu.wait_dma2 semaphore(%run_scoped3A_82 : memref<!tpu.dma_semaphore, #tpu.memory_space<semaphore_mem>>) src(%dma_wait3A_97 : memref<20x125xi32, #tpu.memory_space<hbm>>) dst(%arg9 : memref<20x125xi32, #tpu.memory_space<vmem>>)
        tpu.yield
      }) : () -> ()
      %run_scoped3A_60 = arith.constant 1 : i32
      %run_scoped3A_61 = arith.constant 1 : i32
      "tpu.region"() ({
        %run_scoped3A_82 = tpu.sem_alloc : memref<!tpu.dma_semaphore, #tpu.memory_space<semaphore_mem>>
        %dma_start3A_83 = arith.constant 0 : i32
        %dma_start3A_84 = arith.constant 0 : i32
        %dma_start3A_85 = tpu.memref_slice %arg4[%run_scoped3A_60, %run_scoped3A_61, %arg1, %dma_start3A_83, %dma_start3A_84] : memref<4x2x16x20x125xi32, #tpu.memory_space<hbm>> -> memref<1x1x1x20x125xi32, #tpu.memory_space<hbm>>
        %dma_start3A_86 = tpu.memref_squeeze %dma_start3A_85 : memref<1x1x1x20x125xi32, #tpu.memory_space<hbm>> -> memref<20x125xi32, #tpu.memory_space<hbm>>
        %dma_start3A_87 = arith.constant 0 : i32
        %dma_start3A_88 = arith.constant 0 : i32
        %dma_start3A_89 = tpu.memref_slice %arg4[%run_scoped3A_60, %run_scoped3A_61, %arg1, %dma_start3A_87, %dma_start3A_88] : memref<4x2x16x20x125xi32, #tpu.memory_space<hbm>> -> memref<1x1x1x20x125xi32, #tpu.memory_space<hbm>>
        %dma_start3A_90 = tpu.memref_squeeze %dma_start3A_89 : memref<1x1x1x20x125xi32, #tpu.memory_space<hbm>> -> memref<20x125xi32, #tpu.memory_space<hbm>>
        tpu.enqueue_dma source(%dma_start3A_90 : memref<20x125xi32, #tpu.memory_space<hbm>>) target(%arg10 : memref<20x125xi32, #tpu.memory_space<vmem>>) target_semaphore(%run_scoped3A_82 : memref<!tpu.dma_semaphore, #tpu.memory_space<semaphore_mem>>)
        %dma_wait3A = arith.constant 0 : i32
        %dma_wait3A_91 = arith.constant 0 : i32
        %dma_wait3A_92 = tpu.memref_slice %arg4[%run_scoped3A_60, %run_scoped3A_61, %arg1, %dma_wait3A, %dma_wait3A_91] : memref<4x2x16x20x125xi32, #tpu.memory_space<hbm>> -> memref<1x1x1x20x125xi32, #tpu.memory_space<hbm>>
        %dma_wait3A_93 = tpu.memref_squeeze %dma_wait3A_92 : memref<1x1x1x20x125xi32, #tpu.memory_space<hbm>> -> memref<20x125xi32, #tpu.memory_space<hbm>>
        %dma_wait3A_94 = arith.constant 0 : i32
        %dma_wait3A_95 = arith.constant 0 : i32
        %dma_wait3A_96 = tpu.memref_slice %arg4[%run_scoped3A_60, %run_scoped3A_61, %arg1, %dma_wait3A_94, %dma_wait3A_95] : memref<4x2x16x20x125xi32, #tpu.memory_space<hbm>> -> memref<1x1x1x20x125xi32, #tpu.memory_space<hbm>>
        %dma_wait3A_97 = tpu.memref_squeeze %dma_wait3A_96 : memref<1x1x1x20x125xi32, #tpu.memory_space<hbm>> -> memref<20x125xi32, #tpu.memory_space<hbm>>
        tpu.wait_dma2 semaphore(%run_scoped3A_82 : memref<!tpu.dma_semaphore, #tpu.memory_space<semaphore_mem>>) src(%dma_wait3A_97 : memref<20x125xi32, #tpu.memory_space<hbm>>) dst(%arg10 : memref<20x125xi32, #tpu.memory_space<vmem>>)
        tpu.yield
      }) : () -> ()
      %dma_start3A = arith.constant 0 : i32
      %dma_start3A_62 = arith.constant 0 : i32
      %dma_start3A_63 = tpu.memref_slice %arg9[%dma_start3A, %dma_start3A_62] : memref<20x125xi32, #tpu.memory_space<vmem>> -> memref<1x125xi32, #tpu.memory_space<vmem>>
      %dma_start3A_64 = tpu.memref_squeeze %dma_start3A_63 : memref<1x125xi32, #tpu.memory_space<vmem>> -> memref<125xi32, #tpu.memory_space<vmem>>
      %dma_start3A_65 = arith.constant 0 : i32
      %dma_start3A_66 = arith.constant 0 : i32
      %dma_start3A_67 = tpu.memref_slice %arg3[%dma_start3A_65, %dma_start3A_66] : memref<10000x128xf32, #tpu.memory_space<hbm>> -> memref<10000x128xf32, #tpu.memory_space<hbm>>
      tpu.enqueue_indirect_dma source(%dma_start3A_67 : memref<10000x128xf32, #tpu.memory_space<hbm>>) target(%arg11 : memref<125x128xf32, #tpu.memory_space<vmem>>) offsets(%dma_start3A_64 : memref<125xi32, #tpu.memory_space<vmem>>) semaphore(%arg14 : memref<!tpu.dma_semaphore, #tpu.memory_space<semaphore_mem>>)
      %scan3A = arith.constant 0 : i32
      %scan3A_68 = arith.constant 0 : i32
      %scan3A_69 = arith.constant 10 : i32
      %scan3A_70 = arith.addi %scan3A_68, %scan3A_69 : i32
      %scan3A_71 = arith.constant 1 : i32
      scf.for %scan3A_82 = %scan3A_68 to %scan3A_70 step %scan3A_71  : i32 {
        %mul3A_83 = arith.constant 2 : i32
        %mul3A_84 = arith.muli %scan3A_82, %mul3A_83 : i32
        %multiple_of3A_85 = tpu.assume_multiple %mul3A_84, 2 : i32
        %dma_wait3A = arith.constant 0 : i32
        %dma_wait3A_86 = arith.constant 0 : i32
        %dma_wait3A_87 = tpu.memref_slice %arg9[%dma_wait3A, %dma_wait3A_86] : memref<20x125xi32, #tpu.memory_space<vmem>> -> memref<1x125xi32, #tpu.memory_space<vmem>>
        %dma_wait3A_88 = tpu.memref_squeeze %dma_wait3A_87 : memref<1x125xi32, #tpu.memory_space<vmem>> -> memref<125xi32, #tpu.memory_space<vmem>>
        %dma_wait3A_89 = arith.constant 0 : i32
        %dma_wait3A_90 = arith.constant 0 : i32
        %dma_wait3A_91 = tpu.memref_slice %arg3[%dma_wait3A_89, %dma_wait3A_90] : memref<10000x128xf32, #tpu.memory_space<hbm>> -> memref<10000x128xf32, #tpu.memory_space<hbm>>
        tpu.wait_indirect_dma semaphore(%arg14 : memref<!tpu.dma_semaphore, #tpu.memory_space<semaphore_mem>>) src(%dma_wait3A_91 : memref<10000x128xf32, #tpu.memory_space<hbm>>) dst(%arg11 : memref<125x128xf32, #tpu.memory_space<vmem>>)
        %add3A = arith.constant 1 : i32
        %add3A_92 = arith.addi %multiple_of3A_85, %add3A : i32
        %dma_start3A_93 = arith.constant 0 : i32
        %dma_start3A_94 = tpu.memref_slice %arg9[%add3A_92, %dma_start3A_93] : memref<20x125xi32, #tpu.memory_space<vmem>> -> memref<1x125xi32, #tpu.memory_space<vmem>>
        %dma_start3A_95 = tpu.memref_squeeze %dma_start3A_94 : memref<1x125xi32, #tpu.memory_space<vmem>> -> memref<125xi32, #tpu.memory_space<vmem>>
        %dma_start3A_96 = arith.constant 0 : i32
        %dma_start3A_97 = arith.constant 0 : i32
        %dma_start3A_98 = tpu.memref_slice %arg3[%dma_start3A_96, %dma_start3A_97] : memref<10000x128xf32, #tpu.memory_space<hbm>> -> memref<10000x128xf32, #tpu.memory_space<hbm>>
        tpu.enqueue_indirect_dma source(%dma_start3A_98 : memref<10000x128xf32, #tpu.memory_space<hbm>>) target(%arg12 : memref<125x128xf32, #tpu.memory_space<vmem>>) offsets(%dma_start3A_95 : memref<125xi32, #tpu.memory_space<vmem>>) semaphore(%arg15 : memref<!tpu.dma_semaphore, #tpu.memory_space<semaphore_mem>>)
        "tpu.region"() ({
          %run_scoped3A_114 = tpu.sem_alloc : memref<!tpu.dma_semaphore, #tpu.memory_space<semaphore_mem>>
          %dma_start3A_115 = arith.constant 0 : i32
          %dma_start3A_116 = tpu.memref_slice %arg10[%multiple_of3A_85, %dma_start3A_115] : memref<20x125xi32, #tpu.memory_space<vmem>> -> memref<1x125xi32, #tpu.memory_space<vmem>>
          %dma_start3A_117 = tpu.memref_squeeze %dma_start3A_116 : memref<1x125xi32, #tpu.memory_space<vmem>> -> memref<125xi32, #tpu.memory_space<vmem>>
          %dma_start3A_118 = arith.constant 0 : i32
          %dma_start3A_119 = arith.constant 0 : i32
          %dma_start3A_120 = tpu.memref_slice %arg13[%dma_start3A_118, %dma_start3A_119] : memref<10000x128xf32, #tpu.memory_space<vmem_shared>> -> memref<10000x128xf32, #tpu.memory_space<vmem_shared>>
          tpu.enqueue_indirect_dma source(%arg11 : memref<125x128xf32, #tpu.memory_space<vmem>>) target(%dma_start3A_120 : memref<10000x128xf32, #tpu.memory_space<vmem_shared>>) offsets(%dma_start3A_117 : memref<125xi32, #tpu.memory_space<vmem>>) semaphore(%run_scoped3A_114 : memref<!tpu.dma_semaphore, #tpu.memory_space<semaphore_mem>>) {add = true}
          %dma_wait3A_121 = arith.constant 0 : i32
          %dma_wait3A_122 = tpu.memref_slice %arg10[%multiple_of3A_85, %dma_wait3A_121] : memref<20x125xi32, #tpu.memory_space<vmem>> -> memref<1x125xi32, #tpu.memory_space<vmem>>
          %dma_wait3A_123 = tpu.memref_squeeze %dma_wait3A_122 : memref<1x125xi32, #tpu.memory_space<vmem>> -> memref<125xi32, #tpu.memory_space<vmem>>
          %dma_wait3A_124 = arith.constant 0 : i32
          %dma_wait3A_125 = arith.constant 0 : i32
          %dma_wait3A_126 = tpu.memref_slice %arg13[%dma_wait3A_124, %dma_wait3A_125] : memref<10000x128xf32, #tpu.memory_space<vmem_shared>> -> memref<10000x128xf32, #tpu.memory_space<vmem_shared>>
          tpu.wait_indirect_dma semaphore(%run_scoped3A_114 : memref<!tpu.dma_semaphore, #tpu.memory_space<semaphore_mem>>) src(%arg11 : memref<125x128xf32, #tpu.memory_space<vmem>>) dst(%dma_wait3A_126 : memref<10000x128xf32, #tpu.memory_space<vmem_shared>>)
          tpu.yield
        }) : () -> ()
        %dma_wait3A_99 = arith.constant 0 : i32
        %dma_wait3A_100 = arith.constant 0 : i32
        %dma_wait3A_101 = tpu.memref_slice %arg9[%dma_wait3A_99, %dma_wait3A_100] : memref<20x125xi32, #tpu.memory_space<vmem>> -> memref<1x125xi32, #tpu.memory_space<vmem>>
        %dma_wait3A_102 = tpu.memref_squeeze %dma_wait3A_101 : memref<1x125xi32, #tpu.memory_space<vmem>> -> memref<125xi32, #tpu.memory_space<vmem>>
        %dma_wait3A_103 = arith.constant 0 : i32
        %dma_wait3A_104 = arith.constant 0 : i32
        %dma_wait3A_105 = tpu.memref_slice %arg3[%dma_wait3A_103, %dma_wait3A_104] : memref<10000x128xf32, #tpu.memory_space<hbm>> -> memref<10000x128xf32, #tpu.memory_space<hbm>>
        tpu.wait_indirect_dma semaphore(%arg15 : memref<!tpu.dma_semaphore, #tpu.memory_space<semaphore_mem>>) src(%dma_wait3A_105 : memref<10000x128xf32, #tpu.memory_space<hbm>>) dst(%arg12 : memref<125x128xf32, #tpu.memory_space<vmem>>)
        %add3A_106 = arith.constant 2 : i32
        %add3A_107 = arith.addi %multiple_of3A_85, %add3A_106 : i32
        %lt3A = arith.constant 20 : i32
        %lt3A_108 = arith.cmpi slt, %add3A_107, %lt3A : i32
        %convert_element_type3A_109 = arith.extui %lt3A_108 : i1 to i32
        %cond3A_110 = arith.constant 0 : i32
        %cond3A_111 = arith.cmpi ne, %convert_element_type3A_109, %cond3A_110 : i32
        scf.if %cond3A_111 {
          %add3A_114 = arith.constant 2 : i32
          %add3A_115 = arith.addi %multiple_of3A_85, %add3A_114 : i32
          %dma_start3A_116 = arith.constant 0 : i32
          %dma_start3A_117 = tpu.memref_slice %arg9[%add3A_115, %dma_start3A_116] : memref<20x125xi32, #tpu.memory_space<vmem>> -> memref<1x125xi32, #tpu.memory_space<vmem>>
          %dma_start3A_118 = tpu.memref_squeeze %dma_start3A_117 : memref<1x125xi32, #tpu.memory_space<vmem>> -> memref<125xi32, #tpu.memory_space<vmem>>
          %dma_start3A_119 = arith.constant 0 : i32
          %dma_start3A_120 = arith.constant 0 : i32
          %dma_start3A_121 = tpu.memref_slice %arg3[%dma_start3A_119, %dma_start3A_120] : memref<10000x128xf32, #tpu.memory_space<hbm>> -> memref<10000x128xf32, #tpu.memory_space<hbm>>
          tpu.enqueue_indirect_dma source(%dma_start3A_121 : memref<10000x128xf32, #tpu.memory_space<hbm>>) target(%arg11 : memref<125x128xf32, #tpu.memory_space<vmem>>) offsets(%dma_start3A_118 : memref<125xi32, #tpu.memory_space<vmem>>) semaphore(%arg14 : memref<!tpu.dma_semaphore, #tpu.memory_space<semaphore_mem>>)
        } else {
        }
        %add3A_112 = arith.constant 1 : i32
        %add3A_113 = arith.addi %multiple_of3A_85, %add3A_112 : i32
        "tpu.region"() ({
          %run_scoped3A_114 = tpu.sem_alloc : memref<!tpu.dma_semaphore, #tpu.memory_space<semaphore_mem>>
          %dma_start3A_115 = arith.constant 0 : i32
          %dma_start3A_116 = tpu.memref_slice %arg10[%add3A_113, %dma_start3A_115] : memref<20x125xi32, #tpu.memory_space<vmem>> -> memref<1x125xi32, #tpu.memory_space<vmem>>
          %dma_start3A_117 = tpu.memref_squeeze %dma_start3A_116 : memref<1x125xi32, #tpu.memory_space<vmem>> -> memref<125xi32, #tpu.memory_space<vmem>>
          %dma_start3A_118 = arith.constant 0 : i32
          %dma_start3A_119 = arith.constant 0 : i32
          %dma_start3A_120 = tpu.memref_slice %arg13[%dma_start3A_118, %dma_start3A_119] : memref<10000x128xf32, #tpu.memory_space<vmem_shared>> -> memref<10000x128xf32, #tpu.memory_space<vmem_shared>>
          tpu.enqueue_indirect_dma source(%arg12 : memref<125x128xf32, #tpu.memory_space<vmem>>) target(%dma_start3A_120 : memref<10000x128xf32, #tpu.memory_space<vmem_shared>>) offsets(%dma_start3A_117 : memref<125xi32, #tpu.memory_space<vmem>>) semaphore(%run_scoped3A_114 : memref<!tpu.dma_semaphore, #tpu.memory_space<semaphore_mem>>) {add = true}
          %dma_wait3A_121 = arith.constant 0 : i32
          %dma_wait3A_122 = tpu.memref_slice %arg10[%add3A_113, %dma_wait3A_121] : memref<20x125xi32, #tpu.memory_space<vmem>> -> memref<1x125xi32, #tpu.memory_space<vmem>>
          %dma_wait3A_123 = tpu.memref_squeeze %dma_wait3A_122 : memref<1x125xi32, #tpu.memory_space<vmem>> -> memref<125xi32, #tpu.memory_space<vmem>>
          %dma_wait3A_124 = arith.constant 0 : i32
          %dma_wait3A_125 = arith.constant 0 : i32
          %dma_wait3A_126 = tpu.memref_slice %arg13[%dma_wait3A_124, %dma_wait3A_125] : memref<10000x128xf32, #tpu.memory_space<vmem_shared>> -> memref<10000x128xf32, #tpu.memory_space<vmem_shared>>
          tpu.wait_indirect_dma semaphore(%run_scoped3A_114 : memref<!tpu.dma_semaphore, #tpu.memory_space<semaphore_mem>>) src(%arg12 : memref<125x128xf32, #tpu.memory_space<vmem>>) dst(%dma_wait3A_126 : memref<10000x128xf32, #tpu.memory_space<vmem_shared>>)
          tpu.yield
        }) : () -> ()
      }
      %scan3A_72 = arith.constant 10 : i32
      %barrier3A_73 = arith.constant 0 : index
      tpu.barrier barrier_id(%barrier3A_73)
      %not3A_74 = arith.constant true
      %not3A_75 = arith.xori %eq3A_1, %not3A_74 : i1
      %convert_element_type3A_76 = arith.extui %not3A_75 : i1 to i32
      %cond3A_77 = arith.constant 0 : i32
      %cond3A_78 = arith.cmpi ne, %convert_element_type3A_76, %cond3A_77 : i32
      scf.if %cond3A_78 {
        %run_scoped3A_82 = arith.constant 1 : i32
        "tpu.region"() ({
          %run_scoped3A_83 = tpu.sem_alloc : memref<!tpu.dma_semaphore, #tpu.memory_space<semaphore_mem>>
          %dma_start3A_84 = arith.constant 128 : i32
          %dma_start3A_85 = tpu.memref_slice %arg7[%run_scoped3A_82, %multiple_of3A, %dma_start3A_84] : memref<4x10000x256xf32, #tpu.memory_space<hbm>> -> memref<1x624x128xf32, #tpu.memory_space<hbm>>
          %dma_start3A_86 = tpu.memref_squeeze %dma_start3A_85 : memref<1x624x128xf32, #tpu.memory_space<hbm>> -> memref<624x128xf32, #tpu.memory_space<hbm>>
          %dma_start3A_87 = arith.constant 0 : i32
          %dma_start3A_88 = tpu.memref_slice %arg13[%multiple_of3A, %dma_start3A_87] : memref<10000x128xf32, #tpu.memory_space<vmem_shared>> -> memref<624x128xf32, #tpu.memory_space<vmem_shared>>
          tpu.enqueue_dma source(%dma_start3A_88 : memref<624x128xf32, #tpu.memory_space<vmem_shared>>) target(%dma_start3A_86 : memref<624x128xf32, #tpu.memory_space<hbm>>) target_semaphore(%run_scoped3A_83 : memref<!tpu.dma_semaphore, #tpu.memory_space<semaphore_mem>>)
          %dma_wait3A = arith.constant 128 : i32
          %dma_wait3A_89 = tpu.memref_slice %arg7[%run_scoped3A_82, %multiple_of3A, %dma_wait3A] : memref<4x10000x256xf32, #tpu.memory_space<hbm>> -> memref<1x624x128xf32, #tpu.memory_space<hbm>>
          %dma_wait3A_90 = tpu.memref_squeeze %dma_wait3A_89 : memref<1x624x128xf32, #tpu.memory_space<hbm>> -> memref<624x128xf32, #tpu.memory_space<hbm>>
          %dma_wait3A_91 = arith.constant 0 : i32
          %dma_wait3A_92 = tpu.memref_slice %arg13[%multiple_of3A, %dma_wait3A_91] : memref<10000x128xf32, #tpu.memory_space<vmem_shared>> -> memref<624x128xf32, #tpu.memory_space<vmem_shared>>
          tpu.wait_dma2 semaphore(%run_scoped3A_83 : memref<!tpu.dma_semaphore, #tpu.memory_space<semaphore_mem>>) src(%dma_wait3A_92 : memref<624x128xf32, #tpu.memory_space<vmem_shared>>) dst(%dma_wait3A_90 : memref<624x128xf32, #tpu.memory_space<hbm>>)
          tpu.yield
        }) : () -> ()
      } else {
      }
      %convert_element_type3A_79 = arith.extui %eq3A_1 : i1 to i32
      %cond3A_80 = arith.constant 0 : i32
      %cond3A_81 = arith.cmpi ne, %convert_element_type3A_79, %cond3A_80 : i32
      scf.if %cond3A_81 {
        %run_scoped3A_82 = arith.constant 1 : i32
        "tpu.region"() ({
          %run_scoped3A_83 = tpu.sem_alloc : memref<!tpu.dma_semaphore, #tpu.memory_space<semaphore_mem>>
          %dma_start3A_84 = arith.constant 128 : i32
          %dma_start3A_85 = tpu.memref_slice %arg7[%run_scoped3A_82, %multiple_of3A, %dma_start3A_84] : memref<4x10000x256xf32, #tpu.memory_space<hbm>> -> memref<1x640x128xf32, #tpu.memory_space<hbm>>
          %dma_start3A_86 = tpu.memref_squeeze %dma_start3A_85 : memref<1x640x128xf32, #tpu.memory_space<hbm>> -> memref<640x128xf32, #tpu.memory_space<hbm>>
          %dma_start3A_87 = arith.constant 0 : i32
          %dma_start3A_88 = tpu.memref_slice %arg13[%multiple_of3A, %dma_start3A_87] : memref<10000x128xf32, #tpu.memory_space<vmem_shared>> -> memref<640x128xf32, #tpu.memory_space<vmem_shared>>
          tpu.enqueue_dma source(%dma_start3A_88 : memref<640x128xf32, #tpu.memory_space<vmem_shared>>) target(%dma_start3A_86 : memref<640x128xf32, #tpu.memory_space<hbm>>) target_semaphore(%run_scoped3A_83 : memref<!tpu.dma_semaphore, #tpu.memory_space<semaphore_mem>>)
          %dma_wait3A = arith.constant 128 : i32
          %dma_wait3A_89 = tpu.memref_slice %arg7[%run_scoped3A_82, %multiple_of3A, %dma_wait3A] : memref<4x10000x256xf32, #tpu.memory_space<hbm>> -> memref<1x640x128xf32, #tpu.memory_space<hbm>>
          %dma_wait3A_90 = tpu.memref_squeeze %dma_wait3A_89 : memref<1x640x128xf32, #tpu.memory_space<hbm>> -> memref<640x128xf32, #tpu.memory_space<hbm>>
          %dma_wait3A_91 = arith.constant 0 : i32
          %dma_wait3A_92 = tpu.memref_slice %arg13[%multiple_of3A, %dma_wait3A_91] : memref<10000x128xf32, #tpu.memory_space<vmem_shared>> -> memref<640x128xf32, #tpu.memory_space<vmem_shared>>
          tpu.wait_dma2 semaphore(%run_scoped3A_83 : memref<!tpu.dma_semaphore, #tpu.memory_space<semaphore_mem>>) src(%dma_wait3A_92 : memref<640x128xf32, #tpu.memory_space<vmem_shared>>) dst(%dma_wait3A_90 : memref<640x128xf32, #tpu.memory_space<hbm>>)
          tpu.yield
        }) : () -> ()
      } else {
      }
    } else {
    }
    %eq3A_20 = arith.constant 0 : i32
    %eq3A_21 = arith.cmpi eq, %arg0, %eq3A_20 : i32
    %convert_element_type3A_22 = arith.extui %eq3A_21 : i1 to i32
    %cond3A_23 = arith.constant 0 : i32
    %cond3A_24 = arith.cmpi ne, %convert_element_type3A_22, %cond3A_23 : i32
    scf.if %cond3A_24 {
      %not3A = arith.constant true
      %not3A_51 = arith.xori %eq3A_1, %not3A : i1
      %convert_element_type3A_52 = arith.extui %not3A_51 : i1 to i32
      %cond3A_53 = arith.constant 0 : i32
      %cond3A_54 = arith.cmpi ne, %convert_element_type3A_52, %cond3A_53 : i32
      scf.if %cond3A_54 {
        "tpu.region"() ({
          %run_scoped3A_82 = tpu.sem_alloc : memref<!tpu.dma_semaphore, #tpu.memory_space<semaphore_mem>>
          %dma_start3A_83 = arith.constant 0 : i32
          %dma_start3A_84 = tpu.memref_slice %arg13[%multiple_of3A, %dma_start3A_83] : memref<10000x128xf32, #tpu.memory_space<vmem_shared>> -> memref<624x128xf32, #tpu.memory_space<vmem_shared>>
          %dma_start3A_85 = arith.constant 0 : i32
          %dma_start3A_86 = arith.constant 0 : i32
          %dma_start3A_87 = tpu.memref_slice %arg5[%dma_start3A_85, %dma_start3A_86] : memref<640x128xf32, #tpu.memory_space<hbm>> -> memref<624x128xf32, #tpu.memory_space<hbm>>
          tpu.enqueue_dma source(%dma_start3A_87 : memref<624x128xf32, #tpu.memory_space<hbm>>) target(%dma_start3A_84 : memref<624x128xf32, #tpu.memory_space<vmem_shared>>) target_semaphore(%run_scoped3A_82 : memref<!tpu.dma_semaphore, #tpu.memory_space<semaphore_mem>>)
          %dma_wait3A = arith.constant 0 : i32
          %dma_wait3A_88 = tpu.memref_slice %arg13[%multiple_of3A, %dma_wait3A] : memref<10000x128xf32, #tpu.memory_space<vmem_shared>> -> memref<624x128xf32, #tpu.memory_space<vmem_shared>>
          %dma_wait3A_89 = arith.constant 0 : i32
          %dma_wait3A_90 = arith.constant 0 : i32
          %dma_wait3A_91 = tpu.memref_slice %arg5[%dma_wait3A_89, %dma_wait3A_90] : memref<640x128xf32, #tpu.memory_space<hbm>> -> memref<624x128xf32, #tpu.memory_space<hbm>>
          tpu.wait_dma2 semaphore(%run_scoped3A_82 : memref<!tpu.dma_semaphore, #tpu.memory_space<semaphore_mem>>) src(%dma_wait3A_91 : memref<624x128xf32, #tpu.memory_space<hbm>>) dst(%dma_wait3A_88 : memref<624x128xf32, #tpu.memory_space<vmem_shared>>)
          tpu.yield
        }) : () -> ()
      } else {
      }
      %convert_element_type3A_55 = arith.extui %eq3A_1 : i1 to i32
      %cond3A_56 = arith.constant 0 : i32
      %cond3A_57 = arith.cmpi ne, %convert_element_type3A_55, %cond3A_56 : i32
      scf.if %cond3A_57 {
        "tpu.region"() ({
          %run_scoped3A_82 = tpu.sem_alloc : memref<!tpu.dma_semaphore, #tpu.memory_space<semaphore_mem>>
          %dma_start3A_83 = arith.constant 0 : i32
          %dma_start3A_84 = tpu.memref_slice %arg13[%multiple_of3A, %dma_start3A_83] : memref<10000x128xf32, #tpu.memory_space<vmem_shared>> -> memref<640x128xf32, #tpu.memory_space<vmem_shared>>
          tpu.enqueue_dma source(%arg5 : memref<640x128xf32, #tpu.memory_space<hbm>>) target(%dma_start3A_84 : memref<640x128xf32, #tpu.memory_space<vmem_shared>>) target_semaphore(%run_scoped3A_82 : memref<!tpu.dma_semaphore, #tpu.memory_space<semaphore_mem>>)
          %dma_wait3A = arith.constant 0 : i32
          %dma_wait3A_85 = tpu.memref_slice %arg13[%multiple_of3A, %dma_wait3A] : memref<10000x128xf32, #tpu.memory_space<vmem_shared>> -> memref<640x128xf32, #tpu.memory_space<vmem_shared>>
          tpu.wait_dma2 semaphore(%run_scoped3A_82 : memref<!tpu.dma_semaphore, #tpu.memory_space<semaphore_mem>>) src(%arg5 : memref<640x128xf32, #tpu.memory_space<hbm>>) dst(%dma_wait3A_85 : memref<640x128xf32, #tpu.memory_space<vmem_shared>>)
          tpu.yield
        }) : () -> ()
      } else {
      }
      %barrier3A = arith.constant 0 : index
      tpu.barrier barrier_id(%barrier3A)
      %run_scoped3A_58 = arith.constant 2 : i32
      %run_scoped3A_59 = arith.constant 0 : i32
      "tpu.region"() ({
        %run_scoped3A_82 = tpu.sem_alloc : memref<!tpu.dma_semaphore, #tpu.memory_space<semaphore_mem>>
        %dma_start3A_83 = arith.constant 0 : i32
        %dma_start3A_84 = arith.constant 0 : i32
        %dma_start3A_85 = tpu.memref_slice %arg4[%run_scoped3A_58, %run_scoped3A_59, %arg1, %dma_start3A_83, %dma_start3A_84] : memref<4x2x16x20x125xi32, #tpu.memory_space<hbm>> -> memref<1x1x1x20x125xi32, #tpu.memory_space<hbm>>
        %dma_start3A_86 = tpu.memref_squeeze %dma_start3A_85 : memref<1x1x1x20x125xi32, #tpu.memory_space<hbm>> -> memref<20x125xi32, #tpu.memory_space<hbm>>
        %dma_start3A_87 = arith.constant 0 : i32
        %dma_start3A_88 = arith.constant 0 : i32
        %dma_start3A_89 = tpu.memref_slice %arg4[%run_scoped3A_58, %run_scoped3A_59, %arg1, %dma_start3A_87, %dma_start3A_88] : memref<4x2x16x20x125xi32, #tpu.memory_space<hbm>> -> memref<1x1x1x20x125xi32, #tpu.memory_space<hbm>>
        %dma_start3A_90 = tpu.memref_squeeze %dma_start3A_89 : memref<1x1x1x20x125xi32, #tpu.memory_space<hbm>> -> memref<20x125xi32, #tpu.memory_space<hbm>>
        tpu.enqueue_dma source(%dma_start3A_90 : memref<20x125xi32, #tpu.memory_space<hbm>>) target(%arg9 : memref<20x125xi32, #tpu.memory_space<vmem>>) target_semaphore(%run_scoped3A_82 : memref<!tpu.dma_semaphore, #tpu.memory_space<semaphore_mem>>)
        %dma_wait3A = arith.constant 0 : i32
        %dma_wait3A_91 = arith.constant 0 : i32
        %dma_wait3A_92 = tpu.memref_slice %arg4[%run_scoped3A_58, %run_scoped3A_59, %arg1, %dma_wait3A, %dma_wait3A_91] : memref<4x2x16x20x125xi32, #tpu.memory_space<hbm>> -> memref<1x1x1x20x125xi32, #tpu.memory_space<hbm>>
        %dma_wait3A_93 = tpu.memref_squeeze %dma_wait3A_92 : memref<1x1x1x20x125xi32, #tpu.memory_space<hbm>> -> memref<20x125xi32, #tpu.memory_space<hbm>>
        %dma_wait3A_94 = arith.constant 0 : i32
        %dma_wait3A_95 = arith.constant 0 : i32
        %dma_wait3A_96 = tpu.memref_slice %arg4[%run_scoped3A_58, %run_scoped3A_59, %arg1, %dma_wait3A_94, %dma_wait3A_95] : memref<4x2x16x20x125xi32, #tpu.memory_space<hbm>> -> memref<1x1x1x20x125xi32, #tpu.memory_space<hbm>>
        %dma_wait3A_97 = tpu.memref_squeeze %dma_wait3A_96 : memref<1x1x1x20x125xi32, #tpu.memory_space<hbm>> -> memref<20x125xi32, #tpu.memory_space<hbm>>
        tpu.wait_dma2 semaphore(%run_scoped3A_82 : memref<!tpu.dma_semaphore, #tpu.memory_space<semaphore_mem>>) src(%dma_wait3A_97 : memref<20x125xi32, #tpu.memory_space<hbm>>) dst(%arg9 : memref<20x125xi32, #tpu.memory_space<vmem>>)
        tpu.yield
      }) : () -> ()
      %run_scoped3A_60 = arith.constant 2 : i32
      %run_scoped3A_61 = arith.constant 1 : i32
      "tpu.region"() ({
        %run_scoped3A_82 = tpu.sem_alloc : memref<!tpu.dma_semaphore, #tpu.memory_space<semaphore_mem>>
        %dma_start3A_83 = arith.constant 0 : i32
        %dma_start3A_84 = arith.constant 0 : i32
        %dma_start3A_85 = tpu.memref_slice %arg4[%run_scoped3A_60, %run_scoped3A_61, %arg1, %dma_start3A_83, %dma_start3A_84] : memref<4x2x16x20x125xi32, #tpu.memory_space<hbm>> -> memref<1x1x1x20x125xi32, #tpu.memory_space<hbm>>
        %dma_start3A_86 = tpu.memref_squeeze %dma_start3A_85 : memref<1x1x1x20x125xi32, #tpu.memory_space<hbm>> -> memref<20x125xi32, #tpu.memory_space<hbm>>
        %dma_start3A_87 = arith.constant 0 : i32
        %dma_start3A_88 = arith.constant 0 : i32
        %dma_start3A_89 = tpu.memref_slice %arg4[%run_scoped3A_60, %run_scoped3A_61, %arg1, %dma_start3A_87, %dma_start3A_88] : memref<4x2x16x20x125xi32, #tpu.memory_space<hbm>> -> memref<1x1x1x20x125xi32, #tpu.memory_space<hbm>>
        %dma_start3A_90 = tpu.memref_squeeze %dma_start3A_89 : memref<1x1x1x20x125xi32, #tpu.memory_space<hbm>> -> memref<20x125xi32, #tpu.memory_space<hbm>>
        tpu.enqueue_dma source(%dma_start3A_90 : memref<20x125xi32, #tpu.memory_space<hbm>>) target(%arg10 : memref<20x125xi32, #tpu.memory_space<vmem>>) target_semaphore(%run_scoped3A_82 : memref<!tpu.dma_semaphore, #tpu.memory_space<semaphore_mem>>)
        %dma_wait3A = arith.constant 0 : i32
        %dma_wait3A_91 = arith.constant 0 : i32
        %dma_wait3A_92 = tpu.memref_slice %arg4[%run_scoped3A_60, %run_scoped3A_61, %arg1, %dma_wait3A, %dma_wait3A_91] : memref<4x2x16x20x125xi32, #tpu.memory_space<hbm>> -> memref<1x1x1x20x125xi32, #tpu.memory_space<hbm>>
        %dma_wait3A_93 = tpu.memref_squeeze %dma_wait3A_92 : memref<1x1x1x20x125xi32, #tpu.memory_space<hbm>> -> memref<20x125xi32, #tpu.memory_space<hbm>>
        %dma_wait3A_94 = arith.constant 0 : i32
        %dma_wait3A_95 = arith.constant 0 : i32
        %dma_wait3A_96 = tpu.memref_slice %arg4[%run_scoped3A_60, %run_scoped3A_61, %arg1, %dma_wait3A_94, %dma_wait3A_95] : memref<4x2x16x20x125xi32, #tpu.memory_space<hbm>> -> memref<1x1x1x20x125xi32, #tpu.memory_space<hbm>>
        %dma_wait3A_97 = tpu.memref_squeeze %dma_wait3A_96 : memref<1x1x1x20x125xi32, #tpu.memory_space<hbm>> -> memref<20x125xi32, #tpu.memory_space<hbm>>
        tpu.wait_dma2 semaphore(%run_scoped3A_82 : memref<!tpu.dma_semaphore, #tpu.memory_space<semaphore_mem>>) src(%dma_wait3A_97 : memref<20x125xi32, #tpu.memory_space<hbm>>) dst(%arg10 : memref<20x125xi32, #tpu.memory_space<vmem>>)
        tpu.yield
      }) : () -> ()
      %dma_start3A = arith.constant 0 : i32
      %dma_start3A_62 = arith.constant 0 : i32
      %dma_start3A_63 = tpu.memref_slice %arg9[%dma_start3A, %dma_start3A_62] : memref<20x125xi32, #tpu.memory_space<vmem>> -> memref<1x125xi32, #tpu.memory_space<vmem>>
      %dma_start3A_64 = tpu.memref_squeeze %dma_start3A_63 : memref<1x125xi32, #tpu.memory_space<vmem>> -> memref<125xi32, #tpu.memory_space<vmem>>
      %dma_start3A_65 = arith.constant 0 : i32
      %dma_start3A_66 = arith.constant 0 : i32
      %dma_start3A_67 = tpu.memref_slice %arg2[%dma_start3A_65, %dma_start3A_66] : memref<10000x128xf32, #tpu.memory_space<hbm>> -> memref<10000x128xf32, #tpu.memory_space<hbm>>
      tpu.enqueue_indirect_dma source(%dma_start3A_67 : memref<10000x128xf32, #tpu.memory_space<hbm>>) target(%arg11 : memref<125x128xf32, #tpu.memory_space<vmem>>) offsets(%dma_start3A_64 : memref<125xi32, #tpu.memory_space<vmem>>) semaphore(%arg14 : memref<!tpu.dma_semaphore, #tpu.memory_space<semaphore_mem>>)
      %scan3A = arith.constant 0 : i32
      %scan3A_68 = arith.constant 0 : i32
      %scan3A_69 = arith.constant 10 : i32
      %scan3A_70 = arith.addi %scan3A_68, %scan3A_69 : i32
      %scan3A_71 = arith.constant 1 : i32
      scf.for %scan3A_82 = %scan3A_68 to %scan3A_70 step %scan3A_71  : i32 {
        %mul3A_83 = arith.constant 2 : i32
        %mul3A_84 = arith.muli %scan3A_82, %mul3A_83 : i32
        %multiple_of3A_85 = tpu.assume_multiple %mul3A_84, 2 : i32
        %dma_wait3A = arith.constant 0 : i32
        %dma_wait3A_86 = arith.constant 0 : i32
        %dma_wait3A_87 = tpu.memref_slice %arg9[%dma_wait3A, %dma_wait3A_86] : memref<20x125xi32, #tpu.memory_space<vmem>> -> memref<1x125xi32, #tpu.memory_space<vmem>>
        %dma_wait3A_88 = tpu.memref_squeeze %dma_wait3A_87 : memref<1x125xi32, #tpu.memory_space<vmem>> -> memref<125xi32, #tpu.memory_space<vmem>>
        %dma_wait3A_89 = arith.constant 0 : i32
        %dma_wait3A_90 = arith.constant 0 : i32
        %dma_wait3A_91 = tpu.memref_slice %arg2[%dma_wait3A_89, %dma_wait3A_90] : memref<10000x128xf32, #tpu.memory_space<hbm>> -> memref<10000x128xf32, #tpu.memory_space<hbm>>
        tpu.wait_indirect_dma semaphore(%arg14 : memref<!tpu.dma_semaphore, #tpu.memory_space<semaphore_mem>>) src(%dma_wait3A_91 : memref<10000x128xf32, #tpu.memory_space<hbm>>) dst(%arg11 : memref<125x128xf32, #tpu.memory_space<vmem>>)
        %add3A = arith.constant 1 : i32
        %add3A_92 = arith.addi %multiple_of3A_85, %add3A : i32
        %dma_start3A_93 = arith.constant 0 : i32
        %dma_start3A_94 = tpu.memref_slice %arg9[%add3A_92, %dma_start3A_93] : memref<20x125xi32, #tpu.memory_space<vmem>> -> memref<1x125xi32, #tpu.memory_space<vmem>>
        %dma_start3A_95 = tpu.memref_squeeze %dma_start3A_94 : memref<1x125xi32, #tpu.memory_space<vmem>> -> memref<125xi32, #tpu.memory_space<vmem>>
        %dma_start3A_96 = arith.constant 0 : i32
        %dma_start3A_97 = arith.constant 0 : i32
        %dma_start3A_98 = tpu.memref_slice %arg2[%dma_start3A_96, %dma_start3A_97] : memref<10000x128xf32, #tpu.memory_space<hbm>> -> memref<10000x128xf32, #tpu.memory_space<hbm>>
        tpu.enqueue_indirect_dma source(%dma_start3A_98 : memref<10000x128xf32, #tpu.memory_space<hbm>>) target(%arg12 : memref<125x128xf32, #tpu.memory_space<vmem>>) offsets(%dma_start3A_95 : memref<125xi32, #tpu.memory_space<vmem>>) semaphore(%arg15 : memref<!tpu.dma_semaphore, #tpu.memory_space<semaphore_mem>>)
        "tpu.region"() ({
          %run_scoped3A_114 = tpu.sem_alloc : memref<!tpu.dma_semaphore, #tpu.memory_space<semaphore_mem>>
          %dma_start3A_115 = arith.constant 0 : i32
          %dma_start3A_116 = tpu.memref_slice %arg10[%multiple_of3A_85, %dma_start3A_115] : memref<20x125xi32, #tpu.memory_space<vmem>> -> memref<1x125xi32, #tpu.memory_space<vmem>>
          %dma_start3A_117 = tpu.memref_squeeze %dma_start3A_116 : memref<1x125xi32, #tpu.memory_space<vmem>> -> memref<125xi32, #tpu.memory_space<vmem>>
          %dma_start3A_118 = arith.constant 0 : i32
          %dma_start3A_119 = arith.constant 0 : i32
          %dma_start3A_120 = tpu.memref_slice %arg13[%dma_start3A_118, %dma_start3A_119] : memref<10000x128xf32, #tpu.memory_space<vmem_shared>> -> memref<10000x128xf32, #tpu.memory_space<vmem_shared>>
          tpu.enqueue_indirect_dma source(%arg11 : memref<125x128xf32, #tpu.memory_space<vmem>>) target(%dma_start3A_120 : memref<10000x128xf32, #tpu.memory_space<vmem_shared>>) offsets(%dma_start3A_117 : memref<125xi32, #tpu.memory_space<vmem>>) semaphore(%run_scoped3A_114 : memref<!tpu.dma_semaphore, #tpu.memory_space<semaphore_mem>>) {add = true}
          %dma_wait3A_121 = arith.constant 0 : i32
          %dma_wait3A_122 = tpu.memref_slice %arg10[%multiple_of3A_85, %dma_wait3A_121] : memref<20x125xi32, #tpu.memory_space<vmem>> -> memref<1x125xi32, #tpu.memory_space<vmem>>
          %dma_wait3A_123 = tpu.memref_squeeze %dma_wait3A_122 : memref<1x125xi32, #tpu.memory_space<vmem>> -> memref<125xi32, #tpu.memory_space<vmem>>
          %dma_wait3A_124 = arith.constant 0 : i32
          %dma_wait3A_125 = arith.constant 0 : i32
          %dma_wait3A_126 = tpu.memref_slice %arg13[%dma_wait3A_124, %dma_wait3A_125] : memref<10000x128xf32, #tpu.memory_space<vmem_shared>> -> memref<10000x128xf32, #tpu.memory_space<vmem_shared>>
          tpu.wait_indirect_dma semaphore(%run_scoped3A_114 : memref<!tpu.dma_semaphore, #tpu.memory_space<semaphore_mem>>) src(%arg11 : memref<125x128xf32, #tpu.memory_space<vmem>>) dst(%dma_wait3A_126 : memref<10000x128xf32, #tpu.memory_space<vmem_shared>>)
          tpu.yield
        }) : () -> ()
        %dma_wait3A_99 = arith.constant 0 : i32
        %dma_wait3A_100 = arith.constant 0 : i32
        %dma_wait3A_101 = tpu.memref_slice %arg9[%dma_wait3A_99, %dma_wait3A_100] : memref<20x125xi32, #tpu.memory_space<vmem>> -> memref<1x125xi32, #tpu.memory_space<vmem>>
        %dma_wait3A_102 = tpu.memref_squeeze %dma_wait3A_101 : memref<1x125xi32, #tpu.memory_space<vmem>> -> memref<125xi32, #tpu.memory_space<vmem>>
        %dma_wait3A_103 = arith.constant 0 : i32
        %dma_wait3A_104 = arith.constant 0 : i32
        %dma_wait3A_105 = tpu.memref_slice %arg2[%dma_wait3A_103, %dma_wait3A_104] : memref<10000x128xf32, #tpu.memory_space<hbm>> -> memref<10000x128xf32, #tpu.memory_space<hbm>>
        tpu.wait_indirect_dma semaphore(%arg15 : memref<!tpu.dma_semaphore, #tpu.memory_space<semaphore_mem>>) src(%dma_wait3A_105 : memref<10000x128xf32, #tpu.memory_space<hbm>>) dst(%arg12 : memref<125x128xf32, #tpu.memory_space<vmem>>)
        %add3A_106 = arith.constant 2 : i32
        %add3A_107 = arith.addi %multiple_of3A_85, %add3A_106 : i32
        %lt3A = arith.constant 20 : i32
        %lt3A_108 = arith.cmpi slt, %add3A_107, %lt3A : i32
        %convert_element_type3A_109 = arith.extui %lt3A_108 : i1 to i32
        %cond3A_110 = arith.constant 0 : i32
        %cond3A_111 = arith.cmpi ne, %convert_element_type3A_109, %cond3A_110 : i32
        scf.if %cond3A_111 {
          %add3A_114 = arith.constant 2 : i32
          %add3A_115 = arith.addi %multiple_of3A_85, %add3A_114 : i32
          %dma_start3A_116 = arith.constant 0 : i32
          %dma_start3A_117 = tpu.memref_slice %arg9[%add3A_115, %dma_start3A_116] : memref<20x125xi32, #tpu.memory_space<vmem>> -> memref<1x125xi32, #tpu.memory_space<vmem>>
          %dma_start3A_118 = tpu.memref_squeeze %dma_start3A_117 : memref<1x125xi32, #tpu.memory_space<vmem>> -> memref<125xi32, #tpu.memory_space<vmem>>
          %dma_start3A_119 = arith.constant 0 : i32
          %dma_start3A_120 = arith.constant 0 : i32
          %dma_start3A_121 = tpu.memref_slice %arg2[%dma_start3A_119, %dma_start3A_120] : memref<10000x128xf32, #tpu.memory_space<hbm>> -> memref<10000x128xf32, #tpu.memory_space<hbm>>
          tpu.enqueue_indirect_dma source(%dma_start3A_121 : memref<10000x128xf32, #tpu.memory_space<hbm>>) target(%arg11 : memref<125x128xf32, #tpu.memory_space<vmem>>) offsets(%dma_start3A_118 : memref<125xi32, #tpu.memory_space<vmem>>) semaphore(%arg14 : memref<!tpu.dma_semaphore, #tpu.memory_space<semaphore_mem>>)
        } else {
        }
        %add3A_112 = arith.constant 1 : i32
        %add3A_113 = arith.addi %multiple_of3A_85, %add3A_112 : i32
        "tpu.region"() ({
          %run_scoped3A_114 = tpu.sem_alloc : memref<!tpu.dma_semaphore, #tpu.memory_space<semaphore_mem>>
          %dma_start3A_115 = arith.constant 0 : i32
          %dma_start3A_116 = tpu.memref_slice %arg10[%add3A_113, %dma_start3A_115] : memref<20x125xi32, #tpu.memory_space<vmem>> -> memref<1x125xi32, #tpu.memory_space<vmem>>
          %dma_start3A_117 = tpu.memref_squeeze %dma_start3A_116 : memref<1x125xi32, #tpu.memory_space<vmem>> -> memref<125xi32, #tpu.memory_space<vmem>>
          %dma_start3A_118 = arith.constant 0 : i32
          %dma_start3A_119 = arith.constant 0 : i32
          %dma_start3A_120 = tpu.memref_slice %arg13[%dma_start3A_118, %dma_start3A_119] : memref<10000x128xf32, #tpu.memory_space<vmem_shared>> -> memref<10000x128xf32, #tpu.memory_space<vmem_shared>>
          tpu.enqueue_indirect_dma source(%arg12 : memref<125x128xf32, #tpu.memory_space<vmem>>) target(%dma_start3A_120 : memref<10000x128xf32, #tpu.memory_space<vmem_shared>>) offsets(%dma_start3A_117 : memref<125xi32, #tpu.memory_space<vmem>>) semaphore(%run_scoped3A_114 : memref<!tpu.dma_semaphore, #tpu.memory_space<semaphore_mem>>) {add = true}
          %dma_wait3A_121 = arith.constant 0 : i32
          %dma_wait3A_122 = tpu.memref_slice %arg10[%add3A_113, %dma_wait3A_121] : memref<20x125xi32, #tpu.memory_space<vmem>> -> memref<1x125xi32, #tpu.memory_space<vmem>>
          %dma_wait3A_123 = tpu.memref_squeeze %dma_wait3A_122 : memref<1x125xi32, #tpu.memory_space<vmem>> -> memref<125xi32, #tpu.memory_space<vmem>>
          %dma_wait3A_124 = arith.constant 0 : i32
          %dma_wait3A_125 = arith.constant 0 : i32
          %dma_wait3A_126 = tpu.memref_slice %arg13[%dma_wait3A_124, %dma_wait3A_125] : memref<10000x128xf32, #tpu.memory_space<vmem_shared>> -> memref<10000x128xf32, #tpu.memory_space<vmem_shared>>
          tpu.wait_indirect_dma semaphore(%run_scoped3A_114 : memref<!tpu.dma_semaphore, #tpu.memory_space<semaphore_mem>>) src(%arg12 : memref<125x128xf32, #tpu.memory_space<vmem>>) dst(%dma_wait3A_126 : memref<10000x128xf32, #tpu.memory_space<vmem_shared>>)
          tpu.yield
        }) : () -> ()
      }
      %scan3A_72 = arith.constant 10 : i32
      %barrier3A_73 = arith.constant 0 : index
      tpu.barrier barrier_id(%barrier3A_73)
      %not3A_74 = arith.constant true
      %not3A_75 = arith.xori %eq3A_1, %not3A_74 : i1
      %convert_element_type3A_76 = arith.extui %not3A_75 : i1 to i32
      %cond3A_77 = arith.constant 0 : i32
      %cond3A_78 = arith.cmpi ne, %convert_element_type3A_76, %cond3A_77 : i32
      scf.if %cond3A_78 {
        %run_scoped3A_82 = arith.constant 2 : i32
        "tpu.region"() ({
          %run_scoped3A_83 = tpu.sem_alloc : memref<!tpu.dma_semaphore, #tpu.memory_space<semaphore_mem>>
          %dma_start3A_84 = arith.constant 0 : i32
          %dma_start3A_85 = tpu.memref_slice %arg7[%run_scoped3A_82, %multiple_of3A, %dma_start3A_84] : memref<4x10000x256xf32, #tpu.memory_space<hbm>> -> memref<1x624x128xf32, #tpu.memory_space<hbm>>
          %dma_start3A_86 = tpu.memref_squeeze %dma_start3A_85 : memref<1x624x128xf32, #tpu.memory_space<hbm>> -> memref<624x128xf32, #tpu.memory_space<hbm>>
          %dma_start3A_87 = arith.constant 0 : i32
          %dma_start3A_88 = tpu.memref_slice %arg13[%multiple_of3A, %dma_start3A_87] : memref<10000x128xf32, #tpu.memory_space<vmem_shared>> -> memref<624x128xf32, #tpu.memory_space<vmem_shared>>
          tpu.enqueue_dma source(%dma_start3A_88 : memref<624x128xf32, #tpu.memory_space<vmem_shared>>) target(%dma_start3A_86 : memref<624x128xf32, #tpu.memory_space<hbm>>) target_semaphore(%run_scoped3A_83 : memref<!tpu.dma_semaphore, #tpu.memory_space<semaphore_mem>>)
          %dma_wait3A = arith.constant 0 : i32
          %dma_wait3A_89 = tpu.memref_slice %arg7[%run_scoped3A_82, %multiple_of3A, %dma_wait3A] : memref<4x10000x256xf32, #tpu.memory_space<hbm>> -> memref<1x624x128xf32, #tpu.memory_space<hbm>>
          %dma_wait3A_90 = tpu.memref_squeeze %dma_wait3A_89 : memref<1x624x128xf32, #tpu.memory_space<hbm>> -> memref<624x128xf32, #tpu.memory_space<hbm>>
          %dma_wait3A_91 = arith.constant 0 : i32
          %dma_wait3A_92 = tpu.memref_slice %arg13[%multiple_of3A, %dma_wait3A_91] : memref<10000x128xf32, #tpu.memory_space<vmem_shared>> -> memref<624x128xf32, #tpu.memory_space<vmem_shared>>
          tpu.wait_dma2 semaphore(%run_scoped3A_83 : memref<!tpu.dma_semaphore, #tpu.memory_space<semaphore_mem>>) src(%dma_wait3A_92 : memref<624x128xf32, #tpu.memory_space<vmem_shared>>) dst(%dma_wait3A_90 : memref<624x128xf32, #tpu.memory_space<hbm>>)
          tpu.yield
        }) : () -> ()
      } else {
      }
      %convert_element_type3A_79 = arith.extui %eq3A_1 : i1 to i32
      %cond3A_80 = arith.constant 0 : i32
      %cond3A_81 = arith.cmpi ne, %convert_element_type3A_79, %cond3A_80 : i32
      scf.if %cond3A_81 {
        %run_scoped3A_82 = arith.constant 2 : i32
        "tpu.region"() ({
          %run_scoped3A_83 = tpu.sem_alloc : memref<!tpu.dma_semaphore, #tpu.memory_space<semaphore_mem>>
          %dma_start3A_84 = arith.constant 0 : i32
          %dma_start3A_85 = tpu.memref_slice %arg7[%run_scoped3A_82, %multiple_of3A, %dma_start3A_84] : memref<4x10000x256xf32, #tpu.memory_space<hbm>> -> memref<1x640x128xf32, #tpu.memory_space<hbm>>
          %dma_start3A_86 = tpu.memref_squeeze %dma_start3A_85 : memref<1x640x128xf32, #tpu.memory_space<hbm>> -> memref<640x128xf32, #tpu.memory_space<hbm>>
          %dma_start3A_87 = arith.constant 0 : i32
          %dma_start3A_88 = tpu.memref_slice %arg13[%multiple_of3A, %dma_start3A_87] : memref<10000x128xf32, #tpu.memory_space<vmem_shared>> -> memref<640x128xf32, #tpu.memory_space<vmem_shared>>
          tpu.enqueue_dma source(%dma_start3A_88 : memref<640x128xf32, #tpu.memory_space<vmem_shared>>) target(%dma_start3A_86 : memref<640x128xf32, #tpu.memory_space<hbm>>) target_semaphore(%run_scoped3A_83 : memref<!tpu.dma_semaphore, #tpu.memory_space<semaphore_mem>>)
          %dma_wait3A = arith.constant 0 : i32
          %dma_wait3A_89 = tpu.memref_slice %arg7[%run_scoped3A_82, %multiple_of3A, %dma_wait3A] : memref<4x10000x256xf32, #tpu.memory_space<hbm>> -> memref<1x640x128xf32, #tpu.memory_space<hbm>>
          %dma_wait3A_90 = tpu.memref_squeeze %dma_wait3A_89 : memref<1x640x128xf32, #tpu.memory_space<hbm>> -> memref<640x128xf32, #tpu.memory_space<hbm>>
          %dma_wait3A_91 = arith.constant 0 : i32
          %dma_wait3A_92 = tpu.memref_slice %arg13[%multiple_of3A, %dma_wait3A_91] : memref<10000x128xf32, #tpu.memory_space<vmem_shared>> -> memref<640x128xf32, #tpu.memory_space<vmem_shared>>
          tpu.wait_dma2 semaphore(%run_scoped3A_83 : memref<!tpu.dma_semaphore, #tpu.memory_space<semaphore_mem>>) src(%dma_wait3A_92 : memref<640x128xf32, #tpu.memory_space<vmem_shared>>) dst(%dma_wait3A_90 : memref<640x128xf32, #tpu.memory_space<hbm>>)
          tpu.yield
        }) : () -> ()
      } else {
      }
    } else {
    }
    %eq3A_25 = arith.constant 1 : i32
    %eq3A_26 = arith.cmpi eq, %arg0, %eq3A_25 : i32
    %convert_element_type3A_27 = arith.extui %eq3A_26 : i1 to i32
    %cond3A_28 = arith.constant 0 : i32
    %cond3A_29 = arith.cmpi ne, %convert_element_type3A_27, %cond3A_28 : i32
    scf.if %cond3A_29 {
      %not3A = arith.constant true
      %not3A_51 = arith.xori %eq3A_1, %not3A : i1
      %convert_element_type3A_52 = arith.extui %not3A_51 : i1 to i32
      %cond3A_53 = arith.constant 0 : i32
      %cond3A_54 = arith.cmpi ne, %convert_element_type3A_52, %cond3A_53 : i32
      scf.if %cond3A_54 {
        "tpu.region"() ({
          %run_scoped3A_82 = tpu.sem_alloc : memref<!tpu.dma_semaphore, #tpu.memory_space<semaphore_mem>>
          %dma_start3A_83 = arith.constant 0 : i32
          %dma_start3A_84 = tpu.memref_slice %arg13[%multiple_of3A, %dma_start3A_83] : memref<10000x128xf32, #tpu.memory_space<vmem_shared>> -> memref<624x128xf32, #tpu.memory_space<vmem_shared>>
          %dma_start3A_85 = arith.constant 0 : i32
          %dma_start3A_86 = arith.constant 0 : i32
          %dma_start3A_87 = tpu.memref_slice %arg5[%dma_start3A_85, %dma_start3A_86] : memref<640x128xf32, #tpu.memory_space<hbm>> -> memref<624x128xf32, #tpu.memory_space<hbm>>
          tpu.enqueue_dma source(%dma_start3A_87 : memref<624x128xf32, #tpu.memory_space<hbm>>) target(%dma_start3A_84 : memref<624x128xf32, #tpu.memory_space<vmem_shared>>) target_semaphore(%run_scoped3A_82 : memref<!tpu.dma_semaphore, #tpu.memory_space<semaphore_mem>>)
          %dma_wait3A = arith.constant 0 : i32
          %dma_wait3A_88 = tpu.memref_slice %arg13[%multiple_of3A, %dma_wait3A] : memref<10000x128xf32, #tpu.memory_space<vmem_shared>> -> memref<624x128xf32, #tpu.memory_space<vmem_shared>>
          %dma_wait3A_89 = arith.constant 0 : i32
          %dma_wait3A_90 = arith.constant 0 : i32
          %dma_wait3A_91 = tpu.memref_slice %arg5[%dma_wait3A_89, %dma_wait3A_90] : memref<640x128xf32, #tpu.memory_space<hbm>> -> memref<624x128xf32, #tpu.memory_space<hbm>>
          tpu.wait_dma2 semaphore(%run_scoped3A_82 : memref<!tpu.dma_semaphore, #tpu.memory_space<semaphore_mem>>) src(%dma_wait3A_91 : memref<624x128xf32, #tpu.memory_space<hbm>>) dst(%dma_wait3A_88 : memref<624x128xf32, #tpu.memory_space<vmem_shared>>)
          tpu.yield
        }) : () -> ()
      } else {
      }
      %convert_element_type3A_55 = arith.extui %eq3A_1 : i1 to i32
      %cond3A_56 = arith.constant 0 : i32
      %cond3A_57 = arith.cmpi ne, %convert_element_type3A_55, %cond3A_56 : i32
      scf.if %cond3A_57 {
        "tpu.region"() ({
          %run_scoped3A_82 = tpu.sem_alloc : memref<!tpu.dma_semaphore, #tpu.memory_space<semaphore_mem>>
          %dma_start3A_83 = arith.constant 0 : i32
          %dma_start3A_84 = tpu.memref_slice %arg13[%multiple_of3A, %dma_start3A_83] : memref<10000x128xf32, #tpu.memory_space<vmem_shared>> -> memref<640x128xf32, #tpu.memory_space<vmem_shared>>
          tpu.enqueue_dma source(%arg5 : memref<640x128xf32, #tpu.memory_space<hbm>>) target(%dma_start3A_84 : memref<640x128xf32, #tpu.memory_space<vmem_shared>>) target_semaphore(%run_scoped3A_82 : memref<!tpu.dma_semaphore, #tpu.memory_space<semaphore_mem>>)
          %dma_wait3A = arith.constant 0 : i32
          %dma_wait3A_85 = tpu.memref_slice %arg13[%multiple_of3A, %dma_wait3A] : memref<10000x128xf32, #tpu.memory_space<vmem_shared>> -> memref<640x128xf32, #tpu.memory_space<vmem_shared>>
          tpu.wait_dma2 semaphore(%run_scoped3A_82 : memref<!tpu.dma_semaphore, #tpu.memory_space<semaphore_mem>>) src(%arg5 : memref<640x128xf32, #tpu.memory_space<hbm>>) dst(%dma_wait3A_85 : memref<640x128xf32, #tpu.memory_space<vmem_shared>>)
          tpu.yield
        }) : () -> ()
      } else {
      }
      %barrier3A = arith.constant 0 : index
      tpu.barrier barrier_id(%barrier3A)
      %run_scoped3A_58 = arith.constant 2 : i32
      %run_scoped3A_59 = arith.constant 0 : i32
      "tpu.region"() ({
        %run_scoped3A_82 = tpu.sem_alloc : memref<!tpu.dma_semaphore, #tpu.memory_space<semaphore_mem>>
        %dma_start3A_83 = arith.constant 0 : i32
        %dma_start3A_84 = arith.constant 0 : i32
        %dma_start3A_85 = tpu.memref_slice %arg4[%run_scoped3A_58, %run_scoped3A_59, %arg1, %dma_start3A_83, %dma_start3A_84] : memref<4x2x16x20x125xi32, #tpu.memory_space<hbm>> -> memref<1x1x1x20x125xi32, #tpu.memory_space<hbm>>
        %dma_start3A_86 = tpu.memref_squeeze %dma_start3A_85 : memref<1x1x1x20x125xi32, #tpu.memory_space<hbm>> -> memref<20x125xi32, #tpu.memory_space<hbm>>
        %dma_start3A_87 = arith.constant 0 : i32
        %dma_start3A_88 = arith.constant 0 : i32
        %dma_start3A_89 = tpu.memref_slice %arg4[%run_scoped3A_58, %run_scoped3A_59, %arg1, %dma_start3A_87, %dma_start3A_88] : memref<4x2x16x20x125xi32, #tpu.memory_space<hbm>> -> memref<1x1x1x20x125xi32, #tpu.memory_space<hbm>>
        %dma_start3A_90 = tpu.memref_squeeze %dma_start3A_89 : memref<1x1x1x20x125xi32, #tpu.memory_space<hbm>> -> memref<20x125xi32, #tpu.memory_space<hbm>>
        tpu.enqueue_dma source(%dma_start3A_90 : memref<20x125xi32, #tpu.memory_space<hbm>>) target(%arg9 : memref<20x125xi32, #tpu.memory_space<vmem>>) target_semaphore(%run_scoped3A_82 : memref<!tpu.dma_semaphore, #tpu.memory_space<semaphore_mem>>)
        %dma_wait3A = arith.constant 0 : i32
        %dma_wait3A_91 = arith.constant 0 : i32
        %dma_wait3A_92 = tpu.memref_slice %arg4[%run_scoped3A_58, %run_scoped3A_59, %arg1, %dma_wait3A, %dma_wait3A_91] : memref<4x2x16x20x125xi32, #tpu.memory_space<hbm>> -> memref<1x1x1x20x125xi32, #tpu.memory_space<hbm>>
        %dma_wait3A_93 = tpu.memref_squeeze %dma_wait3A_92 : memref<1x1x1x20x125xi32, #tpu.memory_space<hbm>> -> memref<20x125xi32, #tpu.memory_space<hbm>>
        %dma_wait3A_94 = arith.constant 0 : i32
        %dma_wait3A_95 = arith.constant 0 : i32
        %dma_wait3A_96 = tpu.memref_slice %arg4[%run_scoped3A_58, %run_scoped3A_59, %arg1, %dma_wait3A_94, %dma_wait3A_95] : memref<4x2x16x20x125xi32, #tpu.memory_space<hbm>> -> memref<1x1x1x20x125xi32, #tpu.memory_space<hbm>>
        %dma_wait3A_97 = tpu.memref_squeeze %dma_wait3A_96 : memref<1x1x1x20x125xi32, #tpu.memory_space<hbm>> -> memref<20x125xi32, #tpu.memory_space<hbm>>
        tpu.wait_dma2 semaphore(%run_scoped3A_82 : memref<!tpu.dma_semaphore, #tpu.memory_space<semaphore_mem>>) src(%dma_wait3A_97 : memref<20x125xi32, #tpu.memory_space<hbm>>) dst(%arg9 : memref<20x125xi32, #tpu.memory_space<vmem>>)
        tpu.yield
      }) : () -> ()
      %run_scoped3A_60 = arith.constant 2 : i32
      %run_scoped3A_61 = arith.constant 1 : i32
      "tpu.region"() ({
        %run_scoped3A_82 = tpu.sem_alloc : memref<!tpu.dma_semaphore, #tpu.memory_space<semaphore_mem>>
        %dma_start3A_83 = arith.constant 0 : i32
        %dma_start3A_84 = arith.constant 0 : i32
        %dma_start3A_85 = tpu.memref_slice %arg4[%run_scoped3A_60, %run_scoped3A_61, %arg1, %dma_start3A_83, %dma_start3A_84] : memref<4x2x16x20x125xi32, #tpu.memory_space<hbm>> -> memref<1x1x1x20x125xi32, #tpu.memory_space<hbm>>
        %dma_start3A_86 = tpu.memref_squeeze %dma_start3A_85 : memref<1x1x1x20x125xi32, #tpu.memory_space<hbm>> -> memref<20x125xi32, #tpu.memory_space<hbm>>
        %dma_start3A_87 = arith.constant 0 : i32
        %dma_start3A_88 = arith.constant 0 : i32
        %dma_start3A_89 = tpu.memref_slice %arg4[%run_scoped3A_60, %run_scoped3A_61, %arg1, %dma_start3A_87, %dma_start3A_88] : memref<4x2x16x20x125xi32, #tpu.memory_space<hbm>> -> memref<1x1x1x20x125xi32, #tpu.memory_space<hbm>>
        %dma_start3A_90 = tpu.memref_squeeze %dma_start3A_89 : memref<1x1x1x20x125xi32, #tpu.memory_space<hbm>> -> memref<20x125xi32, #tpu.memory_space<hbm>>
        tpu.enqueue_dma source(%dma_start3A_90 : memref<20x125xi32, #tpu.memory_space<hbm>>) target(%arg10 : memref<20x125xi32, #tpu.memory_space<vmem>>) target_semaphore(%run_scoped3A_82 : memref<!tpu.dma_semaphore, #tpu.memory_space<semaphore_mem>>)
        %dma_wait3A = arith.constant 0 : i32
        %dma_wait3A_91 = arith.constant 0 : i32
        %dma_wait3A_92 = tpu.memref_slice %arg4[%run_scoped3A_60, %run_scoped3A_61, %arg1, %dma_wait3A, %dma_wait3A_91] : memref<4x2x16x20x125xi32, #tpu.memory_space<hbm>> -> memref<1x1x1x20x125xi32, #tpu.memory_space<hbm>>
        %dma_wait3A_93 = tpu.memref_squeeze %dma_wait3A_92 : memref<1x1x1x20x125xi32, #tpu.memory_space<hbm>> -> memref<20x125xi32, #tpu.memory_space<hbm>>
        %dma_wait3A_94 = arith.constant 0 : i32
        %dma_wait3A_95 = arith.constant 0 : i32
        %dma_wait3A_96 = tpu.memref_slice %arg4[%run_scoped3A_60, %run_scoped3A_61, %arg1, %dma_wait3A_94, %dma_wait3A_95] : memref<4x2x16x20x125xi32, #tpu.memory_space<hbm>> -> memref<1x1x1x20x125xi32, #tpu.memory_space<hbm>>
        %dma_wait3A_97 = tpu.memref_squeeze %dma_wait3A_96 : memref<1x1x1x20x125xi32, #tpu.memory_space<hbm>> -> memref<20x125xi32, #tpu.memory_space<hbm>>
        tpu.wait_dma2 semaphore(%run_scoped3A_82 : memref<!tpu.dma_semaphore, #tpu.memory_space<semaphore_mem>>) src(%dma_wait3A_97 : memref<20x125xi32, #tpu.memory_space<hbm>>) dst(%arg10 : memref<20x125xi32, #tpu.memory_space<vmem>>)
        tpu.yield
      }) : () -> ()
      %dma_start3A = arith.constant 0 : i32
      %dma_start3A_62 = arith.constant 0 : i32
      %dma_start3A_63 = tpu.memref_slice %arg9[%dma_start3A, %dma_start3A_62] : memref<20x125xi32, #tpu.memory_space<vmem>> -> memref<1x125xi32, #tpu.memory_space<vmem>>
      %dma_start3A_64 = tpu.memref_squeeze %dma_start3A_63 : memref<1x125xi32, #tpu.memory_space<vmem>> -> memref<125xi32, #tpu.memory_space<vmem>>
      %dma_start3A_65 = arith.constant 0 : i32
      %dma_start3A_66 = arith.constant 0 : i32
      %dma_start3A_67 = tpu.memref_slice %arg3[%dma_start3A_65, %dma_start3A_66] : memref<10000x128xf32, #tpu.memory_space<hbm>> -> memref<10000x128xf32, #tpu.memory_space<hbm>>
      tpu.enqueue_indirect_dma source(%dma_start3A_67 : memref<10000x128xf32, #tpu.memory_space<hbm>>) target(%arg11 : memref<125x128xf32, #tpu.memory_space<vmem>>) offsets(%dma_start3A_64 : memref<125xi32, #tpu.memory_space<vmem>>) semaphore(%arg14 : memref<!tpu.dma_semaphore, #tpu.memory_space<semaphore_mem>>)
      %scan3A = arith.constant 0 : i32
      %scan3A_68 = arith.constant 0 : i32
      %scan3A_69 = arith.constant 10 : i32
      %scan3A_70 = arith.addi %scan3A_68, %scan3A_69 : i32
      %scan3A_71 = arith.constant 1 : i32
      scf.for %scan3A_82 = %scan3A_68 to %scan3A_70 step %scan3A_71  : i32 {
        %mul3A_83 = arith.constant 2 : i32
        %mul3A_84 = arith.muli %scan3A_82, %mul3A_83 : i32
        %multiple_of3A_85 = tpu.assume_multiple %mul3A_84, 2 : i32
        %dma_wait3A = arith.constant 0 : i32
        %dma_wait3A_86 = arith.constant 0 : i32
        %dma_wait3A_87 = tpu.memref_slice %arg9[%dma_wait3A, %dma_wait3A_86] : memref<20x125xi32, #tpu.memory_space<vmem>> -> memref<1x125xi32, #tpu.memory_space<vmem>>
        %dma_wait3A_88 = tpu.memref_squeeze %dma_wait3A_87 : memref<1x125xi32, #tpu.memory_space<vmem>> -> memref<125xi32, #tpu.memory_space<vmem>>
        %dma_wait3A_89 = arith.constant 0 : i32
        %dma_wait3A_90 = arith.constant 0 : i32
        %dma_wait3A_91 = tpu.memref_slice %arg3[%dma_wait3A_89, %dma_wait3A_90] : memref<10000x128xf32, #tpu.memory_space<hbm>> -> memref<10000x128xf32, #tpu.memory_space<hbm>>
        tpu.wait_indirect_dma semaphore(%arg14 : memref<!tpu.dma_semaphore, #tpu.memory_space<semaphore_mem>>) src(%dma_wait3A_91 : memref<10000x128xf32, #tpu.memory_space<hbm>>) dst(%arg11 : memref<125x128xf32, #tpu.memory_space<vmem>>)
        %add3A = arith.constant 1 : i32
        %add3A_92 = arith.addi %multiple_of3A_85, %add3A : i32
        %dma_start3A_93 = arith.constant 0 : i32
        %dma_start3A_94 = tpu.memref_slice %arg9[%add3A_92, %dma_start3A_93] : memref<20x125xi32, #tpu.memory_space<vmem>> -> memref<1x125xi32, #tpu.memory_space<vmem>>
        %dma_start3A_95 = tpu.memref_squeeze %dma_start3A_94 : memref<1x125xi32, #tpu.memory_space<vmem>> -> memref<125xi32, #tpu.memory_space<vmem>>
        %dma_start3A_96 = arith.constant 0 : i32
        %dma_start3A_97 = arith.constant 0 : i32
        %dma_start3A_98 = tpu.memref_slice %arg3[%dma_start3A_96, %dma_start3A_97] : memref<10000x128xf32, #tpu.memory_space<hbm>> -> memref<10000x128xf32, #tpu.memory_space<hbm>>
        tpu.enqueue_indirect_dma source(%dma_start3A_98 : memref<10000x128xf32, #tpu.memory_space<hbm>>) target(%arg12 : memref<125x128xf32, #tpu.memory_space<vmem>>) offsets(%dma_start3A_95 : memref<125xi32, #tpu.memory_space<vmem>>) semaphore(%arg15 : memref<!tpu.dma_semaphore, #tpu.memory_space<semaphore_mem>>)
        "tpu.region"() ({
          %run_scoped3A_114 = tpu.sem_alloc : memref<!tpu.dma_semaphore, #tpu.memory_space<semaphore_mem>>
          %dma_start3A_115 = arith.constant 0 : i32
          %dma_start3A_116 = tpu.memref_slice %arg10[%multiple_of3A_85, %dma_start3A_115] : memref<20x125xi32, #tpu.memory_space<vmem>> -> memref<1x125xi32, #tpu.memory_space<vmem>>
          %dma_start3A_117 = tpu.memref_squeeze %dma_start3A_116 : memref<1x125xi32, #tpu.memory_space<vmem>> -> memref<125xi32, #tpu.memory_space<vmem>>
          %dma_start3A_118 = arith.constant 0 : i32
          %dma_start3A_119 = arith.constant 0 : i32
          %dma_start3A_120 = tpu.memref_slice %arg13[%dma_start3A_118, %dma_start3A_119] : memref<10000x128xf32, #tpu.memory_space<vmem_shared>> -> memref<10000x128xf32, #tpu.memory_space<vmem_shared>>
          tpu.enqueue_indirect_dma source(%arg11 : memref<125x128xf32, #tpu.memory_space<vmem>>) target(%dma_start3A_120 : memref<10000x128xf32, #tpu.memory_space<vmem_shared>>) offsets(%dma_start3A_117 : memref<125xi32, #tpu.memory_space<vmem>>) semaphore(%run_scoped3A_114 : memref<!tpu.dma_semaphore, #tpu.memory_space<semaphore_mem>>) {add = true}
          %dma_wait3A_121 = arith.constant 0 : i32
          %dma_wait3A_122 = tpu.memref_slice %arg10[%multiple_of3A_85, %dma_wait3A_121] : memref<20x125xi32, #tpu.memory_space<vmem>> -> memref<1x125xi32, #tpu.memory_space<vmem>>
          %dma_wait3A_123 = tpu.memref_squeeze %dma_wait3A_122 : memref<1x125xi32, #tpu.memory_space<vmem>> -> memref<125xi32, #tpu.memory_space<vmem>>
          %dma_wait3A_124 = arith.constant 0 : i32
          %dma_wait3A_125 = arith.constant 0 : i32
          %dma_wait3A_126 = tpu.memref_slice %arg13[%dma_wait3A_124, %dma_wait3A_125] : memref<10000x128xf32, #tpu.memory_space<vmem_shared>> -> memref<10000x128xf32, #tpu.memory_space<vmem_shared>>
          tpu.wait_indirect_dma semaphore(%run_scoped3A_114 : memref<!tpu.dma_semaphore, #tpu.memory_space<semaphore_mem>>) src(%arg11 : memref<125x128xf32, #tpu.memory_space<vmem>>) dst(%dma_wait3A_126 : memref<10000x128xf32, #tpu.memory_space<vmem_shared>>)
          tpu.yield
        }) : () -> ()
        %dma_wait3A_99 = arith.constant 0 : i32
        %dma_wait3A_100 = arith.constant 0 : i32
        %dma_wait3A_101 = tpu.memref_slice %arg9[%dma_wait3A_99, %dma_wait3A_100] : memref<20x125xi32, #tpu.memory_space<vmem>> -> memref<1x125xi32, #tpu.memory_space<vmem>>
        %dma_wait3A_102 = tpu.memref_squeeze %dma_wait3A_101 : memref<1x125xi32, #tpu.memory_space<vmem>> -> memref<125xi32, #tpu.memory_space<vmem>>
        %dma_wait3A_103 = arith.constant 0 : i32
        %dma_wait3A_104 = arith.constant 0 : i32
        %dma_wait3A_105 = tpu.memref_slice %arg3[%dma_wait3A_103, %dma_wait3A_104] : memref<10000x128xf32, #tpu.memory_space<hbm>> -> memref<10000x128xf32, #tpu.memory_space<hbm>>
        tpu.wait_indirect_dma semaphore(%arg15 : memref<!tpu.dma_semaphore, #tpu.memory_space<semaphore_mem>>) src(%dma_wait3A_105 : memref<10000x128xf32, #tpu.memory_space<hbm>>) dst(%arg12 : memref<125x128xf32, #tpu.memory_space<vmem>>)
        %add3A_106 = arith.constant 2 : i32
        %add3A_107 = arith.addi %multiple_of3A_85, %add3A_106 : i32
        %lt3A = arith.constant 20 : i32
        %lt3A_108 = arith.cmpi slt, %add3A_107, %lt3A : i32
        %convert_element_type3A_109 = arith.extui %lt3A_108 : i1 to i32
        %cond3A_110 = arith.constant 0 : i32
        %cond3A_111 = arith.cmpi ne, %convert_element_type3A_109, %cond3A_110 : i32
        scf.if %cond3A_111 {
          %add3A_114 = arith.constant 2 : i32
          %add3A_115 = arith.addi %multiple_of3A_85, %add3A_114 : i32
          %dma_start3A_116 = arith.constant 0 : i32
          %dma_start3A_117 = tpu.memref_slice %arg9[%add3A_115, %dma_start3A_116] : memref<20x125xi32, #tpu.memory_space<vmem>> -> memref<1x125xi32, #tpu.memory_space<vmem>>
          %dma_start3A_118 = tpu.memref_squeeze %dma_start3A_117 : memref<1x125xi32, #tpu.memory_space<vmem>> -> memref<125xi32, #tpu.memory_space<vmem>>
          %dma_start3A_119 = arith.constant 0 : i32
          %dma_start3A_120 = arith.constant 0 : i32
          %dma_start3A_121 = tpu.memref_slice %arg3[%dma_start3A_119, %dma_start3A_120] : memref<10000x128xf32, #tpu.memory_space<hbm>> -> memref<10000x128xf32, #tpu.memory_space<hbm>>
          tpu.enqueue_indirect_dma source(%dma_start3A_121 : memref<10000x128xf32, #tpu.memory_space<hbm>>) target(%arg11 : memref<125x128xf32, #tpu.memory_space<vmem>>) offsets(%dma_start3A_118 : memref<125xi32, #tpu.memory_space<vmem>>) semaphore(%arg14 : memref<!tpu.dma_semaphore, #tpu.memory_space<semaphore_mem>>)
        } else {
        }
        %add3A_112 = arith.constant 1 : i32
        %add3A_113 = arith.addi %multiple_of3A_85, %add3A_112 : i32
        "tpu.region"() ({
          %run_scoped3A_114 = tpu.sem_alloc : memref<!tpu.dma_semaphore, #tpu.memory_space<semaphore_mem>>
          %dma_start3A_115 = arith.constant 0 : i32
          %dma_start3A_116 = tpu.memref_slice %arg10[%add3A_113, %dma_start3A_115] : memref<20x125xi32, #tpu.memory_space<vmem>> -> memref<1x125xi32, #tpu.memory_space<vmem>>
          %dma_start3A_117 = tpu.memref_squeeze %dma_start3A_116 : memref<1x125xi32, #tpu.memory_space<vmem>> -> memref<125xi32, #tpu.memory_space<vmem>>
          %dma_start3A_118 = arith.constant 0 : i32
          %dma_start3A_119 = arith.constant 0 : i32
          %dma_start3A_120 = tpu.memref_slice %arg13[%dma_start3A_118, %dma_start3A_119] : memref<10000x128xf32, #tpu.memory_space<vmem_shared>> -> memref<10000x128xf32, #tpu.memory_space<vmem_shared>>
          tpu.enqueue_indirect_dma source(%arg12 : memref<125x128xf32, #tpu.memory_space<vmem>>) target(%dma_start3A_120 : memref<10000x128xf32, #tpu.memory_space<vmem_shared>>) offsets(%dma_start3A_117 : memref<125xi32, #tpu.memory_space<vmem>>) semaphore(%run_scoped3A_114 : memref<!tpu.dma_semaphore, #tpu.memory_space<semaphore_mem>>) {add = true}
          %dma_wait3A_121 = arith.constant 0 : i32
          %dma_wait3A_122 = tpu.memref_slice %arg10[%add3A_113, %dma_wait3A_121] : memref<20x125xi32, #tpu.memory_space<vmem>> -> memref<1x125xi32, #tpu.memory_space<vmem>>
          %dma_wait3A_123 = tpu.memref_squeeze %dma_wait3A_122 : memref<1x125xi32, #tpu.memory_space<vmem>> -> memref<125xi32, #tpu.memory_space<vmem>>
          %dma_wait3A_124 = arith.constant 0 : i32
          %dma_wait3A_125 = arith.constant 0 : i32
          %dma_wait3A_126 = tpu.memref_slice %arg13[%dma_wait3A_124, %dma_wait3A_125] : memref<10000x128xf32, #tpu.memory_space<vmem_shared>> -> memref<10000x128xf32, #tpu.memory_space<vmem_shared>>
          tpu.wait_indirect_dma semaphore(%run_scoped3A_114 : memref<!tpu.dma_semaphore, #tpu.memory_space<semaphore_mem>>) src(%arg12 : memref<125x128xf32, #tpu.memory_space<vmem>>) dst(%dma_wait3A_126 : memref<10000x128xf32, #tpu.memory_space<vmem_shared>>)
          tpu.yield
        }) : () -> ()
      }
      %scan3A_72 = arith.constant 10 : i32
      %barrier3A_73 = arith.constant 0 : index
      tpu.barrier barrier_id(%barrier3A_73)
      %not3A_74 = arith.constant true
      %not3A_75 = arith.xori %eq3A_1, %not3A_74 : i1
      %convert_element_type3A_76 = arith.extui %not3A_75 : i1 to i32
      %cond3A_77 = arith.constant 0 : i32
      %cond3A_78 = arith.cmpi ne, %convert_element_type3A_76, %cond3A_77 : i32
      scf.if %cond3A_78 {
        %run_scoped3A_82 = arith.constant 2 : i32
        "tpu.region"() ({
          %run_scoped3A_83 = tpu.sem_alloc : memref<!tpu.dma_semaphore, #tpu.memory_space<semaphore_mem>>
          %dma_start3A_84 = arith.constant 128 : i32
          %dma_start3A_85 = tpu.memref_slice %arg7[%run_scoped3A_82, %multiple_of3A, %dma_start3A_84] : memref<4x10000x256xf32, #tpu.memory_space<hbm>> -> memref<1x624x128xf32, #tpu.memory_space<hbm>>
          %dma_start3A_86 = tpu.memref_squeeze %dma_start3A_85 : memref<1x624x128xf32, #tpu.memory_space<hbm>> -> memref<624x128xf32, #tpu.memory_space<hbm>>
          %dma_start3A_87 = arith.constant 0 : i32
          %dma_start3A_88 = tpu.memref_slice %arg13[%multiple_of3A, %dma_start3A_87] : memref<10000x128xf32, #tpu.memory_space<vmem_shared>> -> memref<624x128xf32, #tpu.memory_space<vmem_shared>>
          tpu.enqueue_dma source(%dma_start3A_88 : memref<624x128xf32, #tpu.memory_space<vmem_shared>>) target(%dma_start3A_86 : memref<624x128xf32, #tpu.memory_space<hbm>>) target_semaphore(%run_scoped3A_83 : memref<!tpu.dma_semaphore, #tpu.memory_space<semaphore_mem>>)
          %dma_wait3A = arith.constant 128 : i32
          %dma_wait3A_89 = tpu.memref_slice %arg7[%run_scoped3A_82, %multiple_of3A, %dma_wait3A] : memref<4x10000x256xf32, #tpu.memory_space<hbm>> -> memref<1x624x128xf32, #tpu.memory_space<hbm>>
          %dma_wait3A_90 = tpu.memref_squeeze %dma_wait3A_89 : memref<1x624x128xf32, #tpu.memory_space<hbm>> -> memref<624x128xf32, #tpu.memory_space<hbm>>
          %dma_wait3A_91 = arith.constant 0 : i32
          %dma_wait3A_92 = tpu.memref_slice %arg13[%multiple_of3A, %dma_wait3A_91] : memref<10000x128xf32, #tpu.memory_space<vmem_shared>> -> memref<624x128xf32, #tpu.memory_space<vmem_shared>>
          tpu.wait_dma2 semaphore(%run_scoped3A_83 : memref<!tpu.dma_semaphore, #tpu.memory_space<semaphore_mem>>) src(%dma_wait3A_92 : memref<624x128xf32, #tpu.memory_space<vmem_shared>>) dst(%dma_wait3A_90 : memref<624x128xf32, #tpu.memory_space<hbm>>)
          tpu.yield
        }) : () -> ()
      } else {
      }
      %convert_element_type3A_79 = arith.extui %eq3A_1 : i1 to i32
      %cond3A_80 = arith.constant 0 : i32
      %cond3A_81 = arith.cmpi ne, %convert_element_type3A_79, %cond3A_80 : i32
      scf.if %cond3A_81 {
        %run_scoped3A_82 = arith.constant 2 : i32
        "tpu.region"() ({
          %run_scoped3A_83 = tpu.sem_alloc : memref<!tpu.dma_semaphore, #tpu.memory_space<semaphore_mem>>
          %dma_start3A_84 = arith.constant 128 : i32
          %dma_start3A_85 = tpu.memref_slice %arg7[%run_scoped3A_82, %multiple_of3A, %dma_start3A_84] : memref<4x10000x256xf32, #tpu.memory_space<hbm>> -> memref<1x640x128xf32, #tpu.memory_space<hbm>>
          %dma_start3A_86 = tpu.memref_squeeze %dma_start3A_85 : memref<1x640x128xf32, #tpu.memory_space<hbm>> -> memref<640x128xf32, #tpu.memory_space<hbm>>
          %dma_start3A_87 = arith.constant 0 : i32
          %dma_start3A_88 = tpu.memref_slice %arg13[%multiple_of3A, %dma_start3A_87] : memref<10000x128xf32, #tpu.memory_space<vmem_shared>> -> memref<640x128xf32, #tpu.memory_space<vmem_shared>>
          tpu.enqueue_dma source(%dma_start3A_88 : memref<640x128xf32, #tpu.memory_space<vmem_shared>>) target(%dma_start3A_86 : memref<640x128xf32, #tpu.memory_space<hbm>>) target_semaphore(%run_scoped3A_83 : memref<!tpu.dma_semaphore, #tpu.memory_space<semaphore_mem>>)
          %dma_wait3A = arith.constant 128 : i32
          %dma_wait3A_89 = tpu.memref_slice %arg7[%run_scoped3A_82, %multiple_of3A, %dma_wait3A] : memref<4x10000x256xf32, #tpu.memory_space<hbm>> -> memref<1x640x128xf32, #tpu.memory_space<hbm>>
          %dma_wait3A_90 = tpu.memref_squeeze %dma_wait3A_89 : memref<1x640x128xf32, #tpu.memory_space<hbm>> -> memref<640x128xf32, #tpu.memory_space<hbm>>
          %dma_wait3A_91 = arith.constant 0 : i32
          %dma_wait3A_92 = tpu.memref_slice %arg13[%multiple_of3A, %dma_wait3A_91] : memref<10000x128xf32, #tpu.memory_space<vmem_shared>> -> memref<640x128xf32, #tpu.memory_space<vmem_shared>>
          tpu.wait_dma2 semaphore(%run_scoped3A_83 : memref<!tpu.dma_semaphore, #tpu.memory_space<semaphore_mem>>) src(%dma_wait3A_92 : memref<640x128xf32, #tpu.memory_space<vmem_shared>>) dst(%dma_wait3A_90 : memref<640x128xf32, #tpu.memory_space<hbm>>)
          tpu.yield
        }) : () -> ()
      } else {
      }
    } else {
    }
    %eq3A_30 = arith.constant 0 : i32
    %eq3A_31 = arith.cmpi eq, %arg0, %eq3A_30 : i32
    %convert_element_type3A_32 = arith.extui %eq3A_31 : i1 to i32
    %cond3A_33 = arith.constant 0 : i32
    %cond3A_34 = arith.cmpi ne, %convert_element_type3A_32, %cond3A_33 : i32
    scf.if %cond3A_34 {
      %not3A = arith.constant true
      %not3A_51 = arith.xori %eq3A_1, %not3A : i1
      %convert_element_type3A_52 = arith.extui %not3A_51 : i1 to i32
      %cond3A_53 = arith.constant 0 : i32
      %cond3A_54 = arith.cmpi ne, %convert_element_type3A_52, %cond3A_53 : i32
      scf.if %cond3A_54 {
        "tpu.region"() ({
          %run_scoped3A_82 = tpu.sem_alloc : memref<!tpu.dma_semaphore, #tpu.memory_space<semaphore_mem>>
          %dma_start3A_83 = arith.constant 0 : i32
          %dma_start3A_84 = tpu.memref_slice %arg13[%multiple_of3A, %dma_start3A_83] : memref<10000x128xf32, #tpu.memory_space<vmem_shared>> -> memref<624x128xf32, #tpu.memory_space<vmem_shared>>
          %dma_start3A_85 = arith.constant 0 : i32
          %dma_start3A_86 = arith.constant 0 : i32
          %dma_start3A_87 = tpu.memref_slice %arg5[%dma_start3A_85, %dma_start3A_86] : memref<640x128xf32, #tpu.memory_space<hbm>> -> memref<624x128xf32, #tpu.memory_space<hbm>>
          tpu.enqueue_dma source(%dma_start3A_87 : memref<624x128xf32, #tpu.memory_space<hbm>>) target(%dma_start3A_84 : memref<624x128xf32, #tpu.memory_space<vmem_shared>>) target_semaphore(%run_scoped3A_82 : memref<!tpu.dma_semaphore, #tpu.memory_space<semaphore_mem>>)
          %dma_wait3A = arith.constant 0 : i32
          %dma_wait3A_88 = tpu.memref_slice %arg13[%multiple_of3A, %dma_wait3A] : memref<10000x128xf32, #tpu.memory_space<vmem_shared>> -> memref<624x128xf32, #tpu.memory_space<vmem_shared>>
          %dma_wait3A_89 = arith.constant 0 : i32
          %dma_wait3A_90 = arith.constant 0 : i32
          %dma_wait3A_91 = tpu.memref_slice %arg5[%dma_wait3A_89, %dma_wait3A_90] : memref<640x128xf32, #tpu.memory_space<hbm>> -> memref<624x128xf32, #tpu.memory_space<hbm>>
          tpu.wait_dma2 semaphore(%run_scoped3A_82 : memref<!tpu.dma_semaphore, #tpu.memory_space<semaphore_mem>>) src(%dma_wait3A_91 : memref<624x128xf32, #tpu.memory_space<hbm>>) dst(%dma_wait3A_88 : memref<624x128xf32, #tpu.memory_space<vmem_shared>>)
          tpu.yield
        }) : () -> ()
      } else {
      }
      %convert_element_type3A_55 = arith.extui %eq3A_1 : i1 to i32
      %cond3A_56 = arith.constant 0 : i32
      %cond3A_57 = arith.cmpi ne, %convert_element_type3A_55, %cond3A_56 : i32
      scf.if %cond3A_57 {
        "tpu.region"() ({
          %run_scoped3A_82 = tpu.sem_alloc : memref<!tpu.dma_semaphore, #tpu.memory_space<semaphore_mem>>
          %dma_start3A_83 = arith.constant 0 : i32
          %dma_start3A_84 = tpu.memref_slice %arg13[%multiple_of3A, %dma_start3A_83] : memref<10000x128xf32, #tpu.memory_space<vmem_shared>> -> memref<640x128xf32, #tpu.memory_space<vmem_shared>>
          tpu.enqueue_dma source(%arg5 : memref<640x128xf32, #tpu.memory_space<hbm>>) target(%dma_start3A_84 : memref<640x128xf32, #tpu.memory_space<vmem_shared>>) target_semaphore(%run_scoped3A_82 : memref<!tpu.dma_semaphore, #tpu.memory_space<semaphore_mem>>)
          %dma_wait3A = arith.constant 0 : i32
          %dma_wait3A_85 = tpu.memref_slice %arg13[%multiple_of3A, %dma_wait3A] : memref<10000x128xf32, #tpu.memory_space<vmem_shared>> -> memref<640x128xf32, #tpu.memory_space<vmem_shared>>
          tpu.wait_dma2 semaphore(%run_scoped3A_82 : memref<!tpu.dma_semaphore, #tpu.memory_space<semaphore_mem>>) src(%arg5 : memref<640x128xf32, #tpu.memory_space<hbm>>) dst(%dma_wait3A_85 : memref<640x128xf32, #tpu.memory_space<vmem_shared>>)
          tpu.yield
        }) : () -> ()
      } else {
      }
      %barrier3A = arith.constant 0 : index
      tpu.barrier barrier_id(%barrier3A)
      %run_scoped3A_58 = arith.constant 3 : i32
      %run_scoped3A_59 = arith.constant 0 : i32
      "tpu.region"() ({
        %run_scoped3A_82 = tpu.sem_alloc : memref<!tpu.dma_semaphore, #tpu.memory_space<semaphore_mem>>
        %dma_start3A_83 = arith.constant 0 : i32
        %dma_start3A_84 = arith.constant 0 : i32
        %dma_start3A_85 = tpu.memref_slice %arg4[%run_scoped3A_58, %run_scoped3A_59, %arg1, %dma_start3A_83, %dma_start3A_84] : memref<4x2x16x20x125xi32, #tpu.memory_space<hbm>> -> memref<1x1x1x20x125xi32, #tpu.memory_space<hbm>>
        %dma_start3A_86 = tpu.memref_squeeze %dma_start3A_85 : memref<1x1x1x20x125xi32, #tpu.memory_space<hbm>> -> memref<20x125xi32, #tpu.memory_space<hbm>>
        %dma_start3A_87 = arith.constant 0 : i32
        %dma_start3A_88 = arith.constant 0 : i32
        %dma_start3A_89 = tpu.memref_slice %arg4[%run_scoped3A_58, %run_scoped3A_59, %arg1, %dma_start3A_87, %dma_start3A_88] : memref<4x2x16x20x125xi32, #tpu.memory_space<hbm>> -> memref<1x1x1x20x125xi32, #tpu.memory_space<hbm>>
        %dma_start3A_90 = tpu.memref_squeeze %dma_start3A_89 : memref<1x1x1x20x125xi32, #tpu.memory_space<hbm>> -> memref<20x125xi32, #tpu.memory_space<hbm>>
        tpu.enqueue_dma source(%dma_start3A_90 : memref<20x125xi32, #tpu.memory_space<hbm>>) target(%arg9 : memref<20x125xi32, #tpu.memory_space<vmem>>) target_semaphore(%run_scoped3A_82 : memref<!tpu.dma_semaphore, #tpu.memory_space<semaphore_mem>>)
        %dma_wait3A = arith.constant 0 : i32
        %dma_wait3A_91 = arith.constant 0 : i32
        %dma_wait3A_92 = tpu.memref_slice %arg4[%run_scoped3A_58, %run_scoped3A_59, %arg1, %dma_wait3A, %dma_wait3A_91] : memref<4x2x16x20x125xi32, #tpu.memory_space<hbm>> -> memref<1x1x1x20x125xi32, #tpu.memory_space<hbm>>
        %dma_wait3A_93 = tpu.memref_squeeze %dma_wait3A_92 : memref<1x1x1x20x125xi32, #tpu.memory_space<hbm>> -> memref<20x125xi32, #tpu.memory_space<hbm>>
        %dma_wait3A_94 = arith.constant 0 : i32
        %dma_wait3A_95 = arith.constant 0 : i32
        %dma_wait3A_96 = tpu.memref_slice %arg4[%run_scoped3A_58, %run_scoped3A_59, %arg1, %dma_wait3A_94, %dma_wait3A_95] : memref<4x2x16x20x125xi32, #tpu.memory_space<hbm>> -> memref<1x1x1x20x125xi32, #tpu.memory_space<hbm>>
        %dma_wait3A_97 = tpu.memref_squeeze %dma_wait3A_96 : memref<1x1x1x20x125xi32, #tpu.memory_space<hbm>> -> memref<20x125xi32, #tpu.memory_space<hbm>>
        tpu.wait_dma2 semaphore(%run_scoped3A_82 : memref<!tpu.dma_semaphore, #tpu.memory_space<semaphore_mem>>) src(%dma_wait3A_97 : memref<20x125xi32, #tpu.memory_space<hbm>>) dst(%arg9 : memref<20x125xi32, #tpu.memory_space<vmem>>)
        tpu.yield
      }) : () -> ()
      %run_scoped3A_60 = arith.constant 3 : i32
      %run_scoped3A_61 = arith.constant 1 : i32
      "tpu.region"() ({
        %run_scoped3A_82 = tpu.sem_alloc : memref<!tpu.dma_semaphore, #tpu.memory_space<semaphore_mem>>
        %dma_start3A_83 = arith.constant 0 : i32
        %dma_start3A_84 = arith.constant 0 : i32
        %dma_start3A_85 = tpu.memref_slice %arg4[%run_scoped3A_60, %run_scoped3A_61, %arg1, %dma_start3A_83, %dma_start3A_84] : memref<4x2x16x20x125xi32, #tpu.memory_space<hbm>> -> memref<1x1x1x20x125xi32, #tpu.memory_space<hbm>>
        %dma_start3A_86 = tpu.memref_squeeze %dma_start3A_85 : memref<1x1x1x20x125xi32, #tpu.memory_space<hbm>> -> memref<20x125xi32, #tpu.memory_space<hbm>>
        %dma_start3A_87 = arith.constant 0 : i32
        %dma_start3A_88 = arith.constant 0 : i32
        %dma_start3A_89 = tpu.memref_slice %arg4[%run_scoped3A_60, %run_scoped3A_61, %arg1, %dma_start3A_87, %dma_start3A_88] : memref<4x2x16x20x125xi32, #tpu.memory_space<hbm>> -> memref<1x1x1x20x125xi32, #tpu.memory_space<hbm>>
        %dma_start3A_90 = tpu.memref_squeeze %dma_start3A_89 : memref<1x1x1x20x125xi32, #tpu.memory_space<hbm>> -> memref<20x125xi32, #tpu.memory_space<hbm>>
        tpu.enqueue_dma source(%dma_start3A_90 : memref<20x125xi32, #tpu.memory_space<hbm>>) target(%arg10 : memref<20x125xi32, #tpu.memory_space<vmem>>) target_semaphore(%run_scoped3A_82 : memref<!tpu.dma_semaphore, #tpu.memory_space<semaphore_mem>>)
        %dma_wait3A = arith.constant 0 : i32
        %dma_wait3A_91 = arith.constant 0 : i32
        %dma_wait3A_92 = tpu.memref_slice %arg4[%run_scoped3A_60, %run_scoped3A_61, %arg1, %dma_wait3A, %dma_wait3A_91] : memref<4x2x16x20x125xi32, #tpu.memory_space<hbm>> -> memref<1x1x1x20x125xi32, #tpu.memory_space<hbm>>
        %dma_wait3A_93 = tpu.memref_squeeze %dma_wait3A_92 : memref<1x1x1x20x125xi32, #tpu.memory_space<hbm>> -> memref<20x125xi32, #tpu.memory_space<hbm>>
        %dma_wait3A_94 = arith.constant 0 : i32
        %dma_wait3A_95 = arith.constant 0 : i32
        %dma_wait3A_96 = tpu.memref_slice %arg4[%run_scoped3A_60, %run_scoped3A_61, %arg1, %dma_wait3A_94, %dma_wait3A_95] : memref<4x2x16x20x125xi32, #tpu.memory_space<hbm>> -> memref<1x1x1x20x125xi32, #tpu.memory_space<hbm>>
        %dma_wait3A_97 = tpu.memref_squeeze %dma_wait3A_96 : memref<1x1x1x20x125xi32, #tpu.memory_space<hbm>> -> memref<20x125xi32, #tpu.memory_space<hbm>>
        tpu.wait_dma2 semaphore(%run_scoped3A_82 : memref<!tpu.dma_semaphore, #tpu.memory_space<semaphore_mem>>) src(%dma_wait3A_97 : memref<20x125xi32, #tpu.memory_space<hbm>>) dst(%arg10 : memref<20x125xi32, #tpu.memory_space<vmem>>)
        tpu.yield
      }) : () -> ()
      %dma_start3A = arith.constant 0 : i32
      %dma_start3A_62 = arith.constant 0 : i32
      %dma_start3A_63 = tpu.memref_slice %arg9[%dma_start3A, %dma_start3A_62] : memref<20x125xi32, #tpu.memory_space<vmem>> -> memref<1x125xi32, #tpu.memory_space<vmem>>
      %dma_start3A_64 = tpu.memref_squeeze %dma_start3A_63 : memref<1x125xi32, #tpu.memory_space<vmem>> -> memref<125xi32, #tpu.memory_space<vmem>>
      %dma_start3A_65 = arith.constant 0 : i32
      %dma_start3A_66 = arith.constant 0 : i32
      %dma_start3A_67 = tpu.memref_slice %arg2[%dma_start3A_65, %dma_start3A_66] : memref<10000x128xf32, #tpu.memory_space<hbm>> -> memref<10000x128xf32, #tpu.memory_space<hbm>>
      tpu.enqueue_indirect_dma source(%dma_start3A_67 : memref<10000x128xf32, #tpu.memory_space<hbm>>) target(%arg11 : memref<125x128xf32, #tpu.memory_space<vmem>>) offsets(%dma_start3A_64 : memref<125xi32, #tpu.memory_space<vmem>>) semaphore(%arg14 : memref<!tpu.dma_semaphore, #tpu.memory_space<semaphore_mem>>)
      %scan3A = arith.constant 0 : i32
      %scan3A_68 = arith.constant 0 : i32
      %scan3A_69 = arith.constant 10 : i32
      %scan3A_70 = arith.addi %scan3A_68, %scan3A_69 : i32
      %scan3A_71 = arith.constant 1 : i32
      scf.for %scan3A_82 = %scan3A_68 to %scan3A_70 step %scan3A_71  : i32 {
        %mul3A_83 = arith.constant 2 : i32
        %mul3A_84 = arith.muli %scan3A_82, %mul3A_83 : i32
        %multiple_of3A_85 = tpu.assume_multiple %mul3A_84, 2 : i32
        %dma_wait3A = arith.constant 0 : i32
        %dma_wait3A_86 = arith.constant 0 : i32
        %dma_wait3A_87 = tpu.memref_slice %arg9[%dma_wait3A, %dma_wait3A_86] : memref<20x125xi32, #tpu.memory_space<vmem>> -> memref<1x125xi32, #tpu.memory_space<vmem>>
        %dma_wait3A_88 = tpu.memref_squeeze %dma_wait3A_87 : memref<1x125xi32, #tpu.memory_space<vmem>> -> memref<125xi32, #tpu.memory_space<vmem>>
        %dma_wait3A_89 = arith.constant 0 : i32
        %dma_wait3A_90 = arith.constant 0 : i32
        %dma_wait3A_91 = tpu.memref_slice %arg2[%dma_wait3A_89, %dma_wait3A_90] : memref<10000x128xf32, #tpu.memory_space<hbm>> -> memref<10000x128xf32, #tpu.memory_space<hbm>>
        tpu.wait_indirect_dma semaphore(%arg14 : memref<!tpu.dma_semaphore, #tpu.memory_space<semaphore_mem>>) src(%dma_wait3A_91 : memref<10000x128xf32, #tpu.memory_space<hbm>>) dst(%arg11 : memref<125x128xf32, #tpu.memory_space<vmem>>)
        %add3A = arith.constant 1 : i32
        %add3A_92 = arith.addi %multiple_of3A_85, %add3A : i32
        %dma_start3A_93 = arith.constant 0 : i32
        %dma_start3A_94 = tpu.memref_slice %arg9[%add3A_92, %dma_start3A_93] : memref<20x125xi32, #tpu.memory_space<vmem>> -> memref<1x125xi32, #tpu.memory_space<vmem>>
        %dma_start3A_95 = tpu.memref_squeeze %dma_start3A_94 : memref<1x125xi32, #tpu.memory_space<vmem>> -> memref<125xi32, #tpu.memory_space<vmem>>
        %dma_start3A_96 = arith.constant 0 : i32
        %dma_start3A_97 = arith.constant 0 : i32
        %dma_start3A_98 = tpu.memref_slice %arg2[%dma_start3A_96, %dma_start3A_97] : memref<10000x128xf32, #tpu.memory_space<hbm>> -> memref<10000x128xf32, #tpu.memory_space<hbm>>
        tpu.enqueue_indirect_dma source(%dma_start3A_98 : memref<10000x128xf32, #tpu.memory_space<hbm>>) target(%arg12 : memref<125x128xf32, #tpu.memory_space<vmem>>) offsets(%dma_start3A_95 : memref<125xi32, #tpu.memory_space<vmem>>) semaphore(%arg15 : memref<!tpu.dma_semaphore, #tpu.memory_space<semaphore_mem>>)
        "tpu.region"() ({
          %run_scoped3A_114 = tpu.sem_alloc : memref<!tpu.dma_semaphore, #tpu.memory_space<semaphore_mem>>
          %dma_start3A_115 = arith.constant 0 : i32
          %dma_start3A_116 = tpu.memref_slice %arg10[%multiple_of3A_85, %dma_start3A_115] : memref<20x125xi32, #tpu.memory_space<vmem>> -> memref<1x125xi32, #tpu.memory_space<vmem>>
          %dma_start3A_117 = tpu.memref_squeeze %dma_start3A_116 : memref<1x125xi32, #tpu.memory_space<vmem>> -> memref<125xi32, #tpu.memory_space<vmem>>
          %dma_start3A_118 = arith.constant 0 : i32
          %dma_start3A_119 = arith.constant 0 : i32
          %dma_start3A_120 = tpu.memref_slice %arg13[%dma_start3A_118, %dma_start3A_119] : memref<10000x128xf32, #tpu.memory_space<vmem_shared>> -> memref<10000x128xf32, #tpu.memory_space<vmem_shared>>
          tpu.enqueue_indirect_dma source(%arg11 : memref<125x128xf32, #tpu.memory_space<vmem>>) target(%dma_start3A_120 : memref<10000x128xf32, #tpu.memory_space<vmem_shared>>) offsets(%dma_start3A_117 : memref<125xi32, #tpu.memory_space<vmem>>) semaphore(%run_scoped3A_114 : memref<!tpu.dma_semaphore, #tpu.memory_space<semaphore_mem>>) {add = true}
          %dma_wait3A_121 = arith.constant 0 : i32
          %dma_wait3A_122 = tpu.memref_slice %arg10[%multiple_of3A_85, %dma_wait3A_121] : memref<20x125xi32, #tpu.memory_space<vmem>> -> memref<1x125xi32, #tpu.memory_space<vmem>>
          %dma_wait3A_123 = tpu.memref_squeeze %dma_wait3A_122 : memref<1x125xi32, #tpu.memory_space<vmem>> -> memref<125xi32, #tpu.memory_space<vmem>>
          %dma_wait3A_124 = arith.constant 0 : i32
          %dma_wait3A_125 = arith.constant 0 : i32
          %dma_wait3A_126 = tpu.memref_slice %arg13[%dma_wait3A_124, %dma_wait3A_125] : memref<10000x128xf32, #tpu.memory_space<vmem_shared>> -> memref<10000x128xf32, #tpu.memory_space<vmem_shared>>
          tpu.wait_indirect_dma semaphore(%run_scoped3A_114 : memref<!tpu.dma_semaphore, #tpu.memory_space<semaphore_mem>>) src(%arg11 : memref<125x128xf32, #tpu.memory_space<vmem>>) dst(%dma_wait3A_126 : memref<10000x128xf32, #tpu.memory_space<vmem_shared>>)
          tpu.yield
        }) : () -> ()
        %dma_wait3A_99 = arith.constant 0 : i32
        %dma_wait3A_100 = arith.constant 0 : i32
        %dma_wait3A_101 = tpu.memref_slice %arg9[%dma_wait3A_99, %dma_wait3A_100] : memref<20x125xi32, #tpu.memory_space<vmem>> -> memref<1x125xi32, #tpu.memory_space<vmem>>
        %dma_wait3A_102 = tpu.memref_squeeze %dma_wait3A_101 : memref<1x125xi32, #tpu.memory_space<vmem>> -> memref<125xi32, #tpu.memory_space<vmem>>
        %dma_wait3A_103 = arith.constant 0 : i32
        %dma_wait3A_104 = arith.constant 0 : i32
        %dma_wait3A_105 = tpu.memref_slice %arg2[%dma_wait3A_103, %dma_wait3A_104] : memref<10000x128xf32, #tpu.memory_space<hbm>> -> memref<10000x128xf32, #tpu.memory_space<hbm>>
        tpu.wait_indirect_dma semaphore(%arg15 : memref<!tpu.dma_semaphore, #tpu.memory_space<semaphore_mem>>) src(%dma_wait3A_105 : memref<10000x128xf32, #tpu.memory_space<hbm>>) dst(%arg12 : memref<125x128xf32, #tpu.memory_space<vmem>>)
        %add3A_106 = arith.constant 2 : i32
        %add3A_107 = arith.addi %multiple_of3A_85, %add3A_106 : i32
        %lt3A = arith.constant 20 : i32
        %lt3A_108 = arith.cmpi slt, %add3A_107, %lt3A : i32
        %convert_element_type3A_109 = arith.extui %lt3A_108 : i1 to i32
        %cond3A_110 = arith.constant 0 : i32
        %cond3A_111 = arith.cmpi ne, %convert_element_type3A_109, %cond3A_110 : i32
        scf.if %cond3A_111 {
          %add3A_114 = arith.constant 2 : i32
          %add3A_115 = arith.addi %multiple_of3A_85, %add3A_114 : i32
          %dma_start3A_116 = arith.constant 0 : i32
          %dma_start3A_117 = tpu.memref_slice %arg9[%add3A_115, %dma_start3A_116] : memref<20x125xi32, #tpu.memory_space<vmem>> -> memref<1x125xi32, #tpu.memory_space<vmem>>
          %dma_start3A_118 = tpu.memref_squeeze %dma_start3A_117 : memref<1x125xi32, #tpu.memory_space<vmem>> -> memref<125xi32, #tpu.memory_space<vmem>>
          %dma_start3A_119 = arith.constant 0 : i32
          %dma_start3A_120 = arith.constant 0 : i32
          %dma_start3A_121 = tpu.memref_slice %arg2[%dma_start3A_119, %dma_start3A_120] : memref<10000x128xf32, #tpu.memory_space<hbm>> -> memref<10000x128xf32, #tpu.memory_space<hbm>>
          tpu.enqueue_indirect_dma source(%dma_start3A_121 : memref<10000x128xf32, #tpu.memory_space<hbm>>) target(%arg11 : memref<125x128xf32, #tpu.memory_space<vmem>>) offsets(%dma_start3A_118 : memref<125xi32, #tpu.memory_space<vmem>>) semaphore(%arg14 : memref<!tpu.dma_semaphore, #tpu.memory_space<semaphore_mem>>)
        } else {
        }
        %add3A_112 = arith.constant 1 : i32
        %add3A_113 = arith.addi %multiple_of3A_85, %add3A_112 : i32
        "tpu.region"() ({
          %run_scoped3A_114 = tpu.sem_alloc : memref<!tpu.dma_semaphore, #tpu.memory_space<semaphore_mem>>
          %dma_start3A_115 = arith.constant 0 : i32
          %dma_start3A_116 = tpu.memref_slice %arg10[%add3A_113, %dma_start3A_115] : memref<20x125xi32, #tpu.memory_space<vmem>> -> memref<1x125xi32, #tpu.memory_space<vmem>>
          %dma_start3A_117 = tpu.memref_squeeze %dma_start3A_116 : memref<1x125xi32, #tpu.memory_space<vmem>> -> memref<125xi32, #tpu.memory_space<vmem>>
          %dma_start3A_118 = arith.constant 0 : i32
          %dma_start3A_119 = arith.constant 0 : i32
          %dma_start3A_120 = tpu.memref_slice %arg13[%dma_start3A_118, %dma_start3A_119] : memref<10000x128xf32, #tpu.memory_space<vmem_shared>> -> memref<10000x128xf32, #tpu.memory_space<vmem_shared>>
          tpu.enqueue_indirect_dma source(%arg12 : memref<125x128xf32, #tpu.memory_space<vmem>>) target(%dma_start3A_120 : memref<10000x128xf32, #tpu.memory_space<vmem_shared>>) offsets(%dma_start3A_117 : memref<125xi32, #tpu.memory_space<vmem>>) semaphore(%run_scoped3A_114 : memref<!tpu.dma_semaphore, #tpu.memory_space<semaphore_mem>>) {add = true}
          %dma_wait3A_121 = arith.constant 0 : i32
          %dma_wait3A_122 = tpu.memref_slice %arg10[%add3A_113, %dma_wait3A_121] : memref<20x125xi32, #tpu.memory_space<vmem>> -> memref<1x125xi32, #tpu.memory_space<vmem>>
          %dma_wait3A_123 = tpu.memref_squeeze %dma_wait3A_122 : memref<1x125xi32, #tpu.memory_space<vmem>> -> memref<125xi32, #tpu.memory_space<vmem>>
          %dma_wait3A_124 = arith.constant 0 : i32
          %dma_wait3A_125 = arith.constant 0 : i32
          %dma_wait3A_126 = tpu.memref_slice %arg13[%dma_wait3A_124, %dma_wait3A_125] : memref<10000x128xf32, #tpu.memory_space<vmem_shared>> -> memref<10000x128xf32, #tpu.memory_space<vmem_shared>>
          tpu.wait_indirect_dma semaphore(%run_scoped3A_114 : memref<!tpu.dma_semaphore, #tpu.memory_space<semaphore_mem>>) src(%arg12 : memref<125x128xf32, #tpu.memory_space<vmem>>) dst(%dma_wait3A_126 : memref<10000x128xf32, #tpu.memory_space<vmem_shared>>)
          tpu.yield
        }) : () -> ()
      }
      %scan3A_72 = arith.constant 10 : i32
      %barrier3A_73 = arith.constant 0 : index
      tpu.barrier barrier_id(%barrier3A_73)
      %not3A_74 = arith.constant true
      %not3A_75 = arith.xori %eq3A_1, %not3A_74 : i1
      %convert_element_type3A_76 = arith.extui %not3A_75 : i1 to i32
      %cond3A_77 = arith.constant 0 : i32
      %cond3A_78 = arith.cmpi ne, %convert_element_type3A_76, %cond3A_77 : i32
      scf.if %cond3A_78 {
        %run_scoped3A_82 = arith.constant 3 : i32
        "tpu.region"() ({
          %run_scoped3A_83 = tpu.sem_alloc : memref<!tpu.dma_semaphore, #tpu.memory_space<semaphore_mem>>
          %dma_start3A_84 = arith.constant 0 : i32
          %dma_start3A_85 = tpu.memref_slice %arg7[%run_scoped3A_82, %multiple_of3A, %dma_start3A_84] : memref<4x10000x256xf32, #tpu.memory_space<hbm>> -> memref<1x624x128xf32, #tpu.memory_space<hbm>>
          %dma_start3A_86 = tpu.memref_squeeze %dma_start3A_85 : memref<1x624x128xf32, #tpu.memory_space<hbm>> -> memref<624x128xf32, #tpu.memory_space<hbm>>
          %dma_start3A_87 = arith.constant 0 : i32
          %dma_start3A_88 = tpu.memref_slice %arg13[%multiple_of3A, %dma_start3A_87] : memref<10000x128xf32, #tpu.memory_space<vmem_shared>> -> memref<624x128xf32, #tpu.memory_space<vmem_shared>>
          tpu.enqueue_dma source(%dma_start3A_88 : memref<624x128xf32, #tpu.memory_space<vmem_shared>>) target(%dma_start3A_86 : memref<624x128xf32, #tpu.memory_space<hbm>>) target_semaphore(%run_scoped3A_83 : memref<!tpu.dma_semaphore, #tpu.memory_space<semaphore_mem>>)
          %dma_wait3A = arith.constant 0 : i32
          %dma_wait3A_89 = tpu.memref_slice %arg7[%run_scoped3A_82, %multiple_of3A, %dma_wait3A] : memref<4x10000x256xf32, #tpu.memory_space<hbm>> -> memref<1x624x128xf32, #tpu.memory_space<hbm>>
          %dma_wait3A_90 = tpu.memref_squeeze %dma_wait3A_89 : memref<1x624x128xf32, #tpu.memory_space<hbm>> -> memref<624x128xf32, #tpu.memory_space<hbm>>
          %dma_wait3A_91 = arith.constant 0 : i32
          %dma_wait3A_92 = tpu.memref_slice %arg13[%multiple_of3A, %dma_wait3A_91] : memref<10000x128xf32, #tpu.memory_space<vmem_shared>> -> memref<624x128xf32, #tpu.memory_space<vmem_shared>>
          tpu.wait_dma2 semaphore(%run_scoped3A_83 : memref<!tpu.dma_semaphore, #tpu.memory_space<semaphore_mem>>) src(%dma_wait3A_92 : memref<624x128xf32, #tpu.memory_space<vmem_shared>>) dst(%dma_wait3A_90 : memref<624x128xf32, #tpu.memory_space<hbm>>)
          tpu.yield
        }) : () -> ()
      } else {
      }
      %convert_element_type3A_79 = arith.extui %eq3A_1 : i1 to i32
      %cond3A_80 = arith.constant 0 : i32
      %cond3A_81 = arith.cmpi ne, %convert_element_type3A_79, %cond3A_80 : i32
      scf.if %cond3A_81 {
        %run_scoped3A_82 = arith.constant 3 : i32
        "tpu.region"() ({
          %run_scoped3A_83 = tpu.sem_alloc : memref<!tpu.dma_semaphore, #tpu.memory_space<semaphore_mem>>
          %dma_start3A_84 = arith.constant 0 : i32
          %dma_start3A_85 = tpu.memref_slice %arg7[%run_scoped3A_82, %multiple_of3A, %dma_start3A_84] : memref<4x10000x256xf32, #tpu.memory_space<hbm>> -> memref<1x640x128xf32, #tpu.memory_space<hbm>>
          %dma_start3A_86 = tpu.memref_squeeze %dma_start3A_85 : memref<1x640x128xf32, #tpu.memory_space<hbm>> -> memref<640x128xf32, #tpu.memory_space<hbm>>
          %dma_start3A_87 = arith.constant 0 : i32
          %dma_start3A_88 = tpu.memref_slice %arg13[%multiple_of3A, %dma_start3A_87] : memref<10000x128xf32, #tpu.memory_space<vmem_shared>> -> memref<640x128xf32, #tpu.memory_space<vmem_shared>>
          tpu.enqueue_dma source(%dma_start3A_88 : memref<640x128xf32, #tpu.memory_space<vmem_shared>>) target(%dma_start3A_86 : memref<640x128xf32, #tpu.memory_space<hbm>>) target_semaphore(%run_scoped3A_83 : memref<!tpu.dma_semaphore, #tpu.memory_space<semaphore_mem>>)
          %dma_wait3A = arith.constant 0 : i32
          %dma_wait3A_89 = tpu.memref_slice %arg7[%run_scoped3A_82, %multiple_of3A, %dma_wait3A] : memref<4x10000x256xf32, #tpu.memory_space<hbm>> -> memref<1x640x128xf32, #tpu.memory_space<hbm>>
          %dma_wait3A_90 = tpu.memref_squeeze %dma_wait3A_89 : memref<1x640x128xf32, #tpu.memory_space<hbm>> -> memref<640x128xf32, #tpu.memory_space<hbm>>
          %dma_wait3A_91 = arith.constant 0 : i32
          %dma_wait3A_92 = tpu.memref_slice %arg13[%multiple_of3A, %dma_wait3A_91] : memref<10000x128xf32, #tpu.memory_space<vmem_shared>> -> memref<640x128xf32, #tpu.memory_space<vmem_shared>>
          tpu.wait_dma2 semaphore(%run_scoped3A_83 : memref<!tpu.dma_semaphore, #tpu.memory_space<semaphore_mem>>) src(%dma_wait3A_92 : memref<640x128xf32, #tpu.memory_space<vmem_shared>>) dst(%dma_wait3A_90 : memref<640x128xf32, #tpu.memory_space<hbm>>)
          tpu.yield
        }) : () -> ()
      } else {
      }
    } else {
    }
    %eq3A_35 = arith.constant 1 : i32
    %eq3A_36 = arith.cmpi eq, %arg0, %eq3A_35 : i32
    %convert_element_type3A_37 = arith.extui %eq3A_36 : i1 to i32
    %cond3A_38 = arith.constant 0 : i32
    %cond3A_39 = arith.cmpi ne, %convert_element_type3A_37, %cond3A_38 : i32
    scf.if %cond3A_39 {
      %not3A = arith.constant true
      %not3A_51 = arith.xori %eq3A_1, %not3A : i1
      %convert_element_type3A_52 = arith.extui %not3A_51 : i1 to i32
      %cond3A_53 = arith.constant 0 : i32
      %cond3A_54 = arith.cmpi ne, %convert_element_type3A_52, %cond3A_53 : i32
      scf.if %cond3A_54 {
        "tpu.region"() ({
          %run_scoped3A_82 = tpu.sem_alloc : memref<!tpu.dma_semaphore, #tpu.memory_space<semaphore_mem>>
          %dma_start3A_83 = arith.constant 0 : i32
          %dma_start3A_84 = tpu.memref_slice %arg13[%multiple_of3A, %dma_start3A_83] : memref<10000x128xf32, #tpu.memory_space<vmem_shared>> -> memref<624x128xf32, #tpu.memory_space<vmem_shared>>
          %dma_start3A_85 = arith.constant 0 : i32
          %dma_start3A_86 = arith.constant 0 : i32
          %dma_start3A_87 = tpu.memref_slice %arg5[%dma_start3A_85, %dma_start3A_86] : memref<640x128xf32, #tpu.memory_space<hbm>> -> memref<624x128xf32, #tpu.memory_space<hbm>>
          tpu.enqueue_dma source(%dma_start3A_87 : memref<624x128xf32, #tpu.memory_space<hbm>>) target(%dma_start3A_84 : memref<624x128xf32, #tpu.memory_space<vmem_shared>>) target_semaphore(%run_scoped3A_82 : memref<!tpu.dma_semaphore, #tpu.memory_space<semaphore_mem>>)
          %dma_wait3A = arith.constant 0 : i32
          %dma_wait3A_88 = tpu.memref_slice %arg13[%multiple_of3A, %dma_wait3A] : memref<10000x128xf32, #tpu.memory_space<vmem_shared>> -> memref<624x128xf32, #tpu.memory_space<vmem_shared>>
          %dma_wait3A_89 = arith.constant 0 : i32
          %dma_wait3A_90 = arith.constant 0 : i32
          %dma_wait3A_91 = tpu.memref_slice %arg5[%dma_wait3A_89, %dma_wait3A_90] : memref<640x128xf32, #tpu.memory_space<hbm>> -> memref<624x128xf32, #tpu.memory_space<hbm>>
          tpu.wait_dma2 semaphore(%run_scoped3A_82 : memref<!tpu.dma_semaphore, #tpu.memory_space<semaphore_mem>>) src(%dma_wait3A_91 : memref<624x128xf32, #tpu.memory_space<hbm>>) dst(%dma_wait3A_88 : memref<624x128xf32, #tpu.memory_space<vmem_shared>>)
          tpu.yield
        }) : () -> ()
      } else {
      }
      %convert_element_type3A_55 = arith.extui %eq3A_1 : i1 to i32
      %cond3A_56 = arith.constant 0 : i32
      %cond3A_57 = arith.cmpi ne, %convert_element_type3A_55, %cond3A_56 : i32
      scf.if %cond3A_57 {
        "tpu.region"() ({
          %run_scoped3A_82 = tpu.sem_alloc : memref<!tpu.dma_semaphore, #tpu.memory_space<semaphore_mem>>
          %dma_start3A_83 = arith.constant 0 : i32
          %dma_start3A_84 = tpu.memref_slice %arg13[%multiple_of3A, %dma_start3A_83] : memref<10000x128xf32, #tpu.memory_space<vmem_shared>> -> memref<640x128xf32, #tpu.memory_space<vmem_shared>>
          tpu.enqueue_dma source(%arg5 : memref<640x128xf32, #tpu.memory_space<hbm>>) target(%dma_start3A_84 : memref<640x128xf32, #tpu.memory_space<vmem_shared>>) target_semaphore(%run_scoped3A_82 : memref<!tpu.dma_semaphore, #tpu.memory_space<semaphore_mem>>)
          %dma_wait3A = arith.constant 0 : i32
          %dma_wait3A_85 = tpu.memref_slice %arg13[%multiple_of3A, %dma_wait3A] : memref<10000x128xf32, #tpu.memory_space<vmem_shared>> -> memref<640x128xf32, #tpu.memory_space<vmem_shared>>
          tpu.wait_dma2 semaphore(%run_scoped3A_82 : memref<!tpu.dma_semaphore, #tpu.memory_space<semaphore_mem>>) src(%arg5 : memref<640x128xf32, #tpu.memory_space<hbm>>) dst(%dma_wait3A_85 : memref<640x128xf32, #tpu.memory_space<vmem_shared>>)
          tpu.yield
        }) : () -> ()
      } else {
      }
      %barrier3A = arith.constant 0 : index
      tpu.barrier barrier_id(%barrier3A)
      %run_scoped3A_58 = arith.constant 3 : i32
      %run_scoped3A_59 = arith.constant 0 : i32
      "tpu.region"() ({
        %run_scoped3A_82 = tpu.sem_alloc : memref<!tpu.dma_semaphore, #tpu.memory_space<semaphore_mem>>
        %dma_start3A_83 = arith.constant 0 : i32
        %dma_start3A_84 = arith.constant 0 : i32
        %dma_start3A_85 = tpu.memref_slice %arg4[%run_scoped3A_58, %run_scoped3A_59, %arg1, %dma_start3A_83, %dma_start3A_84] : memref<4x2x16x20x125xi32, #tpu.memory_space<hbm>> -> memref<1x1x1x20x125xi32, #tpu.memory_space<hbm>>
        %dma_start3A_86 = tpu.memref_squeeze %dma_start3A_85 : memref<1x1x1x20x125xi32, #tpu.memory_space<hbm>> -> memref<20x125xi32, #tpu.memory_space<hbm>>
        %dma_start3A_87 = arith.constant 0 : i32
        %dma_start3A_88 = arith.constant 0 : i32
        %dma_start3A_89 = tpu.memref_slice %arg4[%run_scoped3A_58, %run_scoped3A_59, %arg1, %dma_start3A_87, %dma_start3A_88] : memref<4x2x16x20x125xi32, #tpu.memory_space<hbm>> -> memref<1x1x1x20x125xi32, #tpu.memory_space<hbm>>
        %dma_start3A_90 = tpu.memref_squeeze %dma_start3A_89 : memref<1x1x1x20x125xi32, #tpu.memory_space<hbm>> -> memref<20x125xi32, #tpu.memory_space<hbm>>
        tpu.enqueue_dma source(%dma_start3A_90 : memref<20x125xi32, #tpu.memory_space<hbm>>) target(%arg9 : memref<20x125xi32, #tpu.memory_space<vmem>>) target_semaphore(%run_scoped3A_82 : memref<!tpu.dma_semaphore, #tpu.memory_space<semaphore_mem>>)
        %dma_wait3A = arith.constant 0 : i32
        %dma_wait3A_91 = arith.constant 0 : i32
        %dma_wait3A_92 = tpu.memref_slice %arg4[%run_scoped3A_58, %run_scoped3A_59, %arg1, %dma_wait3A, %dma_wait3A_91] : memref<4x2x16x20x125xi32, #tpu.memory_space<hbm>> -> memref<1x1x1x20x125xi32, #tpu.memory_space<hbm>>
        %dma_wait3A_93 = tpu.memref_squeeze %dma_wait3A_92 : memref<1x1x1x20x125xi32, #tpu.memory_space<hbm>> -> memref<20x125xi32, #tpu.memory_space<hbm>>
        %dma_wait3A_94 = arith.constant 0 : i32
        %dma_wait3A_95 = arith.constant 0 : i32
        %dma_wait3A_96 = tpu.memref_slice %arg4[%run_scoped3A_58, %run_scoped3A_59, %arg1, %dma_wait3A_94, %dma_wait3A_95] : memref<4x2x16x20x125xi32, #tpu.memory_space<hbm>> -> memref<1x1x1x20x125xi32, #tpu.memory_space<hbm>>
        %dma_wait3A_97 = tpu.memref_squeeze %dma_wait3A_96 : memref<1x1x1x20x125xi32, #tpu.memory_space<hbm>> -> memref<20x125xi32, #tpu.memory_space<hbm>>
        tpu.wait_dma2 semaphore(%run_scoped3A_82 : memref<!tpu.dma_semaphore, #tpu.memory_space<semaphore_mem>>) src(%dma_wait3A_97 : memref<20x125xi32, #tpu.memory_space<hbm>>) dst(%arg9 : memref<20x125xi32, #tpu.memory_space<vmem>>)
        tpu.yield
      }) : () -> ()
      %run_scoped3A_60 = arith.constant 3 : i32
      %run_scoped3A_61 = arith.constant 1 : i32
      "tpu.region"() ({
        %run_scoped3A_82 = tpu.sem_alloc : memref<!tpu.dma_semaphore, #tpu.memory_space<semaphore_mem>>
        %dma_start3A_83 = arith.constant 0 : i32
        %dma_start3A_84 = arith.constant 0 : i32
        %dma_start3A_85 = tpu.memref_slice %arg4[%run_scoped3A_60, %run_scoped3A_61, %arg1, %dma_start3A_83, %dma_start3A_84] : memref<4x2x16x20x125xi32, #tpu.memory_space<hbm>> -> memref<1x1x1x20x125xi32, #tpu.memory_space<hbm>>
        %dma_start3A_86 = tpu.memref_squeeze %dma_start3A_85 : memref<1x1x1x20x125xi32, #tpu.memory_space<hbm>> -> memref<20x125xi32, #tpu.memory_space<hbm>>
        %dma_start3A_87 = arith.constant 0 : i32
        %dma_start3A_88 = arith.constant 0 : i32
        %dma_start3A_89 = tpu.memref_slice %arg4[%run_scoped3A_60, %run_scoped3A_61, %arg1, %dma_start3A_87, %dma_start3A_88] : memref<4x2x16x20x125xi32, #tpu.memory_space<hbm>> -> memref<1x1x1x20x125xi32, #tpu.memory_space<hbm>>
        %dma_start3A_90 = tpu.memref_squeeze %dma_start3A_89 : memref<1x1x1x20x125xi32, #tpu.memory_space<hbm>> -> memref<20x125xi32, #tpu.memory_space<hbm>>
        tpu.enqueue_dma source(%dma_start3A_90 : memref<20x125xi32, #tpu.memory_space<hbm>>) target(%arg10 : memref<20x125xi32, #tpu.memory_space<vmem>>) target_semaphore(%run_scoped3A_82 : memref<!tpu.dma_semaphore, #tpu.memory_space<semaphore_mem>>)
        %dma_wait3A = arith.constant 0 : i32
        %dma_wait3A_91 = arith.constant 0 : i32
        %dma_wait3A_92 = tpu.memref_slice %arg4[%run_scoped3A_60, %run_scoped3A_61, %arg1, %dma_wait3A, %dma_wait3A_91] : memref<4x2x16x20x125xi32, #tpu.memory_space<hbm>> -> memref<1x1x1x20x125xi32, #tpu.memory_space<hbm>>
        %dma_wait3A_93 = tpu.memref_squeeze %dma_wait3A_92 : memref<1x1x1x20x125xi32, #tpu.memory_space<hbm>> -> memref<20x125xi32, #tpu.memory_space<hbm>>
        %dma_wait3A_94 = arith.constant 0 : i32
        %dma_wait3A_95 = arith.constant 0 : i32
        %dma_wait3A_96 = tpu.memref_slice %arg4[%run_scoped3A_60, %run_scoped3A_61, %arg1, %dma_wait3A_94, %dma_wait3A_95] : memref<4x2x16x20x125xi32, #tpu.memory_space<hbm>> -> memref<1x1x1x20x125xi32, #tpu.memory_space<hbm>>
        %dma_wait3A_97 = tpu.memref_squeeze %dma_wait3A_96 : memref<1x1x1x20x125xi32, #tpu.memory_space<hbm>> -> memref<20x125xi32, #tpu.memory_space<hbm>>
        tpu.wait_dma2 semaphore(%run_scoped3A_82 : memref<!tpu.dma_semaphore, #tpu.memory_space<semaphore_mem>>) src(%dma_wait3A_97 : memref<20x125xi32, #tpu.memory_space<hbm>>) dst(%arg10 : memref<20x125xi32, #tpu.memory_space<vmem>>)
        tpu.yield
      }) : () -> ()
      %dma_start3A = arith.constant 0 : i32
      %dma_start3A_62 = arith.constant 0 : i32
      %dma_start3A_63 = tpu.memref_slice %arg9[%dma_start3A, %dma_start3A_62] : memref<20x125xi32, #tpu.memory_space<vmem>> -> memref<1x125xi32, #tpu.memory_space<vmem>>
      %dma_start3A_64 = tpu.memref_squeeze %dma_start3A_63 : memref<1x125xi32, #tpu.memory_space<vmem>> -> memref<125xi32, #tpu.memory_space<vmem>>
      %dma_start3A_65 = arith.constant 0 : i32
      %dma_start3A_66 = arith.constant 0 : i32
      %dma_start3A_67 = tpu.memref_slice %arg3[%dma_start3A_65, %dma_start3A_66] : memref<10000x128xf32, #tpu.memory_space<hbm>> -> memref<10000x128xf32, #tpu.memory_space<hbm>>
      tpu.enqueue_indirect_dma source(%dma_start3A_67 : memref<10000x128xf32, #tpu.memory_space<hbm>>) target(%arg11 : memref<125x128xf32, #tpu.memory_space<vmem>>) offsets(%dma_start3A_64 : memref<125xi32, #tpu.memory_space<vmem>>) semaphore(%arg14 : memref<!tpu.dma_semaphore, #tpu.memory_space<semaphore_mem>>)
      %scan3A = arith.constant 0 : i32
      %scan3A_68 = arith.constant 0 : i32
      %scan3A_69 = arith.constant 10 : i32
      %scan3A_70 = arith.addi %scan3A_68, %scan3A_69 : i32
      %scan3A_71 = arith.constant 1 : i32
      scf.for %scan3A_82 = %scan3A_68 to %scan3A_70 step %scan3A_71  : i32 {
        %mul3A_83 = arith.constant 2 : i32
        %mul3A_84 = arith.muli %scan3A_82, %mul3A_83 : i32
        %multiple_of3A_85 = tpu.assume_multiple %mul3A_84, 2 : i32
        %dma_wait3A = arith.constant 0 : i32
        %dma_wait3A_86 = arith.constant 0 : i32
        %dma_wait3A_87 = tpu.memref_slice %arg9[%dma_wait3A, %dma_wait3A_86] : memref<20x125xi32, #tpu.memory_space<vmem>> -> memref<1x125xi32, #tpu.memory_space<vmem>>
        %dma_wait3A_88 = tpu.memref_squeeze %dma_wait3A_87 : memref<1x125xi32, #tpu.memory_space<vmem>> -> memref<125xi32, #tpu.memory_space<vmem>>
        %dma_wait3A_89 = arith.constant 0 : i32
        %dma_wait3A_90 = arith.constant 0 : i32
        %dma_wait3A_91 = tpu.memref_slice %arg3[%dma_wait3A_89, %dma_wait3A_90] : memref<10000x128xf32, #tpu.memory_space<hbm>> -> memref<10000x128xf32, #tpu.memory_space<hbm>>
        tpu.wait_indirect_dma semaphore(%arg14 : memref<!tpu.dma_semaphore, #tpu.memory_space<semaphore_mem>>) src(%dma_wait3A_91 : memref<10000x128xf32, #tpu.memory_space<hbm>>) dst(%arg11 : memref<125x128xf32, #tpu.memory_space<vmem>>)
        %add3A = arith.constant 1 : i32
        %add3A_92 = arith.addi %multiple_of3A_85, %add3A : i32
        %dma_start3A_93 = arith.constant 0 : i32
        %dma_start3A_94 = tpu.memref_slice %arg9[%add3A_92, %dma_start3A_93] : memref<20x125xi32, #tpu.memory_space<vmem>> -> memref<1x125xi32, #tpu.memory_space<vmem>>
        %dma_start3A_95 = tpu.memref_squeeze %dma_start3A_94 : memref<1x125xi32, #tpu.memory_space<vmem>> -> memref<125xi32, #tpu.memory_space<vmem>>
        %dma_start3A_96 = arith.constant 0 : i32
        %dma_start3A_97 = arith.constant 0 : i32
        %dma_start3A_98 = tpu.memref_slice %arg3[%dma_start3A_96, %dma_start3A_97] : memref<10000x128xf32, #tpu.memory_space<hbm>> -> memref<10000x128xf32, #tpu.memory_space<hbm>>
        tpu.enqueue_indirect_dma source(%dma_start3A_98 : memref<10000x128xf32, #tpu.memory_space<hbm>>) target(%arg12 : memref<125x128xf32, #tpu.memory_space<vmem>>) offsets(%dma_start3A_95 : memref<125xi32, #tpu.memory_space<vmem>>) semaphore(%arg15 : memref<!tpu.dma_semaphore, #tpu.memory_space<semaphore_mem>>)
        "tpu.region"() ({
          %run_scoped3A_114 = tpu.sem_alloc : memref<!tpu.dma_semaphore, #tpu.memory_space<semaphore_mem>>
          %dma_start3A_115 = arith.constant 0 : i32
          %dma_start3A_116 = tpu.memref_slice %arg10[%multiple_of3A_85, %dma_start3A_115] : memref<20x125xi32, #tpu.memory_space<vmem>> -> memref<1x125xi32, #tpu.memory_space<vmem>>
          %dma_start3A_117 = tpu.memref_squeeze %dma_start3A_116 : memref<1x125xi32, #tpu.memory_space<vmem>> -> memref<125xi32, #tpu.memory_space<vmem>>
          %dma_start3A_118 = arith.constant 0 : i32
          %dma_start3A_119 = arith.constant 0 : i32
          %dma_start3A_120 = tpu.memref_slice %arg13[%dma_start3A_118, %dma_start3A_119] : memref<10000x128xf32, #tpu.memory_space<vmem_shared>> -> memref<10000x128xf32, #tpu.memory_space<vmem_shared>>
          tpu.enqueue_indirect_dma source(%arg11 : memref<125x128xf32, #tpu.memory_space<vmem>>) target(%dma_start3A_120 : memref<10000x128xf32, #tpu.memory_space<vmem_shared>>) offsets(%dma_start3A_117 : memref<125xi32, #tpu.memory_space<vmem>>) semaphore(%run_scoped3A_114 : memref<!tpu.dma_semaphore, #tpu.memory_space<semaphore_mem>>) {add = true}
          %dma_wait3A_121 = arith.constant 0 : i32
          %dma_wait3A_122 = tpu.memref_slice %arg10[%multiple_of3A_85, %dma_wait3A_121] : memref<20x125xi32, #tpu.memory_space<vmem>> -> memref<1x125xi32, #tpu.memory_space<vmem>>
          %dma_wait3A_123 = tpu.memref_squeeze %dma_wait3A_122 : memref<1x125xi32, #tpu.memory_space<vmem>> -> memref<125xi32, #tpu.memory_space<vmem>>
          %dma_wait3A_124 = arith.constant 0 : i32
          %dma_wait3A_125 = arith.constant 0 : i32
          %dma_wait3A_126 = tpu.memref_slice %arg13[%dma_wait3A_124, %dma_wait3A_125] : memref<10000x128xf32, #tpu.memory_space<vmem_shared>> -> memref<10000x128xf32, #tpu.memory_space<vmem_shared>>
          tpu.wait_indirect_dma semaphore(%run_scoped3A_114 : memref<!tpu.dma_semaphore, #tpu.memory_space<semaphore_mem>>) src(%arg11 : memref<125x128xf32, #tpu.memory_space<vmem>>) dst(%dma_wait3A_126 : memref<10000x128xf32, #tpu.memory_space<vmem_shared>>)
          tpu.yield
        }) : () -> ()
        %dma_wait3A_99 = arith.constant 0 : i32
        %dma_wait3A_100 = arith.constant 0 : i32
        %dma_wait3A_101 = tpu.memref_slice %arg9[%dma_wait3A_99, %dma_wait3A_100] : memref<20x125xi32, #tpu.memory_space<vmem>> -> memref<1x125xi32, #tpu.memory_space<vmem>>
        %dma_wait3A_102 = tpu.memref_squeeze %dma_wait3A_101 : memref<1x125xi32, #tpu.memory_space<vmem>> -> memref<125xi32, #tpu.memory_space<vmem>>
        %dma_wait3A_103 = arith.constant 0 : i32
        %dma_wait3A_104 = arith.constant 0 : i32
        %dma_wait3A_105 = tpu.memref_slice %arg3[%dma_wait3A_103, %dma_wait3A_104] : memref<10000x128xf32, #tpu.memory_space<hbm>> -> memref<10000x128xf32, #tpu.memory_space<hbm>>
        tpu.wait_indirect_dma semaphore(%arg15 : memref<!tpu.dma_semaphore, #tpu.memory_space<semaphore_mem>>) src(%dma_wait3A_105 : memref<10000x128xf32, #tpu.memory_space<hbm>>) dst(%arg12 : memref<125x128xf32, #tpu.memory_space<vmem>>)
        %add3A_106 = arith.constant 2 : i32
        %add3A_107 = arith.addi %multiple_of3A_85, %add3A_106 : i32
        %lt3A = arith.constant 20 : i32
        %lt3A_108 = arith.cmpi slt, %add3A_107, %lt3A : i32
        %convert_element_type3A_109 = arith.extui %lt3A_108 : i1 to i32
        %cond3A_110 = arith.constant 0 : i32
        %cond3A_111 = arith.cmpi ne, %convert_element_type3A_109, %cond3A_110 : i32
        scf.if %cond3A_111 {
          %add3A_114 = arith.constant 2 : i32
          %add3A_115 = arith.addi %multiple_of3A_85, %add3A_114 : i32
          %dma_start3A_116 = arith.constant 0 : i32
          %dma_start3A_117 = tpu.memref_slice %arg9[%add3A_115, %dma_start3A_116] : memref<20x125xi32, #tpu.memory_space<vmem>> -> memref<1x125xi32, #tpu.memory_space<vmem>>
          %dma_start3A_118 = tpu.memref_squeeze %dma_start3A_117 : memref<1x125xi32, #tpu.memory_space<vmem>> -> memref<125xi32, #tpu.memory_space<vmem>>
          %dma_start3A_119 = arith.constant 0 : i32
          %dma_start3A_120 = arith.constant 0 : i32
          %dma_start3A_121 = tpu.memref_slice %arg3[%dma_start3A_119, %dma_start3A_120] : memref<10000x128xf32, #tpu.memory_space<hbm>> -> memref<10000x128xf32, #tpu.memory_space<hbm>>
          tpu.enqueue_indirect_dma source(%dma_start3A_121 : memref<10000x128xf32, #tpu.memory_space<hbm>>) target(%arg11 : memref<125x128xf32, #tpu.memory_space<vmem>>) offsets(%dma_start3A_118 : memref<125xi32, #tpu.memory_space<vmem>>) semaphore(%arg14 : memref<!tpu.dma_semaphore, #tpu.memory_space<semaphore_mem>>)
        } else {
        }
        %add3A_112 = arith.constant 1 : i32
        %add3A_113 = arith.addi %multiple_of3A_85, %add3A_112 : i32
        "tpu.region"() ({
          %run_scoped3A_114 = tpu.sem_alloc : memref<!tpu.dma_semaphore, #tpu.memory_space<semaphore_mem>>
          %dma_start3A_115 = arith.constant 0 : i32
          %dma_start3A_116 = tpu.memref_slice %arg10[%add3A_113, %dma_start3A_115] : memref<20x125xi32, #tpu.memory_space<vmem>> -> memref<1x125xi32, #tpu.memory_space<vmem>>
          %dma_start3A_117 = tpu.memref_squeeze %dma_start3A_116 : memref<1x125xi32, #tpu.memory_space<vmem>> -> memref<125xi32, #tpu.memory_space<vmem>>
          %dma_start3A_118 = arith.constant 0 : i32
          %dma_start3A_119 = arith.constant 0 : i32
          %dma_start3A_120 = tpu.memref_slice %arg13[%dma_start3A_118, %dma_start3A_119] : memref<10000x128xf32, #tpu.memory_space<vmem_shared>> -> memref<10000x128xf32, #tpu.memory_space<vmem_shared>>
          tpu.enqueue_indirect_dma source(%arg12 : memref<125x128xf32, #tpu.memory_space<vmem>>) target(%dma_start3A_120 : memref<10000x128xf32, #tpu.memory_space<vmem_shared>>) offsets(%dma_start3A_117 : memref<125xi32, #tpu.memory_space<vmem>>) semaphore(%run_scoped3A_114 : memref<!tpu.dma_semaphore, #tpu.memory_space<semaphore_mem>>) {add = true}
          %dma_wait3A_121 = arith.constant 0 : i32
          %dma_wait3A_122 = tpu.memref_slice %arg10[%add3A_113, %dma_wait3A_121] : memref<20x125xi32, #tpu.memory_space<vmem>> -> memref<1x125xi32, #tpu.memory_space<vmem>>
          %dma_wait3A_123 = tpu.memref_squeeze %dma_wait3A_122 : memref<1x125xi32, #tpu.memory_space<vmem>> -> memref<125xi32, #tpu.memory_space<vmem>>
          %dma_wait3A_124 = arith.constant 0 : i32
          %dma_wait3A_125 = arith.constant 0 : i32
          %dma_wait3A_126 = tpu.memref_slice %arg13[%dma_wait3A_124, %dma_wait3A_125] : memref<10000x128xf32, #tpu.memory_space<vmem_shared>> -> memref<10000x128xf32, #tpu.memory_space<vmem_shared>>
          tpu.wait_indirect_dma semaphore(%run_scoped3A_114 : memref<!tpu.dma_semaphore, #tpu.memory_space<semaphore_mem>>) src(%arg12 : memref<125x128xf32, #tpu.memory_space<vmem>>) dst(%dma_wait3A_126 : memref<10000x128xf32, #tpu.memory_space<vmem_shared>>)
          tpu.yield
        }) : () -> ()
      }
      %scan3A_72 = arith.constant 10 : i32
      %barrier3A_73 = arith.constant 0 : index
      tpu.barrier barrier_id(%barrier3A_73)
      %not3A_74 = arith.constant true
      %not3A_75 = arith.xori %eq3A_1, %not3A_74 : i1
      %convert_element_type3A_76 = arith.extui %not3A_75 : i1 to i32
      %cond3A_77 = arith.constant 0 : i32
      %cond3A_78 = arith.cmpi ne, %convert_element_type3A_76, %cond3A_77 : i32
      scf.if %cond3A_78 {
        %run_scoped3A_82 = arith.constant 3 : i32
        "tpu.region"() ({
          %run_scoped3A_83 = tpu.sem_alloc : memref<!tpu.dma_semaphore, #tpu.memory_space<semaphore_mem>>
          %dma_start3A_84 = arith.constant 128 : i32
          %dma_start3A_85 = tpu.memref_slice %arg7[%run_scoped3A_82, %multiple_of3A, %dma_start3A_84] : memref<4x10000x256xf32, #tpu.memory_space<hbm>> -> memref<1x624x128xf32, #tpu.memory_space<hbm>>
          %dma_start3A_86 = tpu.memref_squeeze %dma_start3A_85 : memref<1x624x128xf32, #tpu.memory_space<hbm>> -> memref<624x128xf32, #tpu.memory_space<hbm>>
          %dma_start3A_87 = arith.constant 0 : i32
          %dma_start3A_88 = tpu.memref_slice %arg13[%multiple_of3A, %dma_start3A_87] : memref<10000x128xf32, #tpu.memory_space<vmem_shared>> -> memref<624x128xf32, #tpu.memory_space<vmem_shared>>
          tpu.enqueue_dma source(%dma_start3A_88 : memref<624x128xf32, #tpu.memory_space<vmem_shared>>) target(%dma_start3A_86 : memref<624x128xf32, #tpu.memory_space<hbm>>) target_semaphore(%run_scoped3A_83 : memref<!tpu.dma_semaphore, #tpu.memory_space<semaphore_mem>>)
          %dma_wait3A = arith.constant 128 : i32
          %dma_wait3A_89 = tpu.memref_slice %arg7[%run_scoped3A_82, %multiple_of3A, %dma_wait3A] : memref<4x10000x256xf32, #tpu.memory_space<hbm>> -> memref<1x624x128xf32, #tpu.memory_space<hbm>>
          %dma_wait3A_90 = tpu.memref_squeeze %dma_wait3A_89 : memref<1x624x128xf32, #tpu.memory_space<hbm>> -> memref<624x128xf32, #tpu.memory_space<hbm>>
          %dma_wait3A_91 = arith.constant 0 : i32
          %dma_wait3A_92 = tpu.memref_slice %arg13[%multiple_of3A, %dma_wait3A_91] : memref<10000x128xf32, #tpu.memory_space<vmem_shared>> -> memref<624x128xf32, #tpu.memory_space<vmem_shared>>
          tpu.wait_dma2 semaphore(%run_scoped3A_83 : memref<!tpu.dma_semaphore, #tpu.memory_space<semaphore_mem>>) src(%dma_wait3A_92 : memref<624x128xf32, #tpu.memory_space<vmem_shared>>) dst(%dma_wait3A_90 : memref<624x128xf32, #tpu.memory_space<hbm>>)
          tpu.yield
        }) : () -> ()
      } else {
      }
      %convert_element_type3A_79 = arith.extui %eq3A_1 : i1 to i32
      %cond3A_80 = arith.constant 0 : i32
      %cond3A_81 = arith.cmpi ne, %convert_element_type3A_79, %cond3A_80 : i32
      scf.if %cond3A_81 {
        %run_scoped3A_82 = arith.constant 3 : i32
        "tpu.region"() ({
          %run_scoped3A_83 = tpu.sem_alloc : memref<!tpu.dma_semaphore, #tpu.memory_space<semaphore_mem>>
          %dma_start3A_84 = arith.constant 128 : i32
          %dma_start3A_85 = tpu.memref_slice %arg7[%run_scoped3A_82, %multiple_of3A, %dma_start3A_84] : memref<4x10000x256xf32, #tpu.memory_space<hbm>> -> memref<1x640x128xf32, #tpu.memory_space<hbm>>
          %dma_start3A_86 = tpu.memref_squeeze %dma_start3A_85 : memref<1x640x128xf32, #tpu.memory_space<hbm>> -> memref<640x128xf32, #tpu.memory_space<hbm>>
          %dma_start3A_87 = arith.constant 0 : i32
          %dma_start3A_88 = tpu.memref_slice %arg13[%multiple_of3A, %dma_start3A_87] : memref<10000x128xf32, #tpu.memory_space<vmem_shared>> -> memref<640x128xf32, #tpu.memory_space<vmem_shared>>
          tpu.enqueue_dma source(%dma_start3A_88 : memref<640x128xf32, #tpu.memory_space<vmem_shared>>) target(%dma_start3A_86 : memref<640x128xf32, #tpu.memory_space<hbm>>) target_semaphore(%run_scoped3A_83 : memref<!tpu.dma_semaphore, #tpu.memory_space<semaphore_mem>>)
          %dma_wait3A = arith.constant 128 : i32
          %dma_wait3A_89 = tpu.memref_slice %arg7[%run_scoped3A_82, %multiple_of3A, %dma_wait3A] : memref<4x10000x256xf32, #tpu.memory_space<hbm>> -> memref<1x640x128xf32, #tpu.memory_space<hbm>>
          %dma_wait3A_90 = tpu.memref_squeeze %dma_wait3A_89 : memref<1x640x128xf32, #tpu.memory_space<hbm>> -> memref<640x128xf32, #tpu.memory_space<hbm>>
          %dma_wait3A_91 = arith.constant 0 : i32
          %dma_wait3A_92 = tpu.memref_slice %arg13[%multiple_of3A, %dma_wait3A_91] : memref<10000x128xf32, #tpu.memory_space<vmem_shared>> -> memref<640x128xf32, #tpu.memory_space<vmem_shared>>
          tpu.wait_dma2 semaphore(%run_scoped3A_83 : memref<!tpu.dma_semaphore, #tpu.memory_space<semaphore_mem>>) src(%dma_wait3A_92 : memref<640x128xf32, #tpu.memory_space<vmem_shared>>) dst(%dma_wait3A_90 : memref<640x128xf32, #tpu.memory_space<hbm>>)
          tpu.yield
        }) : () -> ()
      } else {
      }
    } else {
    }
    %run_scoped3A = arith.constant 0 : i32
    "tpu.region"() ({
      %run_scoped3A_51 = tpu.sem_alloc : memref<!tpu.dma_semaphore, #tpu.memory_space<semaphore_mem>>
      %dma_start3A = arith.constant 0 : i32
      %dma_start3A_52 = arith.constant 0 : i32
      %dma_start3A_53 = tpu.memref_slice %arg6[%run_scoped3A, %dma_start3A, %dma_start3A_52] : memref<2x125x128xf32, #tpu.memory_space<hbm>> -> memref<1x125x128xf32, #tpu.memory_space<hbm>>
      %dma_start3A_54 = tpu.memref_squeeze %dma_start3A_53 : memref<1x125x128xf32, #tpu.memory_space<hbm>> -> memref<125x128xf32, #tpu.memory_space<hbm>>
      %dma_start3A_55 = arith.constant 0 : i32
      %dma_start3A_56 = arith.constant 0 : i32
      %dma_start3A_57 = tpu.memref_slice %arg6[%run_scoped3A, %dma_start3A_55, %dma_start3A_56] : memref<2x125x128xf32, #tpu.memory_space<hbm>> -> memref<1x125x128xf32, #tpu.memory_space<hbm>>
      %dma_start3A_58 = tpu.memref_squeeze %dma_start3A_57 : memref<1x125x128xf32, #tpu.memory_space<hbm>> -> memref<125x128xf32, #tpu.memory_space<hbm>>
      tpu.enqueue_dma source(%dma_start3A_58 : memref<125x128xf32, #tpu.memory_space<hbm>>) target(%arg11 : memref<125x128xf32, #tpu.memory_space<vmem>>) target_semaphore(%run_scoped3A_51 : memref<!tpu.dma_semaphore, #tpu.memory_space<semaphore_mem>>)
      %dma_wait3A = arith.constant 0 : i32
      %dma_wait3A_59 = arith.constant 0 : i32
      %dma_wait3A_60 = tpu.memref_slice %arg6[%run_scoped3A, %dma_wait3A, %dma_wait3A_59] : memref<2x125x128xf32, #tpu.memory_space<hbm>> -> memref<1x125x128xf32, #tpu.memory_space<hbm>>
      %dma_wait3A_61 = tpu.memref_squeeze %dma_wait3A_60 : memref<1x125x128xf32, #tpu.memory_space<hbm>> -> memref<125x128xf32, #tpu.memory_space<hbm>>
      %dma_wait3A_62 = arith.constant 0 : i32
      %dma_wait3A_63 = arith.constant 0 : i32
      %dma_wait3A_64 = tpu.memref_slice %arg6[%run_scoped3A, %dma_wait3A_62, %dma_wait3A_63] : memref<2x125x128xf32, #tpu.memory_space<hbm>> -> memref<1x125x128xf32, #tpu.memory_space<hbm>>
      %dma_wait3A_65 = tpu.memref_squeeze %dma_wait3A_64 : memref<1x125x128xf32, #tpu.memory_space<hbm>> -> memref<125x128xf32, #tpu.memory_space<hbm>>
      tpu.wait_dma2 semaphore(%run_scoped3A_51 : memref<!tpu.dma_semaphore, #tpu.memory_space<semaphore_mem>>) src(%dma_wait3A_65 : memref<125x128xf32, #tpu.memory_space<hbm>>) dst(%arg11 : memref<125x128xf32, #tpu.memory_space<vmem>>)
      tpu.yield
    }) : () -> ()
    %run_scoped3A_40 = arith.constant 1 : i32
    "tpu.region"() ({
      %run_scoped3A_51 = tpu.sem_alloc : memref<!tpu.dma_semaphore, #tpu.memory_space<semaphore_mem>>
      %dma_start3A = arith.constant 0 : i32
      %dma_start3A_52 = arith.constant 0 : i32
      %dma_start3A_53 = tpu.memref_slice %arg6[%run_scoped3A_40, %dma_start3A, %dma_start3A_52] : memref<2x125x128xf32, #tpu.memory_space<hbm>> -> memref<1x125x128xf32, #tpu.memory_space<hbm>>
      %dma_start3A_54 = tpu.memref_squeeze %dma_start3A_53 : memref<1x125x128xf32, #tpu.memory_space<hbm>> -> memref<125x128xf32, #tpu.memory_space<hbm>>
      %dma_start3A_55 = arith.constant 0 : i32
      %dma_start3A_56 = arith.constant 0 : i32
      %dma_start3A_57 = tpu.memref_slice %arg6[%run_scoped3A_40, %dma_start3A_55, %dma_start3A_56] : memref<2x125x128xf32, #tpu.memory_space<hbm>> -> memref<1x125x128xf32, #tpu.memory_space<hbm>>
      %dma_start3A_58 = tpu.memref_squeeze %dma_start3A_57 : memref<1x125x128xf32, #tpu.memory_space<hbm>> -> memref<125x128xf32, #tpu.memory_space<hbm>>
      tpu.enqueue_dma source(%dma_start3A_58 : memref<125x128xf32, #tpu.memory_space<hbm>>) target(%arg12 : memref<125x128xf32, #tpu.memory_space<vmem>>) target_semaphore(%run_scoped3A_51 : memref<!tpu.dma_semaphore, #tpu.memory_space<semaphore_mem>>)
      %dma_wait3A = arith.constant 0 : i32
      %dma_wait3A_59 = arith.constant 0 : i32
      %dma_wait3A_60 = tpu.memref_slice %arg6[%run_scoped3A_40, %dma_wait3A, %dma_wait3A_59] : memref<2x125x128xf32, #tpu.memory_space<hbm>> -> memref<1x125x128xf32, #tpu.memory_space<hbm>>
      %dma_wait3A_61 = tpu.memref_squeeze %dma_wait3A_60 : memref<1x125x128xf32, #tpu.memory_space<hbm>> -> memref<125x128xf32, #tpu.memory_space<hbm>>
      %dma_wait3A_62 = arith.constant 0 : i32
      %dma_wait3A_63 = arith.constant 0 : i32
      %dma_wait3A_64 = tpu.memref_slice %arg6[%run_scoped3A_40, %dma_wait3A_62, %dma_wait3A_63] : memref<2x125x128xf32, #tpu.memory_space<hbm>> -> memref<1x125x128xf32, #tpu.memory_space<hbm>>
      %dma_wait3A_65 = tpu.memref_squeeze %dma_wait3A_64 : memref<1x125x128xf32, #tpu.memory_space<hbm>> -> memref<125x128xf32, #tpu.memory_space<hbm>>
      tpu.wait_dma2 semaphore(%run_scoped3A_51 : memref<!tpu.dma_semaphore, #tpu.memory_space<semaphore_mem>>) src(%dma_wait3A_65 : memref<125x128xf32, #tpu.memory_space<hbm>>) dst(%arg12 : memref<125x128xf32, #tpu.memory_space<vmem>>)
      tpu.yield
    }) : () -> ()
    %eq3A_41 = arith.constant 0 : i32
    %eq3A_42 = arith.cmpi eq, %arg0, %eq3A_41 : i32
    %convert_element_type3A_43 = arith.extui %eq3A_42 : i1 to i32
    %cond3A_44 = arith.constant 0 : i32
    %cond3A_45 = arith.cmpi ne, %convert_element_type3A_43, %cond3A_44 : i32
    scf.if %cond3A_45 {
      %not3A = arith.constant true
      %not3A_51 = arith.xori %eq3A_1, %not3A : i1
      %convert_element_type3A_52 = arith.extui %not3A_51 : i1 to i32
      %cond3A_53 = arith.constant 0 : i32
      %cond3A_54 = arith.cmpi ne, %convert_element_type3A_52, %cond3A_53 : i32
      scf.if %cond3A_54 {
        "tpu.region"() ({
          %run_scoped3A_94 = tpu.sem_alloc : memref<!tpu.dma_semaphore, #tpu.memory_space<semaphore_mem>>
          %dma_start3A = arith.constant 0 : i32
          %dma_start3A_95 = tpu.memref_slice %arg13[%multiple_of3A, %dma_start3A] : memref<10000x128xf32, #tpu.memory_space<vmem_shared>> -> memref<624x128xf32, #tpu.memory_space<vmem_shared>>
          %dma_start3A_96 = arith.constant 0 : i32
          %dma_start3A_97 = arith.constant 0 : i32
          %dma_start3A_98 = tpu.memref_slice %arg5[%dma_start3A_96, %dma_start3A_97] : memref<640x128xf32, #tpu.memory_space<hbm>> -> memref<624x128xf32, #tpu.memory_space<hbm>>
          tpu.enqueue_dma source(%dma_start3A_98 : memref<624x128xf32, #tpu.memory_space<hbm>>) target(%dma_start3A_95 : memref<624x128xf32, #tpu.memory_space<vmem_shared>>) target_semaphore(%run_scoped3A_94 : memref<!tpu.dma_semaphore, #tpu.memory_space<semaphore_mem>>)
          %dma_wait3A = arith.constant 0 : i32
          %dma_wait3A_99 = tpu.memref_slice %arg13[%multiple_of3A, %dma_wait3A] : memref<10000x128xf32, #tpu.memory_space<vmem_shared>> -> memref<624x128xf32, #tpu.memory_space<vmem_shared>>
          %dma_wait3A_100 = arith.constant 0 : i32
          %dma_wait3A_101 = arith.constant 0 : i32
          %dma_wait3A_102 = tpu.memref_slice %arg5[%dma_wait3A_100, %dma_wait3A_101] : memref<640x128xf32, #tpu.memory_space<hbm>> -> memref<624x128xf32, #tpu.memory_space<hbm>>
          tpu.wait_dma2 semaphore(%run_scoped3A_94 : memref<!tpu.dma_semaphore, #tpu.memory_space<semaphore_mem>>) src(%dma_wait3A_102 : memref<624x128xf32, #tpu.memory_space<hbm>>) dst(%dma_wait3A_99 : memref<624x128xf32, #tpu.memory_space<vmem_shared>>)
          tpu.yield
        }) : () -> ()
      } else {
      }
      %convert_element_type3A_55 = arith.extui %eq3A_1 : i1 to i32
      %cond3A_56 = arith.constant 0 : i32
      %cond3A_57 = arith.cmpi ne, %convert_element_type3A_55, %cond3A_56 : i32
      scf.if %cond3A_57 {
        "tpu.region"() ({
          %run_scoped3A_94 = tpu.sem_alloc : memref<!tpu.dma_semaphore, #tpu.memory_space<semaphore_mem>>
          %dma_start3A = arith.constant 0 : i32
          %dma_start3A_95 = tpu.memref_slice %arg13[%multiple_of3A, %dma_start3A] : memref<10000x128xf32, #tpu.memory_space<vmem_shared>> -> memref<640x128xf32, #tpu.memory_space<vmem_shared>>
          tpu.enqueue_dma source(%arg5 : memref<640x128xf32, #tpu.memory_space<hbm>>) target(%dma_start3A_95 : memref<640x128xf32, #tpu.memory_space<vmem_shared>>) target_semaphore(%run_scoped3A_94 : memref<!tpu.dma_semaphore, #tpu.memory_space<semaphore_mem>>)
          %dma_wait3A = arith.constant 0 : i32
          %dma_wait3A_96 = tpu.memref_slice %arg13[%multiple_of3A, %dma_wait3A] : memref<10000x128xf32, #tpu.memory_space<vmem_shared>> -> memref<640x128xf32, #tpu.memory_space<vmem_shared>>
          tpu.wait_dma2 semaphore(%run_scoped3A_94 : memref<!tpu.dma_semaphore, #tpu.memory_space<semaphore_mem>>) src(%arg5 : memref<640x128xf32, #tpu.memory_space<hbm>>) dst(%dma_wait3A_96 : memref<640x128xf32, #tpu.memory_space<vmem_shared>>)
          tpu.yield
        }) : () -> ()
      } else {
      }
      %barrier3A = arith.constant 0 : index
      tpu.barrier barrier_id(%barrier3A)
      %run_scoped3A_58 = arith.constant 0 : i32
      %run_scoped3A_59 = arith.constant 1 : i32
      "tpu.region"() ({
        %run_scoped3A_94 = tpu.sem_alloc : memref<!tpu.dma_semaphore, #tpu.memory_space<semaphore_mem>>
        %dma_start3A = arith.constant 0 : i32
        %dma_start3A_95 = arith.constant 0 : i32
        %dma_start3A_96 = tpu.memref_slice %arg4[%run_scoped3A_58, %run_scoped3A_59, %arg1, %dma_start3A, %dma_start3A_95] : memref<4x2x16x20x125xi32, #tpu.memory_space<hbm>> -> memref<1x1x1x20x125xi32, #tpu.memory_space<hbm>>
        %dma_start3A_97 = tpu.memref_squeeze %dma_start3A_96 : memref<1x1x1x20x125xi32, #tpu.memory_space<hbm>> -> memref<20x125xi32, #tpu.memory_space<hbm>>
        %dma_start3A_98 = arith.constant 0 : i32
        %dma_start3A_99 = arith.constant 0 : i32
        %dma_start3A_100 = tpu.memref_slice %arg4[%run_scoped3A_58, %run_scoped3A_59, %arg1, %dma_start3A_98, %dma_start3A_99] : memref<4x2x16x20x125xi32, #tpu.memory_space<hbm>> -> memref<1x1x1x20x125xi32, #tpu.memory_space<hbm>>
        %dma_start3A_101 = tpu.memref_squeeze %dma_start3A_100 : memref<1x1x1x20x125xi32, #tpu.memory_space<hbm>> -> memref<20x125xi32, #tpu.memory_space<hbm>>
        tpu.enqueue_dma source(%dma_start3A_101 : memref<20x125xi32, #tpu.memory_space<hbm>>) target(%arg10 : memref<20x125xi32, #tpu.memory_space<vmem>>) target_semaphore(%run_scoped3A_94 : memref<!tpu.dma_semaphore, #tpu.memory_space<semaphore_mem>>)
        %dma_wait3A = arith.constant 0 : i32
        %dma_wait3A_102 = arith.constant 0 : i32
        %dma_wait3A_103 = tpu.memref_slice %arg4[%run_scoped3A_58, %run_scoped3A_59, %arg1, %dma_wait3A, %dma_wait3A_102] : memref<4x2x16x20x125xi32, #tpu.memory_space<hbm>> -> memref<1x1x1x20x125xi32, #tpu.memory_space<hbm>>
        %dma_wait3A_104 = tpu.memref_squeeze %dma_wait3A_103 : memref<1x1x1x20x125xi32, #tpu.memory_space<hbm>> -> memref<20x125xi32, #tpu.memory_space<hbm>>
        %dma_wait3A_105 = arith.constant 0 : i32
        %dma_wait3A_106 = arith.constant 0 : i32
        %dma_wait3A_107 = tpu.memref_slice %arg4[%run_scoped3A_58, %run_scoped3A_59, %arg1, %dma_wait3A_105, %dma_wait3A_106] : memref<4x2x16x20x125xi32, #tpu.memory_space<hbm>> -> memref<1x1x1x20x125xi32, #tpu.memory_space<hbm>>
        %dma_wait3A_108 = tpu.memref_squeeze %dma_wait3A_107 : memref<1x1x1x20x125xi32, #tpu.memory_space<hbm>> -> memref<20x125xi32, #tpu.memory_space<hbm>>
        tpu.wait_dma2 semaphore(%run_scoped3A_94 : memref<!tpu.dma_semaphore, #tpu.memory_space<semaphore_mem>>) src(%dma_wait3A_108 : memref<20x125xi32, #tpu.memory_space<hbm>>) dst(%arg10 : memref<20x125xi32, #tpu.memory_space<vmem>>)
        tpu.yield
      }) : () -> ()
      %scan3A = arith.constant 0 : i32
      %scan3A_60 = arith.constant 0 : i32
      %scan3A_61 = arith.constant 20 : i32
      %scan3A_62 = arith.addi %scan3A_60, %scan3A_61 : i32
      %scan3A_63 = arith.constant 1 : i32
      scf.for %scan3A_94 = %scan3A_60 to %scan3A_62 step %scan3A_63  : i32 {
        %dma_start3A = arith.constant 0 : i32
        %dma_start3A_95 = tpu.memref_slice %arg10[%scan3A_94, %dma_start3A] : memref<20x125xi32, #tpu.memory_space<vmem>> -> memref<1x125xi32, #tpu.memory_space<vmem>>
        %dma_start3A_96 = tpu.memref_squeeze %dma_start3A_95 : memref<1x125xi32, #tpu.memory_space<vmem>> -> memref<125xi32, #tpu.memory_space<vmem>>
        %dma_start3A_97 = arith.constant 0 : i32
        %dma_start3A_98 = arith.constant 0 : i32
        %dma_start3A_99 = tpu.memref_slice %arg13[%dma_start3A_97, %dma_start3A_98] : memref<10000x128xf32, #tpu.memory_space<vmem_shared>> -> memref<10000x128xf32, #tpu.memory_space<vmem_shared>>
        tpu.enqueue_indirect_dma source(%arg11 : memref<125x128xf32, #tpu.memory_space<vmem>>) target(%dma_start3A_99 : memref<10000x128xf32, #tpu.memory_space<vmem_shared>>) offsets(%dma_start3A_96 : memref<125xi32, #tpu.memory_space<vmem>>) semaphore(%arg16 : memref<!tpu.dma_semaphore, #tpu.memory_space<semaphore_mem>>) {add = true}
      }
      %scan3A_64 = arith.constant 20 : i32
      %scan3A_65 = arith.constant 0 : i32
      %scan3A_66 = arith.constant 0 : i32
      %scan3A_67 = arith.constant 20 : i32
      %scan3A_68 = arith.addi %scan3A_66, %scan3A_67 : i32
      %scan3A_69 = arith.constant 1 : i32
      scf.for %scan3A_94 = %scan3A_66 to %scan3A_68 step %scan3A_69  : i32 {
        %dma_wait3A = arith.constant 0 : i32
        %dma_wait3A_95 = arith.constant 0 : i32
        %dma_wait3A_96 = tpu.memref_slice %arg10[%dma_wait3A, %dma_wait3A_95] : memref<20x125xi32, #tpu.memory_space<vmem>> -> memref<1x125xi32, #tpu.memory_space<vmem>>
        %dma_wait3A_97 = tpu.memref_squeeze %dma_wait3A_96 : memref<1x125xi32, #tpu.memory_space<vmem>> -> memref<125xi32, #tpu.memory_space<vmem>>
        %dma_wait3A_98 = arith.constant 0 : i32
        %dma_wait3A_99 = arith.constant 0 : i32
        %dma_wait3A_100 = tpu.memref_slice %arg13[%dma_wait3A_98, %dma_wait3A_99] : memref<10000x128xf32, #tpu.memory_space<vmem_shared>> -> memref<10000x128xf32, #tpu.memory_space<vmem_shared>>
        tpu.wait_indirect_dma semaphore(%arg16 : memref<!tpu.dma_semaphore, #tpu.memory_space<semaphore_mem>>) src(%arg11 : memref<125x128xf32, #tpu.memory_space<vmem>>) dst(%dma_wait3A_100 : memref<10000x128xf32, #tpu.memory_space<vmem_shared>>)
      }
      %scan3A_70 = arith.constant 20 : i32
      %run_scoped3A_71 = arith.constant 1 : i32
      %run_scoped3A_72 = arith.constant 1 : i32
      "tpu.region"() ({
        %run_scoped3A_94 = tpu.sem_alloc : memref<!tpu.dma_semaphore, #tpu.memory_space<semaphore_mem>>
        %dma_start3A = arith.constant 0 : i32
        %dma_start3A_95 = arith.constant 0 : i32
        %dma_start3A_96 = tpu.memref_slice %arg4[%run_scoped3A_71, %run_scoped3A_72, %arg1, %dma_start3A, %dma_start3A_95] : memref<4x2x16x20x125xi32, #tpu.memory_space<hbm>> -> memref<1x1x1x20x125xi32, #tpu.memory_space<hbm>>
        %dma_start3A_97 = tpu.memref_squeeze %dma_start3A_96 : memref<1x1x1x20x125xi32, #tpu.memory_space<hbm>> -> memref<20x125xi32, #tpu.memory_space<hbm>>
        %dma_start3A_98 = arith.constant 0 : i32
        %dma_start3A_99 = arith.constant 0 : i32
        %dma_start3A_100 = tpu.memref_slice %arg4[%run_scoped3A_71, %run_scoped3A_72, %arg1, %dma_start3A_98, %dma_start3A_99] : memref<4x2x16x20x125xi32, #tpu.memory_space<hbm>> -> memref<1x1x1x20x125xi32, #tpu.memory_space<hbm>>
        %dma_start3A_101 = tpu.memref_squeeze %dma_start3A_100 : memref<1x1x1x20x125xi32, #tpu.memory_space<hbm>> -> memref<20x125xi32, #tpu.memory_space<hbm>>
        tpu.enqueue_dma source(%dma_start3A_101 : memref<20x125xi32, #tpu.memory_space<hbm>>) target(%arg10 : memref<20x125xi32, #tpu.memory_space<vmem>>) target_semaphore(%run_scoped3A_94 : memref<!tpu.dma_semaphore, #tpu.memory_space<semaphore_mem>>)
        %dma_wait3A = arith.constant 0 : i32
        %dma_wait3A_102 = arith.constant 0 : i32
        %dma_wait3A_103 = tpu.memref_slice %arg4[%run_scoped3A_71, %run_scoped3A_72, %arg1, %dma_wait3A, %dma_wait3A_102] : memref<4x2x16x20x125xi32, #tpu.memory_space<hbm>> -> memref<1x1x1x20x125xi32, #tpu.memory_space<hbm>>
        %dma_wait3A_104 = tpu.memref_squeeze %dma_wait3A_103 : memref<1x1x1x20x125xi32, #tpu.memory_space<hbm>> -> memref<20x125xi32, #tpu.memory_space<hbm>>
        %dma_wait3A_105 = arith.constant 0 : i32
        %dma_wait3A_106 = arith.constant 0 : i32
        %dma_wait3A_107 = tpu.memref_slice %arg4[%run_scoped3A_71, %run_scoped3A_72, %arg1, %dma_wait3A_105, %dma_wait3A_106] : memref<4x2x16x20x125xi32, #tpu.memory_space<hbm>> -> memref<1x1x1x20x125xi32, #tpu.memory_space<hbm>>
        %dma_wait3A_108 = tpu.memref_squeeze %dma_wait3A_107 : memref<1x1x1x20x125xi32, #tpu.memory_space<hbm>> -> memref<20x125xi32, #tpu.memory_space<hbm>>
        tpu.wait_dma2 semaphore(%run_scoped3A_94 : memref<!tpu.dma_semaphore, #tpu.memory_space<semaphore_mem>>) src(%dma_wait3A_108 : memref<20x125xi32, #tpu.memory_space<hbm>>) dst(%arg10 : memref<20x125xi32, #tpu.memory_space<vmem>>)
        tpu.yield
      }) : () -> ()
      %scan3A_73 = arith.constant 0 : i32
      %scan3A_74 = arith.constant 0 : i32
      %scan3A_75 = arith.constant 20 : i32
      %scan3A_76 = arith.addi %scan3A_74, %scan3A_75 : i32
      %scan3A_77 = arith.constant 1 : i32
      scf.for %scan3A_94 = %scan3A_74 to %scan3A_76 step %scan3A_77  : i32 {
        %dma_start3A = arith.constant 0 : i32
        %dma_start3A_95 = tpu.memref_slice %arg10[%scan3A_94, %dma_start3A] : memref<20x125xi32, #tpu.memory_space<vmem>> -> memref<1x125xi32, #tpu.memory_space<vmem>>
        %dma_start3A_96 = tpu.memref_squeeze %dma_start3A_95 : memref<1x125xi32, #tpu.memory_space<vmem>> -> memref<125xi32, #tpu.memory_space<vmem>>
        %dma_start3A_97 = arith.constant 0 : i32
        %dma_start3A_98 = arith.constant 0 : i32
        %dma_start3A_99 = tpu.memref_slice %arg13[%dma_start3A_97, %dma_start3A_98] : memref<10000x128xf32, #tpu.memory_space<vmem_shared>> -> memref<10000x128xf32, #tpu.memory_space<vmem_shared>>
        tpu.enqueue_indirect_dma source(%arg12 : memref<125x128xf32, #tpu.memory_space<vmem>>) target(%dma_start3A_99 : memref<10000x128xf32, #tpu.memory_space<vmem_shared>>) offsets(%dma_start3A_96 : memref<125xi32, #tpu.memory_space<vmem>>) semaphore(%arg16 : memref<!tpu.dma_semaphore, #tpu.memory_space<semaphore_mem>>) {add = true}
      }
      %scan3A_78 = arith.constant 20 : i32
      %scan3A_79 = arith.constant 0 : i32
      %scan3A_80 = arith.constant 0 : i32
      %scan3A_81 = arith.constant 20 : i32
      %scan3A_82 = arith.addi %scan3A_80, %scan3A_81 : i32
      %scan3A_83 = arith.constant 1 : i32
      scf.for %scan3A_94 = %scan3A_80 to %scan3A_82 step %scan3A_83  : i32 {
        %dma_wait3A = arith.constant 0 : i32
        %dma_wait3A_95 = arith.constant 0 : i32
        %dma_wait3A_96 = tpu.memref_slice %arg10[%dma_wait3A, %dma_wait3A_95] : memref<20x125xi32, #tpu.memory_space<vmem>> -> memref<1x125xi32, #tpu.memory_space<vmem>>
        %dma_wait3A_97 = tpu.memref_squeeze %dma_wait3A_96 : memref<1x125xi32, #tpu.memory_space<vmem>> -> memref<125xi32, #tpu.memory_space<vmem>>
        %dma_wait3A_98 = arith.constant 0 : i32
        %dma_wait3A_99 = arith.constant 0 : i32
        %dma_wait3A_100 = tpu.memref_slice %arg13[%dma_wait3A_98, %dma_wait3A_99] : memref<10000x128xf32, #tpu.memory_space<vmem_shared>> -> memref<10000x128xf32, #tpu.memory_space<vmem_shared>>
        tpu.wait_indirect_dma semaphore(%arg16 : memref<!tpu.dma_semaphore, #tpu.memory_space<semaphore_mem>>) src(%arg12 : memref<125x128xf32, #tpu.memory_space<vmem>>) dst(%dma_wait3A_100 : memref<10000x128xf32, #tpu.memory_space<vmem_shared>>)
      }
      %scan3A_84 = arith.constant 20 : i32
      %barrier3A_85 = arith.constant 0 : index
      tpu.barrier barrier_id(%barrier3A_85)
      %not3A_86 = arith.constant true
      %not3A_87 = arith.xori %eq3A_1, %not3A_86 : i1
      %convert_element_type3A_88 = arith.extui %not3A_87 : i1 to i32
      %cond3A_89 = arith.constant 0 : i32
      %cond3A_90 = arith.cmpi ne, %convert_element_type3A_88, %cond3A_89 : i32
      scf.if %cond3A_90 {
        %run_scoped3A_94 = arith.constant 0 : i32
        "tpu.region"() ({
          %run_scoped3A_95 = tpu.sem_alloc : memref<!tpu.dma_semaphore, #tpu.memory_space<semaphore_mem>>
          %dma_start3A = arith.constant 0 : i32
          %dma_start3A_96 = tpu.memref_slice %arg8[%run_scoped3A_94, %multiple_of3A, %dma_start3A] : memref<2x10000x128xf32, #tpu.memory_space<hbm>> -> memref<1x624x128xf32, #tpu.memory_space<hbm>>
          %dma_start3A_97 = tpu.memref_squeeze %dma_start3A_96 : memref<1x624x128xf32, #tpu.memory_space<hbm>> -> memref<624x128xf32, #tpu.memory_space<hbm>>
          %dma_start3A_98 = arith.constant 0 : i32
          %dma_start3A_99 = tpu.memref_slice %arg13[%multiple_of3A, %dma_start3A_98] : memref<10000x128xf32, #tpu.memory_space<vmem_shared>> -> memref<624x128xf32, #tpu.memory_space<vmem_shared>>
          tpu.enqueue_dma source(%dma_start3A_99 : memref<624x128xf32, #tpu.memory_space<vmem_shared>>) target(%dma_start3A_97 : memref<624x128xf32, #tpu.memory_space<hbm>>) target_semaphore(%run_scoped3A_95 : memref<!tpu.dma_semaphore, #tpu.memory_space<semaphore_mem>>)
          %dma_wait3A = arith.constant 0 : i32
          %dma_wait3A_100 = tpu.memref_slice %arg8[%run_scoped3A_94, %multiple_of3A, %dma_wait3A] : memref<2x10000x128xf32, #tpu.memory_space<hbm>> -> memref<1x624x128xf32, #tpu.memory_space<hbm>>
          %dma_wait3A_101 = tpu.memref_squeeze %dma_wait3A_100 : memref<1x624x128xf32, #tpu.memory_space<hbm>> -> memref<624x128xf32, #tpu.memory_space<hbm>>
          %dma_wait3A_102 = arith.constant 0 : i32
          %dma_wait3A_103 = tpu.memref_slice %arg13[%multiple_of3A, %dma_wait3A_102] : memref<10000x128xf32, #tpu.memory_space<vmem_shared>> -> memref<624x128xf32, #tpu.memory_space<vmem_shared>>
          tpu.wait_dma2 semaphore(%run_scoped3A_95 : memref<!tpu.dma_semaphore, #tpu.memory_space<semaphore_mem>>) src(%dma_wait3A_103 : memref<624x128xf32, #tpu.memory_space<vmem_shared>>) dst(%dma_wait3A_101 : memref<624x128xf32, #tpu.memory_space<hbm>>)
          tpu.yield
        }) : () -> ()
      } else {
      }
      %convert_element_type3A_91 = arith.extui %eq3A_1 : i1 to i32
      %cond3A_92 = arith.constant 0 : i32
      %cond3A_93 = arith.cmpi ne, %convert_element_type3A_91, %cond3A_92 : i32
      scf.if %cond3A_93 {
        %run_scoped3A_94 = arith.constant 0 : i32
        "tpu.region"() ({
          %run_scoped3A_95 = tpu.sem_alloc : memref<!tpu.dma_semaphore, #tpu.memory_space<semaphore_mem>>
          %dma_start3A = arith.constant 0 : i32
          %dma_start3A_96 = tpu.memref_slice %arg8[%run_scoped3A_94, %multiple_of3A, %dma_start3A] : memref<2x10000x128xf32, #tpu.memory_space<hbm>> -> memref<1x640x128xf32, #tpu.memory_space<hbm>>
          %dma_start3A_97 = tpu.memref_squeeze %dma_start3A_96 : memref<1x640x128xf32, #tpu.memory_space<hbm>> -> memref<640x128xf32, #tpu.memory_space<hbm>>
          %dma_start3A_98 = arith.constant 0 : i32
          %dma_start3A_99 = tpu.memref_slice %arg13[%multiple_of3A, %dma_start3A_98] : memref<10000x128xf32, #tpu.memory_space<vmem_shared>> -> memref<640x128xf32, #tpu.memory_space<vmem_shared>>
          tpu.enqueue_dma source(%dma_start3A_99 : memref<640x128xf32, #tpu.memory_space<vmem_shared>>) target(%dma_start3A_97 : memref<640x128xf32, #tpu.memory_space<hbm>>) target_semaphore(%run_scoped3A_95 : memref<!tpu.dma_semaphore, #tpu.memory_space<semaphore_mem>>)
          %dma_wait3A = arith.constant 0 : i32
          %dma_wait3A_100 = tpu.memref_slice %arg8[%run_scoped3A_94, %multiple_of3A, %dma_wait3A] : memref<2x10000x128xf32, #tpu.memory_space<hbm>> -> memref<1x640x128xf32, #tpu.memory_space<hbm>>
          %dma_wait3A_101 = tpu.memref_squeeze %dma_wait3A_100 : memref<1x640x128xf32, #tpu.memory_space<hbm>> -> memref<640x128xf32, #tpu.memory_space<hbm>>
          %dma_wait3A_102 = arith.constant 0 : i32
          %dma_wait3A_103 = tpu.memref_slice %arg13[%multiple_of3A, %dma_wait3A_102] : memref<10000x128xf32, #tpu.memory_space<vmem_shared>> -> memref<640x128xf32, #tpu.memory_space<vmem_shared>>
          tpu.wait_dma2 semaphore(%run_scoped3A_95 : memref<!tpu.dma_semaphore, #tpu.memory_space<semaphore_mem>>) src(%dma_wait3A_103 : memref<640x128xf32, #tpu.memory_space<vmem_shared>>) dst(%dma_wait3A_101 : memref<640x128xf32, #tpu.memory_space<hbm>>)
          tpu.yield
        }) : () -> ()
      } else {
      }
    } else {
    }
    %eq3A_46 = arith.constant 1 : i32
    %eq3A_47 = arith.cmpi eq, %arg0, %eq3A_46 : i32
    %convert_element_type3A_48 = arith.extui %eq3A_47 : i1 to i32
    %cond3A_49 = arith.constant 0 : i32
    %cond3A_50 = arith.cmpi ne, %convert_element_type3A_48, %cond3A_49 : i32
    scf.if %cond3A_50 {
      %not3A = arith.constant true
      %not3A_51 = arith.xori %eq3A_1, %not3A : i1
      %convert_element_type3A_52 = arith.extui %not3A_51 : i1 to i32
      %cond3A_53 = arith.constant 0 : i32
      %cond3A_54 = arith.cmpi ne, %convert_element_type3A_52, %cond3A_53 : i32
      scf.if %cond3A_54 {
        "tpu.region"() ({
          %run_scoped3A_94 = tpu.sem_alloc : memref<!tpu.dma_semaphore, #tpu.memory_space<semaphore_mem>>
          %dma_start3A = arith.constant 0 : i32
          %dma_start3A_95 = tpu.memref_slice %arg13[%multiple_of3A, %dma_start3A] : memref<10000x128xf32, #tpu.memory_space<vmem_shared>> -> memref<624x128xf32, #tpu.memory_space<vmem_shared>>
          %dma_start3A_96 = arith.constant 0 : i32
          %dma_start3A_97 = arith.constant 0 : i32
          %dma_start3A_98 = tpu.memref_slice %arg5[%dma_start3A_96, %dma_start3A_97] : memref<640x128xf32, #tpu.memory_space<hbm>> -> memref<624x128xf32, #tpu.memory_space<hbm>>
          tpu.enqueue_dma source(%dma_start3A_98 : memref<624x128xf32, #tpu.memory_space<hbm>>) target(%dma_start3A_95 : memref<624x128xf32, #tpu.memory_space<vmem_shared>>) target_semaphore(%run_scoped3A_94 : memref<!tpu.dma_semaphore, #tpu.memory_space<semaphore_mem>>)
          %dma_wait3A = arith.constant 0 : i32
          %dma_wait3A_99 = tpu.memref_slice %arg13[%multiple_of3A, %dma_wait3A] : memref<10000x128xf32, #tpu.memory_space<vmem_shared>> -> memref<624x128xf32, #tpu.memory_space<vmem_shared>>
          %dma_wait3A_100 = arith.constant 0 : i32
          %dma_wait3A_101 = arith.constant 0 : i32
          %dma_wait3A_102 = tpu.memref_slice %arg5[%dma_wait3A_100, %dma_wait3A_101] : memref<640x128xf32, #tpu.memory_space<hbm>> -> memref<624x128xf32, #tpu.memory_space<hbm>>
          tpu.wait_dma2 semaphore(%run_scoped3A_94 : memref<!tpu.dma_semaphore, #tpu.memory_space<semaphore_mem>>) src(%dma_wait3A_102 : memref<624x128xf32, #tpu.memory_space<hbm>>) dst(%dma_wait3A_99 : memref<624x128xf32, #tpu.memory_space<vmem_shared>>)
          tpu.yield
        }) : () -> ()
      } else {
      }
      %convert_element_type3A_55 = arith.extui %eq3A_1 : i1 to i32
      %cond3A_56 = arith.constant 0 : i32
      %cond3A_57 = arith.cmpi ne, %convert_element_type3A_55, %cond3A_56 : i32
      scf.if %cond3A_57 {
        "tpu.region"() ({
          %run_scoped3A_94 = tpu.sem_alloc : memref<!tpu.dma_semaphore, #tpu.memory_space<semaphore_mem>>
          %dma_start3A = arith.constant 0 : i32
          %dma_start3A_95 = tpu.memref_slice %arg13[%multiple_of3A, %dma_start3A] : memref<10000x128xf32, #tpu.memory_space<vmem_shared>> -> memref<640x128xf32, #tpu.memory_space<vmem_shared>>
          tpu.enqueue_dma source(%arg5 : memref<640x128xf32, #tpu.memory_space<hbm>>) target(%dma_start3A_95 : memref<640x128xf32, #tpu.memory_space<vmem_shared>>) target_semaphore(%run_scoped3A_94 : memref<!tpu.dma_semaphore, #tpu.memory_space<semaphore_mem>>)
          %dma_wait3A = arith.constant 0 : i32
          %dma_wait3A_96 = tpu.memref_slice %arg13[%multiple_of3A, %dma_wait3A] : memref<10000x128xf32, #tpu.memory_space<vmem_shared>> -> memref<640x128xf32, #tpu.memory_space<vmem_shared>>
          tpu.wait_dma2 semaphore(%run_scoped3A_94 : memref<!tpu.dma_semaphore, #tpu.memory_space<semaphore_mem>>) src(%arg5 : memref<640x128xf32, #tpu.memory_space<hbm>>) dst(%dma_wait3A_96 : memref<640x128xf32, #tpu.memory_space<vmem_shared>>)
          tpu.yield
        }) : () -> ()
      } else {
      }
      %barrier3A = arith.constant 0 : index
      tpu.barrier barrier_id(%barrier3A)
      %run_scoped3A_58 = arith.constant 2 : i32
      %run_scoped3A_59 = arith.constant 1 : i32
      "tpu.region"() ({
        %run_scoped3A_94 = tpu.sem_alloc : memref<!tpu.dma_semaphore, #tpu.memory_space<semaphore_mem>>
        %dma_start3A = arith.constant 0 : i32
        %dma_start3A_95 = arith.constant 0 : i32
        %dma_start3A_96 = tpu.memref_slice %arg4[%run_scoped3A_58, %run_scoped3A_59, %arg1, %dma_start3A, %dma_start3A_95] : memref<4x2x16x20x125xi32, #tpu.memory_space<hbm>> -> memref<1x1x1x20x125xi32, #tpu.memory_space<hbm>>
        %dma_start3A_97 = tpu.memref_squeeze %dma_start3A_96 : memref<1x1x1x20x125xi32, #tpu.memory_space<hbm>> -> memref<20x125xi32, #tpu.memory_space<hbm>>
        %dma_start3A_98 = arith.constant 0 : i32
        %dma_start3A_99 = arith.constant 0 : i32
        %dma_start3A_100 = tpu.memref_slice %arg4[%run_scoped3A_58, %run_scoped3A_59, %arg1, %dma_start3A_98, %dma_start3A_99] : memref<4x2x16x20x125xi32, #tpu.memory_space<hbm>> -> memref<1x1x1x20x125xi32, #tpu.memory_space<hbm>>
        %dma_start3A_101 = tpu.memref_squeeze %dma_start3A_100 : memref<1x1x1x20x125xi32, #tpu.memory_space<hbm>> -> memref<20x125xi32, #tpu.memory_space<hbm>>
        tpu.enqueue_dma source(%dma_start3A_101 : memref<20x125xi32, #tpu.memory_space<hbm>>) target(%arg10 : memref<20x125xi32, #tpu.memory_space<vmem>>) target_semaphore(%run_scoped3A_94 : memref<!tpu.dma_semaphore, #tpu.memory_space<semaphore_mem>>)
        %dma_wait3A = arith.constant 0 : i32
        %dma_wait3A_102 = arith.constant 0 : i32
        %dma_wait3A_103 = tpu.memref_slice %arg4[%run_scoped3A_58, %run_scoped3A_59, %arg1, %dma_wait3A, %dma_wait3A_102] : memref<4x2x16x20x125xi32, #tpu.memory_space<hbm>> -> memref<1x1x1x20x125xi32, #tpu.memory_space<hbm>>
        %dma_wait3A_104 = tpu.memref_squeeze %dma_wait3A_103 : memref<1x1x1x20x125xi32, #tpu.memory_space<hbm>> -> memref<20x125xi32, #tpu.memory_space<hbm>>
        %dma_wait3A_105 = arith.constant 0 : i32
        %dma_wait3A_106 = arith.constant 0 : i32
        %dma_wait3A_107 = tpu.memref_slice %arg4[%run_scoped3A_58, %run_scoped3A_59, %arg1, %dma_wait3A_105, %dma_wait3A_106] : memref<4x2x16x20x125xi32, #tpu.memory_space<hbm>> -> memref<1x1x1x20x125xi32, #tpu.memory_space<hbm>>
        %dma_wait3A_108 = tpu.memref_squeeze %dma_wait3A_107 : memref<1x1x1x20x125xi32, #tpu.memory_space<hbm>> -> memref<20x125xi32, #tpu.memory_space<hbm>>
        tpu.wait_dma2 semaphore(%run_scoped3A_94 : memref<!tpu.dma_semaphore, #tpu.memory_space<semaphore_mem>>) src(%dma_wait3A_108 : memref<20x125xi32, #tpu.memory_space<hbm>>) dst(%arg10 : memref<20x125xi32, #tpu.memory_space<vmem>>)
        tpu.yield
      }) : () -> ()
      %scan3A = arith.constant 0 : i32
      %scan3A_60 = arith.constant 0 : i32
      %scan3A_61 = arith.constant 20 : i32
      %scan3A_62 = arith.addi %scan3A_60, %scan3A_61 : i32
      %scan3A_63 = arith.constant 1 : i32
      scf.for %scan3A_94 = %scan3A_60 to %scan3A_62 step %scan3A_63  : i32 {
        %dma_start3A = arith.constant 0 : i32
        %dma_start3A_95 = tpu.memref_slice %arg10[%scan3A_94, %dma_start3A] : memref<20x125xi32, #tpu.memory_space<vmem>> -> memref<1x125xi32, #tpu.memory_space<vmem>>
        %dma_start3A_96 = tpu.memref_squeeze %dma_start3A_95 : memref<1x125xi32, #tpu.memory_space<vmem>> -> memref<125xi32, #tpu.memory_space<vmem>>
        %dma_start3A_97 = arith.constant 0 : i32
        %dma_start3A_98 = arith.constant 0 : i32
        %dma_start3A_99 = tpu.memref_slice %arg13[%dma_start3A_97, %dma_start3A_98] : memref<10000x128xf32, #tpu.memory_space<vmem_shared>> -> memref<10000x128xf32, #tpu.memory_space<vmem_shared>>
        tpu.enqueue_indirect_dma source(%arg11 : memref<125x128xf32, #tpu.memory_space<vmem>>) target(%dma_start3A_99 : memref<10000x128xf32, #tpu.memory_space<vmem_shared>>) offsets(%dma_start3A_96 : memref<125xi32, #tpu.memory_space<vmem>>) semaphore(%arg16 : memref<!tpu.dma_semaphore, #tpu.memory_space<semaphore_mem>>) {add = true}
      }
      %scan3A_64 = arith.constant 20 : i32
      %scan3A_65 = arith.constant 0 : i32
      %scan3A_66 = arith.constant 0 : i32
      %scan3A_67 = arith.constant 20 : i32
      %scan3A_68 = arith.addi %scan3A_66, %scan3A_67 : i32
      %scan3A_69 = arith.constant 1 : i32
      scf.for %scan3A_94 = %scan3A_66 to %scan3A_68 step %scan3A_69  : i32 {
        %dma_wait3A = arith.constant 0 : i32
        %dma_wait3A_95 = arith.constant 0 : i32
        %dma_wait3A_96 = tpu.memref_slice %arg10[%dma_wait3A, %dma_wait3A_95] : memref<20x125xi32, #tpu.memory_space<vmem>> -> memref<1x125xi32, #tpu.memory_space<vmem>>
        %dma_wait3A_97 = tpu.memref_squeeze %dma_wait3A_96 : memref<1x125xi32, #tpu.memory_space<vmem>> -> memref<125xi32, #tpu.memory_space<vmem>>
        %dma_wait3A_98 = arith.constant 0 : i32
        %dma_wait3A_99 = arith.constant 0 : i32
        %dma_wait3A_100 = tpu.memref_slice %arg13[%dma_wait3A_98, %dma_wait3A_99] : memref<10000x128xf32, #tpu.memory_space<vmem_shared>> -> memref<10000x128xf32, #tpu.memory_space<vmem_shared>>
        tpu.wait_indirect_dma semaphore(%arg16 : memref<!tpu.dma_semaphore, #tpu.memory_space<semaphore_mem>>) src(%arg11 : memref<125x128xf32, #tpu.memory_space<vmem>>) dst(%dma_wait3A_100 : memref<10000x128xf32, #tpu.memory_space<vmem_shared>>)
      }
      %scan3A_70 = arith.constant 20 : i32
      %run_scoped3A_71 = arith.constant 3 : i32
      %run_scoped3A_72 = arith.constant 1 : i32
      "tpu.region"() ({
        %run_scoped3A_94 = tpu.sem_alloc : memref<!tpu.dma_semaphore, #tpu.memory_space<semaphore_mem>>
        %dma_start3A = arith.constant 0 : i32
        %dma_start3A_95 = arith.constant 0 : i32
        %dma_start3A_96 = tpu.memref_slice %arg4[%run_scoped3A_71, %run_scoped3A_72, %arg1, %dma_start3A, %dma_start3A_95] : memref<4x2x16x20x125xi32, #tpu.memory_space<hbm>> -> memref<1x1x1x20x125xi32, #tpu.memory_space<hbm>>
        %dma_start3A_97 = tpu.memref_squeeze %dma_start3A_96 : memref<1x1x1x20x125xi32, #tpu.memory_space<hbm>> -> memref<20x125xi32, #tpu.memory_space<hbm>>
        %dma_start3A_98 = arith.constant 0 : i32
        %dma_start3A_99 = arith.constant 0 : i32
        %dma_start3A_100 = tpu.memref_slice %arg4[%run_scoped3A_71, %run_scoped3A_72, %arg1, %dma_start3A_98, %dma_start3A_99] : memref<4x2x16x20x125xi32, #tpu.memory_space<hbm>> -> memref<1x1x1x20x125xi32, #tpu.memory_space<hbm>>
        %dma_start3A_101 = tpu.memref_squeeze %dma_start3A_100 : memref<1x1x1x20x125xi32, #tpu.memory_space<hbm>> -> memref<20x125xi32, #tpu.memory_space<hbm>>
        tpu.enqueue_dma source(%dma_start3A_101 : memref<20x125xi32, #tpu.memory_space<hbm>>) target(%arg10 : memref<20x125xi32, #tpu.memory_space<vmem>>) target_semaphore(%run_scoped3A_94 : memref<!tpu.dma_semaphore, #tpu.memory_space<semaphore_mem>>)
        %dma_wait3A = arith.constant 0 : i32
        %dma_wait3A_102 = arith.constant 0 : i32
        %dma_wait3A_103 = tpu.memref_slice %arg4[%run_scoped3A_71, %run_scoped3A_72, %arg1, %dma_wait3A, %dma_wait3A_102] : memref<4x2x16x20x125xi32, #tpu.memory_space<hbm>> -> memref<1x1x1x20x125xi32, #tpu.memory_space<hbm>>
        %dma_wait3A_104 = tpu.memref_squeeze %dma_wait3A_103 : memref<1x1x1x20x125xi32, #tpu.memory_space<hbm>> -> memref<20x125xi32, #tpu.memory_space<hbm>>
        %dma_wait3A_105 = arith.constant 0 : i32
        %dma_wait3A_106 = arith.constant 0 : i32
        %dma_wait3A_107 = tpu.memref_slice %arg4[%run_scoped3A_71, %run_scoped3A_72, %arg1, %dma_wait3A_105, %dma_wait3A_106] : memref<4x2x16x20x125xi32, #tpu.memory_space<hbm>> -> memref<1x1x1x20x125xi32, #tpu.memory_space<hbm>>
        %dma_wait3A_108 = tpu.memref_squeeze %dma_wait3A_107 : memref<1x1x1x20x125xi32, #tpu.memory_space<hbm>> -> memref<20x125xi32, #tpu.memory_space<hbm>>
        tpu.wait_dma2 semaphore(%run_scoped3A_94 : memref<!tpu.dma_semaphore, #tpu.memory_space<semaphore_mem>>) src(%dma_wait3A_108 : memref<20x125xi32, #tpu.memory_space<hbm>>) dst(%arg10 : memref<20x125xi32, #tpu.memory_space<vmem>>)
        tpu.yield
      }) : () -> ()
      %scan3A_73 = arith.constant 0 : i32
      %scan3A_74 = arith.constant 0 : i32
      %scan3A_75 = arith.constant 20 : i32
      %scan3A_76 = arith.addi %scan3A_74, %scan3A_75 : i32
      %scan3A_77 = arith.constant 1 : i32
      scf.for %scan3A_94 = %scan3A_74 to %scan3A_76 step %scan3A_77  : i32 {
        %dma_start3A = arith.constant 0 : i32
        %dma_start3A_95 = tpu.memref_slice %arg10[%scan3A_94, %dma_start3A] : memref<20x125xi32, #tpu.memory_space<vmem>> -> memref<1x125xi32, #tpu.memory_space<vmem>>
        %dma_start3A_96 = tpu.memref_squeeze %dma_start3A_95 : memref<1x125xi32, #tpu.memory_space<vmem>> -> memref<125xi32, #tpu.memory_space<vmem>>
        %dma_start3A_97 = arith.constant 0 : i32
        %dma_start3A_98 = arith.constant 0 : i32
        %dma_start3A_99 = tpu.memref_slice %arg13[%dma_start3A_97, %dma_start3A_98] : memref<10000x128xf32, #tpu.memory_space<vmem_shared>> -> memref<10000x128xf32, #tpu.memory_space<vmem_shared>>
        tpu.enqueue_indirect_dma source(%arg12 : memref<125x128xf32, #tpu.memory_space<vmem>>) target(%dma_start3A_99 : memref<10000x128xf32, #tpu.memory_space<vmem_shared>>) offsets(%dma_start3A_96 : memref<125xi32, #tpu.memory_space<vmem>>) semaphore(%arg16 : memref<!tpu.dma_semaphore, #tpu.memory_space<semaphore_mem>>) {add = true}
      }
      %scan3A_78 = arith.constant 20 : i32
      %scan3A_79 = arith.constant 0 : i32
      %scan3A_80 = arith.constant 0 : i32
      %scan3A_81 = arith.constant 20 : i32
      %scan3A_82 = arith.addi %scan3A_80, %scan3A_81 : i32
      %scan3A_83 = arith.constant 1 : i32
      scf.for %scan3A_94 = %scan3A_80 to %scan3A_82 step %scan3A_83  : i32 {
        %dma_wait3A = arith.constant 0 : i32
        %dma_wait3A_95 = arith.constant 0 : i32
        %dma_wait3A_96 = tpu.memref_slice %arg10[%dma_wait3A, %dma_wait3A_95] : memref<20x125xi32, #tpu.memory_space<vmem>> -> memref<1x125xi32, #tpu.memory_space<vmem>>
        %dma_wait3A_97 = tpu.memref_squeeze %dma_wait3A_96 : memref<1x125xi32, #tpu.memory_space<vmem>> -> memref<125xi32, #tpu.memory_space<vmem>>
        %dma_wait3A_98 = arith.constant 0 : i32
        %dma_wait3A_99 = arith.constant 0 : i32
        %dma_wait3A_100 = tpu.memref_slice %arg13[%dma_wait3A_98, %dma_wait3A_99] : memref<10000x128xf32, #tpu.memory_space<vmem_shared>> -> memref<10000x128xf32, #tpu.memory_space<vmem_shared>>
        tpu.wait_indirect_dma semaphore(%arg16 : memref<!tpu.dma_semaphore, #tpu.memory_space<semaphore_mem>>) src(%arg12 : memref<125x128xf32, #tpu.memory_space<vmem>>) dst(%dma_wait3A_100 : memref<10000x128xf32, #tpu.memory_space<vmem_shared>>)
      }
      %scan3A_84 = arith.constant 20 : i32
      %barrier3A_85 = arith.constant 0 : index
      tpu.barrier barrier_id(%barrier3A_85)
      %not3A_86 = arith.constant true
      %not3A_87 = arith.xori %eq3A_1, %not3A_86 : i1
      %convert_element_type3A_88 = arith.extui %not3A_87 : i1 to i32
      %cond3A_89 = arith.constant 0 : i32
      %cond3A_90 = arith.cmpi ne, %convert_element_type3A_88, %cond3A_89 : i32
      scf.if %cond3A_90 {
        %run_scoped3A_94 = arith.constant 1 : i32
        "tpu.region"() ({
          %run_scoped3A_95 = tpu.sem_alloc : memref<!tpu.dma_semaphore, #tpu.memory_space<semaphore_mem>>
          %dma_start3A = arith.constant 0 : i32
          %dma_start3A_96 = tpu.memref_slice %arg8[%run_scoped3A_94, %multiple_of3A, %dma_start3A] : memref<2x10000x128xf32, #tpu.memory_space<hbm>> -> memref<1x624x128xf32, #tpu.memory_space<hbm>>
          %dma_start3A_97 = tpu.memref_squeeze %dma_start3A_96 : memref<1x624x128xf32, #tpu.memory_space<hbm>> -> memref<624x128xf32, #tpu.memory_space<hbm>>
          %dma_start3A_98 = arith.constant 0 : i32
          %dma_start3A_99 = tpu.memref_slice %arg13[%multiple_of3A, %dma_start3A_98] : memref<10000x128xf32, #tpu.memory_space<vmem_shared>> -> memref<624x128xf32, #tpu.memory_space<vmem_shared>>
          tpu.enqueue_dma source(%dma_start3A_99 : memref<624x128xf32, #tpu.memory_space<vmem_shared>>) target(%dma_start3A_97 : memref<624x128xf32, #tpu.memory_space<hbm>>) target_semaphore(%run_scoped3A_95 : memref<!tpu.dma_semaphore, #tpu.memory_space<semaphore_mem>>)
          %dma_wait3A = arith.constant 0 : i32
          %dma_wait3A_100 = tpu.memref_slice %arg8[%run_scoped3A_94, %multiple_of3A, %dma_wait3A] : memref<2x10000x128xf32, #tpu.memory_space<hbm>> -> memref<1x624x128xf32, #tpu.memory_space<hbm>>
          %dma_wait3A_101 = tpu.memref_squeeze %dma_wait3A_100 : memref<1x624x128xf32, #tpu.memory_space<hbm>> -> memref<624x128xf32, #tpu.memory_space<hbm>>
          %dma_wait3A_102 = arith.constant 0 : i32
          %dma_wait3A_103 = tpu.memref_slice %arg13[%multiple_of3A, %dma_wait3A_102] : memref<10000x128xf32, #tpu.memory_space<vmem_shared>> -> memref<624x128xf32, #tpu.memory_space<vmem_shared>>
          tpu.wait_dma2 semaphore(%run_scoped3A_95 : memref<!tpu.dma_semaphore, #tpu.memory_space<semaphore_mem>>) src(%dma_wait3A_103 : memref<624x128xf32, #tpu.memory_space<vmem_shared>>) dst(%dma_wait3A_101 : memref<624x128xf32, #tpu.memory_space<hbm>>)
          tpu.yield
        }) : () -> ()
      } else {
      }
      %convert_element_type3A_91 = arith.extui %eq3A_1 : i1 to i32
      %cond3A_92 = arith.constant 0 : i32
      %cond3A_93 = arith.cmpi ne, %convert_element_type3A_91, %cond3A_92 : i32
      scf.if %cond3A_93 {
        %run_scoped3A_94 = arith.constant 1 : i32
        "tpu.region"() ({
          %run_scoped3A_95 = tpu.sem_alloc : memref<!tpu.dma_semaphore, #tpu.memory_space<semaphore_mem>>
          %dma_start3A = arith.constant 0 : i32
          %dma_start3A_96 = tpu.memref_slice %arg8[%run_scoped3A_94, %multiple_of3A, %dma_start3A] : memref<2x10000x128xf32, #tpu.memory_space<hbm>> -> memref<1x640x128xf32, #tpu.memory_space<hbm>>
          %dma_start3A_97 = tpu.memref_squeeze %dma_start3A_96 : memref<1x640x128xf32, #tpu.memory_space<hbm>> -> memref<640x128xf32, #tpu.memory_space<hbm>>
          %dma_start3A_98 = arith.constant 0 : i32
          %dma_start3A_99 = tpu.memref_slice %arg13[%multiple_of3A, %dma_start3A_98] : memref<10000x128xf32, #tpu.memory_space<vmem_shared>> -> memref<640x128xf32, #tpu.memory_space<vmem_shared>>
          tpu.enqueue_dma source(%dma_start3A_99 : memref<640x128xf32, #tpu.memory_space<vmem_shared>>) target(%dma_start3A_97 : memref<640x128xf32, #tpu.memory_space<hbm>>) target_semaphore(%run_scoped3A_95 : memref<!tpu.dma_semaphore, #tpu.memory_space<semaphore_mem>>)
          %dma_wait3A = arith.constant 0 : i32
          %dma_wait3A_100 = tpu.memref_slice %arg8[%run_scoped3A_94, %multiple_of3A, %dma_wait3A] : memref<2x10000x128xf32, #tpu.memory_space<hbm>> -> memref<1x640x128xf32, #tpu.memory_space<hbm>>
          %dma_wait3A_101 = tpu.memref_squeeze %dma_wait3A_100 : memref<1x640x128xf32, #tpu.memory_space<hbm>> -> memref<640x128xf32, #tpu.memory_space<hbm>>
          %dma_wait3A_102 = arith.constant 0 : i32
          %dma_wait3A_103 = tpu.memref_slice %arg13[%multiple_of3A, %dma_wait3A_102] : memref<10000x128xf32, #tpu.memory_space<vmem_shared>> -> memref<640x128xf32, #tpu.memory_space<vmem_shared>>
          tpu.wait_dma2 semaphore(%run_scoped3A_95 : memref<!tpu.dma_semaphore, #tpu.memory_space<semaphore_mem>>) src(%dma_wait3A_103 : memref<640x128xf32, #tpu.memory_space<vmem_shared>>) dst(%dma_wait3A_101 : memref<640x128xf32, #tpu.memory_space<hbm>>)
          tpu.yield
        }) : () -> ()
      } else {
      }
    } else {
    }
    return
  }
}

module attributes {stable_mosaic.version = 14 : i64} {
  func.func @_tc_body(%arg0: i32, %arg1: memref<1000x256xf32, #tpu.memory_space<vmem>>, %arg2: memref<4x1000x256xf32, #tpu.memory_space<vmem>>, %arg3: memref<2x1000x128xf32, #tpu.memory_space<vmem>>, %arg4: memref<4x256x256xf32, #tpu.memory_space<vmem>>, %arg5: memref<4x256xf32, #tpu.memory_space<vmem>>, %arg6: memref<1000x512xf32, #tpu.memory_space<vmem>>, %arg7: memref<4x4xf32, #tpu.memory_space<smem>>) attributes {dimension_semantics = [#tpu.dimension_semantics<arbitrary>], iteration_bounds = array<i64: 10>, scalar_prefetch = 0 : i64, scratch_operands = 0 : i64, tpu.core_type = #tpu.core_type<tc>, window_params = [{transform_indices = @transform_0, window_bounds = array<i64: 1000, 256>}, {transform_indices = @transform_1, window_bounds = array<i64: 4, 1000, 256>}, {transform_indices = @transform_2, window_bounds = array<i64: 2, 1000, 128>}, {pipeline_mode = #tpu.pipeline_mode<synchronous>, transform_indices = @transform_3, window_bounds = array<i64: 4, 256, 256>}, {pipeline_mode = #tpu.pipeline_mode<synchronous>, transform_indices = @transform_4, window_bounds = array<i64: 4, 256>}, {transform_indices = @transform_5, window_bounds = array<i64: 1000, 512>}, {transform_indices = @transform_6, window_bounds = array<i64: 4, 4>}]} {
    %get3A = arith.constant 0 : index
    %get3A_0 = arith.constant 0 : index
    %get3A_1 = vector.load %arg1[%get3A, %get3A_0] : memref<1000x256xf32, #tpu.memory_space<vmem>>, vector<1000x256xf32>
    %get3A_2 = arith.constant 0 : index
    %get3A_3 = arith.constant 0 : index
    %get3A_4 = arith.constant 0 : index
    %get3A_5 = vector.load %arg3[%get3A_2, %get3A_3, %get3A_4] : memref<2x1000x128xf32, #tpu.memory_space<vmem>>, vector<1x1000x1xf32>
    %get3A_6 = vector.shape_cast %get3A_5 : vector<1x1000x1xf32> to vector<1000x1xf32>
    %max3A = arith.constant 1.000000e+00 : f32
    %max3A_7 = vector.broadcast %max3A : f32 to vector<1000x1xf32>
    %max3A_8 = arith.maximumf %get3A_6, %max3A_7 : vector<1000x1xf32>
    %get3A_9 = arith.constant 0 : index
    %get3A_10 = arith.constant 0 : index
    %get3A_11 = arith.constant 0 : index
    %get3A_12 = vector.load %arg2[%get3A_9, %get3A_10, %get3A_11] : memref<4x1000x256xf32, #tpu.memory_space<vmem>>, vector<1x1000x256xf32>
    %get3A_13 = vector.shape_cast %get3A_12 : vector<1x1000x256xf32> to vector<1000x256xf32>
    %div3A = vector.broadcast %max3A_8 : vector<1000x1xf32> to vector<1000x256xf32>
    %div3A_14 = arith.divf %get3A_13, %div3A : vector<1000x256xf32>
    %get3A_15 = arith.constant 0 : index
    %get3A_16 = arith.constant 0 : index
    %get3A_17 = arith.constant 0 : index
    %get3A_18 = vector.load %arg4[%get3A_15, %get3A_16, %get3A_17] : memref<4x256x256xf32, #tpu.memory_space<vmem>>, vector<1x256x256xf32>
    %get3A_19 = vector.shape_cast %get3A_18 : vector<1x256x256xf32> to vector<256x256xf32>
    %dot_general3A = arith.constant dense<0.000000e+00> : vector<1000x256xf32>
    %dot_general3A_20 = tpu.matmul %div3A_14, %get3A_19, %dot_general3A {dimension_numbers = #tpu.dot_dimension_numbers<[1], [0], [0], [1], [0, 0, 1, 1], [], []>, transpose_lhs_hint = false} : vector<1000x256xf32>, vector<256x256xf32>, vector<1000x256xf32> -> vector<1000x256xf32>
    %get3A_21 = arith.constant 0 : index
    %get3A_22 = arith.constant 0 : index
    %get3A_23 = vector.load %arg5[%get3A_21, %get3A_22] : memref<4x256xf32, #tpu.memory_space<vmem>>, vector<1x256xf32>
    %get3A_24 = vector.shape_cast %get3A_23 : vector<1x256xf32> to vector<256xf32>
    %broadcast_in_dim3A = vector.shape_cast %get3A_24 : vector<256xf32> to vector<1x256xf32>
    %add3A = vector.broadcast %broadcast_in_dim3A : vector<1x256xf32> to vector<1000x256xf32>
    %add3A_25 = arith.addf %dot_general3A_20, %add3A : vector<1000x256xf32>
    %get3A_26 = arith.constant 0 : index
    %get3A_27 = arith.constant 0 : index
    %get3A_28 = arith.constant 64 : index
    %get3A_29 = vector.load %arg3[%get3A_26, %get3A_27, %get3A_28] : memref<2x1000x128xf32, #tpu.memory_space<vmem>>, vector<1x1000x1xf32>
    %get3A_30 = vector.shape_cast %get3A_29 : vector<1x1000x1xf32> to vector<1000x1xf32>
    %max3A_31 = arith.constant 1.000000e+00 : f32
    %max3A_32 = vector.broadcast %max3A_31 : f32 to vector<1000x1xf32>
    %max3A_33 = arith.maximumf %get3A_30, %max3A_32 : vector<1000x1xf32>
    %get3A_34 = arith.constant 1 : index
    %get3A_35 = arith.constant 0 : index
    %get3A_36 = arith.constant 0 : index
    %get3A_37 = vector.load %arg2[%get3A_34, %get3A_35, %get3A_36] : memref<4x1000x256xf32, #tpu.memory_space<vmem>>, vector<1x1000x256xf32>
    %get3A_38 = vector.shape_cast %get3A_37 : vector<1x1000x256xf32> to vector<1000x256xf32>
    %div3A_39 = vector.broadcast %max3A_33 : vector<1000x1xf32> to vector<1000x256xf32>
    %div3A_40 = arith.divf %get3A_38, %div3A_39 : vector<1000x256xf32>
    %get3A_41 = arith.constant 1 : index
    %get3A_42 = arith.constant 0 : index
    %get3A_43 = arith.constant 0 : index
    %get3A_44 = vector.load %arg4[%get3A_41, %get3A_42, %get3A_43] : memref<4x256x256xf32, #tpu.memory_space<vmem>>, vector<1x256x256xf32>
    %get3A_45 = vector.shape_cast %get3A_44 : vector<1x256x256xf32> to vector<256x256xf32>
    %dot_general3A_46 = arith.constant dense<0.000000e+00> : vector<1000x256xf32>
    %dot_general3A_47 = tpu.matmul %div3A_40, %get3A_45, %dot_general3A_46 {dimension_numbers = #tpu.dot_dimension_numbers<[1], [0], [0], [1], [0, 0, 1, 1], [], []>, transpose_lhs_hint = false} : vector<1000x256xf32>, vector<256x256xf32>, vector<1000x256xf32> -> vector<1000x256xf32>
    %get3A_48 = arith.constant 1 : index
    %get3A_49 = arith.constant 0 : index
    %get3A_50 = vector.load %arg5[%get3A_48, %get3A_49] : memref<4x256xf32, #tpu.memory_space<vmem>>, vector<1x256xf32>
    %get3A_51 = vector.shape_cast %get3A_50 : vector<1x256xf32> to vector<256xf32>
    %broadcast_in_dim3A_52 = vector.shape_cast %get3A_51 : vector<256xf32> to vector<1x256xf32>
    %add3A_53 = vector.broadcast %broadcast_in_dim3A_52 : vector<1x256xf32> to vector<1000x256xf32>
    %add3A_54 = arith.addf %dot_general3A_47, %add3A_53 : vector<1000x256xf32>
    %get3A_55 = arith.constant 1 : index
    %get3A_56 = arith.constant 0 : index
    %get3A_57 = arith.constant 0 : index
    %get3A_58 = vector.load %arg3[%get3A_55, %get3A_56, %get3A_57] : memref<2x1000x128xf32, #tpu.memory_space<vmem>>, vector<1x1000x1xf32>
    %get3A_59 = vector.shape_cast %get3A_58 : vector<1x1000x1xf32> to vector<1000x1xf32>
    %max3A_60 = arith.constant 1.000000e+00 : f32
    %max3A_61 = vector.broadcast %max3A_60 : f32 to vector<1000x1xf32>
    %max3A_62 = arith.maximumf %get3A_59, %max3A_61 : vector<1000x1xf32>
    %get3A_63 = arith.constant 2 : index
    %get3A_64 = arith.constant 0 : index
    %get3A_65 = arith.constant 0 : index
    %get3A_66 = vector.load %arg2[%get3A_63, %get3A_64, %get3A_65] : memref<4x1000x256xf32, #tpu.memory_space<vmem>>, vector<1x1000x256xf32>
    %get3A_67 = vector.shape_cast %get3A_66 : vector<1x1000x256xf32> to vector<1000x256xf32>
    %div3A_68 = vector.broadcast %max3A_62 : vector<1000x1xf32> to vector<1000x256xf32>
    %div3A_69 = arith.divf %get3A_67, %div3A_68 : vector<1000x256xf32>
    %get3A_70 = arith.constant 2 : index
    %get3A_71 = arith.constant 0 : index
    %get3A_72 = arith.constant 0 : index
    %get3A_73 = vector.load %arg4[%get3A_70, %get3A_71, %get3A_72] : memref<4x256x256xf32, #tpu.memory_space<vmem>>, vector<1x256x256xf32>
    %get3A_74 = vector.shape_cast %get3A_73 : vector<1x256x256xf32> to vector<256x256xf32>
    %dot_general3A_75 = arith.constant dense<0.000000e+00> : vector<1000x256xf32>
    %dot_general3A_76 = tpu.matmul %div3A_69, %get3A_74, %dot_general3A_75 {dimension_numbers = #tpu.dot_dimension_numbers<[1], [0], [0], [1], [0, 0, 1, 1], [], []>, transpose_lhs_hint = false} : vector<1000x256xf32>, vector<256x256xf32>, vector<1000x256xf32> -> vector<1000x256xf32>
    %get3A_77 = arith.constant 2 : index
    %get3A_78 = arith.constant 0 : index
    %get3A_79 = vector.load %arg5[%get3A_77, %get3A_78] : memref<4x256xf32, #tpu.memory_space<vmem>>, vector<1x256xf32>
    %get3A_80 = vector.shape_cast %get3A_79 : vector<1x256xf32> to vector<256xf32>
    %broadcast_in_dim3A_81 = vector.shape_cast %get3A_80 : vector<256xf32> to vector<1x256xf32>
    %add3A_82 = vector.broadcast %broadcast_in_dim3A_81 : vector<1x256xf32> to vector<1000x256xf32>
    %add3A_83 = arith.addf %dot_general3A_76, %add3A_82 : vector<1000x256xf32>
    %get3A_84 = arith.constant 1 : index
    %get3A_85 = arith.constant 0 : index
    %get3A_86 = arith.constant 64 : index
    %get3A_87 = vector.load %arg3[%get3A_84, %get3A_85, %get3A_86] : memref<2x1000x128xf32, #tpu.memory_space<vmem>>, vector<1x1000x1xf32>
    %get3A_88 = vector.shape_cast %get3A_87 : vector<1x1000x1xf32> to vector<1000x1xf32>
    %max3A_89 = arith.constant 1.000000e+00 : f32
    %max3A_90 = vector.broadcast %max3A_89 : f32 to vector<1000x1xf32>
    %max3A_91 = arith.maximumf %get3A_88, %max3A_90 : vector<1000x1xf32>
    %get3A_92 = arith.constant 3 : index
    %get3A_93 = arith.constant 0 : index
    %get3A_94 = arith.constant 0 : index
    %get3A_95 = vector.load %arg2[%get3A_92, %get3A_93, %get3A_94] : memref<4x1000x256xf32, #tpu.memory_space<vmem>>, vector<1x1000x256xf32>
    %get3A_96 = vector.shape_cast %get3A_95 : vector<1x1000x256xf32> to vector<1000x256xf32>
    %div3A_97 = vector.broadcast %max3A_91 : vector<1000x1xf32> to vector<1000x256xf32>
    %div3A_98 = arith.divf %get3A_96, %div3A_97 : vector<1000x256xf32>
    %get3A_99 = arith.constant 3 : index
    %get3A_100 = arith.constant 0 : index
    %get3A_101 = arith.constant 0 : index
    %get3A_102 = vector.load %arg4[%get3A_99, %get3A_100, %get3A_101] : memref<4x256x256xf32, #tpu.memory_space<vmem>>, vector<1x256x256xf32>
    %get3A_103 = vector.shape_cast %get3A_102 : vector<1x256x256xf32> to vector<256x256xf32>
    %dot_general3A_104 = arith.constant dense<0.000000e+00> : vector<1000x256xf32>
    %dot_general3A_105 = tpu.matmul %div3A_98, %get3A_103, %dot_general3A_104 {dimension_numbers = #tpu.dot_dimension_numbers<[1], [0], [0], [1], [0, 0, 1, 1], [], []>, transpose_lhs_hint = false} : vector<1000x256xf32>, vector<256x256xf32>, vector<1000x256xf32> -> vector<1000x256xf32>
    %get3A_106 = arith.constant 3 : index
    %get3A_107 = arith.constant 0 : index
    %get3A_108 = vector.load %arg5[%get3A_106, %get3A_107] : memref<4x256xf32, #tpu.memory_space<vmem>>, vector<1x256xf32>
    %get3A_109 = vector.shape_cast %get3A_108 : vector<1x256xf32> to vector<256xf32>
    %broadcast_in_dim3A_110 = vector.shape_cast %get3A_109 : vector<256xf32> to vector<1x256xf32>
    %add3A_111 = vector.broadcast %broadcast_in_dim3A_110 : vector<1x256xf32> to vector<1000x256xf32>
    %add3A_112 = arith.addf %dot_general3A_105, %add3A_111 : vector<1000x256xf32>
    %mul3A = arith.mulf %add3A_25, %add3A_25 : vector<1000x256xf32>
    %reduce_sum3A = arith.constant dense<0.000000e+00> : vector<1000xf32>
    %reduce_sum3A_113 = vector.multi_reduction <add>, %mul3A, %reduce_sum3A [1] : vector<1000x256xf32> to vector<1000xf32>
    %broadcast_in_dim3A_114 = vector.shape_cast %reduce_sum3A_113 : vector<1000xf32> to vector<1000x1xf32>
    %mul3A_115 = arith.constant 6.250000e-02 : f32
    %mul3A_116 = vector.broadcast %mul3A_115 : f32 to vector<1000x1xf32>
    %mul3A_117 = arith.mulf %broadcast_in_dim3A_114, %mul3A_116 : vector<1000x1xf32>
    %mul3A_118 = arith.mulf %add3A_25, %add3A_54 : vector<1000x256xf32>
    %reduce_sum3A_119 = arith.constant dense<0.000000e+00> : vector<1000xf32>
    %reduce_sum3A_120 = vector.multi_reduction <add>, %mul3A_118, %reduce_sum3A_119 [1] : vector<1000x256xf32> to vector<1000xf32>
    %broadcast_in_dim3A_121 = vector.shape_cast %reduce_sum3A_120 : vector<1000xf32> to vector<1000x1xf32>
    %mul3A_122 = arith.constant 6.250000e-02 : f32
    %mul3A_123 = vector.broadcast %mul3A_122 : f32 to vector<1000x1xf32>
    %mul3A_124 = arith.mulf %broadcast_in_dim3A_121, %mul3A_123 : vector<1000x1xf32>
    %mul3A_125 = arith.mulf %add3A_25, %add3A_83 : vector<1000x256xf32>
    %reduce_sum3A_126 = arith.constant dense<0.000000e+00> : vector<1000xf32>
    %reduce_sum3A_127 = vector.multi_reduction <add>, %mul3A_125, %reduce_sum3A_126 [1] : vector<1000x256xf32> to vector<1000xf32>
    %broadcast_in_dim3A_128 = vector.shape_cast %reduce_sum3A_127 : vector<1000xf32> to vector<1000x1xf32>
    %mul3A_129 = arith.constant 6.250000e-02 : f32
    %mul3A_130 = vector.broadcast %mul3A_129 : f32 to vector<1000x1xf32>
    %mul3A_131 = arith.mulf %broadcast_in_dim3A_128, %mul3A_130 : vector<1000x1xf32>
    %mul3A_132 = arith.mulf %add3A_25, %add3A_112 : vector<1000x256xf32>
    %reduce_sum3A_133 = arith.constant dense<0.000000e+00> : vector<1000xf32>
    %reduce_sum3A_134 = vector.multi_reduction <add>, %mul3A_132, %reduce_sum3A_133 [1] : vector<1000x256xf32> to vector<1000xf32>
    %broadcast_in_dim3A_135 = vector.shape_cast %reduce_sum3A_134 : vector<1000xf32> to vector<1000x1xf32>
    %mul3A_136 = arith.constant 6.250000e-02 : f32
    %mul3A_137 = vector.broadcast %mul3A_136 : f32 to vector<1000x1xf32>
    %mul3A_138 = arith.mulf %broadcast_in_dim3A_135, %mul3A_137 : vector<1000x1xf32>
    %mul3A_139 = arith.mulf %add3A_54, %add3A_54 : vector<1000x256xf32>
    %reduce_sum3A_140 = arith.constant dense<0.000000e+00> : vector<1000xf32>
    %reduce_sum3A_141 = vector.multi_reduction <add>, %mul3A_139, %reduce_sum3A_140 [1] : vector<1000x256xf32> to vector<1000xf32>
    %broadcast_in_dim3A_142 = vector.shape_cast %reduce_sum3A_141 : vector<1000xf32> to vector<1000x1xf32>
    %mul3A_143 = arith.constant 6.250000e-02 : f32
    %mul3A_144 = vector.broadcast %mul3A_143 : f32 to vector<1000x1xf32>
    %mul3A_145 = arith.mulf %broadcast_in_dim3A_142, %mul3A_144 : vector<1000x1xf32>
    %mul3A_146 = arith.mulf %add3A_54, %add3A_83 : vector<1000x256xf32>
    %reduce_sum3A_147 = arith.constant dense<0.000000e+00> : vector<1000xf32>
    %reduce_sum3A_148 = vector.multi_reduction <add>, %mul3A_146, %reduce_sum3A_147 [1] : vector<1000x256xf32> to vector<1000xf32>
    %broadcast_in_dim3A_149 = vector.shape_cast %reduce_sum3A_148 : vector<1000xf32> to vector<1000x1xf32>
    %mul3A_150 = arith.constant 6.250000e-02 : f32
    %mul3A_151 = vector.broadcast %mul3A_150 : f32 to vector<1000x1xf32>
    %mul3A_152 = arith.mulf %broadcast_in_dim3A_149, %mul3A_151 : vector<1000x1xf32>
    %mul3A_153 = arith.mulf %add3A_54, %add3A_112 : vector<1000x256xf32>
    %reduce_sum3A_154 = arith.constant dense<0.000000e+00> : vector<1000xf32>
    %reduce_sum3A_155 = vector.multi_reduction <add>, %mul3A_153, %reduce_sum3A_154 [1] : vector<1000x256xf32> to vector<1000xf32>
    %broadcast_in_dim3A_156 = vector.shape_cast %reduce_sum3A_155 : vector<1000xf32> to vector<1000x1xf32>
    %mul3A_157 = arith.constant 6.250000e-02 : f32
    %mul3A_158 = vector.broadcast %mul3A_157 : f32 to vector<1000x1xf32>
    %mul3A_159 = arith.mulf %broadcast_in_dim3A_156, %mul3A_158 : vector<1000x1xf32>
    %mul3A_160 = arith.mulf %add3A_83, %add3A_83 : vector<1000x256xf32>
    %reduce_sum3A_161 = arith.constant dense<0.000000e+00> : vector<1000xf32>
    %reduce_sum3A_162 = vector.multi_reduction <add>, %mul3A_160, %reduce_sum3A_161 [1] : vector<1000x256xf32> to vector<1000xf32>
    %broadcast_in_dim3A_163 = vector.shape_cast %reduce_sum3A_162 : vector<1000xf32> to vector<1000x1xf32>
    %mul3A_164 = arith.constant 6.250000e-02 : f32
    %mul3A_165 = vector.broadcast %mul3A_164 : f32 to vector<1000x1xf32>
    %mul3A_166 = arith.mulf %broadcast_in_dim3A_163, %mul3A_165 : vector<1000x1xf32>
    %mul3A_167 = arith.mulf %add3A_83, %add3A_112 : vector<1000x256xf32>
    %reduce_sum3A_168 = arith.constant dense<0.000000e+00> : vector<1000xf32>
    %reduce_sum3A_169 = vector.multi_reduction <add>, %mul3A_167, %reduce_sum3A_168 [1] : vector<1000x256xf32> to vector<1000xf32>
    %broadcast_in_dim3A_170 = vector.shape_cast %reduce_sum3A_169 : vector<1000xf32> to vector<1000x1xf32>
    %mul3A_171 = arith.constant 6.250000e-02 : f32
    %mul3A_172 = vector.broadcast %mul3A_171 : f32 to vector<1000x1xf32>
    %mul3A_173 = arith.mulf %broadcast_in_dim3A_170, %mul3A_172 : vector<1000x1xf32>
    %mul3A_174 = arith.mulf %add3A_112, %add3A_112 : vector<1000x256xf32>
    %reduce_sum3A_175 = arith.constant dense<0.000000e+00> : vector<1000xf32>
    %reduce_sum3A_176 = vector.multi_reduction <add>, %mul3A_174, %reduce_sum3A_175 [1] : vector<1000x256xf32> to vector<1000xf32>
    %broadcast_in_dim3A_177 = vector.shape_cast %reduce_sum3A_176 : vector<1000xf32> to vector<1000x1xf32>
    %mul3A_178 = arith.constant 6.250000e-02 : f32
    %mul3A_179 = vector.broadcast %mul3A_178 : f32 to vector<1000x1xf32>
    %mul3A_180 = arith.mulf %broadcast_in_dim3A_177, %mul3A_179 : vector<1000x1xf32>
    %max3A_181 = arith.maximumf %mul3A_117, %mul3A_124 : vector<1000x1xf32>
    %max3A_182 = arith.maximumf %mul3A_131, %mul3A_138 : vector<1000x1xf32>
    %max3A_183 = arith.maximumf %max3A_181, %max3A_182 : vector<1000x1xf32>
    %sub3A = arith.subf %mul3A_117, %max3A_183 : vector<1000x1xf32>
    %exp3A = math.exp %sub3A : vector<1000x1xf32>
    %sub3A_184 = arith.subf %mul3A_124, %max3A_183 : vector<1000x1xf32>
    %exp3A_185 = math.exp %sub3A_184 : vector<1000x1xf32>
    %sub3A_186 = arith.subf %mul3A_131, %max3A_183 : vector<1000x1xf32>
    %exp3A_187 = math.exp %sub3A_186 : vector<1000x1xf32>
    %sub3A_188 = arith.subf %mul3A_138, %max3A_183 : vector<1000x1xf32>
    %exp3A_189 = math.exp %sub3A_188 : vector<1000x1xf32>
    %add3A_190 = arith.addf %exp3A, %exp3A_185 : vector<1000x1xf32>
    %add3A_191 = arith.addf %add3A_190, %exp3A_187 : vector<1000x1xf32>
    %add3A_192 = arith.addf %add3A_191, %exp3A_189 : vector<1000x1xf32>
    %div3A_193 = arith.divf %exp3A, %add3A_192 : vector<1000x1xf32>
    %div3A_194 = arith.divf %exp3A_185, %add3A_192 : vector<1000x1xf32>
    %div3A_195 = arith.divf %exp3A_187, %add3A_192 : vector<1000x1xf32>
    %div3A_196 = arith.divf %exp3A_189, %add3A_192 : vector<1000x1xf32>
    %max3A_197 = arith.maximumf %mul3A_124, %mul3A_145 : vector<1000x1xf32>
    %max3A_198 = arith.maximumf %mul3A_152, %mul3A_159 : vector<1000x1xf32>
    %max3A_199 = arith.maximumf %max3A_197, %max3A_198 : vector<1000x1xf32>
    %sub3A_200 = arith.subf %mul3A_124, %max3A_199 : vector<1000x1xf32>
    %exp3A_201 = math.exp %sub3A_200 : vector<1000x1xf32>
    %sub3A_202 = arith.subf %mul3A_145, %max3A_199 : vector<1000x1xf32>
    %exp3A_203 = math.exp %sub3A_202 : vector<1000x1xf32>
    %sub3A_204 = arith.subf %mul3A_152, %max3A_199 : vector<1000x1xf32>
    %exp3A_205 = math.exp %sub3A_204 : vector<1000x1xf32>
    %sub3A_206 = arith.subf %mul3A_159, %max3A_199 : vector<1000x1xf32>
    %exp3A_207 = math.exp %sub3A_206 : vector<1000x1xf32>
    %add3A_208 = arith.addf %exp3A_201, %exp3A_203 : vector<1000x1xf32>
    %add3A_209 = arith.addf %add3A_208, %exp3A_205 : vector<1000x1xf32>
    %add3A_210 = arith.addf %add3A_209, %exp3A_207 : vector<1000x1xf32>
    %div3A_211 = arith.divf %exp3A_201, %add3A_210 : vector<1000x1xf32>
    %div3A_212 = arith.divf %exp3A_203, %add3A_210 : vector<1000x1xf32>
    %div3A_213 = arith.divf %exp3A_205, %add3A_210 : vector<1000x1xf32>
    %div3A_214 = arith.divf %exp3A_207, %add3A_210 : vector<1000x1xf32>
    %max3A_215 = arith.maximumf %mul3A_131, %mul3A_152 : vector<1000x1xf32>
    %max3A_216 = arith.maximumf %mul3A_166, %mul3A_173 : vector<1000x1xf32>
    %max3A_217 = arith.maximumf %max3A_215, %max3A_216 : vector<1000x1xf32>
    %sub3A_218 = arith.subf %mul3A_131, %max3A_217 : vector<1000x1xf32>
    %exp3A_219 = math.exp %sub3A_218 : vector<1000x1xf32>
    %sub3A_220 = arith.subf %mul3A_152, %max3A_217 : vector<1000x1xf32>
    %exp3A_221 = math.exp %sub3A_220 : vector<1000x1xf32>
    %sub3A_222 = arith.subf %mul3A_166, %max3A_217 : vector<1000x1xf32>
    %exp3A_223 = math.exp %sub3A_222 : vector<1000x1xf32>
    %sub3A_224 = arith.subf %mul3A_173, %max3A_217 : vector<1000x1xf32>
    %exp3A_225 = math.exp %sub3A_224 : vector<1000x1xf32>
    %add3A_226 = arith.addf %exp3A_219, %exp3A_221 : vector<1000x1xf32>
    %add3A_227 = arith.addf %add3A_226, %exp3A_223 : vector<1000x1xf32>
    %add3A_228 = arith.addf %add3A_227, %exp3A_225 : vector<1000x1xf32>
    %div3A_229 = arith.divf %exp3A_219, %add3A_228 : vector<1000x1xf32>
    %div3A_230 = arith.divf %exp3A_221, %add3A_228 : vector<1000x1xf32>
    %div3A_231 = arith.divf %exp3A_223, %add3A_228 : vector<1000x1xf32>
    %div3A_232 = arith.divf %exp3A_225, %add3A_228 : vector<1000x1xf32>
    %max3A_233 = arith.maximumf %mul3A_138, %mul3A_159 : vector<1000x1xf32>
    %max3A_234 = arith.maximumf %mul3A_173, %mul3A_180 : vector<1000x1xf32>
    %max3A_235 = arith.maximumf %max3A_233, %max3A_234 : vector<1000x1xf32>
    %sub3A_236 = arith.subf %mul3A_138, %max3A_235 : vector<1000x1xf32>
    %exp3A_237 = math.exp %sub3A_236 : vector<1000x1xf32>
    %sub3A_238 = arith.subf %mul3A_159, %max3A_235 : vector<1000x1xf32>
    %exp3A_239 = math.exp %sub3A_238 : vector<1000x1xf32>
    %sub3A_240 = arith.subf %mul3A_173, %max3A_235 : vector<1000x1xf32>
    %exp3A_241 = math.exp %sub3A_240 : vector<1000x1xf32>
    %sub3A_242 = arith.subf %mul3A_180, %max3A_235 : vector<1000x1xf32>
    %exp3A_243 = math.exp %sub3A_242 : vector<1000x1xf32>
    %add3A_244 = arith.addf %exp3A_237, %exp3A_239 : vector<1000x1xf32>
    %add3A_245 = arith.addf %add3A_244, %exp3A_241 : vector<1000x1xf32>
    %add3A_246 = arith.addf %add3A_245, %exp3A_243 : vector<1000x1xf32>
    %div3A_247 = arith.divf %exp3A_237, %add3A_246 : vector<1000x1xf32>
    %div3A_248 = arith.divf %exp3A_239, %add3A_246 : vector<1000x1xf32>
    %div3A_249 = arith.divf %exp3A_241, %add3A_246 : vector<1000x1xf32>
    %div3A_250 = arith.divf %exp3A_243, %add3A_246 : vector<1000x1xf32>
    %eq3A = arith.constant 0 : i32
    %eq3A_251 = arith.cmpi eq, %arg0, %eq3A : i32
    %convert_element_type3A = arith.extui %eq3A_251 : i1 to i32
    %cond3A = arith.constant 0 : i32
    %cond3A_252 = arith.cmpi ne, %convert_element_type3A, %cond3A : i32
    scf.if %cond3A_252 {
      %swap3A_520 = arith.constant 0.000000e+00 : f32
      %swap3A_521 = arith.constant 0 : index
      %swap3A_522 = arith.constant 0 : index
      %swap3A_523 = memref.load %arg7[%swap3A_521, %swap3A_522] : memref<4x4xf32, #tpu.memory_space<smem>>
      memref.store %swap3A_520, %arg7[%swap3A_521, %swap3A_522] : memref<4x4xf32, #tpu.memory_space<smem>>
      %swap3A_524 = arith.constant 0.000000e+00 : f32
      %swap3A_525 = arith.constant 0 : index
      %swap3A_526 = arith.constant 1 : index
      %swap3A_527 = memref.load %arg7[%swap3A_525, %swap3A_526] : memref<4x4xf32, #tpu.memory_space<smem>>
      memref.store %swap3A_524, %arg7[%swap3A_525, %swap3A_526] : memref<4x4xf32, #tpu.memory_space<smem>>
      %swap3A_528 = arith.constant 0.000000e+00 : f32
      %swap3A_529 = arith.constant 0 : index
      %swap3A_530 = arith.constant 2 : index
      %swap3A_531 = memref.load %arg7[%swap3A_529, %swap3A_530] : memref<4x4xf32, #tpu.memory_space<smem>>
      memref.store %swap3A_528, %arg7[%swap3A_529, %swap3A_530] : memref<4x4xf32, #tpu.memory_space<smem>>
      %swap3A_532 = arith.constant 0.000000e+00 : f32
      %swap3A_533 = arith.constant 0 : index
      %swap3A_534 = arith.constant 3 : index
      %swap3A_535 = memref.load %arg7[%swap3A_533, %swap3A_534] : memref<4x4xf32, #tpu.memory_space<smem>>
      memref.store %swap3A_532, %arg7[%swap3A_533, %swap3A_534] : memref<4x4xf32, #tpu.memory_space<smem>>
      %swap3A_536 = arith.constant 0.000000e+00 : f32
      %swap3A_537 = arith.constant 1 : index
      %swap3A_538 = arith.constant 0 : index
      %swap3A_539 = memref.load %arg7[%swap3A_537, %swap3A_538] : memref<4x4xf32, #tpu.memory_space<smem>>
      memref.store %swap3A_536, %arg7[%swap3A_537, %swap3A_538] : memref<4x4xf32, #tpu.memory_space<smem>>
      %swap3A_540 = arith.constant 0.000000e+00 : f32
      %swap3A_541 = arith.constant 1 : index
      %swap3A_542 = arith.constant 1 : index
      %swap3A_543 = memref.load %arg7[%swap3A_541, %swap3A_542] : memref<4x4xf32, #tpu.memory_space<smem>>
      memref.store %swap3A_540, %arg7[%swap3A_541, %swap3A_542] : memref<4x4xf32, #tpu.memory_space<smem>>
      %swap3A_544 = arith.constant 0.000000e+00 : f32
      %swap3A_545 = arith.constant 1 : index
      %swap3A_546 = arith.constant 2 : index
      %swap3A_547 = memref.load %arg7[%swap3A_545, %swap3A_546] : memref<4x4xf32, #tpu.memory_space<smem>>
      memref.store %swap3A_544, %arg7[%swap3A_545, %swap3A_546] : memref<4x4xf32, #tpu.memory_space<smem>>
      %swap3A_548 = arith.constant 0.000000e+00 : f32
      %swap3A_549 = arith.constant 1 : index
      %swap3A_550 = arith.constant 3 : index
      %swap3A_551 = memref.load %arg7[%swap3A_549, %swap3A_550] : memref<4x4xf32, #tpu.memory_space<smem>>
      memref.store %swap3A_548, %arg7[%swap3A_549, %swap3A_550] : memref<4x4xf32, #tpu.memory_space<smem>>
      %swap3A_552 = arith.constant 0.000000e+00 : f32
      %swap3A_553 = arith.constant 2 : index
      %swap3A_554 = arith.constant 0 : index
      %swap3A_555 = memref.load %arg7[%swap3A_553, %swap3A_554] : memref<4x4xf32, #tpu.memory_space<smem>>
      memref.store %swap3A_552, %arg7[%swap3A_553, %swap3A_554] : memref<4x4xf32, #tpu.memory_space<smem>>
      %swap3A_556 = arith.constant 0.000000e+00 : f32
      %swap3A_557 = arith.constant 2 : index
      %swap3A_558 = arith.constant 1 : index
      %swap3A_559 = memref.load %arg7[%swap3A_557, %swap3A_558] : memref<4x4xf32, #tpu.memory_space<smem>>
      memref.store %swap3A_556, %arg7[%swap3A_557, %swap3A_558] : memref<4x4xf32, #tpu.memory_space<smem>>
      %swap3A_560 = arith.constant 0.000000e+00 : f32
      %swap3A_561 = arith.constant 2 : index
      %swap3A_562 = arith.constant 2 : index
      %swap3A_563 = memref.load %arg7[%swap3A_561, %swap3A_562] : memref<4x4xf32, #tpu.memory_space<smem>>
      memref.store %swap3A_560, %arg7[%swap3A_561, %swap3A_562] : memref<4x4xf32, #tpu.memory_space<smem>>
      %swap3A_564 = arith.constant 0.000000e+00 : f32
      %swap3A_565 = arith.constant 2 : index
      %swap3A_566 = arith.constant 3 : index
      %swap3A_567 = memref.load %arg7[%swap3A_565, %swap3A_566] : memref<4x4xf32, #tpu.memory_space<smem>>
      memref.store %swap3A_564, %arg7[%swap3A_565, %swap3A_566] : memref<4x4xf32, #tpu.memory_space<smem>>
      %swap3A_568 = arith.constant 0.000000e+00 : f32
      %swap3A_569 = arith.constant 3 : index
      %swap3A_570 = arith.constant 0 : index
      %swap3A_571 = memref.load %arg7[%swap3A_569, %swap3A_570] : memref<4x4xf32, #tpu.memory_space<smem>>
      memref.store %swap3A_568, %arg7[%swap3A_569, %swap3A_570] : memref<4x4xf32, #tpu.memory_space<smem>>
      %swap3A_572 = arith.constant 0.000000e+00 : f32
      %swap3A_573 = arith.constant 3 : index
      %swap3A_574 = arith.constant 1 : index
      %swap3A_575 = memref.load %arg7[%swap3A_573, %swap3A_574] : memref<4x4xf32, #tpu.memory_space<smem>>
      memref.store %swap3A_572, %arg7[%swap3A_573, %swap3A_574] : memref<4x4xf32, #tpu.memory_space<smem>>
      %swap3A_576 = arith.constant 0.000000e+00 : f32
      %swap3A_577 = arith.constant 3 : index
      %swap3A_578 = arith.constant 2 : index
      %swap3A_579 = memref.load %arg7[%swap3A_577, %swap3A_578] : memref<4x4xf32, #tpu.memory_space<smem>>
      memref.store %swap3A_576, %arg7[%swap3A_577, %swap3A_578] : memref<4x4xf32, #tpu.memory_space<smem>>
      %swap3A_580 = arith.constant 0.000000e+00 : f32
      %swap3A_581 = arith.constant 3 : index
      %swap3A_582 = arith.constant 3 : index
      %swap3A_583 = memref.load %arg7[%swap3A_581, %swap3A_582] : memref<4x4xf32, #tpu.memory_space<smem>>
      memref.store %swap3A_580, %arg7[%swap3A_581, %swap3A_582] : memref<4x4xf32, #tpu.memory_space<smem>>
    } else {
    }
    %get3A_253 = arith.constant 0 : index
    %get3A_254 = arith.constant 0 : index
    %get3A_255 = memref.load %arg7[%get3A_253, %get3A_254] : memref<4x4xf32, #tpu.memory_space<smem>>
    %reduce_sum3A_256 = vector.shape_cast %div3A_193 : vector<1000x1xf32> to vector<1x1000x1xf32>
    %reduce_sum3A_257 = arith.constant dense<0.000000e+00> : vector<1xf32>
    %reduce_sum3A_258 = vector.multi_reduction <add>, %reduce_sum3A_256, %reduce_sum3A_257 [1, 2] : vector<1x1000x1xf32> to vector<1xf32>
    %reduce_sum3A_259 = vector.shape_cast %reduce_sum3A_258 : vector<1xf32> to vector<1x1x1xf32>
    %reduce_sum3A_260 = vector.extract %reduce_sum3A_259[0, 0, 0] : f32 from vector<1x1x1xf32>
    %div3A_261 = arith.constant 1.000000e+04 : f32
    %div3A_262 = arith.divf %reduce_sum3A_260, %div3A_261 : f32
    %add3A_263 = arith.addf %get3A_255, %div3A_262 : f32
    %swap3A = arith.constant 0 : index
    %swap3A_264 = arith.constant 0 : index
    %swap3A_265 = memref.load %arg7[%swap3A, %swap3A_264] : memref<4x4xf32, #tpu.memory_space<smem>>
    memref.store %add3A_263, %arg7[%swap3A, %swap3A_264] : memref<4x4xf32, #tpu.memory_space<smem>>
    %get3A_266 = arith.constant 0 : index
    %get3A_267 = arith.constant 1 : index
    %get3A_268 = memref.load %arg7[%get3A_266, %get3A_267] : memref<4x4xf32, #tpu.memory_space<smem>>
    %reduce_sum3A_269 = vector.shape_cast %div3A_194 : vector<1000x1xf32> to vector<1x1000x1xf32>
    %reduce_sum3A_270 = arith.constant dense<0.000000e+00> : vector<1xf32>
    %reduce_sum3A_271 = vector.multi_reduction <add>, %reduce_sum3A_269, %reduce_sum3A_270 [1, 2] : vector<1x1000x1xf32> to vector<1xf32>
    %reduce_sum3A_272 = vector.shape_cast %reduce_sum3A_271 : vector<1xf32> to vector<1x1x1xf32>
    %reduce_sum3A_273 = vector.extract %reduce_sum3A_272[0, 0, 0] : f32 from vector<1x1x1xf32>
    %div3A_274 = arith.constant 1.000000e+04 : f32
    %div3A_275 = arith.divf %reduce_sum3A_273, %div3A_274 : f32
    %add3A_276 = arith.addf %get3A_268, %div3A_275 : f32
    %swap3A_277 = arith.constant 0 : index
    %swap3A_278 = arith.constant 1 : index
    %swap3A_279 = memref.load %arg7[%swap3A_277, %swap3A_278] : memref<4x4xf32, #tpu.memory_space<smem>>
    memref.store %add3A_276, %arg7[%swap3A_277, %swap3A_278] : memref<4x4xf32, #tpu.memory_space<smem>>
    %get3A_280 = arith.constant 0 : index
    %get3A_281 = arith.constant 2 : index
    %get3A_282 = memref.load %arg7[%get3A_280, %get3A_281] : memref<4x4xf32, #tpu.memory_space<smem>>
    %reduce_sum3A_283 = vector.shape_cast %div3A_195 : vector<1000x1xf32> to vector<1x1000x1xf32>
    %reduce_sum3A_284 = arith.constant dense<0.000000e+00> : vector<1xf32>
    %reduce_sum3A_285 = vector.multi_reduction <add>, %reduce_sum3A_283, %reduce_sum3A_284 [1, 2] : vector<1x1000x1xf32> to vector<1xf32>
    %reduce_sum3A_286 = vector.shape_cast %reduce_sum3A_285 : vector<1xf32> to vector<1x1x1xf32>
    %reduce_sum3A_287 = vector.extract %reduce_sum3A_286[0, 0, 0] : f32 from vector<1x1x1xf32>
    %div3A_288 = arith.constant 1.000000e+04 : f32
    %div3A_289 = arith.divf %reduce_sum3A_287, %div3A_288 : f32
    %add3A_290 = arith.addf %get3A_282, %div3A_289 : f32
    %swap3A_291 = arith.constant 0 : index
    %swap3A_292 = arith.constant 2 : index
    %swap3A_293 = memref.load %arg7[%swap3A_291, %swap3A_292] : memref<4x4xf32, #tpu.memory_space<smem>>
    memref.store %add3A_290, %arg7[%swap3A_291, %swap3A_292] : memref<4x4xf32, #tpu.memory_space<smem>>
    %get3A_294 = arith.constant 0 : index
    %get3A_295 = arith.constant 3 : index
    %get3A_296 = memref.load %arg7[%get3A_294, %get3A_295] : memref<4x4xf32, #tpu.memory_space<smem>>
    %reduce_sum3A_297 = vector.shape_cast %div3A_196 : vector<1000x1xf32> to vector<1x1000x1xf32>
    %reduce_sum3A_298 = arith.constant dense<0.000000e+00> : vector<1xf32>
    %reduce_sum3A_299 = vector.multi_reduction <add>, %reduce_sum3A_297, %reduce_sum3A_298 [1, 2] : vector<1x1000x1xf32> to vector<1xf32>
    %reduce_sum3A_300 = vector.shape_cast %reduce_sum3A_299 : vector<1xf32> to vector<1x1x1xf32>
    %reduce_sum3A_301 = vector.extract %reduce_sum3A_300[0, 0, 0] : f32 from vector<1x1x1xf32>
    %div3A_302 = arith.constant 1.000000e+04 : f32
    %div3A_303 = arith.divf %reduce_sum3A_301, %div3A_302 : f32
    %add3A_304 = arith.addf %get3A_296, %div3A_303 : f32
    %swap3A_305 = arith.constant 0 : index
    %swap3A_306 = arith.constant 3 : index
    %swap3A_307 = memref.load %arg7[%swap3A_305, %swap3A_306] : memref<4x4xf32, #tpu.memory_space<smem>>
    memref.store %add3A_304, %arg7[%swap3A_305, %swap3A_306] : memref<4x4xf32, #tpu.memory_space<smem>>
    %get3A_308 = arith.constant 1 : index
    %get3A_309 = arith.constant 0 : index
    %get3A_310 = memref.load %arg7[%get3A_308, %get3A_309] : memref<4x4xf32, #tpu.memory_space<smem>>
    %reduce_sum3A_311 = vector.shape_cast %div3A_211 : vector<1000x1xf32> to vector<1x1000x1xf32>
    %reduce_sum3A_312 = arith.constant dense<0.000000e+00> : vector<1xf32>
    %reduce_sum3A_313 = vector.multi_reduction <add>, %reduce_sum3A_311, %reduce_sum3A_312 [1, 2] : vector<1x1000x1xf32> to vector<1xf32>
    %reduce_sum3A_314 = vector.shape_cast %reduce_sum3A_313 : vector<1xf32> to vector<1x1x1xf32>
    %reduce_sum3A_315 = vector.extract %reduce_sum3A_314[0, 0, 0] : f32 from vector<1x1x1xf32>
    %div3A_316 = arith.constant 1.000000e+04 : f32
    %div3A_317 = arith.divf %reduce_sum3A_315, %div3A_316 : f32
    %add3A_318 = arith.addf %get3A_310, %div3A_317 : f32
    %swap3A_319 = arith.constant 1 : index
    %swap3A_320 = arith.constant 0 : index
    %swap3A_321 = memref.load %arg7[%swap3A_319, %swap3A_320] : memref<4x4xf32, #tpu.memory_space<smem>>
    memref.store %add3A_318, %arg7[%swap3A_319, %swap3A_320] : memref<4x4xf32, #tpu.memory_space<smem>>
    %get3A_322 = arith.constant 1 : index
    %get3A_323 = arith.constant 1 : index
    %get3A_324 = memref.load %arg7[%get3A_322, %get3A_323] : memref<4x4xf32, #tpu.memory_space<smem>>
    %reduce_sum3A_325 = vector.shape_cast %div3A_212 : vector<1000x1xf32> to vector<1x1000x1xf32>
    %reduce_sum3A_326 = arith.constant dense<0.000000e+00> : vector<1xf32>
    %reduce_sum3A_327 = vector.multi_reduction <add>, %reduce_sum3A_325, %reduce_sum3A_326 [1, 2] : vector<1x1000x1xf32> to vector<1xf32>
    %reduce_sum3A_328 = vector.shape_cast %reduce_sum3A_327 : vector<1xf32> to vector<1x1x1xf32>
    %reduce_sum3A_329 = vector.extract %reduce_sum3A_328[0, 0, 0] : f32 from vector<1x1x1xf32>
    %div3A_330 = arith.constant 1.000000e+04 : f32
    %div3A_331 = arith.divf %reduce_sum3A_329, %div3A_330 : f32
    %add3A_332 = arith.addf %get3A_324, %div3A_331 : f32
    %swap3A_333 = arith.constant 1 : index
    %swap3A_334 = arith.constant 1 : index
    %swap3A_335 = memref.load %arg7[%swap3A_333, %swap3A_334] : memref<4x4xf32, #tpu.memory_space<smem>>
    memref.store %add3A_332, %arg7[%swap3A_333, %swap3A_334] : memref<4x4xf32, #tpu.memory_space<smem>>
    %get3A_336 = arith.constant 1 : index
    %get3A_337 = arith.constant 2 : index
    %get3A_338 = memref.load %arg7[%get3A_336, %get3A_337] : memref<4x4xf32, #tpu.memory_space<smem>>
    %reduce_sum3A_339 = vector.shape_cast %div3A_213 : vector<1000x1xf32> to vector<1x1000x1xf32>
    %reduce_sum3A_340 = arith.constant dense<0.000000e+00> : vector<1xf32>
    %reduce_sum3A_341 = vector.multi_reduction <add>, %reduce_sum3A_339, %reduce_sum3A_340 [1, 2] : vector<1x1000x1xf32> to vector<1xf32>
    %reduce_sum3A_342 = vector.shape_cast %reduce_sum3A_341 : vector<1xf32> to vector<1x1x1xf32>
    %reduce_sum3A_343 = vector.extract %reduce_sum3A_342[0, 0, 0] : f32 from vector<1x1x1xf32>
    %div3A_344 = arith.constant 1.000000e+04 : f32
    %div3A_345 = arith.divf %reduce_sum3A_343, %div3A_344 : f32
    %add3A_346 = arith.addf %get3A_338, %div3A_345 : f32
    %swap3A_347 = arith.constant 1 : index
    %swap3A_348 = arith.constant 2 : index
    %swap3A_349 = memref.load %arg7[%swap3A_347, %swap3A_348] : memref<4x4xf32, #tpu.memory_space<smem>>
    memref.store %add3A_346, %arg7[%swap3A_347, %swap3A_348] : memref<4x4xf32, #tpu.memory_space<smem>>
    %get3A_350 = arith.constant 1 : index
    %get3A_351 = arith.constant 3 : index
    %get3A_352 = memref.load %arg7[%get3A_350, %get3A_351] : memref<4x4xf32, #tpu.memory_space<smem>>
    %reduce_sum3A_353 = vector.shape_cast %div3A_214 : vector<1000x1xf32> to vector<1x1000x1xf32>
    %reduce_sum3A_354 = arith.constant dense<0.000000e+00> : vector<1xf32>
    %reduce_sum3A_355 = vector.multi_reduction <add>, %reduce_sum3A_353, %reduce_sum3A_354 [1, 2] : vector<1x1000x1xf32> to vector<1xf32>
    %reduce_sum3A_356 = vector.shape_cast %reduce_sum3A_355 : vector<1xf32> to vector<1x1x1xf32>
    %reduce_sum3A_357 = vector.extract %reduce_sum3A_356[0, 0, 0] : f32 from vector<1x1x1xf32>
    %div3A_358 = arith.constant 1.000000e+04 : f32
    %div3A_359 = arith.divf %reduce_sum3A_357, %div3A_358 : f32
    %add3A_360 = arith.addf %get3A_352, %div3A_359 : f32
    %swap3A_361 = arith.constant 1 : index
    %swap3A_362 = arith.constant 3 : index
    %swap3A_363 = memref.load %arg7[%swap3A_361, %swap3A_362] : memref<4x4xf32, #tpu.memory_space<smem>>
    memref.store %add3A_360, %arg7[%swap3A_361, %swap3A_362] : memref<4x4xf32, #tpu.memory_space<smem>>
    %get3A_364 = arith.constant 2 : index
    %get3A_365 = arith.constant 0 : index
    %get3A_366 = memref.load %arg7[%get3A_364, %get3A_365] : memref<4x4xf32, #tpu.memory_space<smem>>
    %reduce_sum3A_367 = vector.shape_cast %div3A_229 : vector<1000x1xf32> to vector<1x1000x1xf32>
    %reduce_sum3A_368 = arith.constant dense<0.000000e+00> : vector<1xf32>
    %reduce_sum3A_369 = vector.multi_reduction <add>, %reduce_sum3A_367, %reduce_sum3A_368 [1, 2] : vector<1x1000x1xf32> to vector<1xf32>
    %reduce_sum3A_370 = vector.shape_cast %reduce_sum3A_369 : vector<1xf32> to vector<1x1x1xf32>
    %reduce_sum3A_371 = vector.extract %reduce_sum3A_370[0, 0, 0] : f32 from vector<1x1x1xf32>
    %div3A_372 = arith.constant 1.000000e+04 : f32
    %div3A_373 = arith.divf %reduce_sum3A_371, %div3A_372 : f32
    %add3A_374 = arith.addf %get3A_366, %div3A_373 : f32
    %swap3A_375 = arith.constant 2 : index
    %swap3A_376 = arith.constant 0 : index
    %swap3A_377 = memref.load %arg7[%swap3A_375, %swap3A_376] : memref<4x4xf32, #tpu.memory_space<smem>>
    memref.store %add3A_374, %arg7[%swap3A_375, %swap3A_376] : memref<4x4xf32, #tpu.memory_space<smem>>
    %get3A_378 = arith.constant 2 : index
    %get3A_379 = arith.constant 1 : index
    %get3A_380 = memref.load %arg7[%get3A_378, %get3A_379] : memref<4x4xf32, #tpu.memory_space<smem>>
    %reduce_sum3A_381 = vector.shape_cast %div3A_230 : vector<1000x1xf32> to vector<1x1000x1xf32>
    %reduce_sum3A_382 = arith.constant dense<0.000000e+00> : vector<1xf32>
    %reduce_sum3A_383 = vector.multi_reduction <add>, %reduce_sum3A_381, %reduce_sum3A_382 [1, 2] : vector<1x1000x1xf32> to vector<1xf32>
    %reduce_sum3A_384 = vector.shape_cast %reduce_sum3A_383 : vector<1xf32> to vector<1x1x1xf32>
    %reduce_sum3A_385 = vector.extract %reduce_sum3A_384[0, 0, 0] : f32 from vector<1x1x1xf32>
    %div3A_386 = arith.constant 1.000000e+04 : f32
    %div3A_387 = arith.divf %reduce_sum3A_385, %div3A_386 : f32
    %add3A_388 = arith.addf %get3A_380, %div3A_387 : f32
    %swap3A_389 = arith.constant 2 : index
    %swap3A_390 = arith.constant 1 : index
    %swap3A_391 = memref.load %arg7[%swap3A_389, %swap3A_390] : memref<4x4xf32, #tpu.memory_space<smem>>
    memref.store %add3A_388, %arg7[%swap3A_389, %swap3A_390] : memref<4x4xf32, #tpu.memory_space<smem>>
    %get3A_392 = arith.constant 2 : index
    %get3A_393 = arith.constant 2 : index
    %get3A_394 = memref.load %arg7[%get3A_392, %get3A_393] : memref<4x4xf32, #tpu.memory_space<smem>>
    %reduce_sum3A_395 = vector.shape_cast %div3A_231 : vector<1000x1xf32> to vector<1x1000x1xf32>
    %reduce_sum3A_396 = arith.constant dense<0.000000e+00> : vector<1xf32>
    %reduce_sum3A_397 = vector.multi_reduction <add>, %reduce_sum3A_395, %reduce_sum3A_396 [1, 2] : vector<1x1000x1xf32> to vector<1xf32>
    %reduce_sum3A_398 = vector.shape_cast %reduce_sum3A_397 : vector<1xf32> to vector<1x1x1xf32>
    %reduce_sum3A_399 = vector.extract %reduce_sum3A_398[0, 0, 0] : f32 from vector<1x1x1xf32>
    %div3A_400 = arith.constant 1.000000e+04 : f32
    %div3A_401 = arith.divf %reduce_sum3A_399, %div3A_400 : f32
    %add3A_402 = arith.addf %get3A_394, %div3A_401 : f32
    %swap3A_403 = arith.constant 2 : index
    %swap3A_404 = arith.constant 2 : index
    %swap3A_405 = memref.load %arg7[%swap3A_403, %swap3A_404] : memref<4x4xf32, #tpu.memory_space<smem>>
    memref.store %add3A_402, %arg7[%swap3A_403, %swap3A_404] : memref<4x4xf32, #tpu.memory_space<smem>>
    %get3A_406 = arith.constant 2 : index
    %get3A_407 = arith.constant 3 : index
    %get3A_408 = memref.load %arg7[%get3A_406, %get3A_407] : memref<4x4xf32, #tpu.memory_space<smem>>
    %reduce_sum3A_409 = vector.shape_cast %div3A_232 : vector<1000x1xf32> to vector<1x1000x1xf32>
    %reduce_sum3A_410 = arith.constant dense<0.000000e+00> : vector<1xf32>
    %reduce_sum3A_411 = vector.multi_reduction <add>, %reduce_sum3A_409, %reduce_sum3A_410 [1, 2] : vector<1x1000x1xf32> to vector<1xf32>
    %reduce_sum3A_412 = vector.shape_cast %reduce_sum3A_411 : vector<1xf32> to vector<1x1x1xf32>
    %reduce_sum3A_413 = vector.extract %reduce_sum3A_412[0, 0, 0] : f32 from vector<1x1x1xf32>
    %div3A_414 = arith.constant 1.000000e+04 : f32
    %div3A_415 = arith.divf %reduce_sum3A_413, %div3A_414 : f32
    %add3A_416 = arith.addf %get3A_408, %div3A_415 : f32
    %swap3A_417 = arith.constant 2 : index
    %swap3A_418 = arith.constant 3 : index
    %swap3A_419 = memref.load %arg7[%swap3A_417, %swap3A_418] : memref<4x4xf32, #tpu.memory_space<smem>>
    memref.store %add3A_416, %arg7[%swap3A_417, %swap3A_418] : memref<4x4xf32, #tpu.memory_space<smem>>
    %get3A_420 = arith.constant 3 : index
    %get3A_421 = arith.constant 0 : index
    %get3A_422 = memref.load %arg7[%get3A_420, %get3A_421] : memref<4x4xf32, #tpu.memory_space<smem>>
    %reduce_sum3A_423 = vector.shape_cast %div3A_247 : vector<1000x1xf32> to vector<1x1000x1xf32>
    %reduce_sum3A_424 = arith.constant dense<0.000000e+00> : vector<1xf32>
    %reduce_sum3A_425 = vector.multi_reduction <add>, %reduce_sum3A_423, %reduce_sum3A_424 [1, 2] : vector<1x1000x1xf32> to vector<1xf32>
    %reduce_sum3A_426 = vector.shape_cast %reduce_sum3A_425 : vector<1xf32> to vector<1x1x1xf32>
    %reduce_sum3A_427 = vector.extract %reduce_sum3A_426[0, 0, 0] : f32 from vector<1x1x1xf32>
    %div3A_428 = arith.constant 1.000000e+04 : f32
    %div3A_429 = arith.divf %reduce_sum3A_427, %div3A_428 : f32
    %add3A_430 = arith.addf %get3A_422, %div3A_429 : f32
    %swap3A_431 = arith.constant 3 : index
    %swap3A_432 = arith.constant 0 : index
    %swap3A_433 = memref.load %arg7[%swap3A_431, %swap3A_432] : memref<4x4xf32, #tpu.memory_space<smem>>
    memref.store %add3A_430, %arg7[%swap3A_431, %swap3A_432] : memref<4x4xf32, #tpu.memory_space<smem>>
    %get3A_434 = arith.constant 3 : index
    %get3A_435 = arith.constant 1 : index
    %get3A_436 = memref.load %arg7[%get3A_434, %get3A_435] : memref<4x4xf32, #tpu.memory_space<smem>>
    %reduce_sum3A_437 = vector.shape_cast %div3A_248 : vector<1000x1xf32> to vector<1x1000x1xf32>
    %reduce_sum3A_438 = arith.constant dense<0.000000e+00> : vector<1xf32>
    %reduce_sum3A_439 = vector.multi_reduction <add>, %reduce_sum3A_437, %reduce_sum3A_438 [1, 2] : vector<1x1000x1xf32> to vector<1xf32>
    %reduce_sum3A_440 = vector.shape_cast %reduce_sum3A_439 : vector<1xf32> to vector<1x1x1xf32>
    %reduce_sum3A_441 = vector.extract %reduce_sum3A_440[0, 0, 0] : f32 from vector<1x1x1xf32>
    %div3A_442 = arith.constant 1.000000e+04 : f32
    %div3A_443 = arith.divf %reduce_sum3A_441, %div3A_442 : f32
    %add3A_444 = arith.addf %get3A_436, %div3A_443 : f32
    %swap3A_445 = arith.constant 3 : index
    %swap3A_446 = arith.constant 1 : index
    %swap3A_447 = memref.load %arg7[%swap3A_445, %swap3A_446] : memref<4x4xf32, #tpu.memory_space<smem>>
    memref.store %add3A_444, %arg7[%swap3A_445, %swap3A_446] : memref<4x4xf32, #tpu.memory_space<smem>>
    %get3A_448 = arith.constant 3 : index
    %get3A_449 = arith.constant 2 : index
    %get3A_450 = memref.load %arg7[%get3A_448, %get3A_449] : memref<4x4xf32, #tpu.memory_space<smem>>
    %reduce_sum3A_451 = vector.shape_cast %div3A_249 : vector<1000x1xf32> to vector<1x1000x1xf32>
    %reduce_sum3A_452 = arith.constant dense<0.000000e+00> : vector<1xf32>
    %reduce_sum3A_453 = vector.multi_reduction <add>, %reduce_sum3A_451, %reduce_sum3A_452 [1, 2] : vector<1x1000x1xf32> to vector<1xf32>
    %reduce_sum3A_454 = vector.shape_cast %reduce_sum3A_453 : vector<1xf32> to vector<1x1x1xf32>
    %reduce_sum3A_455 = vector.extract %reduce_sum3A_454[0, 0, 0] : f32 from vector<1x1x1xf32>
    %div3A_456 = arith.constant 1.000000e+04 : f32
    %div3A_457 = arith.divf %reduce_sum3A_455, %div3A_456 : f32
    %add3A_458 = arith.addf %get3A_450, %div3A_457 : f32
    %swap3A_459 = arith.constant 3 : index
    %swap3A_460 = arith.constant 2 : index
    %swap3A_461 = memref.load %arg7[%swap3A_459, %swap3A_460] : memref<4x4xf32, #tpu.memory_space<smem>>
    memref.store %add3A_458, %arg7[%swap3A_459, %swap3A_460] : memref<4x4xf32, #tpu.memory_space<smem>>
    %get3A_462 = arith.constant 3 : index
    %get3A_463 = arith.constant 3 : index
    %get3A_464 = memref.load %arg7[%get3A_462, %get3A_463] : memref<4x4xf32, #tpu.memory_space<smem>>
    %reduce_sum3A_465 = vector.shape_cast %div3A_250 : vector<1000x1xf32> to vector<1x1000x1xf32>
    %reduce_sum3A_466 = arith.constant dense<0.000000e+00> : vector<1xf32>
    %reduce_sum3A_467 = vector.multi_reduction <add>, %reduce_sum3A_465, %reduce_sum3A_466 [1, 2] : vector<1x1000x1xf32> to vector<1xf32>
    %reduce_sum3A_468 = vector.shape_cast %reduce_sum3A_467 : vector<1xf32> to vector<1x1x1xf32>
    %reduce_sum3A_469 = vector.extract %reduce_sum3A_468[0, 0, 0] : f32 from vector<1x1x1xf32>
    %div3A_470 = arith.constant 1.000000e+04 : f32
    %div3A_471 = arith.divf %reduce_sum3A_469, %div3A_470 : f32
    %add3A_472 = arith.addf %get3A_464, %div3A_471 : f32
    %swap3A_473 = arith.constant 3 : index
    %swap3A_474 = arith.constant 3 : index
    %swap3A_475 = memref.load %arg7[%swap3A_473, %swap3A_474] : memref<4x4xf32, #tpu.memory_space<smem>>
    memref.store %add3A_472, %arg7[%swap3A_473, %swap3A_474] : memref<4x4xf32, #tpu.memory_space<smem>>
    %broadcast_in_dim3A_476 = arith.constant 0.000000e+00 : f32
    %broadcast_in_dim3A_477 = vector.broadcast %broadcast_in_dim3A_476 : f32 to vector<1000x256xf32>
    %add3A_478 = arith.addf %div3A_193, %div3A_211 : vector<1000x1xf32>
    %add3A_479 = arith.addf %add3A_478, %div3A_229 : vector<1000x1xf32>
    %add3A_480 = arith.addf %add3A_479, %div3A_247 : vector<1000x1xf32>
    %mul3A_481 = arith.constant 2.500000e-01 : f32
    %mul3A_482 = vector.broadcast %mul3A_481 : f32 to vector<1000x1xf32>
    %mul3A_483 = arith.mulf %add3A_480, %mul3A_482 : vector<1000x1xf32>
    %mul3A_484 = vector.broadcast %mul3A_483 : vector<1000x1xf32> to vector<1000x256xf32>
    %mul3A_485 = arith.mulf %mul3A_484, %add3A_25 : vector<1000x256xf32>
    %add3A_486 = arith.addf %broadcast_in_dim3A_477, %mul3A_485 : vector<1000x256xf32>
    %add3A_487 = arith.addf %div3A_194, %div3A_212 : vector<1000x1xf32>
    %add3A_488 = arith.addf %add3A_487, %div3A_230 : vector<1000x1xf32>
    %add3A_489 = arith.addf %add3A_488, %div3A_248 : vector<1000x1xf32>
    %mul3A_490 = arith.constant 2.500000e-01 : f32
    %mul3A_491 = vector.broadcast %mul3A_490 : f32 to vector<1000x1xf32>
    %mul3A_492 = arith.mulf %add3A_489, %mul3A_491 : vector<1000x1xf32>
    %mul3A_493 = vector.broadcast %mul3A_492 : vector<1000x1xf32> to vector<1000x256xf32>
    %mul3A_494 = arith.mulf %mul3A_493, %add3A_54 : vector<1000x256xf32>
    %add3A_495 = arith.addf %add3A_486, %mul3A_494 : vector<1000x256xf32>
    %add3A_496 = arith.addf %div3A_195, %div3A_213 : vector<1000x1xf32>
    %add3A_497 = arith.addf %add3A_496, %div3A_231 : vector<1000x1xf32>
    %add3A_498 = arith.addf %add3A_497, %div3A_249 : vector<1000x1xf32>
    %mul3A_499 = arith.constant 2.500000e-01 : f32
    %mul3A_500 = vector.broadcast %mul3A_499 : f32 to vector<1000x1xf32>
    %mul3A_501 = arith.mulf %add3A_498, %mul3A_500 : vector<1000x1xf32>
    %mul3A_502 = vector.broadcast %mul3A_501 : vector<1000x1xf32> to vector<1000x256xf32>
    %mul3A_503 = arith.mulf %mul3A_502, %add3A_83 : vector<1000x256xf32>
    %add3A_504 = arith.addf %add3A_495, %mul3A_503 : vector<1000x256xf32>
    %add3A_505 = arith.addf %div3A_196, %div3A_214 : vector<1000x1xf32>
    %add3A_506 = arith.addf %add3A_505, %div3A_232 : vector<1000x1xf32>
    %add3A_507 = arith.addf %add3A_506, %div3A_250 : vector<1000x1xf32>
    %mul3A_508 = arith.constant 2.500000e-01 : f32
    %mul3A_509 = vector.broadcast %mul3A_508 : f32 to vector<1000x1xf32>
    %mul3A_510 = arith.mulf %add3A_507, %mul3A_509 : vector<1000x1xf32>
    %mul3A_511 = vector.broadcast %mul3A_510 : vector<1000x1xf32> to vector<1000x256xf32>
    %mul3A_512 = arith.mulf %mul3A_511, %add3A_112 : vector<1000x256xf32>
    %add3A_513 = arith.addf %add3A_504, %mul3A_512 : vector<1000x256xf32>
    %swap3A_514 = arith.constant 0 : index
    %swap3A_515 = arith.constant 0 : index
    %swap3A_516 = vector.load %arg6[%swap3A_514, %swap3A_515] : memref<1000x512xf32, #tpu.memory_space<vmem>>, vector<1000x256xf32>
    tpu.vector_store %arg6[%swap3A_514, %swap3A_515], %get3A_1 {strides = array<i32>} : memref<1000x512xf32, #tpu.memory_space<vmem>>, vector<1000x256xf32>,
    %swap3A_517 = arith.constant 0 : index
    %swap3A_518 = arith.constant 256 : index
    %swap3A_519 = vector.load %arg6[%swap3A_517, %swap3A_518] : memref<1000x512xf32, #tpu.memory_space<vmem>>, vector<1000x256xf32>
    tpu.vector_store %arg6[%swap3A_517, %swap3A_518], %add3A_513 {strides = array<i32>} : memref<1000x512xf32, #tpu.memory_space<vmem>>, vector<1000x256xf32>,
    return
  }
  func.func @transform_0(%arg0: i32) -> (i32, i32) {
    %c0_i32 = arith.constant 0 : i32
    %c0_i32_0 = arith.constant 0 : i32
    return %arg0, %c0_i32 : i32, i32
  }
  func.func @transform_1(%arg0: i32) -> (i32, i32, i32) {
    %c0_i32 = arith.constant 0 : i32
    %c0_i32_0 = arith.constant 0 : i32
    %c0_i32_1 = arith.constant 0 : i32
    return %c0_i32, %arg0, %c0_i32_0 : i32, i32, i32
  }
  func.func @transform_2(%arg0: i32) -> (i32, i32, i32) {
    %c0_i32 = arith.constant 0 : i32
    %c0_i32_0 = arith.constant 0 : i32
    %c0_i32_1 = arith.constant 0 : i32
    return %c0_i32, %arg0, %c0_i32_0 : i32, i32, i32
  }
  func.func @transform_3(%arg0: i32) -> (i32, i32, i32) {
    %c0_i32 = arith.constant 0 : i32
    %c0_i32_0 = arith.constant 0 : i32
    %c0_i32_1 = arith.constant 0 : i32
    %c0_i32_2 = arith.constant 0 : i32
    return %c0_i32, %c0_i32_0, %c0_i32_1 : i32, i32, i32
  }
  func.func @transform_4(%arg0: i32) -> (i32, i32) {
    %c0_i32 = arith.constant 0 : i32
    %c0_i32_0 = arith.constant 0 : i32
    %c0_i32_1 = arith.constant 0 : i32
    return %c0_i32, %c0_i32_0 : i32, i32
  }
  func.func @transform_5(%arg0: i32) -> (i32, i32) {
    %c0_i32 = arith.constant 0 : i32
    %c0_i32_0 = arith.constant 0 : i32
    return %arg0, %c0_i32 : i32, i32
  }
  func.func @transform_6(%arg0: i32) -> (i32, i32) {
    %c0_i32 = arith.constant 0 : i32
    %c0_i32_0 = arith.constant 0 : i32
    %c0_i32_1 = arith.constant 0 : i32
    return %c0_i32, %c0_i32_0 : i32, i32
  }
}

</mosaic_0001>

<sc_bundles>
// kernel: kernel.4.cloned.1.call-start
scs
__scs_entry_jumppad:
0x0: {  	(pc) =	sbr.rel $0x88, $3  }
0x1: {  	(tag) =	ssettag $0x0;
	lr =	simm.s32 $0x1  }
0x2: {  	[smem:$0x3F9D] =	sst lr;
	_ =	strace $0xD0000000  }
0x3: {  	_ = 	snop  }
0x4: {  	_ = 	snop  }
0x5: {  	_ = 	snop  }
0x6: {  	_ = 	snop  }
0x7: {  	_ = 	snop  }
__scs_overlays_trampoline_lowered:
0x8: {  	[smem:$0x3FAC] =	sst s0  }
0x9: {  	[smem:$0x3FAD] =	sst s1  }
0xa: {  	[smem:$0x3FAE] =	sst s2  }
0xb: {  	[smem:$0x3FAF] =	sst s3  }
0xc: {  	[smem:$0x3FB0] =	sst s4  }
0xd: {  	[smem:$0x3FB1] =	sst s5  }
0xe: {  	[smem:$0x3FB2] =	sst s6  }
0xf: {  	[smem:$0x3FB3] =	sst s7  }
0x10: {  	[smem:$0x3FB4] =	sst s8  }
0x11: {  	[smem:$0x3FB5] =	sst s9;
	s0 =	simm.s32 @!p0 $0x0  }
0x12: {  	s1 =	sld [smem:$0x3F9B];
	s0 =	simm.s32 @p0 $0x1  }
0x13: {  	[smem:$0x3FB6] =	sst s0;
	s0 =	simm.s32 @!p1 $0x0  }
0x14: {  	s2 =	sld [smem:$0x3F9A];
	s0 =	simm.s32 @p1 $0x1  }
0x15: {  	[smem:$0x3FB7] =	sst s0;
	s0 =	simm.s32 @!p2 $0x0  }
0x16: {  	s3 =	sld [smem:$0x3FDB];
	s0 =	simm.s32 @p2 $0x1  }
0x17: {  	s4 =	simm.s32 $0x1BF5;
	[smem:$0x3FB9] =	sst s0  }
0x18: {  	s0 =	sld [smem:$0x3F9C];
	_ =	swait.ge [sflag:s4], $0x0  }
0x19: {  	s7 =	sld [smem:$0x3F9D]  }
0x1a: {  	s8 =	sadd.s32 $0xFFFFE003, lr  }
0x1b: {  	s9 =	sadd.s32 $0xFFFFFEF7, lr;
	s5 =	simm.s32 $0xFFFFFFFF;
	p2 =	slt.u32 s8, $0xFFFFF086  }
0x1c: {  	p1 =	slt.u32 s9, $0xF7A;
	s5 =	simm.s32 @!p2 $0x0  }
0x1d: {  	s5 =	simm.s32 @p1 $0x1;
	p0 =	seq.s32 s7, s2  }
0x1e: {  	s7 =	smul.u32 @!p0 $0xF7A, s2;
	p2 =	seq.s32 @!p0 s5, $0x0  }
0x1f: {  	s9 =	smul.u32 $0xF7A, s1;
	s8 =	simm.s32 @!p0 $0x1BF5;
	p2 =	por !p2, p0  }
0x20: {  	[sflag:s8] =	ssyncset.s32 @!p0 $0xFFFFF086;
	s6 =	sadd.s32 @!p0 s3, s7;
	s7 =	simm.s32 @!p0 $0x108  }
0x21: {  	s3 =	sadd.s32 s3, s9;
	s6 =	sadd.s32 @!p0 $0x88, s6;
	s7 =	simm.s32 @p2 $0x1082  }
0x22: {  	[simem:s7], [sflag:s8] =	dma.local @!p0 [hbm:s6], $0xF7A  }
0x23: {  	s9 =	sor.u32 $0xD0000000, s2;
	s6 =	simm.s32 $0x108;
	_ =	swait.ge @!p0 [sflag:s8], $0x0  }
0x24: {  	s3 =	sadd.s32 $0x88, s3;
	s6 =	simm.s32 @!p1 $0x1082;
	[sflag:s4] =	ssyncset.s32 $0xFFFFF086  }
0x25: {  	[simem:s6], [sflag:s4] =	dma.local [hbm:s3], $0xF7A  }
0x26: {  	[smem:$0x3F9D] =	sst s1;
	(tag) =	ssettag s2;
	_ =	strace s9  }
0x27: {  	s1 =	sld [smem:$0x3FAD]  }
0x28: {  	s2 =	sld [smem:$0x3FAE]  }
0x29: {  	s4 =	sld [smem:$0x3FB0]  }
0x2a: {  	p0 =	seq.s32 s5, $0x0;
	s5 =	sld [smem:$0x3FB1]  }
0x2b: {  	s6 =	sld [smem:$0x3FB2]  }
0x2c: {  	s7 =	sld [smem:$0x3FB3]  }
0x2d: {  	s3 =	simm.s32 $0x108;
	s8 =	sld [smem:$0x3FB4]  }
0x2e: {  	s3 =	simm.s32 @!p0 $0x1082;
	s9 =	sld [smem:$0x3FB5]  }
0x2f: {  	lr =	sadd.s32 s0, s3;
	s0 =	sld [smem:$0x3FAC]  }
0x30: {  	s3 =	sld [smem:$0x3FAF]  }
0x31: {  	[smem:$0x3FB8] =	sst s10  }
0x32: {  	s10 =	sld [smem:$0x3FB6];
	_ =	sdelay $0x3  }
0x33: {  	p0 =	seq.s32 s10, $0x1;
	s10 =	sld [smem:$0x3FB8];
	_ =	sdelay $0x3  }
0x34: {  	[smem:$0x3FB8] =	sst s10  }
0x35: {  	s10 =	sld [smem:$0x3FB7];
	_ =	sdelay $0x3  }
0x36: {  	p1 =	seq.s32 s10, $0x1;
	s10 =	sld [smem:$0x3FB8];
	_ =	sdelay $0x3  }
0x37: {  	[smem:$0x3FB8] =	sst s10  }
0x38: {  	s10 =	sld [smem:$0x3FB9]  }
0x39: {  	_ = 	snop;
	(pc) =	sbr.ind lr, $3  }
0x3a: {  	_ = 	snop  }
0x3b: {  	_ = 	snop  }
0x3c: {  	p2 =	seq.s32 s10, $0x1;
	s10 =	sld [smem:$0x3FB8]  }
0x3d: {  	_ =	shalt  }
0x3e: {  	_ =	shalt  }
0x3f: {  	_ =	shalt  }
0x40: {  	_ =	shalt  }
0x41: {  	_ =	shalt  }
0x42: {  	_ =	shalt  }
0x43: {  	_ =	shalt  }
0x44: {  	_ =	shalt  }
0x45: {  	_ =	shalt  }
0x46: {  	_ =	shalt  }
0x47: {  	_ =	shalt  }
0x48: {  	_ =	shalt  }
0x49: {  	_ =	shalt  }
0x4a: {  	_ =	shalt  }
0x4b: {  	_ =	shalt  }
0x4c: {  	_ =	shalt  }
0x4d: {  	_ =	shalt  }
0x4e: {  	_ =	shalt  }
0x4f: {  	_ =	shalt  }
0x50: {  	_ =	shalt  }
0x51: {  	_ =	shalt  }
0x52: {  	_ =	shalt  }
0x53: {  	_ =	shalt  }
0x54: {  	_ =	shalt  }
0x55: {  	_ =	shalt  }
0x56: {  	_ =	shalt  }
0x57: {  	_ =	shalt  }
0x58: {  	_ =	shalt  }
0x59: {  	_ =	shalt  }
0x5a: {  	_ =	shalt  }
0x5b: {  	_ =	shalt  }
0x5c: {  	_ =	shalt  }
0x5d: {  	_ =	shalt  }
0x5e: {  	_ =	shalt  }
0x5f: {  	_ =	shalt  }
0x60: {  	_ =	shalt  }
0x61: {  	_ =	shalt  }
0x62: {  	_ =	shalt  }
0x63: {  	_ =	shalt  }
0x64: {  	_ =	shalt  }
0x65: {  	_ =	shalt  }
0x66: {  	_ =	shalt  }
0x67: {  	_ =	shalt  }
0x68: {  	_ =	shalt  }
0x69: {  	_ =	shalt  }
0x6a: {  	_ =	shalt  }
0x6b: {  	_ =	shalt  }
0x6c: {  	_ =	shalt  }
0x6d: {  	_ =	shalt  }
0x6e: {  	_ =	shalt  }
0x6f: {  	_ =	shalt  }
0x70: {  	_ =	shalt  }
0x71: {  	_ =	shalt  }
0x72: {  	_ =	shalt  }
0x73: {  	_ =	shalt  }
0x74: {  	_ =	shalt  }
0x75: {  	_ =	shalt  }
0x76: {  	_ =	shalt  }
0x77: {  	_ =	shalt  }
0x78: {  	_ =	shalt  }
0x79: {  	_ =	shalt  }
0x7a: {  	_ =	shalt  }
0x7b: {  	_ =	shalt  }
0x7c: {  	_ =	shalt  }
0x7d: {  	_ =	shalt  }
0x7e: {  	_ =	shalt  }
0x7f: {  	_ =	shalt  }
0x80: {  	_ =	shalt  }
0x81: {  	_ =	shalt  }
0x82: {  	_ =	shalt  }
0x83: {  	_ =	shalt  }
0x84: {  	_ =	shalt  }
0x85: {  	_ =	shalt  }
0x86: {  	_ =	shalt  }
0x87: {  	_ =	shalt  }
.Lfunc_end0:
.L_simem_size_0:
called_computation_lowered:
.L_overlay_start_0:
0x88: {  	s2 =	sld [smem:$0x3FD9]  }
0x89: {  	s3 =	sld [smem:$0x3FFE];
	_ =	sdelay $0x1  }
0x8a: {  	s1 =	srdreg.scid  }
0x8b: {  	s0 =	sand.u32 $0x1, s1  }
0x8c: {  	s14 =	sshll.u32 s0, $0xA;
	s2 =	sadd.s32 s3, s2  }
0x8d: {  	s2 =	sadd.s32 s2, s14  }
0x8e: {  	[smem:$0x3FC4] =	sst s2  }
0x8f: {  	_ = 	snop  }
0x90: {  	s2 =	sld [smem:$0x3FD0];
	_ =	sdelay $0x2  }
0x91: {  	s15 =	simm.s32 $0xA;
	s4 =	simm.s32 $0x10  }
0x92: {  	[smem:s4], [sflag:s15] =	dma.local [hbm:s2], $0x1  }
0x93: {  	_ =	swait.eq [sflag:s15], $0x1  }
0x94: {  	[sflag:s15] =	ssyncset.done $0x0  }
0x95: {  	[sflag:s15] =	ssyncadd.s32 $0xFFFFFFFF  }
0x96: {  	s16 =	sld [smem:$0x10];
	(tm) =	ssettm $0x1  }
0x97: {  	s17 =	sld [smem:$0x3FFB];
	_ =	sdelay $0x3  }
0x98: {  	_ =	strace s17  }
0x99: {  	s3 =	sld [smem:$0x3FFC];
	_ =	sdelay $0x3  }
0x9a: {  	_ =	strace s3  }
0x9b: {  	s3 =	sld [smem:$0x3FFD];
	_ =	sdelay $0x3  }
0x9c: {  	_ =	strace s3  }
0x9d: {  	_ =	strace $0x8FFFFFFF  }
0x9e: {  	s18 =	sld [smem:$0x3FDB];
	_ =	sdelay $0x1  }
0x9f: {  	s19 =	simm.s32 $_scs_section_size  }
0xa0: {  	s5 =	simm.s32 $_size__tile_overlayer_lowered;
	s6 =	simm.s32 $_tile_overlayer_lowered  }
0xa1: {  	s22 =	simm.s32 $0x1BFF;
	s21 =	sshll.u32 s6, $0x1;
	s3 =	sadd.s32 s19, s18  }
0xa2: {  	s7 =	simm.s32 $0x0;
	s20 =	sshll.u32 s5, $0x1;
	s5 =	sadd.s32 s21, s3  }
0xa3: {  	[timem:s7], [sflag:s22] =	dma.local [hbm:s5], s20  }
0xa4: {  	_ =	swait.ge [sflag:s22], s20  }
0xa5: {  	s4 =	ssub.s32 $0x0, s20;
	[sflag:s22] =	ssyncset.done $0x0  }
0xa6: {  	[sflag:s22] =	ssyncadd.s32 s4;
	_ =	sdelay $0x1  }
0xa7: {  	s23 =	simm.s32 $0x1B8B  }
0xa8: {  	_ =	swait.ge [sflag:s23], $0x1  }
0xa9: {  	[sflag:s23] =	ssyncset.done $0x0  }
0xaa: {  	s25 =	simm.s32 $0x1B8E;
	s24 =	sld [smem:$0x3FFE];
	[sflag:s23] =	ssyncadd.s32 $0xFFFFFFFF  }
0xab: {  	s26 =	simm.s32 $execute0_lowered;
	[smem:$0x3FD2] =	sst s25  }
0xac: {  	s5 =	sshll.u32 s26, $0x1;
	_ =	strace $0x80000046;
	[dreg:$0x1] =	wrdreg $0xFFFFFFFF  }
0xad: {  	s28 =	simm.s32 $_size_execute0_lowered;
	s3 =	sadd.s32 s3, s5;
	[dreg:$0x0] =	wrdreg $0x0  }
0xae: {  	s5 =	sshll.u32 s28, $0x1;
	[dreg:$0x2] =	wrdreg s3  }
0xaf: {  	[dreg:$0x3] =	wrdreg s5  }
0xb0: {  	[dreg:$0x4] =	wrdreg $0xC0  }
0xb1: {  	_ =	task [dreg:s7], $0x5FFFF  }
0xb2: {  	[dreg:$0x1] =	wrdreg $0xFFFFFFFF  }
0xb3: {  	[dreg:$0x0] =	wrdreg $0x60  }
0xb4: {  	[dreg:$0x2] =	wrdreg s24  }
0xb5: {  	[dreg:$0x3] =	wrdreg s16  }
0xb6: {  	[dreg:$0x4] =	wrdreg $0x98000  }
0xb7: {  	[dreg:$0x5] =	wrdreg $0x9  }
0xb8: {  	_ =	task.clear_ibuf [dreg:s7], $0x6FFFF;
	_ =	strace $0x90000046  }
0xb9: {  	s29 =	simm.s32 $0x9;
	_ =	strace $0x80000048  }
0xba: {  	_ =	swait.ge [sflag:s29], $0x1  }
0xbb: {  	[sflag:s29] =	ssyncadd.s32 $0xFFFFFFFF  }
0xbc: {  	_ =	strace $0x90000048  }
0xbd: {  	_ =	sfence  }
0xbe: {  	s30 =	sld [smem:$0x0];
	_ =	sdelay $0x2  }
0xbf: {  	s31 =	sshll.u32 s1, $0xD;
	s1 =	sshrl.u32 s1, $0x2  }
0xc0: {  	s3 =	sand.u32 $0x4000, s31;
	s1 =	sadd.s32 s1, s30  }
0xc1: {  	s0 =	sor.u32 s3, s0;
	s1 =	sshll.u32 s1, $0x11  }
0xc2: {  	s0 =	sor.u32 s1, s0  }
0xc3: {  	s0 =	sadd.s32 $0x8F2B, s0  }
0xc4: {  	[sflag:s0] =	ssyncadd.remote.s32 $0x1  }
0xc5: {  	_ =	sfence.sel $0xFFFF  }
0xc6: {  	[dreg:$0x0] =	wrdreg $0xFFFFFFFF;
	(pc) =	sbr.abs _section_cstart, $3  }
0xc7: {  	[dreg:$0x1] =	wrdreg $0xFFFFFFFF  }
0xc8: {  	_ =	task.clear_ibuf [dreg:s7], $0x2FFFF;
	_ =	strace $0x9FFFFFFF  }
0xc9: {  	(tm) =	ssettm $0x7FFFFFFF  }
tec
execute0_lowered:
.L_overlay_start_1:
0x0: {  	(tag) =	ssettag $0x1  }
0x1: {  	s0 =	rddreg [dreg:$0x0]  }
0x2: {  	s1 =	rddreg [dreg:$0x1]  }
0x3: {  	s2 =	rddreg [dreg:$0x2];
	s13 =	stileid.u32  }
0x4: {  	s3 =	simm.s32 $0x0;
	s7 =	srdreg.scid;
	s6 =	smul.u32 $0xC00, s13  }
0x5: {  	[smem:$0x7FF] =	sst s3;
	s8 =	smul.u32 $0x4E000, s13  }
0x6: {  	s7 =	sand.u32 $0x1, s7;
	s9 =	sadd.s32 $0x5FA00, s0;
	s12 =	smul.u32 $0x27000, s13  }
0x7: {  	s22 =	smul.u32 $0x4E00, s13;
	_ =	strace $0x80000047;
	s10 =	ssub.s32 $0x2, s7  }
0x8: {  	s6 =	sshrl.u32 s6, $0x3;
	s11 =	sshrl.u32 s10, $0x1;
	s8 =	sshrl.u32 s8, $0x2  }
0x9: {  	s25 =	sshrl.u32 s12, $0x3;
	s12 =	sadd.s32 s9, s22;
	s6 =	sadd.s32 s6, s0  }
0xa: {  	s10 =	ssub.s32 s10, s11;
	s8 =	sadd.s32 s8, s2;
	[dreg:$0x7] =	wrdreg s12  }
0xb: {  	s11 =	sadd.s32 s9, s25;
	s9 =	sadd.s32 $0xA8C00, s0;
	[dreg:$0x4] =	wrdreg s8  }
0xc: {  	s23 =	sadd.s32 $0x1E00, s6;
	[dreg:$0x13] =	wrdreg s9  }
0xd: {  	s24 =	sadd.s32 $0x3600, s6;
	[dreg:$0x5] =	wrdreg s23  }
0xe: {  	s26 =	sadd.s32 $0x4E00, s6;
	[dreg:$0x6] =	wrdreg s24  }
0xf: {  	s14 =	sadd.s32 $0x6600, s6;
	[dreg:$0xe] =	wrdreg s26  }
0x10: {  	s15 =	sadd.s32 $0x4E200, s11;
	[smem:$0x7FA] =	sst s14  }
0x11: {  	s16 =	sadd.s32 $0x4E280, s11;
	[dreg:$0x8] =	wrdreg s15  }
0x12: {  	s17 =	sadd.s32 $0x7E00, s6;
	[dreg:$0x9] =	wrdreg s16  }
0x13: {  	s18 =	sadd.s32 $0x9600, s6;
	[smem:$0x7FB] =	sst s17  }
0x14: {  	s28 =	simm.s32 $0xC00;
	s19 =	sadd.s32 $0x9C400, s11;
	[smem:$0x7FC] =	sst s18  }
0x15: {  	s29 =	simm.s32 $0x7D;
	s20 =	sadd.s32 $0x9C480, s11;
	[dreg:$0xa] =	wrdreg s19  }
0x16: {  	s30 =	simm.s32 $0x1800;
	s21 =	sadd.s32 $0xAE00, s6;
	[dreg:$0xb] =	wrdreg s20  }
0x17: {  	s31 =	simm.s32 $0x1;
	s6 =	sadd.s32 $0xC600, s6;
	[dreg:$0xc] =	wrdreg s21  }
0x18: {  	s4 =	sadd.s32 $0x35000, s0;
	s8 =	sadd.s32 $0xA8C80, s0;
	[dreg:$0xd] =	wrdreg s6  }
0x19: {  	s5 =	sadd.s32 $0xDE00, s0;
	s23 =	sadd.s32 $0xEA600, s11;
	[dreg:$0x12] =	wrdreg s8  }
0x1a: {  	p1 =	seq.s32 s13, $0xF;
	s24 =	sadd.s32 $0xEA680, s11;
	[dreg:$0xf] =	wrdreg s23  }
0x1b: {  	p0 =	sne.s32 s7, $0x0;
	s26 =	sadd.s32 $0x5C200, s0;
	[dreg:$0x10] =	wrdreg s24  }
0x1c: {  	s22 =	smul.u32 $0x13800, s13;
	s11 =	sadd.s32 $0xF6E00, s0;
	[dreg:$0x11] =	wrdreg s26  }
0x1d: {  	s7 =	simm.s32 $0x80;
	s14 =	sadd.s32 $0xF6E80, s0;
	[dreg:$0x14] =	wrdreg s11  }
0x1e: {  	s25 =	sshrl.u32 s22, $0x3;
	s15 =	sadd.s32 $0x145080, s0;
	[dreg:$0x15] =	wrdreg s14  }
0x1f: {  	s22 =	sadd.s32 $0x5D200, s0;
	s16 =	sadd.s32 $0x145000, s0;
	[dreg:$0x16] =	wrdreg s15  }
0x20: {  	s9 =	simm.s32 $0x3;
	s17 =	sadd.s32 $0x193200, s0;
	[dreg:$0x17] =	wrdreg s16  }
0x21: {  	s18 =	smul.u32 $0x2700, s13;
	s19 =	sadd.s32 $0x193280, s0;
	[dreg:$0x18] =	wrdreg s17  }
0x22: {  	s0 =	sadd.s32 $0x5CA00, s0;
	s20 =	sadd.s32 s1, s25;
	[dreg:$0x19] =	wrdreg s19  }
0x23: {  	s25 =	sadd.s32 $0x124800, s2;
	s13 =	simm.s32 $0x5800;
	[dreg:$0x1a] =	wrdreg s0  }
0x24: {  	s0 =	sadd.s32 $0x27100, s20;
	s23 =	sadd.s32 $0x4BA00, s1;
	s24 =	sadd.s32 $0x24900, s1  }
0x25: {  	[dreg:$0x1f] =	wrdreg s25;
	s26 =	sadd.s32 $0x80, s12;
	s16 =	simm.s32 $0x2  }
0x26: {  	s19 =	simm.s32 $0xC80;
	s20 =	simm.s32 $0x180;
	[dreg:$0x1b] =	wrdreg s0  }
.Ltmp0:
0x27: {  	s11 =	simm.s32 $0x200;
	[dreg:$0x1d] =	wrdreg s23;
	(pc) =	sbr.rel .LBB2_1-.Ltmp0, $4  }
0x28: {  	s14 =	simm.s32 $0xD80;
	s17 =	simm.s32 $0x280;
	[dreg:$0x1e] =	wrdreg s24  }
0x29: {  	s25 =	simm.s32 $0x300;
	s21 =	sadd.s32 s1, s18;
	[smem:$0x7FD] =	sst s26  }
0x2a: {  	s26 =	simm.s32 $0x4;
	s24 =	simm.s32 $0x100;
	s1 =	simm.s32 $0xD00  }
0x2b: {  	s23 =	simm.s32 $0xE00;
	[dreg:$0x1c] =	wrdreg s21;
	s21 =	smax.u32 s10, $0x1  }
.LBB2_6:
0x2c: {  	s8 =	simm.s32 @p1 $0x1FC4;
	s0 =	simm.s32 @p1 $0x4  }
0x2d: {  	[spmem:s18], [sflag:s8] =	dma.local @p1 [hbm:s22], $0x2800  }
0x2e: {  	_ =	swait.ge @p1 [sflag:s0], $0x2800  }
0x2f: {  	[sflag:s0] =	ssyncset.done @p1 $0x0  }
0x30: {  	s7 =	simm.s32 @!p1 $0x4;
	[sflag:s0] =	ssyncadd.s32 @p1 $0xFFFFD800  }
0x31: {  	[spmem:s6], [sflag:s10] =	dma.local @!p1 [hbm:s22], $0x2700  }
0x32: {  	_ =	swait.ge @!p1 [sflag:s7], $0x2700  }
0x33: {  	[sflag:s7] =	ssyncset.done @!p1 $0x0  }
0x34: {  	[sflag:s7] =	ssyncadd.s32 @!p1 $0xFFFFD900  }
0x35: {  	[bflag:$0x0] =	sbarrier.arrive $0xFFFF  }
0x36: {  	s11 =	sld [smem:$0x7FC];
	_ =	sdelay $0x2  }
0x37: {  	[tilespmem:s28], [sflag:$0x4] =	stream.linear.gather [hbm4b:s11+s3], $0xA00, $0x38;
	[tilespmem:$0x1D080] =	vst v63  }
0x38: {  	_ =	swait.ge [sflag:s26], $0xA00  }
0x39: {  	[sflag:s26] =	ssyncset.done $0x0  }
0x3a: {  	[sflag:s26] =	ssyncadd.s32 $0xFFFFF600  }
0x3b: {  	[spmem:s2] =	stream.indirect.scatter.add.f32 [tilespmem:s30], [sflag:$0x3], $0x80, s28, s29, $0xb8;
	[tilespmem:$0x1D080] =	vst v63  }
0x3c: {  	_ = 	snop  }
0x3d: {  	[spmem:s2] =	stream.indirect.scatter.add.f32 [tilespmem:s30], [sflag:$0x3], $0x80, s19, s29, $0xb8;
	[tilespmem:$0x1D080] =	vst v63  }
0x3e: {  	_ = 	snop  }
0x3f: {  	[spmem:s2] =	stream.indirect.scatter.add.f32 [tilespmem:s30], [sflag:$0x3], $0x80, s1, s29, $0xb8;
	[tilespmem:$0x1D080] =	vst v63  }
0x40: {  	s14 =	simm.s32 $0xD80  }
0x41: {  	[spmem:s2] =	stream.indirect.scatter.add.f32 [tilespmem:s30], [sflag:$0x3], $0x80, s14, s29, $0xb8;
	[tilespmem:$0x1D080] =	vst v63  }
0x42: {  	s23 =	simm.s32 $0xE00  }
0x43: {  	[spmem:s2] =	stream.indirect.scatter.add.f32 [tilespmem:s30], [sflag:$0x3], $0x80, s23, s29, $0xb8;
	[tilespmem:$0x1D080] =	vst v63  }
0x44: {  	s12 =	simm.s32 $0xE80  }
0x45: {  	[spmem:s2] =	stream.indirect.scatter.add.f32 [tilespmem:s30], [sflag:$0x3], $0x80, s12, s29, $0xb8;
	[tilespmem:$0x1D080] =	vst v63  }
0x46: {  	s15 =	simm.s32 $0xF00  }
0x47: {  	[spmem:s2] =	stream.indirect.scatter.add.f32 [tilespmem:s30], [sflag:$0x3], $0x80, s15, s29, $0xb8;
	[tilespmem:$0x1D080] =	vst v63  }
0x48: {  	s17 =	simm.s32 $0xF80  }
0x49: {  	[spmem:s2] =	stream.indirect.scatter.add.f32 [tilespmem:s30], [sflag:$0x3], $0x80, s17, s29, $0xb8;
	[tilespmem:$0x1D080] =	vst v63  }
0x4a: {  	s25 =	simm.s32 $0x1000  }
0x4b: {  	[spmem:s2] =	stream.indirect.scatter.add.f32 [tilespmem:s30], [sflag:$0x3], $0x80, s25, s29, $0xb8;
	[tilespmem:$0x1D080] =	vst v63  }
0x4c: {  	s17 =	simm.s32 $0x1080  }
0x4d: {  	[spmem:s2] =	stream.indirect.scatter.add.f32 [tilespmem:s30], [sflag:$0x3], $0x80, s17, s29, $0xb8;
	[tilespmem:$0x1D080] =	vst v63  }
0x4e: {  	s25 =	simm.s32 $0x1100  }
0x4f: {  	[spmem:s2] =	stream.indirect.scatter.add.f32 [tilespmem:s30], [sflag:$0x3], $0x80, s25, s29, $0xb8;
	[tilespmem:$0x1D080] =	vst v63  }
0x50: {  	s17 =	simm.s32 $0x1180  }
0x51: {  	[spmem:s2] =	stream.indirect.scatter.add.f32 [tilespmem:s30], [sflag:$0x3], $0x80, s17, s29, $0xb8;
	[tilespmem:$0x1D080] =	vst v63  }
0x52: {  	s25 =	simm.s32 $0x1200  }
0x53: {  	[spmem:s2] =	stream.indirect.scatter.add.f32 [tilespmem:s30], [sflag:$0x3], $0x80, s25, s29, $0xb8;
	[tilespmem:$0x1D080] =	vst v63  }
0x54: {  	s17 =	simm.s32 $0x1280  }
0x55: {  	[spmem:s2] =	stream.indirect.scatter.add.f32 [tilespmem:s30], [sflag:$0x3], $0x80, s17, s29, $0xb8;
	[tilespmem:$0x1D080] =	vst v63  }
0x56: {  	s25 =	simm.s32 $0x1300  }
0x57: {  	[spmem:s2] =	stream.indirect.scatter.add.f32 [tilespmem:s30], [sflag:$0x3], $0x80, s25, s29, $0xb8;
	[tilespmem:$0x1D080] =	vst v63  }
0x58: {  	s17 =	simm.s32 $0x1380  }
0x59: {  	[spmem:s2] =	stream.indirect.scatter.add.f32 [tilespmem:s30], [sflag:$0x3], $0x80, s17, s29, $0xb8;
	[tilespmem:$0x1D080] =	vst v63  }
0x5a: {  	s25 =	simm.s32 $0x1400  }
0x5b: {  	[spmem:s2] =	stream.indirect.scatter.add.f32 [tilespmem:s30], [sflag:$0x3], $0x80, s25, s29, $0xb8;
	[tilespmem:$0x1D080] =	vst v63  }
0x5c: {  	s17 =	simm.s32 $0x1480  }
0x5d: {  	[spmem:s2] =	stream.indirect.scatter.add.f32 [tilespmem:s30], [sflag:$0x3], $0x80, s17, s29, $0xb8;
	[tilespmem:$0x1D080] =	vst v63  }
0x5e: {  	s25 =	simm.s32 $0x1500  }
0x5f: {  	[spmem:s2] =	stream.indirect.scatter.add.f32 [tilespmem:s30], [sflag:$0x3], $0x80, s25, s29, $0xb8;
	[tilespmem:$0x1D080] =	vst v63  }
0x60: {  	s17 =	simm.s32 $0x1580  }
0x61: {  	[spmem:s2] =	stream.indirect.scatter.add.f32 [tilespmem:s30], [sflag:$0x3], $0x80, s17, s29, $0xb8;
	[tilespmem:$0x1D080] =	vst v63  }
0x62: {  	_ =	swait.ge [sflag:s9], $0x3E80  }
0x63: {  	[sflag:s9] =	ssyncset.done $0x0  }
0x64: {  	[sflag:s9] =	ssyncadd.s32 $0xFFFFC180  }
0x65: {  	_ =	swait.ge [sflag:s9], $0x3E80  }
0x66: {  	[sflag:s9] =	ssyncset.done $0x0  }
0x67: {  	[sflag:s9] =	ssyncadd.s32 $0xFFFFC180  }
0x68: {  	_ =	swait.ge [sflag:s9], $0x3E80  }
0x69: {  	[sflag:s9] =	ssyncset.done $0x0  }
0x6a: {  	[sflag:s9] =	ssyncadd.s32 $0xFFFFC180  }
0x6b: {  	_ =	swait.ge [sflag:s9], $0x3E80  }
0x6c: {  	[sflag:s9] =	ssyncset.done $0x0  }
0x6d: {  	[sflag:s9] =	ssyncadd.s32 $0xFFFFC180  }
0x6e: {  	_ =	swait.ge [sflag:s9], $0x3E80  }
0x6f: {  	[sflag:s9] =	ssyncset.done $0x0  }
0x70: {  	[sflag:s9] =	ssyncadd.s32 $0xFFFFC180  }
0x71: {  	_ =	swait.ge [sflag:s9], $0x3E80  }
0x72: {  	[sflag:s9] =	ssyncset.done $0x0  }
0x73: {  	[sflag:s9] =	ssyncadd.s32 $0xFFFFC180  }
0x74: {  	_ =	swait.ge [sflag:s9], $0x3E80  }
0x75: {  	[sflag:s9] =	ssyncset.done $0x0  }
0x76: {  	[sflag:s9] =	ssyncadd.s32 $0xFFFFC180  }
0x77: {  	_ =	swait.ge [sflag:s9], $0x3E80  }
0x78: {  	[sflag:s9] =	ssyncset.done $0x0  }
0x79: {  	[sflag:s9] =	ssyncadd.s32 $0xFFFFC180  }
0x7a: {  	_ =	swait.ge [sflag:s9], $0x3E80  }
0x7b: {  	[sflag:s9] =	ssyncset.done $0x0  }
0x7c: {  	[sflag:s9] =	ssyncadd.s32 $0xFFFFC180  }
0x7d: {  	_ =	swait.ge [sflag:s9], $0x3E80  }
0x7e: {  	[sflag:s9] =	ssyncset.done $0x0  }
0x7f: {  	[sflag:s9] =	ssyncadd.s32 $0xFFFFC180  }
0x80: {  	_ =	swait.ge [sflag:s9], $0x3E80  }
0x81: {  	[sflag:s9] =	ssyncset.done $0x0  }
0x82: {  	[sflag:s9] =	ssyncadd.s32 $0xFFFFC180  }
0x83: {  	_ =	swait.ge [sflag:s9], $0x3E80  }
0x84: {  	[sflag:s9] =	ssyncset.done $0x0  }
0x85: {  	[sflag:s9] =	ssyncadd.s32 $0xFFFFC180  }
0x86: {  	_ =	swait.ge [sflag:s9], $0x3E80  }
0x87: {  	[sflag:s9] =	ssyncset.done $0x0  }
0x88: {  	[sflag:s9] =	ssyncadd.s32 $0xFFFFC180  }
0x89: {  	_ =	swait.ge [sflag:s9], $0x3E80  }
0x8a: {  	[sflag:s9] =	ssyncset.done $0x0  }
0x8b: {  	[sflag:s9] =	ssyncadd.s32 $0xFFFFC180  }
0x8c: {  	_ =	swait.ge [sflag:s9], $0x3E80  }
0x8d: {  	[sflag:s9] =	ssyncset.done $0x0  }
0x8e: {  	[sflag:s9] =	ssyncadd.s32 $0xFFFFC180  }
0x8f: {  	_ =	swait.ge [sflag:s9], $0x3E80  }
0x90: {  	[sflag:s9] =	ssyncset.done $0x0  }
0x91: {  	[sflag:s9] =	ssyncadd.s32 $0xFFFFC180  }
0x92: {  	_ =	swait.ge [sflag:s9], $0x3E80  }
0x93: {  	[sflag:s9] =	ssyncset.done $0x0  }
0x94: {  	[sflag:s9] =	ssyncadd.s32 $0xFFFFC180  }
0x95: {  	_ =	swait.ge [sflag:s9], $0x3E80  }
0x96: {  	[sflag:s9] =	ssyncset.done $0x0  }
0x97: {  	[sflag:s9] =	ssyncadd.s32 $0xFFFFC180  }
0x98: {  	_ =	swait.ge [sflag:s9], $0x3E80  }
0x99: {  	[sflag:s9] =	ssyncset.done $0x0  }
0x9a: {  	[sflag:s9] =	ssyncadd.s32 $0xFFFFC180  }
0x9b: {  	_ =	swait.ge [sflag:s9], $0x3E80  }
0x9c: {  	[sflag:s9] =	ssyncset.done $0x0  }
0x9d: {  	s25 =	rddreg [dreg:$0xd];
	[sflag:s9] =	ssyncadd.s32 $0xFFFFC180  }
0x9e: {  	[tilespmem:s28], [sflag:$0x4] =	stream.linear.gather [hbm4b:s25+s3], $0xA00, $0x38;
	[tilespmem:$0x1D080] =	vst v63  }
0x9f: {  	_ =	swait.ge [sflag:s26], $0xA00  }
0xa0: {  	[sflag:s26] =	ssyncset.done $0x0  }
0xa1: {  	[sflag:s26] =	ssyncadd.s32 $0xFFFFF600  }
0xa2: {  	[spmem:s2] =	stream.indirect.scatter.add.f32 [tilespmem:s13], [sflag:$0x3], $0x80, s28, s29, $0xb8;
	[tilespmem:$0x1D080] =	vst v63  }
0xa3: {  	_ = 	snop  }
0xa4: {  	[spmem:s2] =	stream.indirect.scatter.add.f32 [tilespmem:s13], [sflag:$0x3], $0x80, s19, s29, $0xb8;
	[tilespmem:$0x1D080] =	vst v63  }
0xa5: {  	_ = 	snop  }
0xa6: {  	[spmem:s2] =	stream.indirect.scatter.add.f32 [tilespmem:s13], [sflag:$0x3], $0x80, s1, s29, $0xb8;
	[tilespmem:$0x1D080] =	vst v63  }
0xa7: {  	_ = 	snop  }
0xa8: {  	[spmem:s2] =	stream.indirect.scatter.add.f32 [tilespmem:s13], [sflag:$0x3], $0x80, s14, s29, $0xb8;
	[tilespmem:$0x1D080] =	vst v63  }
0xa9: {  	_ = 	snop  }
0xaa: {  	[spmem:s2] =	stream.indirect.scatter.add.f32 [tilespmem:s13], [sflag:$0x3], $0x80, s23, s29, $0xb8;
	[tilespmem:$0x1D080] =	vst v63  }
0xab: {  	_ = 	snop  }
0xac: {  	[spmem:s2] =	stream.indirect.scatter.add.f32 [tilespmem:s13], [sflag:$0x3], $0x80, s12, s29, $0xb8;
	[tilespmem:$0x1D080] =	vst v63  }
0xad: {  	_ = 	snop  }
0xae: {  	[spmem:s2] =	stream.indirect.scatter.add.f32 [tilespmem:s13], [sflag:$0x3], $0x80, s15, s29, $0xb8;
	[tilespmem:$0x1D080] =	vst v63  }
0xaf: {  	s25 =	simm.s32 $0xF80  }
0xb0: {  	[spmem:s2] =	stream.indirect.scatter.add.f32 [tilespmem:s13], [sflag:$0x3], $0x80, s25, s29, $0xb8;
	[tilespmem:$0x1D080] =	vst v63  }
0xb1: {  	s17 =	simm.s32 $0x1000  }
0xb2: {  	[spmem:s2] =	stream.indirect.scatter.add.f32 [tilespmem:s13], [sflag:$0x3], $0x80, s17, s29, $0xb8;
	[tilespmem:$0x1D080] =	vst v63  }
0xb3: {  	s25 =	simm.s32 $0x1080  }
0xb4: {  	[spmem:s2] =	stream.indirect.scatter.add.f32 [tilespmem:s13], [sflag:$0x3], $0x80, s25, s29, $0xb8;
	[tilespmem:$0x1D080] =	vst v63  }
0xb5: {  	s17 =	simm.s32 $0x1100  }
0xb6: {  	[spmem:s2] =	stream.indirect.scatter.add.f32 [tilespmem:s13], [sflag:$0x3], $0x80, s17, s29, $0xb8;
	[tilespmem:$0x1D080] =	vst v63  }
0xb7: {  	s17 =	simm.s32 $0x1180  }
0xb8: {  	[spmem:s2] =	stream.indirect.scatter.add.f32 [tilespmem:s13], [sflag:$0x3], $0x80, s17, s29, $0xb8;
	[tilespmem:$0x1D080] =	vst v63  }
0xb9: {  	s15 =	simm.s32 $0x1200  }
0xba: {  	[spmem:s2] =	stream.indirect.scatter.add.f32 [tilespmem:s13], [sflag:$0x3], $0x80, s15, s29, $0xb8;
	[tilespmem:$0x1D080] =	vst v63  }
0xbb: {  	s15 =	simm.s32 $0x1280  }
0xbc: {  	[spmem:s2] =	stream.indirect.scatter.add.f32 [tilespmem:s13], [sflag:$0x3], $0x80, s15, s29, $0xb8;
	[tilespmem:$0x1D080] =	vst v63  }
0xbd: {  	s25 =	simm.s32 $0x1300  }
0xbe: {  	[spmem:s2] =	stream.indirect.scatter.add.f32 [tilespmem:s13], [sflag:$0x3], $0x80, s25, s29, $0xb8;
	[tilespmem:$0x1D080] =	vst v63  }
0xbf: {  	s25 =	simm.s32 $0x1380  }
0xc0: {  	[spmem:s2] =	stream.indirect.scatter.add.f32 [tilespmem:s13], [sflag:$0x3], $0x80, s25, s29, $0xb8;
	[tilespmem:$0x1D080] =	vst v63  }
0xc1: {  	s17 =	simm.s32 $0x1400  }
0xc2: {  	[spmem:s2] =	stream.indirect.scatter.add.f32 [tilespmem:s13], [sflag:$0x3], $0x80, s17, s29, $0xb8;
	[tilespmem:$0x1D080] =	vst v63  }
0xc3: {  	s17 =	simm.s32 $0x1480  }
0xc4: {  	[spmem:s2] =	stream.indirect.scatter.add.f32 [tilespmem:s13], [sflag:$0x3], $0x80, s17, s29, $0xb8;
	[tilespmem:$0x1D080] =	vst v63  }
0xc5: {  	s15 =	simm.s32 $0x1500  }
0xc6: {  	[spmem:s2] =	stream.indirect.scatter.add.f32 [tilespmem:s13], [sflag:$0x3], $0x80, s15, s29, $0xb8;
	[tilespmem:$0x1D080] =	vst v63  }
0xc7: {  	s25 =	simm.s32 $0x1580  }
0xc8: {  	[spmem:s2] =	stream.indirect.scatter.add.f32 [tilespmem:s13], [sflag:$0x3], $0x80, s25, s29, $0xb8;
	[tilespmem:$0x1D080] =	vst v63  }
0xc9: {  	_ =	swait.ge [sflag:s9], $0x3E80  }
0xca: {  	[sflag:s9] =	ssyncset.done $0x0  }
0xcb: {  	[sflag:s9] =	ssyncadd.s32 $0xFFFFC180  }
0xcc: {  	_ =	swait.ge [sflag:s9], $0x3E80  }
0xcd: {  	[sflag:s9] =	ssyncset.done $0x0  }
0xce: {  	[sflag:s9] =	ssyncadd.s32 $0xFFFFC180  }
0xcf: {  	_ =	swait.ge [sflag:s9], $0x3E80  }
0xd0: {  	[sflag:s9] =	ssyncset.done $0x0  }
0xd1: {  	[sflag:s9] =	ssyncadd.s32 $0xFFFFC180  }
0xd2: {  	_ =	swait.ge [sflag:s9], $0x3E80  }
0xd3: {  	[sflag:s9] =	ssyncset.done $0x0  }
0xd4: {  	[sflag:s9] =	ssyncadd.s32 $0xFFFFC180  }
0xd5: {  	_ =	swait.ge [sflag:s9], $0x3E80  }
0xd6: {  	[sflag:s9] =	ssyncset.done $0x0  }
0xd7: {  	[sflag:s9] =	ssyncadd.s32 $0xFFFFC180  }
0xd8: {  	_ =	swait.ge [sflag:s9], $0x3E80  }
0xd9: {  	[sflag:s9] =	ssyncset.done $0x0  }
0xda: {  	[sflag:s9] =	ssyncadd.s32 $0xFFFFC180  }
0xdb: {  	_ =	swait.ge [sflag:s9], $0x3E80  }
0xdc: {  	[sflag:s9] =	ssyncset.done $0x0  }
0xdd: {  	[sflag:s9] =	ssyncadd.s32 $0xFFFFC180  }
0xde: {  	_ =	swait.ge [sflag:s9], $0x3E80  }
0xdf: {  	[sflag:s9] =	ssyncset.done $0x0  }
0xe0: {  	[sflag:s9] =	ssyncadd.s32 $0xFFFFC180  }
0xe1: {  	_ =	swait.ge [sflag:s9], $0x3E80  }
0xe2: {  	[sflag:s9] =	ssyncset.done $0x0  }
0xe3: {  	[sflag:s9] =	ssyncadd.s32 $0xFFFFC180  }
0xe4: {  	_ =	swait.ge [sflag:s9], $0x3E80  }
0xe5: {  	[sflag:s9] =	ssyncset.done $0x0  }
0xe6: {  	[sflag:s9] =	ssyncadd.s32 $0xFFFFC180  }
0xe7: {  	_ =	swait.ge [sflag:s9], $0x3E80  }
0xe8: {  	[sflag:s9] =	ssyncset.done $0x0  }
0xe9: {  	[sflag:s9] =	ssyncadd.s32 $0xFFFFC180  }
0xea: {  	_ =	swait.ge [sflag:s9], $0x3E80  }
0xeb: {  	[sflag:s9] =	ssyncset.done $0x0  }
0xec: {  	[sflag:s9] =	ssyncadd.s32 $0xFFFFC180  }
0xed: {  	_ =	swait.ge [sflag:s9], $0x3E80  }
0xee: {  	[sflag:s9] =	ssyncset.done $0x0  }
0xef: {  	[sflag:s9] =	ssyncadd.s32 $0xFFFFC180  }
0xf0: {  	_ =	swait.ge [sflag:s9], $0x3E80  }
0xf1: {  	[sflag:s9] =	ssyncset.done $0x0  }
0xf2: {  	[sflag:s9] =	ssyncadd.s32 $0xFFFFC180  }
0xf3: {  	_ =	swait.ge [sflag:s9], $0x3E80  }
0xf4: {  	[sflag:s9] =	ssyncset.done $0x0  }
0xf5: {  	[sflag:s9] =	ssyncadd.s32 $0xFFFFC180  }
0xf6: {  	_ =	swait.ge [sflag:s9], $0x3E80  }
0xf7: {  	[sflag:s9] =	ssyncset.done $0x0  }
0xf8: {  	[sflag:s9] =	ssyncadd.s32 $0xFFFFC180  }
0xf9: {  	_ =	swait.ge [sflag:s9], $0x3E80  }
0xfa: {  	[sflag:s9] =	ssyncset.done $0x0  }
0xfb: {  	[sflag:s9] =	ssyncadd.s32 $0xFFFFC180  }
0xfc: {  	_ =	swait.ge [sflag:s9], $0x3E80  }
0xfd: {  	[sflag:s9] =	ssyncset.done $0x0  }
0xfe: {  	[sflag:s9] =	ssyncadd.s32 $0xFFFFC180  }
0xff: {  	_ =	swait.ge [sflag:s9], $0x3E80  }
0x100: {  	[sflag:s9] =	ssyncset.done $0x0  }
0x101: {  	[sflag:s9] =	ssyncadd.s32 $0xFFFFC180  }
0x102: {  	_ =	swait.ge [sflag:s9], $0x3E80  }
0x103: {  	[sflag:s9] =	ssyncset.done $0x0  }
0x104: {  	[sflag:s9] =	ssyncadd.s32 $0xFFFFC180  }
0x105: {  	[bflag:$0x0] =	sbarrier.arrive $0xFFFF  }
0x106: {  	s11 =	rddreg [dreg:$0x1d]  }
0x107: {  	[hbm:s11], [sflag:s8] =	dma.local @p1 [spmem:s18], $0x2800  }
0x108: {  	_ =	swait.ge @p1 [sflag:s0], $0x2800  }
0x109: {  	[sflag:s0] =	ssyncset.done @p1 $0x0  }
0x10a: {  	[sflag:s0] =	ssyncadd.s32 @p1 $0xFFFFD800;
	s0 =	rddreg [dreg:$0x1b]  }
0x10b: {  	[hbm:s0], [sflag:s10] =	dma.local @!p1 [spmem:s6], $0x2700  }
0x10c: {  	_ =	swait.ge @!p1 [sflag:s7], $0x2700  }
0x10d: {  	[sflag:s7] =	ssyncset.done @!p1 $0x0  }
0x10e: {  	s17 =	simm.s32 $0x280;
	s25 =	simm.s32 $0x300;
	[sflag:s7] =	ssyncadd.s32 @!p1 $0xFFFFD900  }
.LBB2_7:
0x10f: {  	s21 =	sadd.s32 $0xFFFFFFFF, s21  }
0x110: {  	p2 =	sne.s32 s21, $0x0  }
.Ltmp1:
0x111: {  	_ = 	snop;
	(pc) =	sbr.rel @!p2 .LBB2_8-.Ltmp1, $2  }
0x112: {  	_ =	sdelay $0x2  }
0x113: {  	s7 =	simm.s32 $0x80;
	s11 =	simm.s32 $0x200  }
.LBB2_1:
.Ltmp2:
0x114: {  	(pc) =	sbr.rel @p0 .LBB2_3-.Ltmp2, $4  }
0x115: {  	_ = 	snop  }
0x116: {  	s0 =	stileid.u32;
	s6 =	rddreg [dreg:$0x1f]  }
0x117: {  	s0 =	sshll.u32 @!p1 s0, $0x6;
	s18 =	sshrl.u32 @p1 s6, $0x3;
	s6 =	rddreg [dreg:$0x4]  }
0x118: {  	s6 =	sshrl.u32 @!p1 s6, $0x3;
	s10 =	sor.u32 @!p1 $0x1C04, s0  }
0x119: {  	[smem:$0x7F9] =	sst s21  }
0x11a: {  	s24 =	sld [smem:$0x7FA]  }
0x11b: {  	s19 =	rddreg [dreg:$0xe];
	s15 =	simm.s32 @p1 $0x1FC4;
	s8 =	simm.s32 @p1 $0x4  }
0x11c: {  	[spmem:s18], [sflag:s15] =	dma.local @p1 [hbm:s22], $0x2800  }
0x11d: {  	_ =	swait.ge @p1 [sflag:s8], $0x2800  }
0x11e: {  	[sflag:s8] =	ssyncset.done @p1 $0x0  }
0x11f: {  	s12 =	simm.s32 @!p1 $0x4;
	[sflag:s8] =	ssyncadd.s32 @p1 $0xFFFFD800  }
0x120: {  	[spmem:s6], [sflag:s10] =	dma.local @!p1 [hbm:s22], $0x2700  }
0x121: {  	_ =	swait.ge @!p1 [sflag:s12], $0x2700  }
0x122: {  	[sflag:s12] =	ssyncset.done @!p1 $0x0  }
0x123: {  	[sflag:s12] =	ssyncadd.s32 @!p1 $0xFFFFD900  }
0x124: {  	[bflag:$0x0] =	sbarrier.arrive $0xFFFF  }
0x125: {  	s0 =	rddreg [dreg:$0x5]  }
0x126: {  	[tilespmem:s3], [sflag:$0x4] =	stream.linear.gather [hbm4b:s0+s3], $0xA00, $0x38;
	[tilespmem:$0x1D080] =	vst v63  }
0x127: {  	_ =	swait.ge [sflag:s26], $0xA00  }
0x128: {  	[sflag:s26] =	ssyncset.done $0x0  }
0x129: {  	s1 =	simm.s32 $0xC00;
	s0 =	rddreg [dreg:$0x6];
	[sflag:s26] =	ssyncadd.s32 $0xFFFFF600  }
0x12a: {  	[tilespmem:s1], [sflag:$0x4] =	stream.linear.gather [hbm4b:s0+s3], $0xA00, $0x38;
	[tilespmem:$0x1D080] =	vst v63  }
0x12b: {  	_ =	swait.ge [sflag:s26], $0xA00  }
0x12c: {  	[sflag:s26] =	ssyncset.done $0x0  }
0x12d: {  	[sflag:s26] =	ssyncadd.s32 $0xFFFFF600  }
0x12e: {  	[tilespmem:s30], [sflag:$0x1] =	stream.indirect.gather [hbm4b:s4+s29], $0x80, s3, s29, $0xb8;
	[tilespmem:$0x1D080] =	vst v63  }
0x12f: {  	_ =	swait.ge [sflag:s31], $0x3E80  }
0x130: {  	[sflag:s31] =	ssyncset.done $0x0  }
0x131: {  	[sflag:s31] =	ssyncadd.s32 $0xFFFFC180  }
0x132: {  	[tilespmem:s13], [sflag:$0x2] =	stream.indirect.gather [hbm4b:s4+s29], $0x80, s7, s29, $0xb8;
	[tilespmem:$0x1D080] =	vst v63  }
0x133: {  	_ = 	snop  }
0x134: {  	[spmem:s2] =	stream.indirect.scatter.add.f32 [tilespmem:s30], [sflag:$0x4], $0x80, s1, s29, $0xb8;
	[tilespmem:$0x1D080] =	vst v63  }
0x135: {  	_ =	swait.ge [sflag:s26], $0x3E80  }
0x136: {  	[sflag:s26] =	ssyncset.done $0x0  }
0x137: {  	[sflag:s26] =	ssyncadd.s32 $0xFFFFC180  }
0x138: {  	_ =	swait.ge [sflag:s16], $0x3E80  }
0x139: {  	[sflag:s16] =	ssyncset.done $0x0  }
0x13a: {  	s21 =	simm.s32 $0x100;
	[sflag:s16] =	ssyncadd.s32 $0xFFFFC180  }
0x13b: {  	[tilespmem:s30], [sflag:$0x1] =	stream.indirect.gather [hbm4b:s4+s29], $0x80, s21, s29, $0xb8;
	[tilespmem:$0x1D080] =	vst v63  }
0x13c: {  	s20 =	simm.s32 $0xC80  }
0x13d: {  	[spmem:s2] =	stream.indirect.scatter.add.f32 [tilespmem:s13], [sflag:$0x4], $0x80, s20, s29, $0xb8;
	[tilespmem:$0x1D080] =	vst v63  }
0x13e: {  	_ =	swait.ge [sflag:s26], $0x3E80  }
0x13f: {  	[sflag:s26] =	ssyncset.done $0x0  }
0x140: {  	[sflag:s26] =	ssyncadd.s32 $0xFFFFC180  }
0x141: {  	_ =	swait.ge [sflag:s31], $0x3E80  }
0x142: {  	[sflag:s31] =	ssyncset.done $0x0  }
0x143: {  	s28 =	simm.s32 $0x180;
	[sflag:s31] =	ssyncadd.s32 $0xFFFFC180  }
0x144: {  	[tilespmem:s13], [sflag:$0x2] =	stream.indirect.gather [hbm4b:s4+s29], $0x80, s28, s29, $0xb8;
	[tilespmem:$0x1D080] =	vst v63  }
0x145: {  	s28 =	simm.s32 $0xD00  }
0x146: {  	[spmem:s2] =	stream.indirect.scatter.add.f32 [tilespmem:s30], [sflag:$0x4], $0x80, s28, s29, $0xb8;
	[tilespmem:$0x1D080] =	vst v63  }
0x147: {  	_ =	swait.ge [sflag:s26], $0x3E80  }
0x148: {  	[sflag:s26] =	ssyncset.done $0x0  }
0x149: {  	[sflag:s26] =	ssyncadd.s32 $0xFFFFC180  }
0x14a: {  	_ =	swait.ge [sflag:s16], $0x3E80  }
0x14b: {  	[sflag:s16] =	ssyncset.done $0x0  }
0x14c: {  	[sflag:s16] =	ssyncadd.s32 $0xFFFFC180  }
0x14d: {  	[tilespmem:s30], [sflag:$0x1] =	stream.indirect.gather [hbm4b:s4+s29], $0x80, s11, s29, $0xb8;
	[tilespmem:$0x1D080] =	vst v63  }
0x14e: {  	_ = 	snop  }
0x14f: {  	[spmem:s2] =	stream.indirect.scatter.add.f32 [tilespmem:s13], [sflag:$0x4], $0x80, s14, s29, $0xb8;
	[tilespmem:$0x1D080] =	vst v63  }
0x150: {  	_ =	swait.ge [sflag:s26], $0x3E80  }
0x151: {  	[sflag:s26] =	ssyncset.done $0x0  }
0x152: {  	[sflag:s26] =	ssyncadd.s32 $0xFFFFC180  }
0x153: {  	_ =	swait.ge [sflag:s31], $0x3E80  }
0x154: {  	[sflag:s31] =	ssyncset.done $0x0  }
0x155: {  	[sflag:s31] =	ssyncadd.s32 $0xFFFFC180  }
0x156: {  	[tilespmem:s13], [sflag:$0x2] =	stream.indirect.gather [hbm4b:s4+s29], $0x80, s17, s29, $0xb8;
	[tilespmem:$0x1D080] =	vst v63  }
0x157: {  	_ = 	snop  }
0x158: {  	[spmem:s2] =	stream.indirect.scatter.add.f32 [tilespmem:s30], [sflag:$0x4], $0x80, s23, s29, $0xb8;
	[tilespmem:$0x1D080] =	vst v63  }
0x159: {  	_ =	swait.ge [sflag:s26], $0x3E80  }
0x15a: {  	[sflag:s26] =	ssyncset.done $0x0  }
0x15b: {  	[sflag:s26] =	ssyncadd.s32 $0xFFFFC180  }
0x15c: {  	_ =	swait.ge [sflag:s16], $0x3E80  }
0x15d: {  	[sflag:s16] =	ssyncset.done $0x0  }
0x15e: {  	[sflag:s16] =	ssyncadd.s32 $0xFFFFC180  }
0x15f: {  	[tilespmem:s30], [sflag:$0x1] =	stream.indirect.gather [hbm4b:s4+s29], $0x80, s25, s29, $0xb8;
	[tilespmem:$0x1D080] =	vst v63  }
0x160: {  	s11 =	simm.s32 $0xE80  }
0x161: {  	[spmem:s2] =	stream.indirect.scatter.add.f32 [tilespmem:s13], [sflag:$0x4], $0x80, s11, s29, $0xb8;
	[tilespmem:$0x1D080] =	vst v63  }
0x162: {  	_ =	swait.ge [sflag:s26], $0x3E80  }
0x163: {  	[sflag:s26] =	ssyncset.done $0x0  }
0x164: {  	[sflag:s26] =	ssyncadd.s32 $0xFFFFC180  }
0x165: {  	_ =	swait.ge [sflag:s31], $0x3E80  }
0x166: {  	[sflag:s31] =	ssyncset.done $0x0  }
0x167: {  	s14 =	simm.s32 $0x380;
	[sflag:s31] =	ssyncadd.s32 $0xFFFFC180  }
0x168: {  	[tilespmem:s13], [sflag:$0x2] =	stream.indirect.gather [hbm4b:s4+s29], $0x80, s14, s29, $0xb8;
	[tilespmem:$0x1D080] =	vst v63  }
0x169: {  	s17 =	simm.s32 $0xF00  }
0x16a: {  	[spmem:s2] =	stream.indirect.scatter.add.f32 [tilespmem:s30], [sflag:$0x4], $0x80, s17, s29, $0xb8;
	[tilespmem:$0x1D080] =	vst v63  }
0x16b: {  	_ =	swait.ge [sflag:s26], $0x3E80  }
0x16c: {  	[sflag:s26] =	ssyncset.done $0x0  }
0x16d: {  	[sflag:s26] =	ssyncadd.s32 $0xFFFFC180  }
0x16e: {  	_ =	swait.ge [sflag:s16], $0x3E80  }
0x16f: {  	[sflag:s16] =	ssyncset.done $0x0  }
0x170: {  	s20 =	simm.s32 $0x400;
	[sflag:s16] =	ssyncadd.s32 $0xFFFFC180  }
0x171: {  	[tilespmem:s30], [sflag:$0x1] =	stream.indirect.gather [hbm4b:s4+s29], $0x80, s20, s29, $0xb8;
	[tilespmem:$0x1D080] =	vst v63  }
0x172: {  	s21 =	simm.s32 $0xF80  }
0x173: {  	[spmem:s2] =	stream.indirect.scatter.add.f32 [tilespmem:s13], [sflag:$0x4], $0x80, s21, s29, $0xb8;
	[tilespmem:$0x1D080] =	vst v63  }
0x174: {  	_ =	swait.ge [sflag:s26], $0x3E80  }
0x175: {  	[sflag:s26] =	ssyncset.done $0x0  }
0x176: {  	[sflag:s26] =	ssyncadd.s32 $0xFFFFC180  }
0x177: {  	_ =	swait.ge [sflag:s31], $0x3E80  }
0x178: {  	[sflag:s31] =	ssyncset.done $0x0  }
0x179: {  	s23 =	simm.s32 $0x480;
	[sflag:s31] =	ssyncadd.s32 $0xFFFFC180  }
0x17a: {  	[tilespmem:s13], [sflag:$0x2] =	stream.indirect.gather [hbm4b:s4+s29], $0x80, s23, s29, $0xb8;
	[tilespmem:$0x1D080] =	vst v63  }
0x17b: {  	s25 =	simm.s32 $0x1000  }
0x17c: {  	[spmem:s2] =	stream.indirect.scatter.add.f32 [tilespmem:s30], [sflag:$0x4], $0x80, s25, s29, $0xb8;
	[tilespmem:$0x1D080] =	vst v63  }
0x17d: {  	_ =	swait.ge [sflag:s26], $0x3E80  }
0x17e: {  	[sflag:s26] =	ssyncset.done $0x0  }
0x17f: {  	[sflag:s26] =	ssyncadd.s32 $0xFFFFC180  }
0x180: {  	_ =	swait.ge [sflag:s16], $0x3E80  }
0x181: {  	[sflag:s16] =	ssyncset.done $0x0  }
0x182: {  	s7 =	simm.s32 $0x500;
	[sflag:s16] =	ssyncadd.s32 $0xFFFFC180  }
0x183: {  	[tilespmem:s30], [sflag:$0x1] =	stream.indirect.gather [hbm4b:s4+s29], $0x80, s7, s29, $0xb8;
	[tilespmem:$0x1D080] =	vst v63  }
0x184: {  	s11 =	simm.s32 $0x1080  }
0x185: {  	[spmem:s2] =	stream.indirect.scatter.add.f32 [tilespmem:s13], [sflag:$0x4], $0x80, s11, s29, $0xb8;
	[tilespmem:$0x1D080] =	vst v63  }
0x186: {  	_ =	swait.ge [sflag:s26], $0x3E80  }
0x187: {  	[sflag:s26] =	ssyncset.done $0x0  }
0x188: {  	[sflag:s26] =	ssyncadd.s32 $0xFFFFC180  }
0x189: {  	_ =	swait.ge [sflag:s31], $0x3E80  }
0x18a: {  	[sflag:s31] =	ssyncset.done $0x0  }
0x18b: {  	s14 =	simm.s32 $0x580;
	[sflag:s31] =	ssyncadd.s32 $0xFFFFC180  }
0x18c: {  	[tilespmem:s13], [sflag:$0x2] =	stream.indirect.gather [hbm4b:s4+s29], $0x80, s14, s29, $0xb8;
	[tilespmem:$0x1D080] =	vst v63  }
0x18d: {  	s17 =	simm.s32 $0x1100  }
0x18e: {  	[spmem:s2] =	stream.indirect.scatter.add.f32 [tilespmem:s30], [sflag:$0x4], $0x80, s17, s29, $0xb8;
	[tilespmem:$0x1D080] =	vst v63  }
0x18f: {  	_ =	swait.ge [sflag:s26], $0x3E80  }
0x190: {  	[sflag:s26] =	ssyncset.done $0x0  }
0x191: {  	[sflag:s26] =	ssyncadd.s32 $0xFFFFC180  }
0x192: {  	_ =	swait.ge [sflag:s16], $0x3E80  }
0x193: {  	[sflag:s16] =	ssyncset.done $0x0  }
0x194: {  	s20 =	simm.s32 $0x600;
	[sflag:s16] =	ssyncadd.s32 $0xFFFFC180  }
0x195: {  	[tilespmem:s30], [sflag:$0x1] =	stream.indirect.gather [hbm4b:s4+s29], $0x80, s20, s29, $0xb8;
	[tilespmem:$0x1D080] =	vst v63  }
0x196: {  	s21 =	simm.s32 $0x1180  }
0x197: {  	[spmem:s2] =	stream.indirect.scatter.add.f32 [tilespmem:s13], [sflag:$0x4], $0x80, s21, s29, $0xb8;
	[tilespmem:$0x1D080] =	vst v63  }
0x198: {  	_ =	swait.ge [sflag:s26], $0x3E80  }
0x199: {  	[sflag:s26] =	ssyncset.done $0x0  }
0x19a: {  	[sflag:s26] =	ssyncadd.s32 $0xFFFFC180  }
0x19b: {  	_ =	swait.ge [sflag:s31], $0x3E80  }
0x19c: {  	[sflag:s31] =	ssyncset.done $0x0  }
0x19d: {  	s23 =	simm.s32 $0x680;
	[sflag:s31] =	ssyncadd.s32 $0xFFFFC180  }
0x19e: {  	[tilespmem:s13], [sflag:$0x2] =	stream.indirect.gather [hbm4b:s4+s29], $0x80, s23, s29, $0xb8;
	[tilespmem:$0x1D080] =	vst v63  }
0x19f: {  	s25 =	simm.s32 $0x1200  }
0x1a0: {  	[spmem:s2] =	stream.indirect.scatter.add.f32 [tilespmem:s30], [sflag:$0x4], $0x80, s25, s29, $0xb8;
	[tilespmem:$0x1D080] =	vst v63  }
0x1a1: {  	_ =	swait.ge [sflag:s26], $0x3E80  }
0x1a2: {  	[sflag:s26] =	ssyncset.done $0x0  }
0x1a3: {  	[sflag:s26] =	ssyncadd.s32 $0xFFFFC180  }
0x1a4: {  	_ =	swait.ge [sflag:s16], $0x3E80  }
0x1a5: {  	[sflag:s16] =	ssyncset.done $0x0  }
0x1a6: {  	s7 =	simm.s32 $0x700;
	[sflag:s16] =	ssyncadd.s32 $0xFFFFC180  }
0x1a7: {  	[tilespmem:s30], [sflag:$0x1] =	stream.indirect.gather [hbm4b:s4+s29], $0x80, s7, s29, $0xb8;
	[tilespmem:$0x1D080] =	vst v63  }
0x1a8: {  	s11 =	simm.s32 $0x1280  }
0x1a9: {  	[spmem:s2] =	stream.indirect.scatter.add.f32 [tilespmem:s13], [sflag:$0x4], $0x80, s11, s29, $0xb8;
	[tilespmem:$0x1D080] =	vst v63  }
0x1aa: {  	_ =	swait.ge [sflag:s26], $0x3E80  }
0x1ab: {  	[sflag:s26] =	ssyncset.done $0x0  }
0x1ac: {  	[sflag:s26] =	ssyncadd.s32 $0xFFFFC180  }
0x1ad: {  	_ =	swait.ge [sflag:s31], $0x3E80  }
0x1ae: {  	[sflag:s31] =	ssyncset.done $0x0  }
0x1af: {  	s14 =	simm.s32 $0x780;
	[sflag:s31] =	ssyncadd.s32 $0xFFFFC180  }
0x1b0: {  	[tilespmem:s13], [sflag:$0x2] =	stream.indirect.gather [hbm4b:s4+s29], $0x80, s14, s29, $0xb8;
	[tilespmem:$0x1D080] =	vst v63  }
0x1b1: {  	s17 =	simm.s32 $0x1300  }
0x1b2: {  	[spmem:s2] =	stream.indirect.scatter.add.f32 [tilespmem:s30], [sflag:$0x4], $0x80, s17, s29, $0xb8;
	[tilespmem:$0x1D080] =	vst v63  }
0x1b3: {  	_ =	swait.ge [sflag:s26], $0x3E80  }
0x1b4: {  	[sflag:s26] =	ssyncset.done $0x0  }
0x1b5: {  	[sflag:s26] =	ssyncadd.s32 $0xFFFFC180  }
0x1b6: {  	_ =	swait.ge [sflag:s16], $0x3E80  }
0x1b7: {  	[sflag:s16] =	ssyncset.done $0x0  }
0x1b8: {  	s20 =	simm.s32 $0x800;
	[sflag:s16] =	ssyncadd.s32 $0xFFFFC180  }
0x1b9: {  	[tilespmem:s30], [sflag:$0x1] =	stream.indirect.gather [hbm4b:s4+s29], $0x80, s20, s29, $0xb8;
	[tilespmem:$0x1D080] =	vst v63  }
0x1ba: {  	s21 =	simm.s32 $0x1380  }
0x1bb: {  	[spmem:s2] =	stream.indirect.scatter.add.f32 [tilespmem:s13], [sflag:$0x4], $0x80, s21, s29, $0xb8;
	[tilespmem:$0x1D080] =	vst v63  }
0x1bc: {  	_ =	swait.ge [sflag:s26], $0x3E80  }
0x1bd: {  	[sflag:s26] =	ssyncset.done $0x0  }
0x1be: {  	[sflag:s26] =	ssyncadd.s32 $0xFFFFC180  }
0x1bf: {  	_ =	swait.ge [sflag:s31], $0x3E80  }
0x1c0: {  	[sflag:s31] =	ssyncset.done $0x0  }
0x1c1: {  	s23 =	simm.s32 $0x880;
	[sflag:s31] =	ssyncadd.s32 $0xFFFFC180  }
0x1c2: {  	[tilespmem:s13], [sflag:$0x2] =	stream.indirect.gather [hbm4b:s4+s29], $0x80, s23, s29, $0xb8;
	[tilespmem:$0x1D080] =	vst v63  }
0x1c3: {  	s25 =	simm.s32 $0x1400  }
0x1c4: {  	[spmem:s2] =	stream.indirect.scatter.add.f32 [tilespmem:s30], [sflag:$0x4], $0x80, s25, s29, $0xb8;
	[tilespmem:$0x1D080] =	vst v63  }
0x1c5: {  	_ =	swait.ge [sflag:s26], $0x3E80  }
0x1c6: {  	[sflag:s26] =	ssyncset.done $0x0  }
0x1c7: {  	[sflag:s26] =	ssyncadd.s32 $0xFFFFC180  }
0x1c8: {  	_ =	swait.ge [sflag:s16], $0x3E80  }
0x1c9: {  	[sflag:s16] =	ssyncset.done $0x0  }
0x1ca: {  	s7 =	simm.s32 $0x900;
	[sflag:s16] =	ssyncadd.s32 $0xFFFFC180  }
0x1cb: {  	[tilespmem:s30], [sflag:$0x1] =	stream.indirect.gather [hbm4b:s4+s29], $0x80, s7, s29, $0xb8;
	[tilespmem:$0x1D080] =	vst v63  }
0x1cc: {  	s11 =	simm.s32 $0x1480  }
0x1cd: {  	[spmem:s2] =	stream.indirect.scatter.add.f32 [tilespmem:s13], [sflag:$0x4], $0x80, s11, s29, $0xb8;
	[tilespmem:$0x1D080] =	vst v63  }
0x1ce: {  	_ =	swait.ge [sflag:s26], $0x3E80  }
0x1cf: {  	[sflag:s26] =	ssyncset.done $0x0  }
0x1d0: {  	[sflag:s26] =	ssyncadd.s32 $0xFFFFC180  }
0x1d1: {  	_ =	swait.ge [sflag:s31], $0x3E80  }
0x1d2: {  	[sflag:s31] =	ssyncset.done $0x0  }
0x1d3: {  	s14 =	simm.s32 $0x980;
	[sflag:s31] =	ssyncadd.s32 $0xFFFFC180  }
0x1d4: {  	[tilespmem:s13], [sflag:$0x2] =	stream.indirect.gather [hbm4b:s4+s29], $0x80, s14, s29, $0xb8;
	[tilespmem:$0x1D080] =	vst v63  }
0x1d5: {  	s17 =	simm.s32 $0x1500  }
0x1d6: {  	[spmem:s2] =	stream.indirect.scatter.add.f32 [tilespmem:s30], [sflag:$0x4], $0x80, s17, s29, $0xb8;
	[tilespmem:$0x1D080] =	vst v63  }
0x1d7: {  	_ =	swait.ge [sflag:s26], $0x3E80  }
0x1d8: {  	[sflag:s26] =	ssyncset.done $0x0  }
0x1d9: {  	[sflag:s26] =	ssyncadd.s32 $0xFFFFC180  }
0x1da: {  	_ =	swait.ge [sflag:s16], $0x3E80  }
0x1db: {  	[sflag:s16] =	ssyncset.done $0x0  }
0x1dc: {  	s20 =	simm.s32 $0x1580;
	[sflag:s16] =	ssyncadd.s32 $0xFFFFC180  }
0x1dd: {  	[spmem:s2] =	stream.indirect.scatter.add.f32 [tilespmem:s13], [sflag:$0x4], $0x80, s20, s29, $0xb8;
	[tilespmem:$0x1D080] =	vst v63  }
0x1de: {  	_ =	swait.ge [sflag:s26], $0x3E80  }
0x1df: {  	[sflag:s26] =	ssyncset.done $0x0  }
0x1e0: {  	[sflag:s26] =	ssyncadd.s32 $0xFFFFC180  }
0x1e1: {  	s0 =	simm.s32 @p1 $0x8;
	[bflag:$0x0] =	sbarrier.arrive $0xFFFF  }
0x1e2: {  	s25 =	simm.s32 @p1 $0x100;
	s7 =	simm.s32 @p1 $0x80;
	s11 =	rddreg [dreg:$0x13]  }
0x1e3: {  	[hbm:s11@s25], [sflag:s15] =	dma.strided @p1 [spmem:s18@s7], $0x2800, s0, $0x10   }
0x1e4: {  	_ =	swait.ge @p1 [sflag:s8], $0x2800  }
0x1e5: {  	[sflag:s8] =	ssyncset.done @p1 $0x0  }
0x1e6: {  	[sflag:s8] =	ssyncadd.s32 @p1 $0xFFFFD800  }
0x1e7: {  	[spmem:s18], [sflag:s15] =	dma.local @p1 [hbm:s22], $0x2800  }
0x1e8: {  	_ =	swait.ge @p1 [sflag:s8], $0x2800  }
0x1e9: {  	s23 =	simm.s32 @!p1 $0x8;
	s17 =	simm.s32 @!p1 $0x80;
	[sflag:s8] =	ssyncset.done @p1 $0x0  }
0x1ea: {  	s11 =	simm.s32 @!p1 $0x100;
	s14 =	rddreg [dreg:$0x7];
	[sflag:s8] =	ssyncadd.s32 @p1 $0xFFFFD800  }
0x1eb: {  	[hbm:s14@s11], [sflag:s10] =	dma.strided @!p1 [spmem:s6@s17], $0x2700, s23, $0x10   }
0x1ec: {  	_ =	swait.ge @!p1 [sflag:s12], $0x2700  }
0x1ed: {  	[sflag:s12] =	ssyncset.done @!p1 $0x0  }
0x1ee: {  	[sflag:s12] =	ssyncadd.s32 @!p1 $0xFFFFD900  }
0x1ef: {  	[spmem:s6], [sflag:s10] =	dma.local @!p1 [hbm:s22], $0x2700  }
0x1f0: {  	_ =	swait.ge @!p1 [sflag:s12], $0x2700  }
0x1f1: {  	[sflag:s12] =	ssyncset.done @!p1 $0x0  }
0x1f2: {  	[sflag:s12] =	ssyncadd.s32 @!p1 $0xFFFFD900  }
0x1f3: {  	[bflag:$0x0] =	sbarrier.arrive $0xFFFF  }
0x1f4: {  	[tilespmem:s3], [sflag:$0x4] =	stream.linear.gather [hbm4b:s19+s3], $0xA00, $0x38;
	[tilespmem:$0x1D080] =	vst v63  }
0x1f5: {  	_ =	swait.ge [sflag:s26], $0xA00  }
0x1f6: {  	[sflag:s26] =	ssyncset.done $0x0  }
0x1f7: {  	[sflag:s26] =	ssyncadd.s32 $0xFFFFF600  }
0x1f8: {  	[tilespmem:s1], [sflag:$0x4] =	stream.linear.gather [hbm4b:s24+s3], $0xA00, $0x38;
	[tilespmem:$0x1D080] =	vst v63  }
0x1f9: {  	_ =	swait.ge [sflag:s26], $0xA00  }
0x1fa: {  	[sflag:s26] =	ssyncset.done $0x0  }
0x1fb: {  	[sflag:s26] =	ssyncadd.s32 $0xFFFFF600  }
0x1fc: {  	[tilespmem:s30], [sflag:$0x1] =	stream.indirect.gather [hbm4b:s4+s29], $0x80, s3, s29, $0xb8;
	[tilespmem:$0x1D080] =	vst v63  }
0x1fd: {  	_ =	swait.ge [sflag:s31], $0x3E80  }
0x1fe: {  	[sflag:s31] =	ssyncset.done $0x0  }
0x1ff: {  	s21 =	simm.s32 $0x80;
	[sflag:s31] =	ssyncadd.s32 $0xFFFFC180  }
0x200: {  	[tilespmem:s13], [sflag:$0x2] =	stream.indirect.gather [hbm4b:s4+s29], $0x80, s21, s29, $0xb8;
	[tilespmem:$0x1D080] =	vst v63  }
0x201: {  	_ = 	snop  }
0x202: {  	[spmem:s2] =	stream.indirect.scatter.add.f32 [tilespmem:s30], [sflag:$0x4], $0x80, s1, s29, $0xb8;
	[tilespmem:$0x1D080] =	vst v63  }
0x203: {  	_ =	swait.ge [sflag:s26], $0x3E80  }
0x204: {  	[sflag:s26] =	ssyncset.done $0x0  }
0x205: {  	[sflag:s26] =	ssyncadd.s32 $0xFFFFC180  }
0x206: {  	_ =	swait.ge [sflag:s16], $0x3E80  }
0x207: {  	[sflag:s16] =	ssyncset.done $0x0  }
0x208: {  	s24 =	simm.s32 $0x100;
	[sflag:s16] =	ssyncadd.s32 $0xFFFFC180  }
0x209: {  	[tilespmem:s30], [sflag:$0x1] =	stream.indirect.gather [hbm4b:s4+s29], $0x80, s24, s29, $0xb8;
	[tilespmem:$0x1D080] =	vst v63  }
0x20a: {  	s14 =	simm.s32 $0xC80  }
0x20b: {  	[spmem:s2] =	stream.indirect.scatter.add.f32 [tilespmem:s13], [sflag:$0x4], $0x80, s14, s29, $0xb8;
	[tilespmem:$0x1D080] =	vst v63  }
0x20c: {  	_ =	swait.ge [sflag:s26], $0x3E80  }
0x20d: {  	[sflag:s26] =	ssyncset.done $0x0  }
0x20e: {  	[sflag:s26] =	ssyncadd.s32 $0xFFFFC180  }
0x20f: {  	_ =	swait.ge [sflag:s31], $0x3E80  }
0x210: {  	[sflag:s31] =	ssyncset.done $0x0  }
0x211: {  	s19 =	simm.s32 $0x180;
	[sflag:s31] =	ssyncadd.s32 $0xFFFFC180  }
0x212: {  	[tilespmem:s13], [sflag:$0x2] =	stream.indirect.gather [hbm4b:s4+s29], $0x80, s19, s29, $0xb8;
	[tilespmem:$0x1D080] =	vst v63  }
0x213: {  	_ = 	snop  }
0x214: {  	[spmem:s2] =	stream.indirect.scatter.add.f32 [tilespmem:s30], [sflag:$0x4], $0x80, s28, s29, $0xb8;
	[tilespmem:$0x1D080] =	vst v63  }
0x215: {  	_ =	swait.ge [sflag:s26], $0x3E80  }
0x216: {  	[sflag:s26] =	ssyncset.done $0x0  }
0x217: {  	[sflag:s26] =	ssyncadd.s32 $0xFFFFC180  }
0x218: {  	_ =	swait.ge [sflag:s16], $0x3E80  }
0x219: {  	[sflag:s16] =	ssyncset.done $0x0  }
0x21a: {  	s20 =	simm.s32 $0x200;
	[sflag:s16] =	ssyncadd.s32 $0xFFFFC180  }
0x21b: {  	[tilespmem:s30], [sflag:$0x1] =	stream.indirect.gather [hbm4b:s4+s29], $0x80, s20, s29, $0xb8;
	[tilespmem:$0x1D080] =	vst v63  }
0x21c: {  	s21 =	simm.s32 $0xD80  }
0x21d: {  	[spmem:s2] =	stream.indirect.scatter.add.f32 [tilespmem:s13], [sflag:$0x4], $0x80, s21, s29, $0xb8;
	[tilespmem:$0x1D080] =	vst v63  }
0x21e: {  	_ =	swait.ge [sflag:s26], $0x3E80  }
0x21f: {  	[sflag:s26] =	ssyncset.done $0x0  }
0x220: {  	[sflag:s26] =	ssyncadd.s32 $0xFFFFC180  }
0x221: {  	_ =	swait.ge [sflag:s31], $0x3E80  }
0x222: {  	[sflag:s31] =	ssyncset.done $0x0  }
0x223: {  	s24 =	simm.s32 $0x280;
	[sflag:s31] =	ssyncadd.s32 $0xFFFFC180  }
0x224: {  	[tilespmem:s13], [sflag:$0x2] =	stream.indirect.gather [hbm4b:s4+s29], $0x80, s24, s29, $0xb8;
	[tilespmem:$0x1D080] =	vst v63  }
0x225: {  	s14 =	simm.s32 $0xE00  }
0x226: {  	[spmem:s2] =	stream.indirect.scatter.add.f32 [tilespmem:s30], [sflag:$0x4], $0x80, s14, s29, $0xb8;
	[tilespmem:$0x1D080] =	vst v63  }
0x227: {  	_ =	swait.ge [sflag:s26], $0x3E80  }
0x228: {  	[sflag:s26] =	ssyncset.done $0x0  }
0x229: {  	[sflag:s26] =	ssyncadd.s32 $0xFFFFC180  }
0x22a: {  	_ =	swait.ge [sflag:s16], $0x3E80  }
0x22b: {  	[sflag:s16] =	ssyncset.done $0x0  }
0x22c: {  	s19 =	simm.s32 $0x300;
	[sflag:s16] =	ssyncadd.s32 $0xFFFFC180  }
0x22d: {  	[tilespmem:s30], [sflag:$0x1] =	stream.indirect.gather [hbm4b:s4+s29], $0x80, s19, s29, $0xb8;
	[tilespmem:$0x1D080] =	vst v63  }
0x22e: {  	s20 =	simm.s32 $0xE80  }
0x22f: {  	[spmem:s2] =	stream.indirect.scatter.add.f32 [tilespmem:s13], [sflag:$0x4], $0x80, s20, s29, $0xb8;
	[tilespmem:$0x1D080] =	vst v63  }
0x230: {  	_ =	swait.ge [sflag:s26], $0x3E80  }
0x231: {  	[sflag:s26] =	ssyncset.done $0x0  }
0x232: {  	[sflag:s26] =	ssyncadd.s32 $0xFFFFC180  }
0x233: {  	_ =	swait.ge [sflag:s31], $0x3E80  }
0x234: {  	[sflag:s31] =	ssyncset.done $0x0  }
0x235: {  	s21 =	simm.s32 $0x380;
	[sflag:s31] =	ssyncadd.s32 $0xFFFFC180  }
0x236: {  	[tilespmem:s13], [sflag:$0x2] =	stream.indirect.gather [hbm4b:s4+s29], $0x80, s21, s29, $0xb8;
	[tilespmem:$0x1D080] =	vst v63  }
0x237: {  	s24 =	simm.s32 $0xF00  }
0x238: {  	[spmem:s2] =	stream.indirect.scatter.add.f32 [tilespmem:s30], [sflag:$0x4], $0x80, s24, s29, $0xb8;
	[tilespmem:$0x1D080] =	vst v63  }
0x239: {  	_ =	swait.ge [sflag:s26], $0x3E80  }
0x23a: {  	[sflag:s26] =	ssyncset.done $0x0  }
0x23b: {  	[sflag:s26] =	ssyncadd.s32 $0xFFFFC180  }
0x23c: {  	_ =	swait.ge [sflag:s16], $0x3E80  }
0x23d: {  	[sflag:s16] =	ssyncset.done $0x0  }
0x23e: {  	s14 =	simm.s32 $0x400;
	[sflag:s16] =	ssyncadd.s32 $0xFFFFC180  }
0x23f: {  	[tilespmem:s30], [sflag:$0x1] =	stream.indirect.gather [hbm4b:s4+s29], $0x80, s14, s29, $0xb8;
	[tilespmem:$0x1D080] =	vst v63  }
0x240: {  	s19 =	simm.s32 $0xF80  }
0x241: {  	[spmem:s2] =	stream.indirect.scatter.add.f32 [tilespmem:s13], [sflag:$0x4], $0x80, s19, s29, $0xb8;
	[tilespmem:$0x1D080] =	vst v63  }
0x242: {  	_ =	swait.ge [sflag:s26], $0x3E80  }
0x243: {  	[sflag:s26] =	ssyncset.done $0x0  }
0x244: {  	[sflag:s26] =	ssyncadd.s32 $0xFFFFC180  }
0x245: {  	_ =	swait.ge [sflag:s31], $0x3E80  }
0x246: {  	[sflag:s31] =	ssyncset.done $0x0  }
0x247: {  	s20 =	simm.s32 $0x480;
	[sflag:s31] =	ssyncadd.s32 $0xFFFFC180  }
0x248: {  	[tilespmem:s13], [sflag:$0x2] =	stream.indirect.gather [hbm4b:s4+s29], $0x80, s20, s29, $0xb8;
	[tilespmem:$0x1D080] =	vst v63  }
0x249: {  	s21 =	simm.s32 $0x1000  }
0x24a: {  	[spmem:s2] =	stream.indirect.scatter.add.f32 [tilespmem:s30], [sflag:$0x4], $0x80, s21, s29, $0xb8;
	[tilespmem:$0x1D080] =	vst v63  }
0x24b: {  	_ =	swait.ge [sflag:s26], $0x3E80  }
0x24c: {  	[sflag:s26] =	ssyncset.done $0x0  }
0x24d: {  	[sflag:s26] =	ssyncadd.s32 $0xFFFFC180  }
0x24e: {  	_ =	swait.ge [sflag:s16], $0x3E80  }
0x24f: {  	[sflag:s16] =	ssyncset.done $0x0  }
0x250: {  	s24 =	simm.s32 $0x500;
	[sflag:s16] =	ssyncadd.s32 $0xFFFFC180  }
0x251: {  	[tilespmem:s30], [sflag:$0x1] =	stream.indirect.gather [hbm4b:s4+s29], $0x80, s24, s29, $0xb8;
	[tilespmem:$0x1D080] =	vst v63  }
0x252: {  	s14 =	simm.s32 $0x1080  }
0x253: {  	[spmem:s2] =	stream.indirect.scatter.add.f32 [tilespmem:s13], [sflag:$0x4], $0x80, s14, s29, $0xb8;
	[tilespmem:$0x1D080] =	vst v63  }
0x254: {  	_ =	swait.ge [sflag:s26], $0x3E80  }
0x255: {  	[sflag:s26] =	ssyncset.done $0x0  }
0x256: {  	[sflag:s26] =	ssyncadd.s32 $0xFFFFC180  }
0x257: {  	_ =	swait.ge [sflag:s31], $0x3E80  }
0x258: {  	[sflag:s31] =	ssyncset.done $0x0  }
0x259: {  	s19 =	simm.s32 $0x580;
	[sflag:s31] =	ssyncadd.s32 $0xFFFFC180  }
0x25a: {  	[tilespmem:s13], [sflag:$0x2] =	stream.indirect.gather [hbm4b:s4+s29], $0x80, s19, s29, $0xb8;
	[tilespmem:$0x1D080] =	vst v63  }
0x25b: {  	s20 =	simm.s32 $0x1100  }
0x25c: {  	[spmem:s2] =	stream.indirect.scatter.add.f32 [tilespmem:s30], [sflag:$0x4], $0x80, s20, s29, $0xb8;
	[tilespmem:$0x1D080] =	vst v63  }
0x25d: {  	_ =	swait.ge [sflag:s26], $0x3E80  }
0x25e: {  	[sflag:s26] =	ssyncset.done $0x0  }
0x25f: {  	[sflag:s26] =	ssyncadd.s32 $0xFFFFC180  }
0x260: {  	_ =	swait.ge [sflag:s16], $0x3E80  }
0x261: {  	[sflag:s16] =	ssyncset.done $0x0  }
0x262: {  	s21 =	simm.s32 $0x600;
	[sflag:s16] =	ssyncadd.s32 $0xFFFFC180  }
0x263: {  	[tilespmem:s30], [sflag:$0x1] =	stream.indirect.gather [hbm4b:s4+s29], $0x80, s21, s29, $0xb8;
	[tilespmem:$0x1D080] =	vst v63  }
0x264: {  	s24 =	simm.s32 $0x1180  }
0x265: {  	[spmem:s2] =	stream.indirect.scatter.add.f32 [tilespmem:s13], [sflag:$0x4], $0x80, s24, s29, $0xb8;
	[tilespmem:$0x1D080] =	vst v63  }
0x266: {  	_ =	swait.ge [sflag:s26], $0x3E80  }
0x267: {  	[sflag:s26] =	ssyncset.done $0x0  }
0x268: {  	[sflag:s26] =	ssyncadd.s32 $0xFFFFC180  }
0x269: {  	_ =	swait.ge [sflag:s31], $0x3E80  }
0x26a: {  	[sflag:s31] =	ssyncset.done $0x0  }
0x26b: {  	s14 =	simm.s32 $0x680;
	[sflag:s31] =	ssyncadd.s32 $0xFFFFC180  }
0x26c: {  	[tilespmem:s13], [sflag:$0x2] =	stream.indirect.gather [hbm4b:s4+s29], $0x80, s14, s29, $0xb8;
	[tilespmem:$0x1D080] =	vst v63  }
0x26d: {  	s19 =	simm.s32 $0x1200  }
0x26e: {  	[spmem:s2] =	stream.indirect.scatter.add.f32 [tilespmem:s30], [sflag:$0x4], $0x80, s19, s29, $0xb8;
	[tilespmem:$0x1D080] =	vst v63  }
0x26f: {  	_ =	swait.ge [sflag:s26], $0x3E80  }
0x270: {  	[sflag:s26] =	ssyncset.done $0x0  }
0x271: {  	[sflag:s26] =	ssyncadd.s32 $0xFFFFC180  }
0x272: {  	_ =	swait.ge [sflag:s16], $0x3E80  }
0x273: {  	[sflag:s16] =	ssyncset.done $0x0  }
0x274: {  	s20 =	simm.s32 $0x700;
	[sflag:s16] =	ssyncadd.s32 $0xFFFFC180  }
0x275: {  	[tilespmem:s30], [sflag:$0x1] =	stream.indirect.gather [hbm4b:s4+s29], $0x80, s20, s29, $0xb8;
	[tilespmem:$0x1D080] =	vst v63  }
0x276: {  	s21 =	simm.s32 $0x1280  }
0x277: {  	[spmem:s2] =	stream.indirect.scatter.add.f32 [tilespmem:s13], [sflag:$0x4], $0x80, s21, s29, $0xb8;
	[tilespmem:$0x1D080] =	vst v63  }
0x278: {  	_ =	swait.ge [sflag:s26], $0x3E80  }
0x279: {  	[sflag:s26] =	ssyncset.done $0x0  }
0x27a: {  	[sflag:s26] =	ssyncadd.s32 $0xFFFFC180  }
0x27b: {  	_ =	swait.ge [sflag:s31], $0x3E80  }
0x27c: {  	[sflag:s31] =	ssyncset.done $0x0  }
0x27d: {  	s24 =	simm.s32 $0x780;
	[sflag:s31] =	ssyncadd.s32 $0xFFFFC180  }
0x27e: {  	[tilespmem:s13], [sflag:$0x2] =	stream.indirect.gather [hbm4b:s4+s29], $0x80, s24, s29, $0xb8;
	[tilespmem:$0x1D080] =	vst v63  }
0x27f: {  	s14 =	simm.s32 $0x1300  }
0x280: {  	[spmem:s2] =	stream.indirect.scatter.add.f32 [tilespmem:s30], [sflag:$0x4], $0x80, s14, s29, $0xb8;
	[tilespmem:$0x1D080] =	vst v63  }
0x281: {  	_ =	swait.ge [sflag:s26], $0x3E80  }
0x282: {  	[sflag:s26] =	ssyncset.done $0x0  }
0x283: {  	[sflag:s26] =	ssyncadd.s32 $0xFFFFC180  }
0x284: {  	_ =	swait.ge [sflag:s16], $0x3E80  }
0x285: {  	[sflag:s16] =	ssyncset.done $0x0  }
0x286: {  	s19 =	simm.s32 $0x800;
	[sflag:s16] =	ssyncadd.s32 $0xFFFFC180  }
0x287: {  	[tilespmem:s30], [sflag:$0x1] =	stream.indirect.gather [hbm4b:s4+s29], $0x80, s19, s29, $0xb8;
	[tilespmem:$0x1D080] =	vst v63  }
0x288: {  	s20 =	simm.s32 $0x1380  }
0x289: {  	[spmem:s2] =	stream.indirect.scatter.add.f32 [tilespmem:s13], [sflag:$0x4], $0x80, s20, s29, $0xb8;
	[tilespmem:$0x1D080] =	vst v63  }
0x28a: {  	_ =	swait.ge [sflag:s26], $0x3E80  }
0x28b: {  	[sflag:s26] =	ssyncset.done $0x0  }
0x28c: {  	[sflag:s26] =	ssyncadd.s32 $0xFFFFC180  }
0x28d: {  	_ =	swait.ge [sflag:s31], $0x3E80  }
0x28e: {  	[sflag:s31] =	ssyncset.done $0x0  }
0x28f: {  	s21 =	simm.s32 $0x880;
	[sflag:s31] =	ssyncadd.s32 $0xFFFFC180  }
0x290: {  	[tilespmem:s13], [sflag:$0x2] =	stream.indirect.gather [hbm4b:s4+s29], $0x80, s21, s29, $0xb8;
	[tilespmem:$0x1D080] =	vst v63  }
0x291: {  	s24 =	simm.s32 $0x1400  }
0x292: {  	[spmem:s2] =	stream.indirect.scatter.add.f32 [tilespmem:s30], [sflag:$0x4], $0x80, s24, s29, $0xb8;
	[tilespmem:$0x1D080] =	vst v63  }
0x293: {  	_ =	swait.ge [sflag:s26], $0x3E80  }
0x294: {  	[sflag:s26] =	ssyncset.done $0x0  }
0x295: {  	[sflag:s26] =	ssyncadd.s32 $0xFFFFC180  }
0x296: {  	_ =	swait.ge [sflag:s16], $0x3E80  }
0x297: {  	[sflag:s16] =	ssyncset.done $0x0  }
0x298: {  	s14 =	simm.s32 $0x900;
	[sflag:s16] =	ssyncadd.s32 $0xFFFFC180  }
0x299: {  	[tilespmem:s30], [sflag:$0x1] =	stream.indirect.gather [hbm4b:s4+s29], $0x80, s14, s29, $0xb8;
	[tilespmem:$0x1D080] =	vst v63  }
0x29a: {  	s19 =	simm.s32 $0x1480  }
0x29b: {  	[spmem:s2] =	stream.indirect.scatter.add.f32 [tilespmem:s13], [sflag:$0x4], $0x80, s19, s29, $0xb8;
	[tilespmem:$0x1D080] =	vst v63  }
0x29c: {  	_ =	swait.ge [sflag:s26], $0x3E80  }
0x29d: {  	[sflag:s26] =	ssyncset.done $0x0  }
0x29e: {  	[sflag:s26] =	ssyncadd.s32 $0xFFFFC180  }
0x29f: {  	_ =	swait.ge [sflag:s31], $0x3E80  }
0x2a0: {  	[sflag:s31] =	ssyncset.done $0x0  }
0x2a1: {  	s20 =	simm.s32 $0x980;
	[sflag:s31] =	ssyncadd.s32 $0xFFFFC180  }
0x2a2: {  	[tilespmem:s13], [sflag:$0x2] =	stream.indirect.gather [hbm4b:s4+s29], $0x80, s20, s29, $0xb8;
	[tilespmem:$0x1D080] =	vst v63  }
0x2a3: {  	s21 =	simm.s32 $0x1500  }
0x2a4: {  	[spmem:s2] =	stream.indirect.scatter.add.f32 [tilespmem:s30], [sflag:$0x4], $0x80, s21, s29, $0xb8;
	[tilespmem:$0x1D080] =	vst v63  }
0x2a5: {  	_ =	swait.ge [sflag:s26], $0x3E80  }
0x2a6: {  	[sflag:s26] =	ssyncset.done $0x0  }
0x2a7: {  	[sflag:s26] =	ssyncadd.s32 $0xFFFFC180  }
0x2a8: {  	_ =	swait.ge [sflag:s16], $0x3E80  }
0x2a9: {  	[sflag:s16] =	ssyncset.done $0x0  }
0x2aa: {  	s24 =	simm.s32 $0x1580;
	[sflag:s16] =	ssyncadd.s32 $0xFFFFC180  }
0x2ab: {  	[spmem:s2] =	stream.indirect.scatter.add.f32 [tilespmem:s13], [sflag:$0x4], $0x80, s24, s29, $0xb8;
	[tilespmem:$0x1D080] =	vst v63  }
0x2ac: {  	_ =	swait.ge [sflag:s26], $0x3E80  }
0x2ad: {  	[sflag:s26] =	ssyncset.done $0x0  }
0x2ae: {  	[sflag:s26] =	ssyncadd.s32 $0xFFFFC180  }
0x2af: {  	[bflag:$0x0] =	sbarrier.arrive $0xFFFF  }
0x2b0: {  	s14 =	rddreg [dreg:$0x14]  }
0x2b1: {  	[hbm:s14@s25], [sflag:s15] =	dma.strided @p1 [spmem:s18@s7], $0x2800, s0, $0x10   }
0x2b2: {  	_ =	swait.ge @p1 [sflag:s8], $0x2800  }
0x2b3: {  	[sflag:s8] =	ssyncset.done @p1 $0x0  }
0x2b4: {  	[sflag:s8] =	ssyncadd.s32 @p1 $0xFFFFD800  }
0x2b5: {  	[spmem:s18], [sflag:s15] =	dma.local @p1 [hbm:s22], $0x2800  }
0x2b6: {  	_ =	swait.ge @p1 [sflag:s8], $0x2800  }
0x2b7: {  	[sflag:s8] =	ssyncset.done @p1 $0x0  }
0x2b8: {  	s0 =	rddreg [dreg:$0x8];
	[sflag:s8] =	ssyncadd.s32 @p1 $0xFFFFD800  }
0x2b9: {  	[hbm:s0@s11], [sflag:s10] =	dma.strided @!p1 [spmem:s6@s17], $0x2700, s23, $0x10   }
0x2ba: {  	_ =	swait.ge @!p1 [sflag:s12], $0x2700  }
0x2bb: {  	[sflag:s12] =	ssyncset.done @!p1 $0x0  }
0x2bc: {  	[sflag:s12] =	ssyncadd.s32 @!p1 $0xFFFFD900  }
0x2bd: {  	[spmem:s6], [sflag:s10] =	dma.local @!p1 [hbm:s22], $0x2700  }
0x2be: {  	_ =	swait.ge @!p1 [sflag:s12], $0x2700  }
0x2bf: {  	[sflag:s12] =	ssyncset.done @!p1 $0x0  }
0x2c0: {  	[sflag:s12] =	ssyncadd.s32 @!p1 $0xFFFFD900  }
0x2c1: {  	[bflag:$0x0] =	sbarrier.arrive $0xFFFF  }
0x2c2: {  	s14 =	sld [smem:$0x7FB];
	_ =	sdelay $0x2  }
0x2c3: {  	[tilespmem:s3], [sflag:$0x4] =	stream.linear.gather [hbm4b:s14+s3], $0xA00, $0x38;
	[tilespmem:$0x1D080] =	vst v63  }
0x2c4: {  	_ =	swait.ge [sflag:s26], $0xA00  }
0x2c5: {  	s15 =	sld [smem:$0x7FC]  }
0x2c6: {  	[sflag:s26] =	ssyncset.done $0x0  }
0x2c7: {  	s28 =	simm.s32 $0xC00;
	[sflag:s26] =	ssyncadd.s32 $0xFFFFF600  }
0x2c8: {  	[tilespmem:s28], [sflag:$0x4] =	stream.linear.gather [hbm4b:s15+s3], $0xA00, $0x38;
	[tilespmem:$0x1D080] =	vst v63  }
0x2c9: {  	_ =	swait.ge [sflag:s26], $0xA00  }
0x2ca: {  	[sflag:s26] =	ssyncset.done $0x0  }
0x2cb: {  	[sflag:s26] =	ssyncadd.s32 $0xFFFFF600  }
0x2cc: {  	[tilespmem:s30], [sflag:$0x1] =	stream.indirect.gather [hbm4b:s4+s29], $0x80, s3, s29, $0xb8;
	[tilespmem:$0x1D080] =	vst v63  }
0x2cd: {  	_ =	swait.ge [sflag:s31], $0x3E80  }
0x2ce: {  	[sflag:s31] =	ssyncset.done $0x0  }
0x2cf: {  	s17 =	simm.s32 $0x80;
	[sflag:s31] =	ssyncadd.s32 $0xFFFFC180  }
0x2d0: {  	[tilespmem:s13], [sflag:$0x2] =	stream.indirect.gather [hbm4b:s4+s29], $0x80, s17, s29, $0xb8;
	[tilespmem:$0x1D080] =	vst v63  }
0x2d1: {  	_ = 	snop  }
0x2d2: {  	[spmem:s2] =	stream.indirect.scatter.add.f32 [tilespmem:s30], [sflag:$0x4], $0x80, s28, s29, $0xb8;
	[tilespmem:$0x1D080] =	vst v63  }
0x2d3: {  	_ =	swait.ge [sflag:s26], $0x3E80  }
0x2d4: {  	[sflag:s26] =	ssyncset.done $0x0  }
0x2d5: {  	[sflag:s26] =	ssyncadd.s32 $0xFFFFC180  }
0x2d6: {  	_ =	swait.ge [sflag:s16], $0x3E80  }
0x2d7: {  	[sflag:s16] =	ssyncset.done $0x0  }
0x2d8: {  	s24 =	simm.s32 $0x100;
	[sflag:s16] =	ssyncadd.s32 $0xFFFFC180  }
0x2d9: {  	[tilespmem:s30], [sflag:$0x1] =	stream.indirect.gather [hbm4b:s4+s29], $0x80, s24, s29, $0xb8;
	[tilespmem:$0x1D080] =	vst v63  }
0x2da: {  	s19 =	simm.s32 $0xC80  }
0x2db: {  	[spmem:s2] =	stream.indirect.scatter.add.f32 [tilespmem:s13], [sflag:$0x4], $0x80, s19, s29, $0xb8;
	[tilespmem:$0x1D080] =	vst v63  }
0x2dc: {  	_ =	swait.ge [sflag:s26], $0x3E80  }
0x2dd: {  	[sflag:s26] =	ssyncset.done $0x0  }
0x2de: {  	[sflag:s26] =	ssyncadd.s32 $0xFFFFC180  }
0x2df: {  	_ =	swait.ge [sflag:s31], $0x3E80  }
0x2e0: {  	[sflag:s31] =	ssyncset.done $0x0  }
0x2e1: {  	s20 =	simm.s32 $0x180;
	[sflag:s31] =	ssyncadd.s32 $0xFFFFC180  }
0x2e2: {  	[tilespmem:s13], [sflag:$0x2] =	stream.indirect.gather [hbm4b:s4+s29], $0x80, s20, s29, $0xb8;
	[tilespmem:$0x1D080] =	vst v63  }
0x2e3: {  	s1 =	simm.s32 $0xD00  }
0x2e4: {  	[spmem:s2] =	stream.indirect.scatter.add.f32 [tilespmem:s30], [sflag:$0x4], $0x80, s1, s29, $0xb8;
	[tilespmem:$0x1D080] =	vst v63  }
0x2e5: {  	_ =	swait.ge [sflag:s26], $0x3E80  }
0x2e6: {  	[sflag:s26] =	ssyncset.done $0x0  }
0x2e7: {  	[sflag:s26] =	ssyncadd.s32 $0xFFFFC180  }
0x2e8: {  	_ =	swait.ge [sflag:s16], $0x3E80  }
0x2e9: {  	[sflag:s16] =	ssyncset.done $0x0  }
0x2ea: {  	s21 =	simm.s32 $0x200;
	[sflag:s16] =	ssyncadd.s32 $0xFFFFC180  }
0x2eb: {  	[tilespmem:s30], [sflag:$0x1] =	stream.indirect.gather [hbm4b:s4+s29], $0x80, s21, s29, $0xb8;
	[tilespmem:$0x1D080] =	vst v63  }
0x2ec: {  	s23 =	simm.s32 $0xD80  }
0x2ed: {  	[spmem:s2] =	stream.indirect.scatter.add.f32 [tilespmem:s13], [sflag:$0x4], $0x80, s23, s29, $0xb8;
	[tilespmem:$0x1D080] =	vst v63  }
0x2ee: {  	_ =	swait.ge [sflag:s26], $0x3E80  }
0x2ef: {  	[sflag:s26] =	ssyncset.done $0x0  }
0x2f0: {  	[sflag:s26] =	ssyncadd.s32 $0xFFFFC180  }
0x2f1: {  	_ =	swait.ge [sflag:s31], $0x3E80  }
0x2f2: {  	[sflag:s31] =	ssyncset.done $0x0  }
0x2f3: {  	s25 =	simm.s32 $0x280;
	[sflag:s31] =	ssyncadd.s32 $0xFFFFC180  }
0x2f4: {  	[tilespmem:s13], [sflag:$0x2] =	stream.indirect.gather [hbm4b:s4+s29], $0x80, s25, s29, $0xb8;
	[tilespmem:$0x1D080] =	vst v63  }
0x2f5: {  	s7 =	simm.s32 $0xE00  }
0x2f6: {  	[spmem:s2] =	stream.indirect.scatter.add.f32 [tilespmem:s30], [sflag:$0x4], $0x80, s7, s29, $0xb8;
	[tilespmem:$0x1D080] =	vst v63  }
0x2f7: {  	_ =	swait.ge [sflag:s26], $0x3E80  }
0x2f8: {  	[sflag:s26] =	ssyncset.done $0x0  }
0x2f9: {  	[sflag:s26] =	ssyncadd.s32 $0xFFFFC180  }
0x2fa: {  	_ =	swait.ge [sflag:s16], $0x3E80  }
0x2fb: {  	[sflag:s16] =	ssyncset.done $0x0  }
0x2fc: {  	s8 =	simm.s32 $0x300;
	[sflag:s16] =	ssyncadd.s32 $0xFFFFC180  }
0x2fd: {  	[tilespmem:s30], [sflag:$0x1] =	stream.indirect.gather [hbm4b:s4+s29], $0x80, s8, s29, $0xb8;
	[tilespmem:$0x1D080] =	vst v63  }
0x2fe: {  	s11 =	simm.s32 $0xE80  }
0x2ff: {  	[spmem:s2] =	stream.indirect.scatter.add.f32 [tilespmem:s13], [sflag:$0x4], $0x80, s11, s29, $0xb8;
	[tilespmem:$0x1D080] =	vst v63  }
0x300: {  	_ =	swait.ge [sflag:s26], $0x3E80  }
0x301: {  	[sflag:s26] =	ssyncset.done $0x0  }
0x302: {  	[sflag:s26] =	ssyncadd.s32 $0xFFFFC180  }
0x303: {  	_ =	swait.ge [sflag:s31], $0x3E80  }
0x304: {  	[sflag:s31] =	ssyncset.done $0x0  }
0x305: {  	s12 =	simm.s32 $0x380;
	[sflag:s31] =	ssyncadd.s32 $0xFFFFC180  }
0x306: {  	[tilespmem:s13], [sflag:$0x2] =	stream.indirect.gather [hbm4b:s4+s29], $0x80, s12, s29, $0xb8;
	[tilespmem:$0x1D080] =	vst v63  }
0x307: {  	s14 =	simm.s32 $0xF00  }
0x308: {  	[spmem:s2] =	stream.indirect.scatter.add.f32 [tilespmem:s30], [sflag:$0x4], $0x80, s14, s29, $0xb8;
	[tilespmem:$0x1D080] =	vst v63  }
0x309: {  	_ =	swait.ge [sflag:s26], $0x3E80  }
0x30a: {  	[sflag:s26] =	ssyncset.done $0x0  }
0x30b: {  	[sflag:s26] =	ssyncadd.s32 $0xFFFFC180  }
0x30c: {  	_ =	swait.ge [sflag:s16], $0x3E80  }
0x30d: {  	[sflag:s16] =	ssyncset.done $0x0  }
0x30e: {  	s15 =	simm.s32 $0x400;
	[sflag:s16] =	ssyncadd.s32 $0xFFFFC180  }
0x30f: {  	[tilespmem:s30], [sflag:$0x1] =	stream.indirect.gather [hbm4b:s4+s29], $0x80, s15, s29, $0xb8;
	[tilespmem:$0x1D080] =	vst v63  }
0x310: {  	s17 =	simm.s32 $0xF80  }
0x311: {  	[spmem:s2] =	stream.indirect.scatter.add.f32 [tilespmem:s13], [sflag:$0x4], $0x80, s17, s29, $0xb8;
	[tilespmem:$0x1D080] =	vst v63  }
0x312: {  	_ =	swait.ge [sflag:s26], $0x3E80  }
0x313: {  	[sflag:s26] =	ssyncset.done $0x0  }
0x314: {  	[sflag:s26] =	ssyncadd.s32 $0xFFFFC180  }
0x315: {  	_ =	swait.ge [sflag:s31], $0x3E80  }
0x316: {  	[sflag:s31] =	ssyncset.done $0x0  }
0x317: {  	s21 =	simm.s32 $0x480;
	[sflag:s31] =	ssyncadd.s32 $0xFFFFC180  }
0x318: {  	[tilespmem:s13], [sflag:$0x2] =	stream.indirect.gather [hbm4b:s4+s29], $0x80, s21, s29, $0xb8;
	[tilespmem:$0x1D080] =	vst v63  }
0x319: {  	s23 =	simm.s32 $0x1000  }
0x31a: {  	[spmem:s2] =	stream.indirect.scatter.add.f32 [tilespmem:s30], [sflag:$0x4], $0x80, s23, s29, $0xb8;
	[tilespmem:$0x1D080] =	vst v63  }
0x31b: {  	_ =	swait.ge [sflag:s26], $0x3E80  }
0x31c: {  	[sflag:s26] =	ssyncset.done $0x0  }
0x31d: {  	[sflag:s26] =	ssyncadd.s32 $0xFFFFC180  }
0x31e: {  	_ =	swait.ge [sflag:s16], $0x3E80  }
0x31f: {  	[sflag:s16] =	ssyncset.done $0x0  }
0x320: {  	s25 =	simm.s32 $0x500;
	[sflag:s16] =	ssyncadd.s32 $0xFFFFC180  }
0x321: {  	[tilespmem:s30], [sflag:$0x1] =	stream.indirect.gather [hbm4b:s4+s29], $0x80, s25, s29, $0xb8;
	[tilespmem:$0x1D080] =	vst v63  }
0x322: {  	s7 =	simm.s32 $0x1080  }
0x323: {  	[spmem:s2] =	stream.indirect.scatter.add.f32 [tilespmem:s13], [sflag:$0x4], $0x80, s7, s29, $0xb8;
	[tilespmem:$0x1D080] =	vst v63  }
0x324: {  	_ =	swait.ge [sflag:s26], $0x3E80  }
0x325: {  	[sflag:s26] =	ssyncset.done $0x0  }
0x326: {  	[sflag:s26] =	ssyncadd.s32 $0xFFFFC180  }
0x327: {  	_ =	swait.ge [sflag:s31], $0x3E80  }
0x328: {  	[sflag:s31] =	ssyncset.done $0x0  }
0x329: {  	s8 =	simm.s32 $0x580;
	[sflag:s31] =	ssyncadd.s32 $0xFFFFC180  }
0x32a: {  	[tilespmem:s13], [sflag:$0x2] =	stream.indirect.gather [hbm4b:s4+s29], $0x80, s8, s29, $0xb8;
	[tilespmem:$0x1D080] =	vst v63  }
0x32b: {  	s11 =	simm.s32 $0x1100  }
0x32c: {  	[spmem:s2] =	stream.indirect.scatter.add.f32 [tilespmem:s30], [sflag:$0x4], $0x80, s11, s29, $0xb8;
	[tilespmem:$0x1D080] =	vst v63  }
0x32d: {  	_ =	swait.ge [sflag:s26], $0x3E80  }
0x32e: {  	[sflag:s26] =	ssyncset.done $0x0  }
0x32f: {  	[sflag:s26] =	ssyncadd.s32 $0xFFFFC180  }
0x330: {  	_ =	swait.ge [sflag:s16], $0x3E80  }
0x331: {  	[sflag:s16] =	ssyncset.done $0x0  }
0x332: {  	s12 =	simm.s32 $0x600;
	[sflag:s16] =	ssyncadd.s32 $0xFFFFC180  }
0x333: {  	[tilespmem:s30], [sflag:$0x1] =	stream.indirect.gather [hbm4b:s4+s29], $0x80, s12, s29, $0xb8;
	[tilespmem:$0x1D080] =	vst v63  }
0x334: {  	s14 =	simm.s32 $0x1180  }
0x335: {  	[spmem:s2] =	stream.indirect.scatter.add.f32 [tilespmem:s13], [sflag:$0x4], $0x80, s14, s29, $0xb8;
	[tilespmem:$0x1D080] =	vst v63  }
0x336: {  	_ =	swait.ge [sflag:s26], $0x3E80  }
0x337: {  	[sflag:s26] =	ssyncset.done $0x0  }
0x338: {  	[sflag:s26] =	ssyncadd.s32 $0xFFFFC180  }
0x339: {  	_ =	swait.ge [sflag:s31], $0x3E80  }
0x33a: {  	[sflag:s31] =	ssyncset.done $0x0  }
0x33b: {  	s15 =	simm.s32 $0x680;
	[sflag:s31] =	ssyncadd.s32 $0xFFFFC180  }
0x33c: {  	[tilespmem:s13], [sflag:$0x2] =	stream.indirect.gather [hbm4b:s4+s29], $0x80, s15, s29, $0xb8;
	[tilespmem:$0x1D080] =	vst v63  }
0x33d: {  	s17 =	simm.s32 $0x1200  }
0x33e: {  	[spmem:s2] =	stream.indirect.scatter.add.f32 [tilespmem:s30], [sflag:$0x4], $0x80, s17, s29, $0xb8;
	[tilespmem:$0x1D080] =	vst v63  }
0x33f: {  	_ =	swait.ge [sflag:s26], $0x3E80  }
0x340: {  	[sflag:s26] =	ssyncset.done $0x0  }
0x341: {  	[sflag:s26] =	ssyncadd.s32 $0xFFFFC180  }
0x342: {  	_ =	swait.ge [sflag:s16], $0x3E80  }
0x343: {  	[sflag:s16] =	ssyncset.done $0x0  }
0x344: {  	s21 =	simm.s32 $0x700;
	[sflag:s16] =	ssyncadd.s32 $0xFFFFC180  }
0x345: {  	[tilespmem:s30], [sflag:$0x1] =	stream.indirect.gather [hbm4b:s4+s29], $0x80, s21, s29, $0xb8;
	[tilespmem:$0x1D080] =	vst v63  }
0x346: {  	s23 =	simm.s32 $0x1280  }
0x347: {  	[spmem:s2] =	stream.indirect.scatter.add.f32 [tilespmem:s13], [sflag:$0x4], $0x80, s23, s29, $0xb8;
	[tilespmem:$0x1D080] =	vst v63  }
0x348: {  	_ =	swait.ge [sflag:s26], $0x3E80  }
0x349: {  	[sflag:s26] =	ssyncset.done $0x0  }
0x34a: {  	[sflag:s26] =	ssyncadd.s32 $0xFFFFC180  }
0x34b: {  	_ =	swait.ge [sflag:s31], $0x3E80  }
0x34c: {  	[sflag:s31] =	ssyncset.done $0x0  }
0x34d: {  	s25 =	simm.s32 $0x780;
	[sflag:s31] =	ssyncadd.s32 $0xFFFFC180  }
0x34e: {  	[tilespmem:s13], [sflag:$0x2] =	stream.indirect.gather [hbm4b:s4+s29], $0x80, s25, s29, $0xb8;
	[tilespmem:$0x1D080] =	vst v63  }
0x34f: {  	s7 =	simm.s32 $0x1300  }
0x350: {  	[spmem:s2] =	stream.indirect.scatter.add.f32 [tilespmem:s30], [sflag:$0x4], $0x80, s7, s29, $0xb8;
	[tilespmem:$0x1D080] =	vst v63  }
0x351: {  	_ =	swait.ge [sflag:s26], $0x3E80  }
0x352: {  	[sflag:s26] =	ssyncset.done $0x0  }
0x353: {  	[sflag:s26] =	ssyncadd.s32 $0xFFFFC180  }
0x354: {  	_ =	swait.ge [sflag:s16], $0x3E80  }
0x355: {  	[sflag:s16] =	ssyncset.done $0x0  }
0x356: {  	s8 =	simm.s32 $0x800;
	[sflag:s16] =	ssyncadd.s32 $0xFFFFC180  }
0x357: {  	[tilespmem:s30], [sflag:$0x1] =	stream.indirect.gather [hbm4b:s4+s29], $0x80, s8, s29, $0xb8;
	[tilespmem:$0x1D080] =	vst v63  }
0x358: {  	s11 =	simm.s32 $0x1380  }
0x359: {  	[spmem:s2] =	stream.indirect.scatter.add.f32 [tilespmem:s13], [sflag:$0x4], $0x80, s11, s29, $0xb8;
	[tilespmem:$0x1D080] =	vst v63  }
0x35a: {  	_ =	swait.ge [sflag:s26], $0x3E80  }
0x35b: {  	[sflag:s26] =	ssyncset.done $0x0  }
0x35c: {  	[sflag:s26] =	ssyncadd.s32 $0xFFFFC180  }
0x35d: {  	_ =	swait.ge [sflag:s31], $0x3E80  }
0x35e: {  	[sflag:s31] =	ssyncset.done $0x0  }
0x35f: {  	s12 =	simm.s32 $0x880;
	[sflag:s31] =	ssyncadd.s32 $0xFFFFC180  }
0x360: {  	[tilespmem:s13], [sflag:$0x2] =	stream.indirect.gather [hbm4b:s4+s29], $0x80, s12, s29, $0xb8;
	[tilespmem:$0x1D080] =	vst v63  }
0x361: {  	s14 =	simm.s32 $0x1400  }
0x362: {  	[spmem:s2] =	stream.indirect.scatter.add.f32 [tilespmem:s30], [sflag:$0x4], $0x80, s14, s29, $0xb8;
	[tilespmem:$0x1D080] =	vst v63  }
0x363: {  	_ =	swait.ge [sflag:s26], $0x3E80  }
0x364: {  	[sflag:s26] =	ssyncset.done $0x0  }
0x365: {  	[sflag:s26] =	ssyncadd.s32 $0xFFFFC180  }
0x366: {  	_ =	swait.ge [sflag:s16], $0x3E80  }
0x367: {  	[sflag:s16] =	ssyncset.done $0x0  }
0x368: {  	s15 =	simm.s32 $0x900;
	[sflag:s16] =	ssyncadd.s32 $0xFFFFC180  }
0x369: {  	[tilespmem:s30], [sflag:$0x1] =	stream.indirect.gather [hbm4b:s4+s29], $0x80, s15, s29, $0xb8;
	[tilespmem:$0x1D080] =	vst v63  }
0x36a: {  	s17 =	simm.s32 $0x1480  }
0x36b: {  	[spmem:s2] =	stream.indirect.scatter.add.f32 [tilespmem:s13], [sflag:$0x4], $0x80, s17, s29, $0xb8;
	[tilespmem:$0x1D080] =	vst v63  }
0x36c: {  	_ =	swait.ge [sflag:s26], $0x3E80  }
0x36d: {  	[sflag:s26] =	ssyncset.done $0x0  }
0x36e: {  	[sflag:s26] =	ssyncadd.s32 $0xFFFFC180  }
0x36f: {  	_ =	swait.ge [sflag:s31], $0x3E80  }
0x370: {  	[sflag:s31] =	ssyncset.done $0x0  }
0x371: {  	s21 =	simm.s32 $0x980;
	[sflag:s31] =	ssyncadd.s32 $0xFFFFC180  }
0x372: {  	[tilespmem:s13], [sflag:$0x2] =	stream.indirect.gather [hbm4b:s4+s29], $0x80, s21, s29, $0xb8;
	[tilespmem:$0x1D080] =	vst v63  }
0x373: {  	s23 =	simm.s32 $0x1500  }
0x374: {  	[spmem:s2] =	stream.indirect.scatter.add.f32 [tilespmem:s30], [sflag:$0x4], $0x80, s23, s29, $0xb8;
	[tilespmem:$0x1D080] =	vst v63  }
0x375: {  	_ =	swait.ge [sflag:s26], $0x3E80  }
0x376: {  	[sflag:s26] =	ssyncset.done $0x0  }
0x377: {  	[sflag:s26] =	ssyncadd.s32 $0xFFFFC180  }
0x378: {  	_ =	swait.ge [sflag:s16], $0x3E80  }
0x379: {  	[sflag:s16] =	ssyncset.done $0x0  }
0x37a: {  	s25 =	simm.s32 $0x1580;
	[sflag:s16] =	ssyncadd.s32 $0xFFFFC180  }
0x37b: {  	[spmem:s2] =	stream.indirect.scatter.add.f32 [tilespmem:s13], [sflag:$0x4], $0x80, s25, s29, $0xb8;
	[tilespmem:$0x1D080] =	vst v63  }
0x37c: {  	_ =	swait.ge [sflag:s26], $0x3E80  }
0x37d: {  	[sflag:s26] =	ssyncset.done $0x0  }
0x37e: {  	s0 =	simm.s32 @p1 $0x80;
	[sflag:s26] =	ssyncadd.s32 $0xFFFFC180  }
0x37f: {  	s8 =	simm.s32 @p1 $0x8;
	s12 =	simm.s32 @p1 $0x100;
	[bflag:$0x0] =	sbarrier.arrive $0xFFFF  }
0x380: {  	s15 =	simm.s32 @p1 $0x4;
	s25 =	simm.s32 @p1 $0x1FC4;
	s7 =	rddreg [dreg:$0x17]  }
0x381: {  	[hbm:s7@s12], [sflag:s25] =	dma.strided @p1 [spmem:s18@s0], $0x2800, s8, $0x10   }
0x382: {  	_ =	swait.ge @p1 [sflag:s15], $0x2800  }
0x383: {  	[sflag:s15] =	ssyncset.done @p1 $0x0  }
0x384: {  	[sflag:s15] =	ssyncadd.s32 @p1 $0xFFFFD800  }
0x385: {  	[spmem:s18], [sflag:s25] =	dma.local @p1 [hbm:s22], $0x2800  }
0x386: {  	_ =	swait.ge @p1 [sflag:s15], $0x2800  }
0x387: {  	s11 =	simm.s32 @!p1 $0x100;
	s23 =	simm.s32 @!p1 $0x80;
	[sflag:s15] =	ssyncset.done @p1 $0x0  }
0x388: {  	s7 =	simm.s32 @!p1 $0x8;
	s17 =	rddreg [dreg:$0xa];
	[sflag:s15] =	ssyncadd.s32 @p1 $0xFFFFD800  }
0x389: {  	[hbm:s17@s11], [sflag:s10] =	dma.strided @!p1 [spmem:s6@s23], $0x2700, s7, $0x10   }
0x38a: {  	s17 =	simm.s32 @!p1 $0x4  }
0x38b: {  	_ =	swait.ge @!p1 [sflag:s17], $0x2700  }
0x38c: {  	[sflag:s17] =	ssyncset.done @!p1 $0x0  }
0x38d: {  	[sflag:s17] =	ssyncadd.s32 @!p1 $0xFFFFD900  }
0x38e: {  	[spmem:s6], [sflag:s10] =	dma.local @!p1 [hbm:s22], $0x2700  }
0x38f: {  	_ =	swait.ge @!p1 [sflag:s17], $0x2700  }
0x390: {  	[sflag:s17] =	ssyncset.done @!p1 $0x0  }
0x391: {  	[sflag:s17] =	ssyncadd.s32 @!p1 $0xFFFFD900  }
0x392: {  	s21 =	sld [smem:$0x7F9];
	[bflag:$0x0] =	sbarrier.arrive $0xFFFF  }
0x393: {  	s14 =	rddreg [dreg:$0xc]  }
0x394: {  	[tilespmem:s3], [sflag:$0x4] =	stream.linear.gather [hbm4b:s14+s3], $0xA00, $0x38;
	[tilespmem:$0x1D080] =	vst v63  }
0x395: {  	_ =	swait.ge [sflag:s26], $0xA00  }
0x396: {  	[sflag:s26] =	ssyncset.done $0x0  }
0x397: {  	s14 =	rddreg [dreg:$0xd];
	[sflag:s26] =	ssyncadd.s32 $0xFFFFF600  }
0x398: {  	[tilespmem:s28], [sflag:$0x4] =	stream.linear.gather [hbm4b:s14+s3], $0xA00, $0x38;
	[tilespmem:$0x1D080] =	vst v63  }
0x399: {  	_ =	swait.ge [sflag:s26], $0xA00  }
0x39a: {  	[sflag:s26] =	ssyncset.done $0x0  }
0x39b: {  	[sflag:s26] =	ssyncadd.s32 $0xFFFFF600  }
0x39c: {  	[tilespmem:s30], [sflag:$0x1] =	stream.indirect.gather [hbm4b:s4+s29], $0x80, s3, s29, $0xb8;
	[tilespmem:$0x1D080] =	vst v63  }
0x39d: {  	_ =	swait.ge [sflag:s31], $0x3E80  }
0x39e: {  	[sflag:s31] =	ssyncset.done $0x0  }
0x39f: {  	s14 =	simm.s32 $0x80;
	[sflag:s31] =	ssyncadd.s32 $0xFFFFC180  }
0x3a0: {  	[tilespmem:s13], [sflag:$0x2] =	stream.indirect.gather [hbm4b:s4+s29], $0x80, s14, s29, $0xb8;
	[tilespmem:$0x1D080] =	vst v63  }
0x3a1: {  	_ = 	snop  }
0x3a2: {  	[spmem:s2] =	stream.indirect.scatter.add.f32 [tilespmem:s30], [sflag:$0x4], $0x80, s28, s29, $0xb8;
	[tilespmem:$0x1D080] =	vst v63  }
0x3a3: {  	_ =	swait.ge [sflag:s26], $0x3E80  }
0x3a4: {  	[sflag:s26] =	ssyncset.done $0x0  }
0x3a5: {  	[sflag:s26] =	ssyncadd.s32 $0xFFFFC180  }
0x3a6: {  	_ =	swait.ge [sflag:s16], $0x3E80  }
0x3a7: {  	[sflag:s16] =	ssyncset.done $0x0  }
0x3a8: {  	[sflag:s16] =	ssyncadd.s32 $0xFFFFC180  }
0x3a9: {  	[tilespmem:s30], [sflag:$0x1] =	stream.indirect.gather [hbm4b:s4+s29], $0x80, s24, s29, $0xb8;
	[tilespmem:$0x1D080] =	vst v63  }
0x3aa: {  	_ = 	snop  }
0x3ab: {  	[spmem:s2] =	stream.indirect.scatter.add.f32 [tilespmem:s13], [sflag:$0x4], $0x80, s19, s29, $0xb8;
	[tilespmem:$0x1D080] =	vst v63  }
0x3ac: {  	_ =	swait.ge [sflag:s26], $0x3E80  }
0x3ad: {  	[sflag:s26] =	ssyncset.done $0x0  }
0x3ae: {  	[sflag:s26] =	ssyncadd.s32 $0xFFFFC180  }
0x3af: {  	_ =	swait.ge [sflag:s31], $0x3E80  }
0x3b0: {  	[sflag:s31] =	ssyncset.done $0x0  }
0x3b1: {  	[sflag:s31] =	ssyncadd.s32 $0xFFFFC180  }
0x3b2: {  	[tilespmem:s13], [sflag:$0x2] =	stream.indirect.gather [hbm4b:s4+s29], $0x80, s20, s29, $0xb8;
	[tilespmem:$0x1D080] =	vst v63  }
0x3b3: {  	_ = 	snop  }
0x3b4: {  	[spmem:s2] =	stream.indirect.scatter.add.f32 [tilespmem:s30], [sflag:$0x4], $0x80, s1, s29, $0xb8;
	[tilespmem:$0x1D080] =	vst v63  }
0x3b5: {  	_ =	swait.ge [sflag:s26], $0x3E80  }
0x3b6: {  	[sflag:s26] =	ssyncset.done $0x0  }
0x3b7: {  	[sflag:s26] =	ssyncadd.s32 $0xFFFFC180  }
0x3b8: {  	_ =	swait.ge [sflag:s16], $0x3E80  }
0x3b9: {  	[sflag:s16] =	ssyncset.done $0x0  }
0x3ba: {  	s14 =	simm.s32 $0x200;
	[sflag:s16] =	ssyncadd.s32 $0xFFFFC180  }
0x3bb: {  	[tilespmem:s30], [sflag:$0x1] =	stream.indirect.gather [hbm4b:s4+s29], $0x80, s14, s29, $0xb8;
	[tilespmem:$0x1D080] =	vst v63  }
0x3bc: {  	s14 =	simm.s32 $0xD80  }
0x3bd: {  	[spmem:s2] =	stream.indirect.scatter.add.f32 [tilespmem:s13], [sflag:$0x4], $0x80, s14, s29, $0xb8;
	[tilespmem:$0x1D080] =	vst v63  }
0x3be: {  	_ =	swait.ge [sflag:s26], $0x3E80  }
0x3bf: {  	[sflag:s26] =	ssyncset.done $0x0  }
0x3c0: {  	[sflag:s26] =	ssyncadd.s32 $0xFFFFC180  }
0x3c1: {  	_ =	swait.ge [sflag:s31], $0x3E80  }
0x3c2: {  	[sflag:s31] =	ssyncset.done $0x0  }
0x3c3: {  	s14 =	simm.s32 $0x280;
	[sflag:s31] =	ssyncadd.s32 $0xFFFFC180  }
0x3c4: {  	[tilespmem:s13], [sflag:$0x2] =	stream.indirect.gather [hbm4b:s4+s29], $0x80, s14, s29, $0xb8;
	[tilespmem:$0x1D080] =	vst v63  }
0x3c5: {  	s14 =	simm.s32 $0xE00  }
0x3c6: {  	[spmem:s2] =	stream.indirect.scatter.add.f32 [tilespmem:s30], [sflag:$0x4], $0x80, s14, s29, $0xb8;
	[tilespmem:$0x1D080] =	vst v63  }
0x3c7: {  	_ =	swait.ge [sflag:s26], $0x3E80  }
0x3c8: {  	[sflag:s26] =	ssyncset.done $0x0  }
0x3c9: {  	[sflag:s26] =	ssyncadd.s32 $0xFFFFC180  }
0x3ca: {  	_ =	swait.ge [sflag:s16], $0x3E80  }
0x3cb: {  	[sflag:s16] =	ssyncset.done $0x0  }
0x3cc: {  	s14 =	simm.s32 $0x300;
	[sflag:s16] =	ssyncadd.s32 $0xFFFFC180  }
0x3cd: {  	[tilespmem:s30], [sflag:$0x1] =	stream.indirect.gather [hbm4b:s4+s29], $0x80, s14, s29, $0xb8;
	[tilespmem:$0x1D080] =	vst v63  }
0x3ce: {  	s14 =	simm.s32 $0xE80  }
0x3cf: {  	[spmem:s2] =	stream.indirect.scatter.add.f32 [tilespmem:s13], [sflag:$0x4], $0x80, s14, s29, $0xb8;
	[tilespmem:$0x1D080] =	vst v63  }
0x3d0: {  	_ =	swait.ge [sflag:s26], $0x3E80  }
0x3d1: {  	[sflag:s26] =	ssyncset.done $0x0  }
0x3d2: {  	[sflag:s26] =	ssyncadd.s32 $0xFFFFC180  }
0x3d3: {  	_ =	swait.ge [sflag:s31], $0x3E80  }
0x3d4: {  	[sflag:s31] =	ssyncset.done $0x0  }
0x3d5: {  	s14 =	simm.s32 $0x380;
	[sflag:s31] =	ssyncadd.s32 $0xFFFFC180  }
0x3d6: {  	[tilespmem:s13], [sflag:$0x2] =	stream.indirect.gather [hbm4b:s4+s29], $0x80, s14, s29, $0xb8;
	[tilespmem:$0x1D080] =	vst v63  }
0x3d7: {  	s14 =	simm.s32 $0xF00  }
0x3d8: {  	[spmem:s2] =	stream.indirect.scatter.add.f32 [tilespmem:s30], [sflag:$0x4], $0x80, s14, s29, $0xb8;
	[tilespmem:$0x1D080] =	vst v63  }
0x3d9: {  	_ =	swait.ge [sflag:s26], $0x3E80  }
0x3da: {  	[sflag:s26] =	ssyncset.done $0x0  }
0x3db: {  	[sflag:s26] =	ssyncadd.s32 $0xFFFFC180  }
0x3dc: {  	_ =	swait.ge [sflag:s16], $0x3E80  }
0x3dd: {  	[sflag:s16] =	ssyncset.done $0x0  }
0x3de: {  	s14 =	simm.s32 $0x400;
	[sflag:s16] =	ssyncadd.s32 $0xFFFFC180  }
0x3df: {  	[tilespmem:s30], [sflag:$0x1] =	stream.indirect.gather [hbm4b:s4+s29], $0x80, s14, s29, $0xb8;
	[tilespmem:$0x1D080] =	vst v63  }
0x3e0: {  	s14 =	simm.s32 $0xF80  }
0x3e1: {  	[spmem:s2] =	stream.indirect.scatter.add.f32 [tilespmem:s13], [sflag:$0x4], $0x80, s14, s29, $0xb8;
	[tilespmem:$0x1D080] =	vst v63  }
0x3e2: {  	_ =	swait.ge [sflag:s26], $0x3E80  }
0x3e3: {  	[sflag:s26] =	ssyncset.done $0x0  }
0x3e4: {  	[sflag:s26] =	ssyncadd.s32 $0xFFFFC180  }
0x3e5: {  	_ =	swait.ge [sflag:s31], $0x3E80  }
0x3e6: {  	[sflag:s31] =	ssyncset.done $0x0  }
0x3e7: {  	s14 =	simm.s32 $0x480;
	[sflag:s31] =	ssyncadd.s32 $0xFFFFC180  }
0x3e8: {  	[tilespmem:s13], [sflag:$0x2] =	stream.indirect.gather [hbm4b:s4+s29], $0x80, s14, s29, $0xb8;
	[tilespmem:$0x1D080] =	vst v63  }
0x3e9: {  	s14 =	simm.s32 $0x1000  }
0x3ea: {  	[spmem:s2] =	stream.indirect.scatter.add.f32 [tilespmem:s30], [sflag:$0x4], $0x80, s14, s29, $0xb8;
	[tilespmem:$0x1D080] =	vst v63  }
0x3eb: {  	_ =	swait.ge [sflag:s26], $0x3E80  }
0x3ec: {  	[sflag:s26] =	ssyncset.done $0x0  }
0x3ed: {  	[sflag:s26] =	ssyncadd.s32 $0xFFFFC180  }
0x3ee: {  	_ =	swait.ge [sflag:s16], $0x3E80  }
0x3ef: {  	[sflag:s16] =	ssyncset.done $0x0  }
0x3f0: {  	s14 =	simm.s32 $0x500;
	[sflag:s16] =	ssyncadd.s32 $0xFFFFC180  }
0x3f1: {  	[tilespmem:s30], [sflag:$0x1] =	stream.indirect.gather [hbm4b:s4+s29], $0x80, s14, s29, $0xb8;
	[tilespmem:$0x1D080] =	vst v63  }
0x3f2: {  	s14 =	simm.s32 $0x1080  }
0x3f3: {  	[spmem:s2] =	stream.indirect.scatter.add.f32 [tilespmem:s13], [sflag:$0x4], $0x80, s14, s29, $0xb8;
	[tilespmem:$0x1D080] =	vst v63  }
0x3f4: {  	_ =	swait.ge [sflag:s26], $0x3E80  }
0x3f5: {  	[sflag:s26] =	ssyncset.done $0x0  }
0x3f6: {  	[sflag:s26] =	ssyncadd.s32 $0xFFFFC180  }
0x3f7: {  	_ =	swait.ge [sflag:s31], $0x3E80  }
0x3f8: {  	[sflag:s31] =	ssyncset.done $0x0  }
0x3f9: {  	s14 =	simm.s32 $0x580;
	[sflag:s31] =	ssyncadd.s32 $0xFFFFC180  }
0x3fa: {  	[tilespmem:s13], [sflag:$0x2] =	stream.indirect.gather [hbm4b:s4+s29], $0x80, s14, s29, $0xb8;
	[tilespmem:$0x1D080] =	vst v63  }
0x3fb: {  	s14 =	simm.s32 $0x1100  }
0x3fc: {  	[spmem:s2] =	stream.indirect.scatter.add.f32 [tilespmem:s30], [sflag:$0x4], $0x80, s14, s29, $0xb8;
	[tilespmem:$0x1D080] =	vst v63  }
0x3fd: {  	_ =	swait.ge [sflag:s26], $0x3E80  }
0x3fe: {  	[sflag:s26] =	ssyncset.done $0x0  }
0x3ff: {  	[sflag:s26] =	ssyncadd.s32 $0xFFFFC180  }
0x400: {  	_ =	swait.ge [sflag:s16], $0x3E80  }
0x401: {  	[sflag:s16] =	ssyncset.done $0x0  }
0x402: {  	s14 =	simm.s32 $0x600;
	[sflag:s16] =	ssyncadd.s32 $0xFFFFC180  }
0x403: {  	[tilespmem:s30], [sflag:$0x1] =	stream.indirect.gather [hbm4b:s4+s29], $0x80, s14, s29, $0xb8;
	[tilespmem:$0x1D080] =	vst v63  }
0x404: {  	s14 =	simm.s32 $0x1180  }
0x405: {  	[spmem:s2] =	stream.indirect.scatter.add.f32 [tilespmem:s13], [sflag:$0x4], $0x80, s14, s29, $0xb8;
	[tilespmem:$0x1D080] =	vst v63  }
0x406: {  	_ =	swait.ge [sflag:s26], $0x3E80  }
0x407: {  	[sflag:s26] =	ssyncset.done $0x0  }
0x408: {  	[sflag:s26] =	ssyncadd.s32 $0xFFFFC180  }
0x409: {  	_ =	swait.ge [sflag:s31], $0x3E80  }
0x40a: {  	[sflag:s31] =	ssyncset.done $0x0  }
0x40b: {  	s14 =	simm.s32 $0x680;
	[sflag:s31] =	ssyncadd.s32 $0xFFFFC180  }
0x40c: {  	[tilespmem:s13], [sflag:$0x2] =	stream.indirect.gather [hbm4b:s4+s29], $0x80, s14, s29, $0xb8;
	[tilespmem:$0x1D080] =	vst v63  }
0x40d: {  	s14 =	simm.s32 $0x1200  }
0x40e: {  	[spmem:s2] =	stream.indirect.scatter.add.f32 [tilespmem:s30], [sflag:$0x4], $0x80, s14, s29, $0xb8;
	[tilespmem:$0x1D080] =	vst v63  }
0x40f: {  	_ =	swait.ge [sflag:s26], $0x3E80  }
0x410: {  	[sflag:s26] =	ssyncset.done $0x0  }
0x411: {  	[sflag:s26] =	ssyncadd.s32 $0xFFFFC180  }
0x412: {  	_ =	swait.ge [sflag:s16], $0x3E80  }
0x413: {  	[sflag:s16] =	ssyncset.done $0x0  }
0x414: {  	s14 =	simm.s32 $0x700;
	[sflag:s16] =	ssyncadd.s32 $0xFFFFC180  }
0x415: {  	[tilespmem:s30], [sflag:$0x1] =	stream.indirect.gather [hbm4b:s4+s29], $0x80, s14, s29, $0xb8;
	[tilespmem:$0x1D080] =	vst v63  }
0x416: {  	s14 =	simm.s32 $0x1280  }
0x417: {  	[spmem:s2] =	stream.indirect.scatter.add.f32 [tilespmem:s13], [sflag:$0x4], $0x80, s14, s29, $0xb8;
	[tilespmem:$0x1D080] =	vst v63  }
0x418: {  	_ =	swait.ge [sflag:s26], $0x3E80  }
0x419: {  	[sflag:s26] =	ssyncset.done $0x0  }
0x41a: {  	[sflag:s26] =	ssyncadd.s32 $0xFFFFC180  }
0x41b: {  	_ =	swait.ge [sflag:s31], $0x3E80  }
0x41c: {  	[sflag:s31] =	ssyncset.done $0x0  }
0x41d: {  	s14 =	simm.s32 $0x780;
	[sflag:s31] =	ssyncadd.s32 $0xFFFFC180  }
0x41e: {  	[tilespmem:s13], [sflag:$0x2] =	stream.indirect.gather [hbm4b:s4+s29], $0x80, s14, s29, $0xb8;
	[tilespmem:$0x1D080] =	vst v63  }
0x41f: {  	s14 =	simm.s32 $0x1300  }
0x420: {  	[spmem:s2] =	stream.indirect.scatter.add.f32 [tilespmem:s30], [sflag:$0x4], $0x80, s14, s29, $0xb8;
	[tilespmem:$0x1D080] =	vst v63  }
0x421: {  	_ =	swait.ge [sflag:s26], $0x3E80  }
0x422: {  	[sflag:s26] =	ssyncset.done $0x0  }
0x423: {  	[sflag:s26] =	ssyncadd.s32 $0xFFFFC180  }
0x424: {  	_ =	swait.ge [sflag:s16], $0x3E80  }
0x425: {  	[sflag:s16] =	ssyncset.done $0x0  }
0x426: {  	s14 =	simm.s32 $0x800;
	[sflag:s16] =	ssyncadd.s32 $0xFFFFC180  }
0x427: {  	[tilespmem:s30], [sflag:$0x1] =	stream.indirect.gather [hbm4b:s4+s29], $0x80, s14, s29, $0xb8;
	[tilespmem:$0x1D080] =	vst v63  }
0x428: {  	s14 =	simm.s32 $0x1380  }
0x429: {  	[spmem:s2] =	stream.indirect.scatter.add.f32 [tilespmem:s13], [sflag:$0x4], $0x80, s14, s29, $0xb8;
	[tilespmem:$0x1D080] =	vst v63  }
0x42a: {  	_ =	swait.ge [sflag:s26], $0x3E80  }
0x42b: {  	[sflag:s26] =	ssyncset.done $0x0  }
0x42c: {  	[sflag:s26] =	ssyncadd.s32 $0xFFFFC180  }
0x42d: {  	_ =	swait.ge [sflag:s31], $0x3E80  }
0x42e: {  	[sflag:s31] =	ssyncset.done $0x0  }
0x42f: {  	s14 =	simm.s32 $0x880;
	[sflag:s31] =	ssyncadd.s32 $0xFFFFC180  }
0x430: {  	[tilespmem:s13], [sflag:$0x2] =	stream.indirect.gather [hbm4b:s4+s29], $0x80, s14, s29, $0xb8;
	[tilespmem:$0x1D080] =	vst v63  }
0x431: {  	s14 =	simm.s32 $0x1400  }
0x432: {  	[spmem:s2] =	stream.indirect.scatter.add.f32 [tilespmem:s30], [sflag:$0x4], $0x80, s14, s29, $0xb8;
	[tilespmem:$0x1D080] =	vst v63  }
0x433: {  	_ =	swait.ge [sflag:s26], $0x3E80  }
0x434: {  	[sflag:s26] =	ssyncset.done $0x0  }
0x435: {  	[sflag:s26] =	ssyncadd.s32 $0xFFFFC180  }
0x436: {  	_ =	swait.ge [sflag:s16], $0x3E80  }
0x437: {  	[sflag:s16] =	ssyncset.done $0x0  }
0x438: {  	s14 =	simm.s32 $0x900;
	[sflag:s16] =	ssyncadd.s32 $0xFFFFC180  }
0x439: {  	[tilespmem:s30], [sflag:$0x1] =	stream.indirect.gather [hbm4b:s4+s29], $0x80, s14, s29, $0xb8;
	[tilespmem:$0x1D080] =	vst v63  }
0x43a: {  	s14 =	simm.s32 $0x1480  }
0x43b: {  	[spmem:s2] =	stream.indirect.scatter.add.f32 [tilespmem:s13], [sflag:$0x4], $0x80, s14, s29, $0xb8;
	[tilespmem:$0x1D080] =	vst v63  }
0x43c: {  	_ =	swait.ge [sflag:s26], $0x3E80  }
0x43d: {  	[sflag:s26] =	ssyncset.done $0x0  }
0x43e: {  	[sflag:s26] =	ssyncadd.s32 $0xFFFFC180  }
0x43f: {  	_ =	swait.ge [sflag:s31], $0x3E80  }
0x440: {  	[sflag:s31] =	ssyncset.done $0x0  }
0x441: {  	s14 =	simm.s32 $0x980;
	[sflag:s31] =	ssyncadd.s32 $0xFFFFC180  }
0x442: {  	[tilespmem:s13], [sflag:$0x2] =	stream.indirect.gather [hbm4b:s4+s29], $0x80, s14, s29, $0xb8;
	[tilespmem:$0x1D080] =	vst v63  }
0x443: {  	s14 =	simm.s32 $0x1500  }
0x444: {  	[spmem:s2] =	stream.indirect.scatter.add.f32 [tilespmem:s30], [sflag:$0x4], $0x80, s14, s29, $0xb8;
	[tilespmem:$0x1D080] =	vst v63  }
0x445: {  	_ =	swait.ge [sflag:s26], $0x3E80  }
0x446: {  	[sflag:s26] =	ssyncset.done $0x0  }
0x447: {  	[sflag:s26] =	ssyncadd.s32 $0xFFFFC180  }
0x448: {  	_ =	swait.ge [sflag:s16], $0x3E80  }
0x449: {  	[sflag:s16] =	ssyncset.done $0x0  }
0x44a: {  	s14 =	simm.s32 $0x1580;
	[sflag:s16] =	ssyncadd.s32 $0xFFFFC180  }
0x44b: {  	[spmem:s2] =	stream.indirect.scatter.add.f32 [tilespmem:s13], [sflag:$0x4], $0x80, s14, s29, $0xb8;
	[tilespmem:$0x1D080] =	vst v63  }
0x44c: {  	_ =	swait.ge [sflag:s26], $0x3E80  }
0x44d: {  	[sflag:s26] =	ssyncset.done $0x0  }
0x44e: {  	[sflag:s26] =	ssyncadd.s32 $0xFFFFC180  }
0x44f: {  	[bflag:$0x0] =	sbarrier.arrive $0xFFFF  }
0x450: {  	s14 =	rddreg [dreg:$0x18]  }
0x451: {  	[hbm:s14@s12], [sflag:s25] =	dma.strided @p1 [spmem:s18@s0], $0x2800, s8, $0x10   }
0x452: {  	_ =	swait.ge @p1 [sflag:s15], $0x2800  }
0x453: {  	[sflag:s15] =	ssyncset.done @p1 $0x0  }
.Ltmp3:
0x454: {  	s0 =	rddreg [dreg:$0xf];
	[sflag:s15] =	ssyncadd.s32 @p1 $0xFFFFD800;
	(pc) =	sbr.rel .LBB2_4-.Ltmp3, $4  }
0x455: {  	[hbm:s0@s11], [sflag:s10] =	dma.strided @!p1 [spmem:s6@s23], $0x2700, s7, $0x10   }
0x456: {  	_ =	swait.ge @!p1 [sflag:s17], $0x2700  }
0x457: {  	[sflag:s17] =	ssyncset.done @!p1 $0x0  }
0x458: {  	[sflag:s17] =	ssyncadd.s32 @!p1 $0xFFFFD900  }
.LBB2_3:
0x459: {  	s15 =	simm.s32 @p1 $0x1FC4;
	s8 =	simm.s32 @p1 $0x4  }
0x45a: {  	[spmem:s18], [sflag:s15] =	dma.local @p1 [hbm:s22], $0x2800  }
0x45b: {  	_ =	swait.ge @p1 [sflag:s8], $0x2800  }
0x45c: {  	[sflag:s8] =	ssyncset.done @p1 $0x0  }
0x45d: {  	s12 =	simm.s32 @!p1 $0x4;
	[sflag:s8] =	ssyncadd.s32 @p1 $0xFFFFD800  }
0x45e: {  	[spmem:s6], [sflag:s10] =	dma.local @!p1 [hbm:s22], $0x2700  }
0x45f: {  	_ =	swait.ge @!p1 [sflag:s12], $0x2700  }
0x460: {  	[sflag:s12] =	ssyncset.done @!p1 $0x0  }
0x461: {  	[sflag:s12] =	ssyncadd.s32 @!p1 $0xFFFFD900  }
0x462: {  	[bflag:$0x0] =	sbarrier.arrive $0xFFFF  }
0x463: {  	s0 =	rddreg [dreg:$0x5]  }
0x464: {  	[tilespmem:s3], [sflag:$0x4] =	stream.linear.gather [hbm4b:s0+s3], $0xA00, $0x38;
	[tilespmem:$0x1D080] =	vst v63  }
0x465: {  	_ =	swait.ge [sflag:s26], $0xA00  }
0x466: {  	[sflag:s26] =	ssyncset.done $0x0  }
0x467: {  	s0 =	rddreg [dreg:$0x6];
	[sflag:s26] =	ssyncadd.s32 $0xFFFFF600  }
0x468: {  	[tilespmem:s28], [sflag:$0x4] =	stream.linear.gather [hbm4b:s0+s3], $0xA00, $0x38;
	[tilespmem:$0x1D080] =	vst v63  }
0x469: {  	_ =	swait.ge [sflag:s26], $0xA00  }
0x46a: {  	[sflag:s26] =	ssyncset.done $0x0  }
0x46b: {  	[sflag:s26] =	ssyncadd.s32 $0xFFFFF600  }
0x46c: {  	[tilespmem:s30], [sflag:$0x1] =	stream.indirect.gather [hbm4b:s5+s29], $0x80, s3, s29, $0xb8;
	[tilespmem:$0x1D080] =	vst v63  }
0x46d: {  	_ =	swait.ge [sflag:s31], $0x3E80  }
0x46e: {  	[sflag:s31] =	ssyncset.done $0x0  }
0x46f: {  	[sflag:s31] =	ssyncadd.s32 $0xFFFFC180  }
0x470: {  	[tilespmem:s13], [sflag:$0x2] =	stream.indirect.gather [hbm4b:s5+s29], $0x80, s7, s29, $0xb8;
	[tilespmem:$0x1D080] =	vst v63  }
0x471: {  	_ = 	snop  }
0x472: {  	[spmem:s2] =	stream.indirect.scatter.add.f32 [tilespmem:s30], [sflag:$0x4], $0x80, s28, s29, $0xb8;
	[tilespmem:$0x1D080] =	vst v63  }
0x473: {  	_ =	swait.ge [sflag:s26], $0x3E80  }
0x474: {  	[sflag:s26] =	ssyncset.done $0x0  }
0x475: {  	[sflag:s26] =	ssyncadd.s32 $0xFFFFC180  }
0x476: {  	_ =	swait.ge [sflag:s16], $0x3E80  }
0x477: {  	[sflag:s16] =	ssyncset.done $0x0  }
0x478: {  	[sflag:s16] =	ssyncadd.s32 $0xFFFFC180  }
0x479: {  	[tilespmem:s30], [sflag:$0x1] =	stream.indirect.gather [hbm4b:s5+s29], $0x80, s24, s29, $0xb8;
	[tilespmem:$0x1D080] =	vst v63  }
0x47a: {  	_ = 	snop  }
0x47b: {  	[spmem:s2] =	stream.indirect.scatter.add.f32 [tilespmem:s13], [sflag:$0x4], $0x80, s19, s29, $0xb8;
	[tilespmem:$0x1D080] =	vst v63  }
0x47c: {  	_ =	swait.ge [sflag:s26], $0x3E80  }
0x47d: {  	[sflag:s26] =	ssyncset.done $0x0  }
0x47e: {  	[sflag:s26] =	ssyncadd.s32 $0xFFFFC180  }
0x47f: {  	_ =	swait.ge [sflag:s31], $0x3E80  }
0x480: {  	[sflag:s31] =	ssyncset.done $0x0  }
0x481: {  	[sflag:s31] =	ssyncadd.s32 $0xFFFFC180  }
0x482: {  	[tilespmem:s13], [sflag:$0x2] =	stream.indirect.gather [hbm4b:s5+s29], $0x80, s20, s29, $0xb8;
	[tilespmem:$0x1D080] =	vst v63  }
0x483: {  	_ = 	snop  }
0x484: {  	[spmem:s2] =	stream.indirect.scatter.add.f32 [tilespmem:s30], [sflag:$0x4], $0x80, s1, s29, $0xb8;
	[tilespmem:$0x1D080] =	vst v63  }
0x485: {  	_ =	swait.ge [sflag:s26], $0x3E80  }
0x486: {  	[sflag:s26] =	ssyncset.done $0x0  }
0x487: {  	[sflag:s26] =	ssyncadd.s32 $0xFFFFC180  }
0x488: {  	_ =	swait.ge [sflag:s16], $0x3E80  }
0x489: {  	[sflag:s16] =	ssyncset.done $0x0  }
0x48a: {  	[sflag:s16] =	ssyncadd.s32 $0xFFFFC180  }
0x48b: {  	[tilespmem:s30], [sflag:$0x1] =	stream.indirect.gather [hbm4b:s5+s29], $0x80, s11, s29, $0xb8;
	[tilespmem:$0x1D080] =	vst v63  }
0x48c: {  	_ = 	snop  }
0x48d: {  	[spmem:s2] =	stream.indirect.scatter.add.f32 [tilespmem:s13], [sflag:$0x4], $0x80, s14, s29, $0xb8;
	[tilespmem:$0x1D080] =	vst v63  }
0x48e: {  	_ =	swait.ge [sflag:s26], $0x3E80  }
0x48f: {  	[sflag:s26] =	ssyncset.done $0x0  }
0x490: {  	[sflag:s26] =	ssyncadd.s32 $0xFFFFC180  }
0x491: {  	_ =	swait.ge [sflag:s31], $0x3E80  }
0x492: {  	[sflag:s31] =	ssyncset.done $0x0  }
0x493: {  	[sflag:s31] =	ssyncadd.s32 $0xFFFFC180  }
0x494: {  	[tilespmem:s13], [sflag:$0x2] =	stream.indirect.gather [hbm4b:s5+s29], $0x80, s17, s29, $0xb8;
	[tilespmem:$0x1D080] =	vst v63  }
0x495: {  	_ = 	snop  }
0x496: {  	[spmem:s2] =	stream.indirect.scatter.add.f32 [tilespmem:s30], [sflag:$0x4], $0x80, s23, s29, $0xb8;
	[tilespmem:$0x1D080] =	vst v63  }
0x497: {  	_ =	swait.ge [sflag:s26], $0x3E80  }
0x498: {  	[sflag:s26] =	ssyncset.done $0x0  }
0x499: {  	[sflag:s26] =	ssyncadd.s32 $0xFFFFC180  }
0x49a: {  	_ =	swait.ge [sflag:s16], $0x3E80  }
0x49b: {  	[sflag:s16] =	ssyncset.done $0x0  }
0x49c: {  	[sflag:s16] =	ssyncadd.s32 $0xFFFFC180  }
0x49d: {  	[tilespmem:s30], [sflag:$0x1] =	stream.indirect.gather [hbm4b:s5+s29], $0x80, s25, s29, $0xb8;
	[tilespmem:$0x1D080] =	vst v63  }
0x49e: {  	s25 =	simm.s32 $0xE80  }
0x49f: {  	[spmem:s2] =	stream.indirect.scatter.add.f32 [tilespmem:s13], [sflag:$0x4], $0x80, s25, s29, $0xb8;
	[tilespmem:$0x1D080] =	vst v63  }
0x4a0: {  	_ =	swait.ge [sflag:s26], $0x3E80  }
0x4a1: {  	[sflag:s26] =	ssyncset.done $0x0  }
0x4a2: {  	[sflag:s26] =	ssyncadd.s32 $0xFFFFC180  }
0x4a3: {  	_ =	swait.ge [sflag:s31], $0x3E80  }
0x4a4: {  	[sflag:s31] =	ssyncset.done $0x0  }
0x4a5: {  	s1 =	simm.s32 $0x380;
	[sflag:s31] =	ssyncadd.s32 $0xFFFFC180  }
0x4a6: {  	[tilespmem:s13], [sflag:$0x2] =	stream.indirect.gather [hbm4b:s5+s29], $0x80, s1, s29, $0xb8;
	[tilespmem:$0x1D080] =	vst v63  }
0x4a7: {  	s7 =	simm.s32 $0xF00  }
0x4a8: {  	[spmem:s2] =	stream.indirect.scatter.add.f32 [tilespmem:s30], [sflag:$0x4], $0x80, s7, s29, $0xb8;
	[tilespmem:$0x1D080] =	vst v63  }
0x4a9: {  	_ =	swait.ge [sflag:s26], $0x3E80  }
0x4aa: {  	[sflag:s26] =	ssyncset.done $0x0  }
0x4ab: {  	[sflag:s26] =	ssyncadd.s32 $0xFFFFC180  }
0x4ac: {  	_ =	swait.ge [sflag:s16], $0x3E80  }
0x4ad: {  	[sflag:s16] =	ssyncset.done $0x0  }
0x4ae: {  	s11 =	simm.s32 $0x400;
	[sflag:s16] =	ssyncadd.s32 $0xFFFFC180  }
0x4af: {  	[tilespmem:s30], [sflag:$0x1] =	stream.indirect.gather [hbm4b:s5+s29], $0x80, s11, s29, $0xb8;
	[tilespmem:$0x1D080] =	vst v63  }
0x4b0: {  	s14 =	simm.s32 $0xF80  }
0x4b1: {  	[spmem:s2] =	stream.indirect.scatter.add.f32 [tilespmem:s13], [sflag:$0x4], $0x80, s14, s29, $0xb8;
	[tilespmem:$0x1D080] =	vst v63  }
0x4b2: {  	_ =	swait.ge [sflag:s26], $0x3E80  }
0x4b3: {  	[sflag:s26] =	ssyncset.done $0x0  }
0x4b4: {  	[sflag:s26] =	ssyncadd.s32 $0xFFFFC180  }
0x4b5: {  	_ =	swait.ge [sflag:s31], $0x3E80  }
0x4b6: {  	[sflag:s31] =	ssyncset.done $0x0  }
0x4b7: {  	s17 =	simm.s32 $0x480;
	[sflag:s31] =	ssyncadd.s32 $0xFFFFC180  }
0x4b8: {  	[tilespmem:s13], [sflag:$0x2] =	stream.indirect.gather [hbm4b:s5+s29], $0x80, s17, s29, $0xb8;
	[tilespmem:$0x1D080] =	vst v63  }
0x4b9: {  	s19 =	simm.s32 $0x1000  }
0x4ba: {  	[spmem:s2] =	stream.indirect.scatter.add.f32 [tilespmem:s30], [sflag:$0x4], $0x80, s19, s29, $0xb8;
	[tilespmem:$0x1D080] =	vst v63  }
0x4bb: {  	_ =	swait.ge [sflag:s26], $0x3E80  }
0x4bc: {  	[sflag:s26] =	ssyncset.done $0x0  }
0x4bd: {  	[sflag:s26] =	ssyncadd.s32 $0xFFFFC180  }
0x4be: {  	_ =	swait.ge [sflag:s16], $0x3E80  }
0x4bf: {  	[sflag:s16] =	ssyncset.done $0x0  }
0x4c0: {  	s20 =	simm.s32 $0x500;
	[sflag:s16] =	ssyncadd.s32 $0xFFFFC180  }
0x4c1: {  	[tilespmem:s30], [sflag:$0x1] =	stream.indirect.gather [hbm4b:s5+s29], $0x80, s20, s29, $0xb8;
	[tilespmem:$0x1D080] =	vst v63  }
0x4c2: {  	s23 =	simm.s32 $0x1080  }
0x4c3: {  	[spmem:s2] =	stream.indirect.scatter.add.f32 [tilespmem:s13], [sflag:$0x4], $0x80, s23, s29, $0xb8;
	[tilespmem:$0x1D080] =	vst v63  }
0x4c4: {  	_ =	swait.ge [sflag:s26], $0x3E80  }
0x4c5: {  	[sflag:s26] =	ssyncset.done $0x0  }
0x4c6: {  	[sflag:s26] =	ssyncadd.s32 $0xFFFFC180  }
0x4c7: {  	_ =	swait.ge [sflag:s31], $0x3E80  }
0x4c8: {  	[sflag:s31] =	ssyncset.done $0x0  }
0x4c9: {  	s24 =	simm.s32 $0x580;
	[sflag:s31] =	ssyncadd.s32 $0xFFFFC180  }
0x4ca: {  	[tilespmem:s13], [sflag:$0x2] =	stream.indirect.gather [hbm4b:s5+s29], $0x80, s24, s29, $0xb8;
	[tilespmem:$0x1D080] =	vst v63  }
0x4cb: {  	s25 =	simm.s32 $0x1100  }
0x4cc: {  	[spmem:s2] =	stream.indirect.scatter.add.f32 [tilespmem:s30], [sflag:$0x4], $0x80, s25, s29, $0xb8;
	[tilespmem:$0x1D080] =	vst v63  }
0x4cd: {  	_ =	swait.ge [sflag:s26], $0x3E80  }
0x4ce: {  	[sflag:s26] =	ssyncset.done $0x0  }
0x4cf: {  	[sflag:s26] =	ssyncadd.s32 $0xFFFFC180  }
0x4d0: {  	_ =	swait.ge [sflag:s16], $0x3E80  }
0x4d1: {  	[sflag:s16] =	ssyncset.done $0x0  }
0x4d2: {  	s1 =	simm.s32 $0x600;
	[sflag:s16] =	ssyncadd.s32 $0xFFFFC180  }
0x4d3: {  	[tilespmem:s30], [sflag:$0x1] =	stream.indirect.gather [hbm4b:s5+s29], $0x80, s1, s29, $0xb8;
	[tilespmem:$0x1D080] =	vst v63  }
0x4d4: {  	s7 =	simm.s32 $0x1180  }
0x4d5: {  	[spmem:s2] =	stream.indirect.scatter.add.f32 [tilespmem:s13], [sflag:$0x4], $0x80, s7, s29, $0xb8;
	[tilespmem:$0x1D080] =	vst v63  }
0x4d6: {  	_ =	swait.ge [sflag:s26], $0x3E80  }
0x4d7: {  	[sflag:s26] =	ssyncset.done $0x0  }
0x4d8: {  	[sflag:s26] =	ssyncadd.s32 $0xFFFFC180  }
0x4d9: {  	_ =	swait.ge [sflag:s31], $0x3E80  }
0x4da: {  	[sflag:s31] =	ssyncset.done $0x0  }
0x4db: {  	s11 =	simm.s32 $0x680;
	[sflag:s31] =	ssyncadd.s32 $0xFFFFC180  }
0x4dc: {  	[tilespmem:s13], [sflag:$0x2] =	stream.indirect.gather [hbm4b:s5+s29], $0x80, s11, s29, $0xb8;
	[tilespmem:$0x1D080] =	vst v63  }
0x4dd: {  	s14 =	simm.s32 $0x1200  }
0x4de: {  	[spmem:s2] =	stream.indirect.scatter.add.f32 [tilespmem:s30], [sflag:$0x4], $0x80, s14, s29, $0xb8;
	[tilespmem:$0x1D080] =	vst v63  }
0x4df: {  	_ =	swait.ge [sflag:s26], $0x3E80  }
0x4e0: {  	[sflag:s26] =	ssyncset.done $0x0  }
0x4e1: {  	[sflag:s26] =	ssyncadd.s32 $0xFFFFC180  }
0x4e2: {  	_ =	swait.ge [sflag:s16], $0x3E80  }
0x4e3: {  	[sflag:s16] =	ssyncset.done $0x0  }
0x4e4: {  	s17 =	simm.s32 $0x700;
	[sflag:s16] =	ssyncadd.s32 $0xFFFFC180  }
0x4e5: {  	[tilespmem:s30], [sflag:$0x1] =	stream.indirect.gather [hbm4b:s5+s29], $0x80, s17, s29, $0xb8;
	[tilespmem:$0x1D080] =	vst v63  }
0x4e6: {  	s19 =	simm.s32 $0x1280  }
0x4e7: {  	[spmem:s2] =	stream.indirect.scatter.add.f32 [tilespmem:s13], [sflag:$0x4], $0x80, s19, s29, $0xb8;
	[tilespmem:$0x1D080] =	vst v63  }
0x4e8: {  	_ =	swait.ge [sflag:s26], $0x3E80  }
0x4e9: {  	[sflag:s26] =	ssyncset.done $0x0  }
0x4ea: {  	[sflag:s26] =	ssyncadd.s32 $0xFFFFC180  }
0x4eb: {  	_ =	swait.ge [sflag:s31], $0x3E80  }
0x4ec: {  	[sflag:s31] =	ssyncset.done $0x0  }
0x4ed: {  	s20 =	simm.s32 $0x780;
	[sflag:s31] =	ssyncadd.s32 $0xFFFFC180  }
0x4ee: {  	[tilespmem:s13], [sflag:$0x2] =	stream.indirect.gather [hbm4b:s5+s29], $0x80, s20, s29, $0xb8;
	[tilespmem:$0x1D080] =	vst v63  }
0x4ef: {  	s23 =	simm.s32 $0x1300  }
0x4f0: {  	[spmem:s2] =	stream.indirect.scatter.add.f32 [tilespmem:s30], [sflag:$0x4], $0x80, s23, s29, $0xb8;
	[tilespmem:$0x1D080] =	vst v63  }
0x4f1: {  	_ =	swait.ge [sflag:s26], $0x3E80  }
0x4f2: {  	[sflag:s26] =	ssyncset.done $0x0  }
0x4f3: {  	[sflag:s26] =	ssyncadd.s32 $0xFFFFC180  }
0x4f4: {  	_ =	swait.ge [sflag:s16], $0x3E80  }
0x4f5: {  	[sflag:s16] =	ssyncset.done $0x0  }
0x4f6: {  	s24 =	simm.s32 $0x800;
	[sflag:s16] =	ssyncadd.s32 $0xFFFFC180  }
0x4f7: {  	[tilespmem:s30], [sflag:$0x1] =	stream.indirect.gather [hbm4b:s5+s29], $0x80, s24, s29, $0xb8;
	[tilespmem:$0x1D080] =	vst v63  }
0x4f8: {  	s25 =	simm.s32 $0x1380  }
0x4f9: {  	[spmem:s2] =	stream.indirect.scatter.add.f32 [tilespmem:s13], [sflag:$0x4], $0x80, s25, s29, $0xb8;
	[tilespmem:$0x1D080] =	vst v63  }
0x4fa: {  	_ =	swait.ge [sflag:s26], $0x3E80  }
0x4fb: {  	[sflag:s26] =	ssyncset.done $0x0  }
0x4fc: {  	[sflag:s26] =	ssyncadd.s32 $0xFFFFC180  }
0x4fd: {  	_ =	swait.ge [sflag:s31], $0x3E80  }
0x4fe: {  	[sflag:s31] =	ssyncset.done $0x0  }
0x4ff: {  	s1 =	simm.s32 $0x880;
	[sflag:s31] =	ssyncadd.s32 $0xFFFFC180  }
0x500: {  	[tilespmem:s13], [sflag:$0x2] =	stream.indirect.gather [hbm4b:s5+s29], $0x80, s1, s29, $0xb8;
	[tilespmem:$0x1D080] =	vst v63  }
0x501: {  	s7 =	simm.s32 $0x1400  }
0x502: {  	[spmem:s2] =	stream.indirect.scatter.add.f32 [tilespmem:s30], [sflag:$0x4], $0x80, s7, s29, $0xb8;
	[tilespmem:$0x1D080] =	vst v63  }
0x503: {  	_ =	swait.ge [sflag:s26], $0x3E80  }
0x504: {  	[sflag:s26] =	ssyncset.done $0x0  }
0x505: {  	[sflag:s26] =	ssyncadd.s32 $0xFFFFC180  }
0x506: {  	_ =	swait.ge [sflag:s16], $0x3E80  }
0x507: {  	[sflag:s16] =	ssyncset.done $0x0  }
0x508: {  	s11 =	simm.s32 $0x900;
	[sflag:s16] =	ssyncadd.s32 $0xFFFFC180  }
0x509: {  	[tilespmem:s30], [sflag:$0x1] =	stream.indirect.gather [hbm4b:s5+s29], $0x80, s11, s29, $0xb8;
	[tilespmem:$0x1D080] =	vst v63  }
0x50a: {  	s14 =	simm.s32 $0x1480  }
0x50b: {  	[spmem:s2] =	stream.indirect.scatter.add.f32 [tilespmem:s13], [sflag:$0x4], $0x80, s14, s29, $0xb8;
	[tilespmem:$0x1D080] =	vst v63  }
0x50c: {  	_ =	swait.ge [sflag:s26], $0x3E80  }
0x50d: {  	[sflag:s26] =	ssyncset.done $0x0  }
0x50e: {  	[sflag:s26] =	ssyncadd.s32 $0xFFFFC180  }
0x50f: {  	_ =	swait.ge [sflag:s31], $0x3E80  }
0x510: {  	[sflag:s31] =	ssyncset.done $0x0  }
0x511: {  	s17 =	simm.s32 $0x980;
	[sflag:s31] =	ssyncadd.s32 $0xFFFFC180  }
0x512: {  	[tilespmem:s13], [sflag:$0x2] =	stream.indirect.gather [hbm4b:s5+s29], $0x80, s17, s29, $0xb8;
	[tilespmem:$0x1D080] =	vst v63  }
0x513: {  	s19 =	simm.s32 $0x1500  }
0x514: {  	[spmem:s2] =	stream.indirect.scatter.add.f32 [tilespmem:s30], [sflag:$0x4], $0x80, s19, s29, $0xb8;
	[tilespmem:$0x1D080] =	vst v63  }
0x515: {  	_ =	swait.ge [sflag:s26], $0x3E80  }
0x516: {  	[sflag:s26] =	ssyncset.done $0x0  }
0x517: {  	[sflag:s26] =	ssyncadd.s32 $0xFFFFC180  }
0x518: {  	_ =	swait.ge [sflag:s16], $0x3E80  }
0x519: {  	[sflag:s16] =	ssyncset.done $0x0  }
0x51a: {  	s20 =	simm.s32 $0x1580;
	[sflag:s16] =	ssyncadd.s32 $0xFFFFC180  }
0x51b: {  	[spmem:s2] =	stream.indirect.scatter.add.f32 [tilespmem:s13], [sflag:$0x4], $0x80, s20, s29, $0xb8;
	[tilespmem:$0x1D080] =	vst v63  }
0x51c: {  	_ =	swait.ge [sflag:s26], $0x3E80  }
0x51d: {  	[sflag:s26] =	ssyncset.done $0x0  }
0x51e: {  	[sflag:s26] =	ssyncadd.s32 $0xFFFFC180  }
0x51f: {  	s0 =	simm.s32 @p1 $0x8;
	[bflag:$0x0] =	sbarrier.arrive $0xFFFF  }
0x520: {  	s25 =	simm.s32 @p1 $0x100;
	s7 =	simm.s32 @p1 $0x80;
	s11 =	rddreg [dreg:$0x12]  }
0x521: {  	[hbm:s11@s25], [sflag:s15] =	dma.strided @p1 [spmem:s18@s7], $0x2800, s0, $0x10   }
0x522: {  	_ =	swait.ge @p1 [sflag:s8], $0x2800  }
0x523: {  	[sflag:s8] =	ssyncset.done @p1 $0x0  }
0x524: {  	[sflag:s8] =	ssyncadd.s32 @p1 $0xFFFFD800  }
0x525: {  	[spmem:s18], [sflag:s15] =	dma.local @p1 [hbm:s22], $0x2800  }
0x526: {  	_ =	swait.ge @p1 [sflag:s8], $0x2800  }
0x527: {  	s14 =	sld [smem:$0x7FD]  }
0x528: {  	s23 =	simm.s32 @!p1 $0x8;
	[sflag:s8] =	ssyncset.done @p1 $0x0  }
0x529: {  	s17 =	simm.s32 @!p1 $0x80;
	s11 =	simm.s32 @!p1 $0x100;
	[sflag:s8] =	ssyncadd.s32 @p1 $0xFFFFD800  }
0x52a: {  	[hbm:s14@s11], [sflag:s10] =	dma.strided @!p1 [spmem:s6@s17], $0x2700, s23, $0x10   }
0x52b: {  	_ =	swait.ge @!p1 [sflag:s12], $0x2700  }
0x52c: {  	[sflag:s12] =	ssyncset.done @!p1 $0x0  }
0x52d: {  	[sflag:s12] =	ssyncadd.s32 @!p1 $0xFFFFD900  }
0x52e: {  	[spmem:s6], [sflag:s10] =	dma.local @!p1 [hbm:s22], $0x2700  }
0x52f: {  	_ =	swait.ge @!p1 [sflag:s12], $0x2700  }
0x530: {  	[sflag:s12] =	ssyncset.done @!p1 $0x0  }
0x531: {  	[sflag:s12] =	ssyncadd.s32 @!p1 $0xFFFFD900  }
0x532: {  	[bflag:$0x0] =	sbarrier.arrive $0xFFFF  }
0x533: {  	s14 =	rddreg [dreg:$0xe]  }
0x534: {  	[tilespmem:s3], [sflag:$0x4] =	stream.linear.gather [hbm4b:s14+s3], $0xA00, $0x38;
	[tilespmem:$0x1D080] =	vst v63  }
0x535: {  	_ =	swait.ge [sflag:s26], $0xA00  }
0x536: {  	s14 =	sld [smem:$0x7FA]  }
0x537: {  	[sflag:s26] =	ssyncset.done $0x0  }
0x538: {  	[sflag:s26] =	ssyncadd.s32 $0xFFFFF600  }
0x539: {  	[tilespmem:s28], [sflag:$0x4] =	stream.linear.gather [hbm4b:s14+s3], $0xA00, $0x38;
	[tilespmem:$0x1D080] =	vst v63  }
0x53a: {  	_ =	swait.ge [sflag:s26], $0xA00  }
0x53b: {  	[sflag:s26] =	ssyncset.done $0x0  }
0x53c: {  	[sflag:s26] =	ssyncadd.s32 $0xFFFFF600  }
0x53d: {  	[tilespmem:s30], [sflag:$0x1] =	stream.indirect.gather [hbm4b:s5+s29], $0x80, s3, s29, $0xb8;
	[tilespmem:$0x1D080] =	vst v63  }
0x53e: {  	_ =	swait.ge [sflag:s31], $0x3E80  }
0x53f: {  	[sflag:s31] =	ssyncset.done $0x0  }
0x540: {  	s24 =	simm.s32 $0x80;
	[sflag:s31] =	ssyncadd.s32 $0xFFFFC180  }
0x541: {  	[tilespmem:s13], [sflag:$0x2] =	stream.indirect.gather [hbm4b:s5+s29], $0x80, s24, s29, $0xb8;
	[tilespmem:$0x1D080] =	vst v63  }
0x542: {  	_ = 	snop  }
0x543: {  	[spmem:s2] =	stream.indirect.scatter.add.f32 [tilespmem:s30], [sflag:$0x4], $0x80, s28, s29, $0xb8;
	[tilespmem:$0x1D080] =	vst v63  }
0x544: {  	_ =	swait.ge [sflag:s26], $0x3E80  }
0x545: {  	[sflag:s26] =	ssyncset.done $0x0  }
0x546: {  	[sflag:s26] =	ssyncadd.s32 $0xFFFFC180  }
0x547: {  	_ =	swait.ge [sflag:s16], $0x3E80  }
0x548: {  	[sflag:s16] =	ssyncset.done $0x0  }
0x549: {  	s19 =	simm.s32 $0x100;
	[sflag:s16] =	ssyncadd.s32 $0xFFFFC180  }
0x54a: {  	[tilespmem:s30], [sflag:$0x1] =	stream.indirect.gather [hbm4b:s5+s29], $0x80, s19, s29, $0xb8;
	[tilespmem:$0x1D080] =	vst v63  }
0x54b: {  	s20 =	simm.s32 $0xC80  }
0x54c: {  	[spmem:s2] =	stream.indirect.scatter.add.f32 [tilespmem:s13], [sflag:$0x4], $0x80, s20, s29, $0xb8;
	[tilespmem:$0x1D080] =	vst v63  }
0x54d: {  	_ =	swait.ge [sflag:s26], $0x3E80  }
0x54e: {  	[sflag:s26] =	ssyncset.done $0x0  }
0x54f: {  	[sflag:s26] =	ssyncadd.s32 $0xFFFFC180  }
0x550: {  	_ =	swait.ge [sflag:s31], $0x3E80  }
0x551: {  	[sflag:s31] =	ssyncset.done $0x0  }
0x552: {  	s14 =	simm.s32 $0x180;
	[sflag:s31] =	ssyncadd.s32 $0xFFFFC180  }
0x553: {  	[tilespmem:s13], [sflag:$0x2] =	stream.indirect.gather [hbm4b:s5+s29], $0x80, s14, s29, $0xb8;
	[tilespmem:$0x1D080] =	vst v63  }
0x554: {  	s14 =	simm.s32 $0xD00  }
0x555: {  	[spmem:s2] =	stream.indirect.scatter.add.f32 [tilespmem:s30], [sflag:$0x4], $0x80, s14, s29, $0xb8;
	[tilespmem:$0x1D080] =	vst v63  }
0x556: {  	_ =	swait.ge [sflag:s26], $0x3E80  }
0x557: {  	[sflag:s26] =	ssyncset.done $0x0  }
0x558: {  	[sflag:s26] =	ssyncadd.s32 $0xFFFFC180  }
0x559: {  	_ =	swait.ge [sflag:s16], $0x3E80  }
0x55a: {  	[sflag:s16] =	ssyncset.done $0x0  }
0x55b: {  	s14 =	simm.s32 $0x200;
	[sflag:s16] =	ssyncadd.s32 $0xFFFFC180  }
0x55c: {  	[tilespmem:s30], [sflag:$0x1] =	stream.indirect.gather [hbm4b:s5+s29], $0x80, s14, s29, $0xb8;
	[tilespmem:$0x1D080] =	vst v63  }
0x55d: {  	s1 =	simm.s32 $0xD80  }
0x55e: {  	[spmem:s2] =	stream.indirect.scatter.add.f32 [tilespmem:s13], [sflag:$0x4], $0x80, s1, s29, $0xb8;
	[tilespmem:$0x1D080] =	vst v63  }
0x55f: {  	_ =	swait.ge [sflag:s26], $0x3E80  }
0x560: {  	[sflag:s26] =	ssyncset.done $0x0  }
0x561: {  	[sflag:s26] =	ssyncadd.s32 $0xFFFFC180  }
0x562: {  	_ =	swait.ge [sflag:s31], $0x3E80  }
0x563: {  	[sflag:s31] =	ssyncset.done $0x0  }
0x564: {  	s14 =	simm.s32 $0x280;
	[sflag:s31] =	ssyncadd.s32 $0xFFFFC180  }
0x565: {  	[tilespmem:s13], [sflag:$0x2] =	stream.indirect.gather [hbm4b:s5+s29], $0x80, s14, s29, $0xb8;
	[tilespmem:$0x1D080] =	vst v63  }
0x566: {  	s14 =	simm.s32 $0xE00  }
0x567: {  	[spmem:s2] =	stream.indirect.scatter.add.f32 [tilespmem:s30], [sflag:$0x4], $0x80, s14, s29, $0xb8;
	[tilespmem:$0x1D080] =	vst v63  }
0x568: {  	_ =	swait.ge [sflag:s26], $0x3E80  }
0x569: {  	[sflag:s26] =	ssyncset.done $0x0  }
0x56a: {  	[sflag:s26] =	ssyncadd.s32 $0xFFFFC180  }
0x56b: {  	_ =	swait.ge [sflag:s16], $0x3E80  }
0x56c: {  	[sflag:s16] =	ssyncset.done $0x0  }
0x56d: {  	s14 =	simm.s32 $0x300;
	[sflag:s16] =	ssyncadd.s32 $0xFFFFC180  }
0x56e: {  	[tilespmem:s30], [sflag:$0x1] =	stream.indirect.gather [hbm4b:s5+s29], $0x80, s14, s29, $0xb8;
	[tilespmem:$0x1D080] =	vst v63  }
0x56f: {  	s14 =	simm.s32 $0xE80  }
0x570: {  	[spmem:s2] =	stream.indirect.scatter.add.f32 [tilespmem:s13], [sflag:$0x4], $0x80, s14, s29, $0xb8;
	[tilespmem:$0x1D080] =	vst v63  }
0x571: {  	_ =	swait.ge [sflag:s26], $0x3E80  }
0x572: {  	[sflag:s26] =	ssyncset.done $0x0  }
0x573: {  	[sflag:s26] =	ssyncadd.s32 $0xFFFFC180  }
0x574: {  	_ =	swait.ge [sflag:s31], $0x3E80  }
0x575: {  	[sflag:s31] =	ssyncset.done $0x0  }
0x576: {  	s14 =	simm.s32 $0x380;
	[sflag:s31] =	ssyncadd.s32 $0xFFFFC180  }
0x577: {  	[tilespmem:s13], [sflag:$0x2] =	stream.indirect.gather [hbm4b:s5+s29], $0x80, s14, s29, $0xb8;
	[tilespmem:$0x1D080] =	vst v63  }
0x578: {  	s14 =	simm.s32 $0xF00  }
0x579: {  	[spmem:s2] =	stream.indirect.scatter.add.f32 [tilespmem:s30], [sflag:$0x4], $0x80, s14, s29, $0xb8;
	[tilespmem:$0x1D080] =	vst v63  }
0x57a: {  	_ =	swait.ge [sflag:s26], $0x3E80  }
0x57b: {  	[sflag:s26] =	ssyncset.done $0x0  }
0x57c: {  	[sflag:s26] =	ssyncadd.s32 $0xFFFFC180  }
0x57d: {  	_ =	swait.ge [sflag:s16], $0x3E80  }
0x57e: {  	[sflag:s16] =	ssyncset.done $0x0  }
0x57f: {  	s14 =	simm.s32 $0x400;
	[sflag:s16] =	ssyncadd.s32 $0xFFFFC180  }
0x580: {  	[tilespmem:s30], [sflag:$0x1] =	stream.indirect.gather [hbm4b:s5+s29], $0x80, s14, s29, $0xb8;
	[tilespmem:$0x1D080] =	vst v63  }
0x581: {  	s14 =	simm.s32 $0xF80  }
0x582: {  	[spmem:s2] =	stream.indirect.scatter.add.f32 [tilespmem:s13], [sflag:$0x4], $0x80, s14, s29, $0xb8;
	[tilespmem:$0x1D080] =	vst v63  }
0x583: {  	_ =	swait.ge [sflag:s26], $0x3E80  }
0x584: {  	[sflag:s26] =	ssyncset.done $0x0  }
0x585: {  	[sflag:s26] =	ssyncadd.s32 $0xFFFFC180  }
0x586: {  	_ =	swait.ge [sflag:s31], $0x3E80  }
0x587: {  	[sflag:s31] =	ssyncset.done $0x0  }
0x588: {  	s14 =	simm.s32 $0x480;
	[sflag:s31] =	ssyncadd.s32 $0xFFFFC180  }
0x589: {  	[tilespmem:s13], [sflag:$0x2] =	stream.indirect.gather [hbm4b:s5+s29], $0x80, s14, s29, $0xb8;
	[tilespmem:$0x1D080] =	vst v63  }
0x58a: {  	s14 =	simm.s32 $0x1000  }
0x58b: {  	[spmem:s2] =	stream.indirect.scatter.add.f32 [tilespmem:s30], [sflag:$0x4], $0x80, s14, s29, $0xb8;
	[tilespmem:$0x1D080] =	vst v63  }
0x58c: {  	_ =	swait.ge [sflag:s26], $0x3E80  }
0x58d: {  	[sflag:s26] =	ssyncset.done $0x0  }
0x58e: {  	[sflag:s26] =	ssyncadd.s32 $0xFFFFC180  }
0x58f: {  	_ =	swait.ge [sflag:s16], $0x3E80  }
0x590: {  	[sflag:s16] =	ssyncset.done $0x0  }
0x591: {  	s14 =	simm.s32 $0x500;
	[sflag:s16] =	ssyncadd.s32 $0xFFFFC180  }
0x592: {  	[tilespmem:s30], [sflag:$0x1] =	stream.indirect.gather [hbm4b:s5+s29], $0x80, s14, s29, $0xb8;
	[tilespmem:$0x1D080] =	vst v63  }
0x593: {  	s14 =	simm.s32 $0x1080  }
0x594: {  	[spmem:s2] =	stream.indirect.scatter.add.f32 [tilespmem:s13], [sflag:$0x4], $0x80, s14, s29, $0xb8;
	[tilespmem:$0x1D080] =	vst v63  }
0x595: {  	_ =	swait.ge [sflag:s26], $0x3E80  }
0x596: {  	[sflag:s26] =	ssyncset.done $0x0  }
0x597: {  	[sflag:s26] =	ssyncadd.s32 $0xFFFFC180  }
0x598: {  	_ =	swait.ge [sflag:s31], $0x3E80  }
0x599: {  	[sflag:s31] =	ssyncset.done $0x0  }
0x59a: {  	s14 =	simm.s32 $0x580;
	[sflag:s31] =	ssyncadd.s32 $0xFFFFC180  }
0x59b: {  	[tilespmem:s13], [sflag:$0x2] =	stream.indirect.gather [hbm4b:s5+s29], $0x80, s14, s29, $0xb8;
	[tilespmem:$0x1D080] =	vst v63  }
0x59c: {  	s14 =	simm.s32 $0x1100  }
0x59d: {  	[spmem:s2] =	stream.indirect.scatter.add.f32 [tilespmem:s30], [sflag:$0x4], $0x80, s14, s29, $0xb8;
	[tilespmem:$0x1D080] =	vst v63  }
0x59e: {  	_ =	swait.ge [sflag:s26], $0x3E80  }
0x59f: {  	[sflag:s26] =	ssyncset.done $0x0  }
0x5a0: {  	[sflag:s26] =	ssyncadd.s32 $0xFFFFC180  }
0x5a1: {  	_ =	swait.ge [sflag:s16], $0x3E80  }
0x5a2: {  	[sflag:s16] =	ssyncset.done $0x0  }
0x5a3: {  	s14 =	simm.s32 $0x600;
	[sflag:s16] =	ssyncadd.s32 $0xFFFFC180  }
0x5a4: {  	[tilespmem:s30], [sflag:$0x1] =	stream.indirect.gather [hbm4b:s5+s29], $0x80, s14, s29, $0xb8;
	[tilespmem:$0x1D080] =	vst v63  }
0x5a5: {  	s14 =	simm.s32 $0x1180  }
0x5a6: {  	[spmem:s2] =	stream.indirect.scatter.add.f32 [tilespmem:s13], [sflag:$0x4], $0x80, s14, s29, $0xb8;
	[tilespmem:$0x1D080] =	vst v63  }
0x5a7: {  	_ =	swait.ge [sflag:s26], $0x3E80  }
0x5a8: {  	[sflag:s26] =	ssyncset.done $0x0  }
0x5a9: {  	[sflag:s26] =	ssyncadd.s32 $0xFFFFC180  }
0x5aa: {  	_ =	swait.ge [sflag:s31], $0x3E80  }
0x5ab: {  	[sflag:s31] =	ssyncset.done $0x0  }
0x5ac: {  	s14 =	simm.s32 $0x680;
	[sflag:s31] =	ssyncadd.s32 $0xFFFFC180  }
0x5ad: {  	[tilespmem:s13], [sflag:$0x2] =	stream.indirect.gather [hbm4b:s5+s29], $0x80, s14, s29, $0xb8;
	[tilespmem:$0x1D080] =	vst v63  }
0x5ae: {  	s14 =	simm.s32 $0x1200  }
0x5af: {  	[spmem:s2] =	stream.indirect.scatter.add.f32 [tilespmem:s30], [sflag:$0x4], $0x80, s14, s29, $0xb8;
	[tilespmem:$0x1D080] =	vst v63  }
0x5b0: {  	_ =	swait.ge [sflag:s26], $0x3E80  }
0x5b1: {  	[sflag:s26] =	ssyncset.done $0x0  }
0x5b2: {  	[sflag:s26] =	ssyncadd.s32 $0xFFFFC180  }
0x5b3: {  	_ =	swait.ge [sflag:s16], $0x3E80  }
0x5b4: {  	[sflag:s16] =	ssyncset.done $0x0  }
0x5b5: {  	s14 =	simm.s32 $0x700;
	[sflag:s16] =	ssyncadd.s32 $0xFFFFC180  }
0x5b6: {  	[tilespmem:s30], [sflag:$0x1] =	stream.indirect.gather [hbm4b:s5+s29], $0x80, s14, s29, $0xb8;
	[tilespmem:$0x1D080] =	vst v63  }
0x5b7: {  	s14 =	simm.s32 $0x1280  }
0x5b8: {  	[spmem:s2] =	stream.indirect.scatter.add.f32 [tilespmem:s13], [sflag:$0x4], $0x80, s14, s29, $0xb8;
	[tilespmem:$0x1D080] =	vst v63  }
0x5b9: {  	_ =	swait.ge [sflag:s26], $0x3E80  }
0x5ba: {  	[sflag:s26] =	ssyncset.done $0x0  }
0x5bb: {  	[sflag:s26] =	ssyncadd.s32 $0xFFFFC180  }
0x5bc: {  	_ =	swait.ge [sflag:s31], $0x3E80  }
0x5bd: {  	[sflag:s31] =	ssyncset.done $0x0  }
0x5be: {  	s14 =	simm.s32 $0x780;
	[sflag:s31] =	ssyncadd.s32 $0xFFFFC180  }
0x5bf: {  	[tilespmem:s13], [sflag:$0x2] =	stream.indirect.gather [hbm4b:s5+s29], $0x80, s14, s29, $0xb8;
	[tilespmem:$0x1D080] =	vst v63  }
0x5c0: {  	s14 =	simm.s32 $0x1300  }
0x5c1: {  	[spmem:s2] =	stream.indirect.scatter.add.f32 [tilespmem:s30], [sflag:$0x4], $0x80, s14, s29, $0xb8;
	[tilespmem:$0x1D080] =	vst v63  }
0x5c2: {  	_ =	swait.ge [sflag:s26], $0x3E80  }
0x5c3: {  	[sflag:s26] =	ssyncset.done $0x0  }
0x5c4: {  	[sflag:s26] =	ssyncadd.s32 $0xFFFFC180  }
0x5c5: {  	_ =	swait.ge [sflag:s16], $0x3E80  }
0x5c6: {  	[sflag:s16] =	ssyncset.done $0x0  }
0x5c7: {  	s14 =	simm.s32 $0x800;
	[sflag:s16] =	ssyncadd.s32 $0xFFFFC180  }
0x5c8: {  	[tilespmem:s30], [sflag:$0x1] =	stream.indirect.gather [hbm4b:s5+s29], $0x80, s14, s29, $0xb8;
	[tilespmem:$0x1D080] =	vst v63  }
0x5c9: {  	s14 =	simm.s32 $0x1380  }
0x5ca: {  	[spmem:s2] =	stream.indirect.scatter.add.f32 [tilespmem:s13], [sflag:$0x4], $0x80, s14, s29, $0xb8;
	[tilespmem:$0x1D080] =	vst v63  }
0x5cb: {  	_ =	swait.ge [sflag:s26], $0x3E80  }
0x5cc: {  	[sflag:s26] =	ssyncset.done $0x0  }
0x5cd: {  	[sflag:s26] =	ssyncadd.s32 $0xFFFFC180  }
0x5ce: {  	_ =	swait.ge [sflag:s31], $0x3E80  }
0x5cf: {  	[sflag:s31] =	ssyncset.done $0x0  }
0x5d0: {  	s14 =	simm.s32 $0x880;
	[sflag:s31] =	ssyncadd.s32 $0xFFFFC180  }
0x5d1: {  	[tilespmem:s13], [sflag:$0x2] =	stream.indirect.gather [hbm4b:s5+s29], $0x80, s14, s29, $0xb8;
	[tilespmem:$0x1D080] =	vst v63  }
0x5d2: {  	s14 =	simm.s32 $0x1400  }
0x5d3: {  	[spmem:s2] =	stream.indirect.scatter.add.f32 [tilespmem:s30], [sflag:$0x4], $0x80, s14, s29, $0xb8;
	[tilespmem:$0x1D080] =	vst v63  }
0x5d4: {  	_ =	swait.ge [sflag:s26], $0x3E80  }
0x5d5: {  	[sflag:s26] =	ssyncset.done $0x0  }
0x5d6: {  	[sflag:s26] =	ssyncadd.s32 $0xFFFFC180  }
0x5d7: {  	_ =	swait.ge [sflag:s16], $0x3E80  }
0x5d8: {  	[sflag:s16] =	ssyncset.done $0x0  }
0x5d9: {  	s14 =	simm.s32 $0x900;
	[sflag:s16] =	ssyncadd.s32 $0xFFFFC180  }
0x5da: {  	[tilespmem:s30], [sflag:$0x1] =	stream.indirect.gather [hbm4b:s5+s29], $0x80, s14, s29, $0xb8;
	[tilespmem:$0x1D080] =	vst v63  }
0x5db: {  	s14 =	simm.s32 $0x1480  }
0x5dc: {  	[spmem:s2] =	stream.indirect.scatter.add.f32 [tilespmem:s13], [sflag:$0x4], $0x80, s14, s29, $0xb8;
	[tilespmem:$0x1D080] =	vst v63  }
0x5dd: {  	_ =	swait.ge [sflag:s26], $0x3E80  }
0x5de: {  	[sflag:s26] =	ssyncset.done $0x0  }
0x5df: {  	[sflag:s26] =	ssyncadd.s32 $0xFFFFC180  }
0x5e0: {  	_ =	swait.ge [sflag:s31], $0x3E80  }
0x5e1: {  	[sflag:s31] =	ssyncset.done $0x0  }
0x5e2: {  	s14 =	simm.s32 $0x980;
	[sflag:s31] =	ssyncadd.s32 $0xFFFFC180  }
0x5e3: {  	[tilespmem:s13], [sflag:$0x2] =	stream.indirect.gather [hbm4b:s5+s29], $0x80, s14, s29, $0xb8;
	[tilespmem:$0x1D080] =	vst v63  }
0x5e4: {  	s14 =	simm.s32 $0x1500  }
0x5e5: {  	[spmem:s2] =	stream.indirect.scatter.add.f32 [tilespmem:s30], [sflag:$0x4], $0x80, s14, s29, $0xb8;
	[tilespmem:$0x1D080] =	vst v63  }
0x5e6: {  	_ =	swait.ge [sflag:s26], $0x3E80  }
0x5e7: {  	[sflag:s26] =	ssyncset.done $0x0  }
0x5e8: {  	[sflag:s26] =	ssyncadd.s32 $0xFFFFC180  }
0x5e9: {  	_ =	swait.ge [sflag:s16], $0x3E80  }
0x5ea: {  	[sflag:s16] =	ssyncset.done $0x0  }
0x5eb: {  	s14 =	simm.s32 $0x1580;
	[sflag:s16] =	ssyncadd.s32 $0xFFFFC180  }
0x5ec: {  	[spmem:s2] =	stream.indirect.scatter.add.f32 [tilespmem:s13], [sflag:$0x4], $0x80, s14, s29, $0xb8;
	[tilespmem:$0x1D080] =	vst v63  }
0x5ed: {  	_ =	swait.ge [sflag:s26], $0x3E80  }
0x5ee: {  	[sflag:s26] =	ssyncset.done $0x0  }
0x5ef: {  	[sflag:s26] =	ssyncadd.s32 $0xFFFFC180  }
0x5f0: {  	[bflag:$0x0] =	sbarrier.arrive $0xFFFF  }
0x5f1: {  	s14 =	rddreg [dreg:$0x15]  }
0x5f2: {  	[hbm:s14@s25], [sflag:s15] =	dma.strided @p1 [spmem:s18@s7], $0x2800, s0, $0x10   }
0x5f3: {  	_ =	swait.ge @p1 [sflag:s8], $0x2800  }
0x5f4: {  	[sflag:s8] =	ssyncset.done @p1 $0x0  }
0x5f5: {  	[sflag:s8] =	ssyncadd.s32 @p1 $0xFFFFD800  }
0x5f6: {  	[spmem:s18], [sflag:s15] =	dma.local @p1 [hbm:s22], $0x2800  }
0x5f7: {  	_ =	swait.ge @p1 [sflag:s8], $0x2800  }
0x5f8: {  	[sflag:s8] =	ssyncset.done @p1 $0x0  }
0x5f9: {  	s0 =	rddreg [dreg:$0x9];
	[sflag:s8] =	ssyncadd.s32 @p1 $0xFFFFD800  }
0x5fa: {  	[hbm:s0@s11], [sflag:s10] =	dma.strided @!p1 [spmem:s6@s17], $0x2700, s23, $0x10   }
0x5fb: {  	_ =	swait.ge @!p1 [sflag:s12], $0x2700  }
0x5fc: {  	[sflag:s12] =	ssyncset.done @!p1 $0x0  }
0x5fd: {  	[sflag:s12] =	ssyncadd.s32 @!p1 $0xFFFFD900  }
0x5fe: {  	[spmem:s6], [sflag:s10] =	dma.local @!p1 [hbm:s22], $0x2700  }
0x5ff: {  	_ =	swait.ge @!p1 [sflag:s12], $0x2700  }
0x600: {  	[sflag:s12] =	ssyncset.done @!p1 $0x0  }
0x601: {  	[sflag:s12] =	ssyncadd.s32 @!p1 $0xFFFFD900  }
0x602: {  	[bflag:$0x0] =	sbarrier.arrive $0xFFFF  }
0x603: {  	s23 =	sld [smem:$0x7FB];
	_ =	sdelay $0x2  }
0x604: {  	[tilespmem:s3], [sflag:$0x4] =	stream.linear.gather [hbm4b:s23+s3], $0xA00, $0x38;
	[tilespmem:$0x1D080] =	vst v63  }
0x605: {  	_ =	swait.ge [sflag:s26], $0xA00  }
0x606: {  	s25 =	sld [smem:$0x7FC]  }
0x607: {  	[sflag:s26] =	ssyncset.done $0x0  }
0x608: {  	[sflag:s26] =	ssyncadd.s32 $0xFFFFF600  }
0x609: {  	[tilespmem:s28], [sflag:$0x4] =	stream.linear.gather [hbm4b:s25+s3], $0xA00, $0x38;
	[tilespmem:$0x1D080] =	vst v63  }
0x60a: {  	_ =	swait.ge [sflag:s26], $0xA00  }
0x60b: {  	[sflag:s26] =	ssyncset.done $0x0  }
0x60c: {  	[sflag:s26] =	ssyncadd.s32 $0xFFFFF600  }
0x60d: {  	[tilespmem:s30], [sflag:$0x1] =	stream.indirect.gather [hbm4b:s5+s29], $0x80, s3, s29, $0xb8;
	[tilespmem:$0x1D080] =	vst v63  }
0x60e: {  	_ =	swait.ge [sflag:s31], $0x3E80  }
0x60f: {  	[sflag:s31] =	ssyncset.done $0x0  }
0x610: {  	[sflag:s31] =	ssyncadd.s32 $0xFFFFC180  }
0x611: {  	[tilespmem:s13], [sflag:$0x2] =	stream.indirect.gather [hbm4b:s5+s29], $0x80, s24, s29, $0xb8;
	[tilespmem:$0x1D080] =	vst v63  }
0x612: {  	_ = 	snop  }
0x613: {  	[spmem:s2] =	stream.indirect.scatter.add.f32 [tilespmem:s30], [sflag:$0x4], $0x80, s28, s29, $0xb8;
	[tilespmem:$0x1D080] =	vst v63  }
0x614: {  	_ =	swait.ge [sflag:s26], $0x3E80  }
0x615: {  	[sflag:s26] =	ssyncset.done $0x0  }
0x616: {  	[sflag:s26] =	ssyncadd.s32 $0xFFFFC180  }
0x617: {  	_ =	swait.ge [sflag:s16], $0x3E80  }
0x618: {  	[sflag:s16] =	ssyncset.done $0x0  }
0x619: {  	[sflag:s16] =	ssyncadd.s32 $0xFFFFC180  }
0x61a: {  	[tilespmem:s30], [sflag:$0x1] =	stream.indirect.gather [hbm4b:s5+s29], $0x80, s19, s29, $0xb8;
	[tilespmem:$0x1D080] =	vst v63  }
0x61b: {  	_ = 	snop  }
0x61c: {  	[spmem:s2] =	stream.indirect.scatter.add.f32 [tilespmem:s13], [sflag:$0x4], $0x80, s20, s29, $0xb8;
	[tilespmem:$0x1D080] =	vst v63  }
0x61d: {  	_ =	swait.ge [sflag:s26], $0x3E80  }
0x61e: {  	[sflag:s26] =	ssyncset.done $0x0  }
0x61f: {  	[sflag:s26] =	ssyncadd.s32 $0xFFFFC180  }
0x620: {  	_ =	swait.ge [sflag:s31], $0x3E80  }
0x621: {  	[sflag:s31] =	ssyncset.done $0x0  }
0x622: {  	s7 =	simm.s32 $0x180;
	[sflag:s31] =	ssyncadd.s32 $0xFFFFC180  }
0x623: {  	[tilespmem:s13], [sflag:$0x2] =	stream.indirect.gather [hbm4b:s5+s29], $0x80, s7, s29, $0xb8;
	[tilespmem:$0x1D080] =	vst v63  }
0x624: {  	s8 =	simm.s32 $0xD00  }
0x625: {  	[spmem:s2] =	stream.indirect.scatter.add.f32 [tilespmem:s30], [sflag:$0x4], $0x80, s8, s29, $0xb8;
	[tilespmem:$0x1D080] =	vst v63  }
0x626: {  	_ =	swait.ge [sflag:s26], $0x3E80  }
0x627: {  	[sflag:s26] =	ssyncset.done $0x0  }
0x628: {  	[sflag:s26] =	ssyncadd.s32 $0xFFFFC180  }
0x629: {  	_ =	swait.ge [sflag:s16], $0x3E80  }
0x62a: {  	[sflag:s16] =	ssyncset.done $0x0  }
0x62b: {  	s11 =	simm.s32 $0x200;
	[sflag:s16] =	ssyncadd.s32 $0xFFFFC180  }
0x62c: {  	[tilespmem:s30], [sflag:$0x1] =	stream.indirect.gather [hbm4b:s5+s29], $0x80, s11, s29, $0xb8;
	[tilespmem:$0x1D080] =	vst v63  }
0x62d: {  	_ = 	snop  }
0x62e: {  	[spmem:s2] =	stream.indirect.scatter.add.f32 [tilespmem:s13], [sflag:$0x4], $0x80, s1, s29, $0xb8;
	[tilespmem:$0x1D080] =	vst v63  }
0x62f: {  	_ =	swait.ge [sflag:s26], $0x3E80  }
0x630: {  	[sflag:s26] =	ssyncset.done $0x0  }
0x631: {  	[sflag:s26] =	ssyncadd.s32 $0xFFFFC180  }
0x632: {  	_ =	swait.ge [sflag:s31], $0x3E80  }
0x633: {  	[sflag:s31] =	ssyncset.done $0x0  }
0x634: {  	s12 =	simm.s32 $0x280;
	[sflag:s31] =	ssyncadd.s32 $0xFFFFC180  }
0x635: {  	[tilespmem:s13], [sflag:$0x2] =	stream.indirect.gather [hbm4b:s5+s29], $0x80, s12, s29, $0xb8;
	[tilespmem:$0x1D080] =	vst v63  }
0x636: {  	s14 =	simm.s32 $0xE00  }
0x637: {  	[spmem:s2] =	stream.indirect.scatter.add.f32 [tilespmem:s30], [sflag:$0x4], $0x80, s14, s29, $0xb8;
	[tilespmem:$0x1D080] =	vst v63  }
0x638: {  	_ =	swait.ge [sflag:s26], $0x3E80  }
0x639: {  	[sflag:s26] =	ssyncset.done $0x0  }
0x63a: {  	[sflag:s26] =	ssyncadd.s32 $0xFFFFC180  }
0x63b: {  	_ =	swait.ge [sflag:s16], $0x3E80  }
0x63c: {  	[sflag:s16] =	ssyncset.done $0x0  }
0x63d: {  	s15 =	simm.s32 $0x300;
	[sflag:s16] =	ssyncadd.s32 $0xFFFFC180  }
0x63e: {  	[tilespmem:s30], [sflag:$0x1] =	stream.indirect.gather [hbm4b:s5+s29], $0x80, s15, s29, $0xb8;
	[tilespmem:$0x1D080] =	vst v63  }
0x63f: {  	s17 =	simm.s32 $0xE80  }
0x640: {  	[spmem:s2] =	stream.indirect.scatter.add.f32 [tilespmem:s13], [sflag:$0x4], $0x80, s17, s29, $0xb8;
	[tilespmem:$0x1D080] =	vst v63  }
0x641: {  	_ =	swait.ge [sflag:s26], $0x3E80  }
0x642: {  	[sflag:s26] =	ssyncset.done $0x0  }
0x643: {  	[sflag:s26] =	ssyncadd.s32 $0xFFFFC180  }
0x644: {  	_ =	swait.ge [sflag:s31], $0x3E80  }
0x645: {  	[sflag:s31] =	ssyncset.done $0x0  }
0x646: {  	s23 =	simm.s32 $0x380;
	[sflag:s31] =	ssyncadd.s32 $0xFFFFC180  }
0x647: {  	[tilespmem:s13], [sflag:$0x2] =	stream.indirect.gather [hbm4b:s5+s29], $0x80, s23, s29, $0xb8;
	[tilespmem:$0x1D080] =	vst v63  }
0x648: {  	s25 =	simm.s32 $0xF00  }
0x649: {  	[spmem:s2] =	stream.indirect.scatter.add.f32 [tilespmem:s30], [sflag:$0x4], $0x80, s25, s29, $0xb8;
	[tilespmem:$0x1D080] =	vst v63  }
0x64a: {  	_ =	swait.ge [sflag:s26], $0x3E80  }
0x64b: {  	[sflag:s26] =	ssyncset.done $0x0  }
0x64c: {  	[sflag:s26] =	ssyncadd.s32 $0xFFFFC180  }
0x64d: {  	_ =	swait.ge [sflag:s16], $0x3E80  }
0x64e: {  	[sflag:s16] =	ssyncset.done $0x0  }
0x64f: {  	s7 =	simm.s32 $0x400;
	[sflag:s16] =	ssyncadd.s32 $0xFFFFC180  }
0x650: {  	[tilespmem:s30], [sflag:$0x1] =	stream.indirect.gather [hbm4b:s5+s29], $0x80, s7, s29, $0xb8;
	[tilespmem:$0x1D080] =	vst v63  }
0x651: {  	s8 =	simm.s32 $0xF80  }
0x652: {  	[spmem:s2] =	stream.indirect.scatter.add.f32 [tilespmem:s13], [sflag:$0x4], $0x80, s8, s29, $0xb8;
	[tilespmem:$0x1D080] =	vst v63  }
0x653: {  	_ =	swait.ge [sflag:s26], $0x3E80  }
0x654: {  	[sflag:s26] =	ssyncset.done $0x0  }
0x655: {  	[sflag:s26] =	ssyncadd.s32 $0xFFFFC180  }
0x656: {  	_ =	swait.ge [sflag:s31], $0x3E80  }
0x657: {  	[sflag:s31] =	ssyncset.done $0x0  }
0x658: {  	s11 =	simm.s32 $0x480;
	[sflag:s31] =	ssyncadd.s32 $0xFFFFC180  }
0x659: {  	[tilespmem:s13], [sflag:$0x2] =	stream.indirect.gather [hbm4b:s5+s29], $0x80, s11, s29, $0xb8;
	[tilespmem:$0x1D080] =	vst v63  }
0x65a: {  	s12 =	simm.s32 $0x1000  }
0x65b: {  	[spmem:s2] =	stream.indirect.scatter.add.f32 [tilespmem:s30], [sflag:$0x4], $0x80, s12, s29, $0xb8;
	[tilespmem:$0x1D080] =	vst v63  }
0x65c: {  	_ =	swait.ge [sflag:s26], $0x3E80  }
0x65d: {  	[sflag:s26] =	ssyncset.done $0x0  }
0x65e: {  	[sflag:s26] =	ssyncadd.s32 $0xFFFFC180  }
0x65f: {  	_ =	swait.ge [sflag:s16], $0x3E80  }
0x660: {  	[sflag:s16] =	ssyncset.done $0x0  }
0x661: {  	s14 =	simm.s32 $0x500;
	[sflag:s16] =	ssyncadd.s32 $0xFFFFC180  }
0x662: {  	[tilespmem:s30], [sflag:$0x1] =	stream.indirect.gather [hbm4b:s5+s29], $0x80, s14, s29, $0xb8;
	[tilespmem:$0x1D080] =	vst v63  }
0x663: {  	s15 =	simm.s32 $0x1080  }
0x664: {  	[spmem:s2] =	stream.indirect.scatter.add.f32 [tilespmem:s13], [sflag:$0x4], $0x80, s15, s29, $0xb8;
	[tilespmem:$0x1D080] =	vst v63  }
0x665: {  	_ =	swait.ge [sflag:s26], $0x3E80  }
0x666: {  	[sflag:s26] =	ssyncset.done $0x0  }
0x667: {  	[sflag:s26] =	ssyncadd.s32 $0xFFFFC180  }
0x668: {  	_ =	swait.ge [sflag:s31], $0x3E80  }
0x669: {  	[sflag:s31] =	ssyncset.done $0x0  }
0x66a: {  	s17 =	simm.s32 $0x580;
	[sflag:s31] =	ssyncadd.s32 $0xFFFFC180  }
0x66b: {  	[tilespmem:s13], [sflag:$0x2] =	stream.indirect.gather [hbm4b:s5+s29], $0x80, s17, s29, $0xb8;
	[tilespmem:$0x1D080] =	vst v63  }
0x66c: {  	s23 =	simm.s32 $0x1100  }
0x66d: {  	[spmem:s2] =	stream.indirect.scatter.add.f32 [tilespmem:s30], [sflag:$0x4], $0x80, s23, s29, $0xb8;
	[tilespmem:$0x1D080] =	vst v63  }
0x66e: {  	_ =	swait.ge [sflag:s26], $0x3E80  }
0x66f: {  	[sflag:s26] =	ssyncset.done $0x0  }
0x670: {  	[sflag:s26] =	ssyncadd.s32 $0xFFFFC180  }
0x671: {  	_ =	swait.ge [sflag:s16], $0x3E80  }
0x672: {  	[sflag:s16] =	ssyncset.done $0x0  }
0x673: {  	s25 =	simm.s32 $0x600;
	[sflag:s16] =	ssyncadd.s32 $0xFFFFC180  }
0x674: {  	[tilespmem:s30], [sflag:$0x1] =	stream.indirect.gather [hbm4b:s5+s29], $0x80, s25, s29, $0xb8;
	[tilespmem:$0x1D080] =	vst v63  }
0x675: {  	s7 =	simm.s32 $0x1180  }
0x676: {  	[spmem:s2] =	stream.indirect.scatter.add.f32 [tilespmem:s13], [sflag:$0x4], $0x80, s7, s29, $0xb8;
	[tilespmem:$0x1D080] =	vst v63  }
0x677: {  	_ =	swait.ge [sflag:s26], $0x3E80  }
0x678: {  	[sflag:s26] =	ssyncset.done $0x0  }
0x679: {  	[sflag:s26] =	ssyncadd.s32 $0xFFFFC180  }
0x67a: {  	_ =	swait.ge [sflag:s31], $0x3E80  }
0x67b: {  	[sflag:s31] =	ssyncset.done $0x0  }
0x67c: {  	s8 =	simm.s32 $0x680;
	[sflag:s31] =	ssyncadd.s32 $0xFFFFC180  }
0x67d: {  	[tilespmem:s13], [sflag:$0x2] =	stream.indirect.gather [hbm4b:s5+s29], $0x80, s8, s29, $0xb8;
	[tilespmem:$0x1D080] =	vst v63  }
0x67e: {  	s11 =	simm.s32 $0x1200  }
0x67f: {  	[spmem:s2] =	stream.indirect.scatter.add.f32 [tilespmem:s30], [sflag:$0x4], $0x80, s11, s29, $0xb8;
	[tilespmem:$0x1D080] =	vst v63  }
0x680: {  	_ =	swait.ge [sflag:s26], $0x3E80  }
0x681: {  	[sflag:s26] =	ssyncset.done $0x0  }
0x682: {  	[sflag:s26] =	ssyncadd.s32 $0xFFFFC180  }
0x683: {  	_ =	swait.ge [sflag:s16], $0x3E80  }
0x684: {  	[sflag:s16] =	ssyncset.done $0x0  }
0x685: {  	s12 =	simm.s32 $0x700;
	[sflag:s16] =	ssyncadd.s32 $0xFFFFC180  }
0x686: {  	[tilespmem:s30], [sflag:$0x1] =	stream.indirect.gather [hbm4b:s5+s29], $0x80, s12, s29, $0xb8;
	[tilespmem:$0x1D080] =	vst v63  }
0x687: {  	s14 =	simm.s32 $0x1280  }
0x688: {  	[spmem:s2] =	stream.indirect.scatter.add.f32 [tilespmem:s13], [sflag:$0x4], $0x80, s14, s29, $0xb8;
	[tilespmem:$0x1D080] =	vst v63  }
0x689: {  	_ =	swait.ge [sflag:s26], $0x3E80  }
0x68a: {  	[sflag:s26] =	ssyncset.done $0x0  }
0x68b: {  	[sflag:s26] =	ssyncadd.s32 $0xFFFFC180  }
0x68c: {  	_ =	swait.ge [sflag:s31], $0x3E80  }
0x68d: {  	[sflag:s31] =	ssyncset.done $0x0  }
0x68e: {  	s15 =	simm.s32 $0x780;
	[sflag:s31] =	ssyncadd.s32 $0xFFFFC180  }
0x68f: {  	[tilespmem:s13], [sflag:$0x2] =	stream.indirect.gather [hbm4b:s5+s29], $0x80, s15, s29, $0xb8;
	[tilespmem:$0x1D080] =	vst v63  }
0x690: {  	s17 =	simm.s32 $0x1300  }
0x691: {  	[spmem:s2] =	stream.indirect.scatter.add.f32 [tilespmem:s30], [sflag:$0x4], $0x80, s17, s29, $0xb8;
	[tilespmem:$0x1D080] =	vst v63  }
0x692: {  	_ =	swait.ge [sflag:s26], $0x3E80  }
0x693: {  	[sflag:s26] =	ssyncset.done $0x0  }
0x694: {  	[sflag:s26] =	ssyncadd.s32 $0xFFFFC180  }
0x695: {  	_ =	swait.ge [sflag:s16], $0x3E80  }
0x696: {  	[sflag:s16] =	ssyncset.done $0x0  }
0x697: {  	s23 =	simm.s32 $0x800;
	[sflag:s16] =	ssyncadd.s32 $0xFFFFC180  }
0x698: {  	[tilespmem:s30], [sflag:$0x1] =	stream.indirect.gather [hbm4b:s5+s29], $0x80, s23, s29, $0xb8;
	[tilespmem:$0x1D080] =	vst v63  }
0x699: {  	s25 =	simm.s32 $0x1380  }
0x69a: {  	[spmem:s2] =	stream.indirect.scatter.add.f32 [tilespmem:s13], [sflag:$0x4], $0x80, s25, s29, $0xb8;
	[tilespmem:$0x1D080] =	vst v63  }
0x69b: {  	_ =	swait.ge [sflag:s26], $0x3E80  }
0x69c: {  	[sflag:s26] =	ssyncset.done $0x0  }
0x69d: {  	[sflag:s26] =	ssyncadd.s32 $0xFFFFC180  }
0x69e: {  	_ =	swait.ge [sflag:s31], $0x3E80  }
0x69f: {  	[sflag:s31] =	ssyncset.done $0x0  }
0x6a0: {  	s7 =	simm.s32 $0x880;
	[sflag:s31] =	ssyncadd.s32 $0xFFFFC180  }
0x6a1: {  	[tilespmem:s13], [sflag:$0x2] =	stream.indirect.gather [hbm4b:s5+s29], $0x80, s7, s29, $0xb8;
	[tilespmem:$0x1D080] =	vst v63  }
0x6a2: {  	s8 =	simm.s32 $0x1400  }
0x6a3: {  	[spmem:s2] =	stream.indirect.scatter.add.f32 [tilespmem:s30], [sflag:$0x4], $0x80, s8, s29, $0xb8;
	[tilespmem:$0x1D080] =	vst v63  }
0x6a4: {  	_ =	swait.ge [sflag:s26], $0x3E80  }
0x6a5: {  	[sflag:s26] =	ssyncset.done $0x0  }
0x6a6: {  	[sflag:s26] =	ssyncadd.s32 $0xFFFFC180  }
0x6a7: {  	_ =	swait.ge [sflag:s16], $0x3E80  }
0x6a8: {  	[sflag:s16] =	ssyncset.done $0x0  }
0x6a9: {  	s11 =	simm.s32 $0x900;
	[sflag:s16] =	ssyncadd.s32 $0xFFFFC180  }
0x6aa: {  	[tilespmem:s30], [sflag:$0x1] =	stream.indirect.gather [hbm4b:s5+s29], $0x80, s11, s29, $0xb8;
	[tilespmem:$0x1D080] =	vst v63  }
0x6ab: {  	s12 =	simm.s32 $0x1480  }
0x6ac: {  	[spmem:s2] =	stream.indirect.scatter.add.f32 [tilespmem:s13], [sflag:$0x4], $0x80, s12, s29, $0xb8;
	[tilespmem:$0x1D080] =	vst v63  }
0x6ad: {  	_ =	swait.ge [sflag:s26], $0x3E80  }
0x6ae: {  	[sflag:s26] =	ssyncset.done $0x0  }
0x6af: {  	[sflag:s26] =	ssyncadd.s32 $0xFFFFC180  }
0x6b0: {  	_ =	swait.ge [sflag:s31], $0x3E80  }
0x6b1: {  	[sflag:s31] =	ssyncset.done $0x0  }
0x6b2: {  	s14 =	simm.s32 $0x980;
	[sflag:s31] =	ssyncadd.s32 $0xFFFFC180  }
0x6b3: {  	[tilespmem:s13], [sflag:$0x2] =	stream.indirect.gather [hbm4b:s5+s29], $0x80, s14, s29, $0xb8;
	[tilespmem:$0x1D080] =	vst v63  }
0x6b4: {  	s15 =	simm.s32 $0x1500  }
0x6b5: {  	[spmem:s2] =	stream.indirect.scatter.add.f32 [tilespmem:s30], [sflag:$0x4], $0x80, s15, s29, $0xb8;
	[tilespmem:$0x1D080] =	vst v63  }
0x6b6: {  	_ =	swait.ge [sflag:s26], $0x3E80  }
0x6b7: {  	[sflag:s26] =	ssyncset.done $0x0  }
0x6b8: {  	[sflag:s26] =	ssyncadd.s32 $0xFFFFC180  }
0x6b9: {  	_ =	swait.ge [sflag:s16], $0x3E80  }
0x6ba: {  	[sflag:s16] =	ssyncset.done $0x0  }
0x6bb: {  	s17 =	simm.s32 $0x1580;
	[sflag:s16] =	ssyncadd.s32 $0xFFFFC180  }
0x6bc: {  	[spmem:s2] =	stream.indirect.scatter.add.f32 [tilespmem:s13], [sflag:$0x4], $0x80, s17, s29, $0xb8;
	[tilespmem:$0x1D080] =	vst v63  }
0x6bd: {  	_ =	swait.ge [sflag:s26], $0x3E80  }
0x6be: {  	[sflag:s26] =	ssyncset.done $0x0  }
0x6bf: {  	[sflag:s26] =	ssyncadd.s32 $0xFFFFC180  }
0x6c0: {  	s25 =	simm.s32 @p1 $0x1FC4;
	s8 =	simm.s32 @p1 $0x8;
	[bflag:$0x0] =	sbarrier.arrive $0xFFFF  }
0x6c1: {  	s12 =	simm.s32 @p1 $0x100;
	s15 =	simm.s32 @p1 $0x80;
	s0 =	rddreg [dreg:$0x16]  }
0x6c2: {  	[hbm:s0@s12], [sflag:s25] =	dma.strided @p1 [spmem:s18@s15], $0x2800, s8, $0x10   }
0x6c3: {  	s0 =	simm.s32 @p1 $0x4  }
0x6c4: {  	_ =	swait.ge @p1 [sflag:s0], $0x2800  }
0x6c5: {  	[sflag:s0] =	ssyncset.done @p1 $0x0  }
0x6c6: {  	[sflag:s0] =	ssyncadd.s32 @p1 $0xFFFFD800  }
0x6c7: {  	[spmem:s18], [sflag:s25] =	dma.local @p1 [hbm:s22], $0x2800  }
0x6c8: {  	_ =	swait.ge @p1 [sflag:s0], $0x2800  }
0x6c9: {  	s23 =	simm.s32 @!p1 $0x80;
	s7 =	simm.s32 @!p1 $0x8;
	[sflag:s0] =	ssyncset.done @p1 $0x0  }
0x6ca: {  	s11 =	simm.s32 @!p1 $0x100;
	s17 =	rddreg [dreg:$0xb];
	[sflag:s0] =	ssyncadd.s32 @p1 $0xFFFFD800  }
0x6cb: {  	[hbm:s17@s11], [sflag:s10] =	dma.strided @!p1 [spmem:s6@s23], $0x2700, s7, $0x10   }
0x6cc: {  	s17 =	simm.s32 @!p1 $0x4  }
0x6cd: {  	_ =	swait.ge @!p1 [sflag:s17], $0x2700  }
0x6ce: {  	[sflag:s17] =	ssyncset.done @!p1 $0x0  }
0x6cf: {  	[sflag:s17] =	ssyncadd.s32 @!p1 $0xFFFFD900  }
0x6d0: {  	[spmem:s6], [sflag:s10] =	dma.local @!p1 [hbm:s22], $0x2700  }
0x6d1: {  	_ =	swait.ge @!p1 [sflag:s17], $0x2700  }
0x6d2: {  	[sflag:s17] =	ssyncset.done @!p1 $0x0  }
0x6d3: {  	[sflag:s17] =	ssyncadd.s32 @!p1 $0xFFFFD900  }
0x6d4: {  	[bflag:$0x0] =	sbarrier.arrive $0xFFFF  }
0x6d5: {  	s14 =	rddreg [dreg:$0xc]  }
0x6d6: {  	[tilespmem:s3], [sflag:$0x4] =	stream.linear.gather [hbm4b:s14+s3], $0xA00, $0x38;
	[tilespmem:$0x1D080] =	vst v63  }
0x6d7: {  	_ =	swait.ge [sflag:s26], $0xA00  }
0x6d8: {  	[sflag:s26] =	ssyncset.done $0x0  }
0x6d9: {  	s14 =	rddreg [dreg:$0xd];
	[sflag:s26] =	ssyncadd.s32 $0xFFFFF600  }
0x6da: {  	[tilespmem:s28], [sflag:$0x4] =	stream.linear.gather [hbm4b:s14+s3], $0xA00, $0x38;
	[tilespmem:$0x1D080] =	vst v63  }
0x6db: {  	_ =	swait.ge [sflag:s26], $0xA00  }
0x6dc: {  	[sflag:s26] =	ssyncset.done $0x0  }
0x6dd: {  	[sflag:s26] =	ssyncadd.s32 $0xFFFFF600  }
0x6de: {  	[tilespmem:s30], [sflag:$0x1] =	stream.indirect.gather [hbm4b:s5+s29], $0x80, s3, s29, $0xb8;
	[tilespmem:$0x1D080] =	vst v63  }
0x6df: {  	_ =	swait.ge [sflag:s31], $0x3E80  }
0x6e0: {  	[sflag:s31] =	ssyncset.done $0x0  }
0x6e1: {  	[sflag:s31] =	ssyncadd.s32 $0xFFFFC180  }
0x6e2: {  	[tilespmem:s13], [sflag:$0x2] =	stream.indirect.gather [hbm4b:s5+s29], $0x80, s24, s29, $0xb8;
	[tilespmem:$0x1D080] =	vst v63  }
0x6e3: {  	_ = 	snop  }
0x6e4: {  	[spmem:s2] =	stream.indirect.scatter.add.f32 [tilespmem:s30], [sflag:$0x4], $0x80, s28, s29, $0xb8;
	[tilespmem:$0x1D080] =	vst v63  }
0x6e5: {  	_ =	swait.ge [sflag:s26], $0x3E80  }
0x6e6: {  	[sflag:s26] =	ssyncset.done $0x0  }
0x6e7: {  	[sflag:s26] =	ssyncadd.s32 $0xFFFFC180  }
0x6e8: {  	_ =	swait.ge [sflag:s16], $0x3E80  }
0x6e9: {  	[sflag:s16] =	ssyncset.done $0x0  }
0x6ea: {  	[sflag:s16] =	ssyncadd.s32 $0xFFFFC180  }
0x6eb: {  	[tilespmem:s30], [sflag:$0x1] =	stream.indirect.gather [hbm4b:s5+s29], $0x80, s19, s29, $0xb8;
	[tilespmem:$0x1D080] =	vst v63  }
0x6ec: {  	_ = 	snop  }
0x6ed: {  	[spmem:s2] =	stream.indirect.scatter.add.f32 [tilespmem:s13], [sflag:$0x4], $0x80, s20, s29, $0xb8;
	[tilespmem:$0x1D080] =	vst v63  }
0x6ee: {  	_ =	swait.ge [sflag:s26], $0x3E80  }
0x6ef: {  	[sflag:s26] =	ssyncset.done $0x0  }
0x6f0: {  	[sflag:s26] =	ssyncadd.s32 $0xFFFFC180  }
0x6f1: {  	_ =	swait.ge [sflag:s31], $0x3E80  }
0x6f2: {  	[sflag:s31] =	ssyncset.done $0x0  }
0x6f3: {  	s19 =	simm.s32 $0x180;
	[sflag:s31] =	ssyncadd.s32 $0xFFFFC180  }
0x6f4: {  	[tilespmem:s13], [sflag:$0x2] =	stream.indirect.gather [hbm4b:s5+s29], $0x80, s19, s29, $0xb8;
	[tilespmem:$0x1D080] =	vst v63  }
0x6f5: {  	s20 =	simm.s32 $0xD00  }
0x6f6: {  	[spmem:s2] =	stream.indirect.scatter.add.f32 [tilespmem:s30], [sflag:$0x4], $0x80, s20, s29, $0xb8;
	[tilespmem:$0x1D080] =	vst v63  }
0x6f7: {  	_ =	swait.ge [sflag:s26], $0x3E80  }
0x6f8: {  	[sflag:s26] =	ssyncset.done $0x0  }
0x6f9: {  	[sflag:s26] =	ssyncadd.s32 $0xFFFFC180  }
0x6fa: {  	_ =	swait.ge [sflag:s16], $0x3E80  }
0x6fb: {  	[sflag:s16] =	ssyncset.done $0x0  }
0x6fc: {  	s24 =	simm.s32 $0x200;
	[sflag:s16] =	ssyncadd.s32 $0xFFFFC180  }
0x6fd: {  	[tilespmem:s30], [sflag:$0x1] =	stream.indirect.gather [hbm4b:s5+s29], $0x80, s24, s29, $0xb8;
	[tilespmem:$0x1D080] =	vst v63  }
0x6fe: {  	_ = 	snop  }
0x6ff: {  	[spmem:s2] =	stream.indirect.scatter.add.f32 [tilespmem:s13], [sflag:$0x4], $0x80, s1, s29, $0xb8;
	[tilespmem:$0x1D080] =	vst v63  }
0x700: {  	_ =	swait.ge [sflag:s26], $0x3E80  }
0x701: {  	[sflag:s26] =	ssyncset.done $0x0  }
0x702: {  	[sflag:s26] =	ssyncadd.s32 $0xFFFFC180  }
0x703: {  	_ =	swait.ge [sflag:s31], $0x3E80  }
0x704: {  	[sflag:s31] =	ssyncset.done $0x0  }
0x705: {  	s19 =	simm.s32 $0x280;
	[sflag:s31] =	ssyncadd.s32 $0xFFFFC180  }
0x706: {  	[tilespmem:s13], [sflag:$0x2] =	stream.indirect.gather [hbm4b:s5+s29], $0x80, s19, s29, $0xb8;
	[tilespmem:$0x1D080] =	vst v63  }
0x707: {  	s20 =	simm.s32 $0xE00  }
0x708: {  	[spmem:s2] =	stream.indirect.scatter.add.f32 [tilespmem:s30], [sflag:$0x4], $0x80, s20, s29, $0xb8;
	[tilespmem:$0x1D080] =	vst v63  }
0x709: {  	_ =	swait.ge [sflag:s26], $0x3E80  }
0x70a: {  	[sflag:s26] =	ssyncset.done $0x0  }
0x70b: {  	[sflag:s26] =	ssyncadd.s32 $0xFFFFC180  }
0x70c: {  	_ =	swait.ge [sflag:s16], $0x3E80  }
0x70d: {  	[sflag:s16] =	ssyncset.done $0x0  }
0x70e: {  	s24 =	simm.s32 $0x300;
	[sflag:s16] =	ssyncadd.s32 $0xFFFFC180  }
0x70f: {  	[tilespmem:s30], [sflag:$0x1] =	stream.indirect.gather [hbm4b:s5+s29], $0x80, s24, s29, $0xb8;
	[tilespmem:$0x1D080] =	vst v63  }
0x710: {  	s14 =	simm.s32 $0xE80  }
0x711: {  	[spmem:s2] =	stream.indirect.scatter.add.f32 [tilespmem:s13], [sflag:$0x4], $0x80, s14, s29, $0xb8;
	[tilespmem:$0x1D080] =	vst v63  }
0x712: {  	_ =	swait.ge [sflag:s26], $0x3E80  }
0x713: {  	[sflag:s26] =	ssyncset.done $0x0  }
0x714: {  	[sflag:s26] =	ssyncadd.s32 $0xFFFFC180  }
0x715: {  	_ =	swait.ge [sflag:s31], $0x3E80  }
0x716: {  	[sflag:s31] =	ssyncset.done $0x0  }
0x717: {  	s19 =	simm.s32 $0x380;
	[sflag:s31] =	ssyncadd.s32 $0xFFFFC180  }
0x718: {  	[tilespmem:s13], [sflag:$0x2] =	stream.indirect.gather [hbm4b:s5+s29], $0x80, s19, s29, $0xb8;
	[tilespmem:$0x1D080] =	vst v63  }
0x719: {  	s20 =	simm.s32 $0xF00  }
0x71a: {  	[spmem:s2] =	stream.indirect.scatter.add.f32 [tilespmem:s30], [sflag:$0x4], $0x80, s20, s29, $0xb8;
	[tilespmem:$0x1D080] =	vst v63  }
0x71b: {  	_ =	swait.ge [sflag:s26], $0x3E80  }
0x71c: {  	[sflag:s26] =	ssyncset.done $0x0  }
0x71d: {  	[sflag:s26] =	ssyncadd.s32 $0xFFFFC180  }
0x71e: {  	_ =	swait.ge [sflag:s16], $0x3E80  }
0x71f: {  	[sflag:s16] =	ssyncset.done $0x0  }
0x720: {  	s24 =	simm.s32 $0x400;
	[sflag:s16] =	ssyncadd.s32 $0xFFFFC180  }
0x721: {  	[tilespmem:s30], [sflag:$0x1] =	stream.indirect.gather [hbm4b:s5+s29], $0x80, s24, s29, $0xb8;
	[tilespmem:$0x1D080] =	vst v63  }
0x722: {  	s14 =	simm.s32 $0xF80  }
0x723: {  	[spmem:s2] =	stream.indirect.scatter.add.f32 [tilespmem:s13], [sflag:$0x4], $0x80, s14, s29, $0xb8;
	[tilespmem:$0x1D080] =	vst v63  }
0x724: {  	_ =	swait.ge [sflag:s26], $0x3E80  }
0x725: {  	[sflag:s26] =	ssyncset.done $0x0  }
0x726: {  	[sflag:s26] =	ssyncadd.s32 $0xFFFFC180  }
0x727: {  	_ =	swait.ge [sflag:s31], $0x3E80  }
0x728: {  	[sflag:s31] =	ssyncset.done $0x0  }
0x729: {  	s19 =	simm.s32 $0x480;
	[sflag:s31] =	ssyncadd.s32 $0xFFFFC180  }
0x72a: {  	[tilespmem:s13], [sflag:$0x2] =	stream.indirect.gather [hbm4b:s5+s29], $0x80, s19, s29, $0xb8;
	[tilespmem:$0x1D080] =	vst v63  }
0x72b: {  	s20 =	simm.s32 $0x1000  }
0x72c: {  	[spmem:s2] =	stream.indirect.scatter.add.f32 [tilespmem:s30], [sflag:$0x4], $0x80, s20, s29, $0xb8;
	[tilespmem:$0x1D080] =	vst v63  }
0x72d: {  	_ =	swait.ge [sflag:s26], $0x3E80  }
0x72e: {  	[sflag:s26] =	ssyncset.done $0x0  }
0x72f: {  	[sflag:s26] =	ssyncadd.s32 $0xFFFFC180  }
0x730: {  	_ =	swait.ge [sflag:s16], $0x3E80  }
0x731: {  	[sflag:s16] =	ssyncset.done $0x0  }
0x732: {  	s24 =	simm.s32 $0x500;
	[sflag:s16] =	ssyncadd.s32 $0xFFFFC180  }
0x733: {  	[tilespmem:s30], [sflag:$0x1] =	stream.indirect.gather [hbm4b:s5+s29], $0x80, s24, s29, $0xb8;
	[tilespmem:$0x1D080] =	vst v63  }
0x734: {  	s14 =	simm.s32 $0x1080  }
0x735: {  	[spmem:s2] =	stream.indirect.scatter.add.f32 [tilespmem:s13], [sflag:$0x4], $0x80, s14, s29, $0xb8;
	[tilespmem:$0x1D080] =	vst v63  }
0x736: {  	_ =	swait.ge [sflag:s26], $0x3E80  }
0x737: {  	[sflag:s26] =	ssyncset.done $0x0  }
0x738: {  	[sflag:s26] =	ssyncadd.s32 $0xFFFFC180  }
0x739: {  	_ =	swait.ge [sflag:s31], $0x3E80  }
0x73a: {  	[sflag:s31] =	ssyncset.done $0x0  }
0x73b: {  	s19 =	simm.s32 $0x580;
	[sflag:s31] =	ssyncadd.s32 $0xFFFFC180  }
0x73c: {  	[tilespmem:s13], [sflag:$0x2] =	stream.indirect.gather [hbm4b:s5+s29], $0x80, s19, s29, $0xb8;
	[tilespmem:$0x1D080] =	vst v63  }
0x73d: {  	s20 =	simm.s32 $0x1100  }
0x73e: {  	[spmem:s2] =	stream.indirect.scatter.add.f32 [tilespmem:s30], [sflag:$0x4], $0x80, s20, s29, $0xb8;
	[tilespmem:$0x1D080] =	vst v63  }
0x73f: {  	_ =	swait.ge [sflag:s26], $0x3E80  }
0x740: {  	[sflag:s26] =	ssyncset.done $0x0  }
0x741: {  	[sflag:s26] =	ssyncadd.s32 $0xFFFFC180  }
0x742: {  	_ =	swait.ge [sflag:s16], $0x3E80  }
0x743: {  	[sflag:s16] =	ssyncset.done $0x0  }
0x744: {  	s24 =	simm.s32 $0x600;
	[sflag:s16] =	ssyncadd.s32 $0xFFFFC180  }
0x745: {  	[tilespmem:s30], [sflag:$0x1] =	stream.indirect.gather [hbm4b:s5+s29], $0x80, s24, s29, $0xb8;
	[tilespmem:$0x1D080] =	vst v63  }
0x746: {  	s14 =	simm.s32 $0x1180  }
0x747: {  	[spmem:s2] =	stream.indirect.scatter.add.f32 [tilespmem:s13], [sflag:$0x4], $0x80, s14, s29, $0xb8;
	[tilespmem:$0x1D080] =	vst v63  }
0x748: {  	_ =	swait.ge [sflag:s26], $0x3E80  }
0x749: {  	[sflag:s26] =	ssyncset.done $0x0  }
0x74a: {  	[sflag:s26] =	ssyncadd.s32 $0xFFFFC180  }
0x74b: {  	_ =	swait.ge [sflag:s31], $0x3E80  }
0x74c: {  	[sflag:s31] =	ssyncset.done $0x0  }
0x74d: {  	s19 =	simm.s32 $0x680;
	[sflag:s31] =	ssyncadd.s32 $0xFFFFC180  }
0x74e: {  	[tilespmem:s13], [sflag:$0x2] =	stream.indirect.gather [hbm4b:s5+s29], $0x80, s19, s29, $0xb8;
	[tilespmem:$0x1D080] =	vst v63  }
0x74f: {  	s20 =	simm.s32 $0x1200  }
0x750: {  	[spmem:s2] =	stream.indirect.scatter.add.f32 [tilespmem:s30], [sflag:$0x4], $0x80, s20, s29, $0xb8;
	[tilespmem:$0x1D080] =	vst v63  }
0x751: {  	_ =	swait.ge [sflag:s26], $0x3E80  }
0x752: {  	[sflag:s26] =	ssyncset.done $0x0  }
0x753: {  	[sflag:s26] =	ssyncadd.s32 $0xFFFFC180  }
0x754: {  	_ =	swait.ge [sflag:s16], $0x3E80  }
0x755: {  	[sflag:s16] =	ssyncset.done $0x0  }
0x756: {  	s24 =	simm.s32 $0x700;
	[sflag:s16] =	ssyncadd.s32 $0xFFFFC180  }
0x757: {  	[tilespmem:s30], [sflag:$0x1] =	stream.indirect.gather [hbm4b:s5+s29], $0x80, s24, s29, $0xb8;
	[tilespmem:$0x1D080] =	vst v63  }
0x758: {  	s14 =	simm.s32 $0x1280  }
0x759: {  	[spmem:s2] =	stream.indirect.scatter.add.f32 [tilespmem:s13], [sflag:$0x4], $0x80, s14, s29, $0xb8;
	[tilespmem:$0x1D080] =	vst v63  }
0x75a: {  	_ =	swait.ge [sflag:s26], $0x3E80  }
0x75b: {  	[sflag:s26] =	ssyncset.done $0x0  }
0x75c: {  	[sflag:s26] =	ssyncadd.s32 $0xFFFFC180  }
0x75d: {  	_ =	swait.ge [sflag:s31], $0x3E80  }
0x75e: {  	[sflag:s31] =	ssyncset.done $0x0  }
0x75f: {  	s19 =	simm.s32 $0x780;
	[sflag:s31] =	ssyncadd.s32 $0xFFFFC180  }
0x760: {  	[tilespmem:s13], [sflag:$0x2] =	stream.indirect.gather [hbm4b:s5+s29], $0x80, s19, s29, $0xb8;
	[tilespmem:$0x1D080] =	vst v63  }
0x761: {  	s20 =	simm.s32 $0x1300  }
0x762: {  	[spmem:s2] =	stream.indirect.scatter.add.f32 [tilespmem:s30], [sflag:$0x4], $0x80, s20, s29, $0xb8;
	[tilespmem:$0x1D080] =	vst v63  }
0x763: {  	_ =	swait.ge [sflag:s26], $0x3E80  }
0x764: {  	[sflag:s26] =	ssyncset.done $0x0  }
0x765: {  	[sflag:s26] =	ssyncadd.s32 $0xFFFFC180  }
0x766: {  	_ =	swait.ge [sflag:s16], $0x3E80  }
0x767: {  	[sflag:s16] =	ssyncset.done $0x0  }
0x768: {  	s24 =	simm.s32 $0x800;
	[sflag:s16] =	ssyncadd.s32 $0xFFFFC180  }
0x769: {  	[tilespmem:s30], [sflag:$0x1] =	stream.indirect.gather [hbm4b:s5+s29], $0x80, s24, s29, $0xb8;
	[tilespmem:$0x1D080] =	vst v63  }
0x76a: {  	s14 =	simm.s32 $0x1380  }
0x76b: {  	[spmem:s2] =	stream.indirect.scatter.add.f32 [tilespmem:s13], [sflag:$0x4], $0x80, s14, s29, $0xb8;
	[tilespmem:$0x1D080] =	vst v63  }
0x76c: {  	_ =	swait.ge [sflag:s26], $0x3E80  }
0x76d: {  	[sflag:s26] =	ssyncset.done $0x0  }
0x76e: {  	[sflag:s26] =	ssyncadd.s32 $0xFFFFC180  }
0x76f: {  	_ =	swait.ge [sflag:s31], $0x3E80  }
0x770: {  	[sflag:s31] =	ssyncset.done $0x0  }
0x771: {  	s19 =	simm.s32 $0x880;
	[sflag:s31] =	ssyncadd.s32 $0xFFFFC180  }
0x772: {  	[tilespmem:s13], [sflag:$0x2] =	stream.indirect.gather [hbm4b:s5+s29], $0x80, s19, s29, $0xb8;
	[tilespmem:$0x1D080] =	vst v63  }
0x773: {  	s20 =	simm.s32 $0x1400  }
0x774: {  	[spmem:s2] =	stream.indirect.scatter.add.f32 [tilespmem:s30], [sflag:$0x4], $0x80, s20, s29, $0xb8;
	[tilespmem:$0x1D080] =	vst v63  }
0x775: {  	_ =	swait.ge [sflag:s26], $0x3E80  }
0x776: {  	[sflag:s26] =	ssyncset.done $0x0  }
0x777: {  	[sflag:s26] =	ssyncadd.s32 $0xFFFFC180  }
0x778: {  	_ =	swait.ge [sflag:s16], $0x3E80  }
0x779: {  	[sflag:s16] =	ssyncset.done $0x0  }
0x77a: {  	s24 =	simm.s32 $0x900;
	[sflag:s16] =	ssyncadd.s32 $0xFFFFC180  }
0x77b: {  	[tilespmem:s30], [sflag:$0x1] =	stream.indirect.gather [hbm4b:s5+s29], $0x80, s24, s29, $0xb8;
	[tilespmem:$0x1D080] =	vst v63  }
0x77c: {  	s14 =	simm.s32 $0x1480  }
0x77d: {  	[spmem:s2] =	stream.indirect.scatter.add.f32 [tilespmem:s13], [sflag:$0x4], $0x80, s14, s29, $0xb8;
	[tilespmem:$0x1D080] =	vst v63  }
0x77e: {  	_ =	swait.ge [sflag:s26], $0x3E80  }
0x77f: {  	[sflag:s26] =	ssyncset.done $0x0  }
0x780: {  	[sflag:s26] =	ssyncadd.s32 $0xFFFFC180  }
0x781: {  	_ =	swait.ge [sflag:s31], $0x3E80  }
0x782: {  	[sflag:s31] =	ssyncset.done $0x0  }
0x783: {  	s19 =	simm.s32 $0x980;
	[sflag:s31] =	ssyncadd.s32 $0xFFFFC180  }
0x784: {  	[tilespmem:s13], [sflag:$0x2] =	stream.indirect.gather [hbm4b:s5+s29], $0x80, s19, s29, $0xb8;
	[tilespmem:$0x1D080] =	vst v63  }
0x785: {  	s20 =	simm.s32 $0x1500  }
0x786: {  	[spmem:s2] =	stream.indirect.scatter.add.f32 [tilespmem:s30], [sflag:$0x4], $0x80, s20, s29, $0xb8;
	[tilespmem:$0x1D080] =	vst v63  }
0x787: {  	_ =	swait.ge [sflag:s26], $0x3E80  }
0x788: {  	[sflag:s26] =	ssyncset.done $0x0  }
0x789: {  	[sflag:s26] =	ssyncadd.s32 $0xFFFFC180  }
0x78a: {  	_ =	swait.ge [sflag:s16], $0x3E80  }
0x78b: {  	[sflag:s16] =	ssyncset.done $0x0  }
0x78c: {  	s24 =	simm.s32 $0x1580;
	[sflag:s16] =	ssyncadd.s32 $0xFFFFC180  }
0x78d: {  	[spmem:s2] =	stream.indirect.scatter.add.f32 [tilespmem:s13], [sflag:$0x4], $0x80, s24, s29, $0xb8;
	[tilespmem:$0x1D080] =	vst v63  }
0x78e: {  	_ =	swait.ge [sflag:s26], $0x3E80  }
0x78f: {  	[sflag:s26] =	ssyncset.done $0x0  }
0x790: {  	[sflag:s26] =	ssyncadd.s32 $0xFFFFC180  }
0x791: {  	[bflag:$0x0] =	sbarrier.arrive $0xFFFF  }
0x792: {  	s14 =	rddreg [dreg:$0x19]  }
0x793: {  	[hbm:s14@s12], [sflag:s25] =	dma.strided @p1 [spmem:s18@s15], $0x2800, s8, $0x10   }
0x794: {  	_ =	swait.ge @p1 [sflag:s0], $0x2800  }
0x795: {  	[sflag:s0] =	ssyncset.done @p1 $0x0  }
0x796: {  	[sflag:s0] =	ssyncadd.s32 @p1 $0xFFFFD800;
	s0 =	rddreg [dreg:$0x10]  }
0x797: {  	[hbm:s0@s11], [sflag:s10] =	dma.strided @!p1 [spmem:s6@s23], $0x2700, s7, $0x10   }
0x798: {  	_ =	swait.ge @!p1 [sflag:s17], $0x2700  }
0x799: {  	s1 =	simm.s32 $0xD00;
	s19 =	simm.s32 $0xC80;
	[sflag:s17] =	ssyncset.done @!p1 $0x0  }
0x79a: {  	s20 =	simm.s32 $0x180;
	s24 =	simm.s32 $0x100;
	[sflag:s17] =	ssyncadd.s32 @!p1 $0xFFFFD900  }
.LBB2_4:
0x79b: {  	s0 =	rddreg [dreg:$0x11]  }
0x79c: {  	[tilespmem:s30], [sflag:$0x4] =	stream.linear.gather [hbm4b:s0+s3], $0x3E80, $0x38;
	[tilespmem:$0x1D080] =	vst v63  }
0x79d: {  	_ =	swait.ge [sflag:s26], $0x3E80  }
0x79e: {  	[sflag:s26] =	ssyncset.done $0x0  }
.Ltmp4:
0x79f: {  	s25 =	rddreg [dreg:$0x1a];
	[sflag:s26] =	ssyncadd.s32 $0xFFFFC180;
	(pc) =	sbr.rel @p0 .LBB2_6-.Ltmp4, $4  }
0x7a0: {  	[tilespmem:s13], [sflag:$0x4] =	stream.linear.gather [hbm4b:s25+s3], $0x3E80, $0x38;
	[tilespmem:$0x1D080] =	vst v63  }
0x7a1: {  	_ =	swait.ge [sflag:s26], $0x3E80  }
0x7a2: {  	[sflag:s26] =	ssyncset.done $0x0  }
0x7a3: {  	[sflag:s26] =	ssyncadd.s32 $0xFFFFC180  }
0x7a4: {  	s8 =	simm.s32 @p1 $0x1FC4;
	s0 =	simm.s32 @p1 $0x4  }
0x7a5: {  	[spmem:s18], [sflag:s8] =	dma.local @p1 [hbm:s22], $0x2800  }
0x7a6: {  	_ =	swait.ge @p1 [sflag:s0], $0x2800  }
0x7a7: {  	[sflag:s0] =	ssyncset.done @p1 $0x0  }
0x7a8: {  	s7 =	simm.s32 @!p1 $0x4;
	[sflag:s0] =	ssyncadd.s32 @p1 $0xFFFFD800  }
0x7a9: {  	[spmem:s6], [sflag:s10] =	dma.local @!p1 [hbm:s22], $0x2700  }
0x7aa: {  	_ =	swait.ge @!p1 [sflag:s7], $0x2700  }
0x7ab: {  	[sflag:s7] =	ssyncset.done @!p1 $0x0  }
0x7ac: {  	[sflag:s7] =	ssyncadd.s32 @!p1 $0xFFFFD900  }
0x7ad: {  	[bflag:$0x0] =	sbarrier.arrive $0xFFFF  }
0x7ae: {  	s11 =	rddreg [dreg:$0x6]  }
0x7af: {  	[tilespmem:s28], [sflag:$0x4] =	stream.linear.gather [hbm4b:s11+s3], $0xA00, $0x38;
	[tilespmem:$0x1D080] =	vst v63  }
0x7b0: {  	_ =	swait.ge [sflag:s26], $0xA00  }
0x7b1: {  	[sflag:s26] =	ssyncset.done $0x0  }
0x7b2: {  	[sflag:s26] =	ssyncadd.s32 $0xFFFFF600  }
0x7b3: {  	[spmem:s2] =	stream.indirect.scatter.add.f32 [tilespmem:s30], [sflag:$0x3], $0x80, s28, s29, $0xb8;
	[tilespmem:$0x1D080] =	vst v63  }
0x7b4: {  	_ = 	snop  }
0x7b5: {  	[spmem:s2] =	stream.indirect.scatter.add.f32 [tilespmem:s30], [sflag:$0x3], $0x80, s19, s29, $0xb8;
	[tilespmem:$0x1D080] =	vst v63  }
0x7b6: {  	_ = 	snop  }
0x7b7: {  	[spmem:s2] =	stream.indirect.scatter.add.f32 [tilespmem:s30], [sflag:$0x3], $0x80, s1, s29, $0xb8;
	[tilespmem:$0x1D080] =	vst v63  }
0x7b8: {  	s14 =	simm.s32 $0xD80  }
0x7b9: {  	[spmem:s2] =	stream.indirect.scatter.add.f32 [tilespmem:s30], [sflag:$0x3], $0x80, s14, s29, $0xb8;
	[tilespmem:$0x1D080] =	vst v63  }
0x7ba: {  	s23 =	simm.s32 $0xE00  }
0x7bb: {  	[spmem:s2] =	stream.indirect.scatter.add.f32 [tilespmem:s30], [sflag:$0x3], $0x80, s23, s29, $0xb8;
	[tilespmem:$0x1D080] =	vst v63  }
0x7bc: {  	s12 =	simm.s32 $0xE80  }
0x7bd: {  	[spmem:s2] =	stream.indirect.scatter.add.f32 [tilespmem:s30], [sflag:$0x3], $0x80, s12, s29, $0xb8;
	[tilespmem:$0x1D080] =	vst v63  }
0x7be: {  	s15 =	simm.s32 $0xF00  }
0x7bf: {  	[spmem:s2] =	stream.indirect.scatter.add.f32 [tilespmem:s30], [sflag:$0x3], $0x80, s15, s29, $0xb8;
	[tilespmem:$0x1D080] =	vst v63  }
0x7c0: {  	s17 =	simm.s32 $0xF80  }
0x7c1: {  	[spmem:s2] =	stream.indirect.scatter.add.f32 [tilespmem:s30], [sflag:$0x3], $0x80, s17, s29, $0xb8;
	[tilespmem:$0x1D080] =	vst v63  }
0x7c2: {  	s25 =	simm.s32 $0x1000  }
0x7c3: {  	[spmem:s2] =	stream.indirect.scatter.add.f32 [tilespmem:s30], [sflag:$0x3], $0x80, s25, s29, $0xb8;
	[tilespmem:$0x1D080] =	vst v63  }
0x7c4: {  	s17 =	simm.s32 $0x1080  }
0x7c5: {  	[spmem:s2] =	stream.indirect.scatter.add.f32 [tilespmem:s30], [sflag:$0x3], $0x80, s17, s29, $0xb8;
	[tilespmem:$0x1D080] =	vst v63  }
0x7c6: {  	s25 =	simm.s32 $0x1100  }
0x7c7: {  	[spmem:s2] =	stream.indirect.scatter.add.f32 [tilespmem:s30], [sflag:$0x3], $0x80, s25, s29, $0xb8;
	[tilespmem:$0x1D080] =	vst v63  }
0x7c8: {  	s17 =	simm.s32 $0x1180  }
0x7c9: {  	[spmem:s2] =	stream.indirect.scatter.add.f32 [tilespmem:s30], [sflag:$0x3], $0x80, s17, s29, $0xb8;
	[tilespmem:$0x1D080] =	vst v63  }
0x7ca: {  	s25 =	simm.s32 $0x1200  }
0x7cb: {  	[spmem:s2] =	stream.indirect.scatter.add.f32 [tilespmem:s30], [sflag:$0x3], $0x80, s25, s29, $0xb8;
	[tilespmem:$0x1D080] =	vst v63  }
0x7cc: {  	s17 =	simm.s32 $0x1280  }
0x7cd: {  	[spmem:s2] =	stream.indirect.scatter.add.f32 [tilespmem:s30], [sflag:$0x3], $0x80, s17, s29, $0xb8;
	[tilespmem:$0x1D080] =	vst v63  }
0x7ce: {  	s25 =	simm.s32 $0x1300  }
0x7cf: {  	[spmem:s2] =	stream.indirect.scatter.add.f32 [tilespmem:s30], [sflag:$0x3], $0x80, s25, s29, $0xb8;
	[tilespmem:$0x1D080] =	vst v63  }
0x7d0: {  	s17 =	simm.s32 $0x1380  }
0x7d1: {  	[spmem:s2] =	stream.indirect.scatter.add.f32 [tilespmem:s30], [sflag:$0x3], $0x80, s17, s29, $0xb8;
	[tilespmem:$0x1D080] =	vst v63  }
0x7d2: {  	s25 =	simm.s32 $0x1400  }
0x7d3: {  	[spmem:s2] =	stream.indirect.scatter.add.f32 [tilespmem:s30], [sflag:$0x3], $0x80, s25, s29, $0xb8;
	[tilespmem:$0x1D080] =	vst v63  }
0x7d4: {  	s17 =	simm.s32 $0x1480  }
0x7d5: {  	[spmem:s2] =	stream.indirect.scatter.add.f32 [tilespmem:s30], [sflag:$0x3], $0x80, s17, s29, $0xb8;
	[tilespmem:$0x1D080] =	vst v63  }
0x7d6: {  	s25 =	simm.s32 $0x1500  }
0x7d7: {  	[spmem:s2] =	stream.indirect.scatter.add.f32 [tilespmem:s30], [sflag:$0x3], $0x80, s25, s29, $0xb8;
	[tilespmem:$0x1D080] =	vst v63  }
0x7d8: {  	s17 =	simm.s32 $0x1580  }
0x7d9: {  	[spmem:s2] =	stream.indirect.scatter.add.f32 [tilespmem:s30], [sflag:$0x3], $0x80, s17, s29, $0xb8;
	[tilespmem:$0x1D080] =	vst v63  }
0x7da: {  	_ =	swait.ge [sflag:s9], $0x3E80  }
0x7db: {  	[sflag:s9] =	ssyncset.done $0x0  }
0x7dc: {  	[sflag:s9] =	ssyncadd.s32 $0xFFFFC180  }
0x7dd: {  	_ =	swait.ge [sflag:s9], $0x3E80  }
0x7de: {  	[sflag:s9] =	ssyncset.done $0x0  }
0x7df: {  	[sflag:s9] =	ssyncadd.s32 $0xFFFFC180  }
0x7e0: {  	_ =	swait.ge [sflag:s9], $0x3E80  }
0x7e1: {  	[sflag:s9] =	ssyncset.done $0x0  }
0x7e2: {  	[sflag:s9] =	ssyncadd.s32 $0xFFFFC180  }
0x7e3: {  	_ =	swait.ge [sflag:s9], $0x3E80  }
0x7e4: {  	[sflag:s9] =	ssyncset.done $0x0  }
0x7e5: {  	[sflag:s9] =	ssyncadd.s32 $0xFFFFC180  }
0x7e6: {  	_ =	swait.ge [sflag:s9], $0x3E80  }
0x7e7: {  	[sflag:s9] =	ssyncset.done $0x0  }
0x7e8: {  	[sflag:s9] =	ssyncadd.s32 $0xFFFFC180  }
0x7e9: {  	_ =	swait.ge [sflag:s9], $0x3E80  }
0x7ea: {  	[sflag:s9] =	ssyncset.done $0x0  }
0x7eb: {  	[sflag:s9] =	ssyncadd.s32 $0xFFFFC180  }
0x7ec: {  	_ =	swait.ge [sflag:s9], $0x3E80  }
0x7ed: {  	[sflag:s9] =	ssyncset.done $0x0  }
0x7ee: {  	[sflag:s9] =	ssyncadd.s32 $0xFFFFC180  }
0x7ef: {  	_ =	swait.ge [sflag:s9], $0x3E80  }
0x7f0: {  	[sflag:s9] =	ssyncset.done $0x0  }
0x7f1: {  	[sflag:s9] =	ssyncadd.s32 $0xFFFFC180  }
0x7f2: {  	_ =	swait.ge [sflag:s9], $0x3E80  }
0x7f3: {  	[sflag:s9] =	ssyncset.done $0x0  }
0x7f4: {  	[sflag:s9] =	ssyncadd.s32 $0xFFFFC180  }
0x7f5: {  	_ =	swait.ge [sflag:s9], $0x3E80  }
0x7f6: {  	[sflag:s9] =	ssyncset.done $0x0  }
0x7f7: {  	[sflag:s9] =	ssyncadd.s32 $0xFFFFC180  }
0x7f8: {  	_ =	swait.ge [sflag:s9], $0x3E80  }
0x7f9: {  	[sflag:s9] =	ssyncset.done $0x0  }
0x7fa: {  	[sflag:s9] =	ssyncadd.s32 $0xFFFFC180  }
0x7fb: {  	_ =	swait.ge [sflag:s9], $0x3E80  }
0x7fc: {  	[sflag:s9] =	ssyncset.done $0x0  }
0x7fd: {  	[sflag:s9] =	ssyncadd.s32 $0xFFFFC180  }
0x7fe: {  	_ =	swait.ge [sflag:s9], $0x3E80  }
0x7ff: {  	[sflag:s9] =	ssyncset.done $0x0  }
0x800: {  	[sflag:s9] =	ssyncadd.s32 $0xFFFFC180  }
0x801: {  	_ =	swait.ge [sflag:s9], $0x3E80  }
0x802: {  	[sflag:s9] =	ssyncset.done $0x0  }
0x803: {  	[sflag:s9] =	ssyncadd.s32 $0xFFFFC180  }
0x804: {  	_ =	swait.ge [sflag:s9], $0x3E80  }
0x805: {  	[sflag:s9] =	ssyncset.done $0x0  }
0x806: {  	[sflag:s9] =	ssyncadd.s32 $0xFFFFC180  }
0x807: {  	_ =	swait.ge [sflag:s9], $0x3E80  }
0x808: {  	[sflag:s9] =	ssyncset.done $0x0  }
0x809: {  	[sflag:s9] =	ssyncadd.s32 $0xFFFFC180  }
0x80a: {  	_ =	swait.ge [sflag:s9], $0x3E80  }
0x80b: {  	[sflag:s9] =	ssyncset.done $0x0  }
0x80c: {  	[sflag:s9] =	ssyncadd.s32 $0xFFFFC180  }
0x80d: {  	_ =	swait.ge [sflag:s9], $0x3E80  }
0x80e: {  	[sflag:s9] =	ssyncset.done $0x0  }
0x80f: {  	[sflag:s9] =	ssyncadd.s32 $0xFFFFC180  }
0x810: {  	_ =	swait.ge [sflag:s9], $0x3E80  }
0x811: {  	[sflag:s9] =	ssyncset.done $0x0  }
0x812: {  	[sflag:s9] =	ssyncadd.s32 $0xFFFFC180  }
0x813: {  	_ =	swait.ge [sflag:s9], $0x3E80  }
0x814: {  	s25 =	sld [smem:$0x7FA]  }
0x815: {  	[sflag:s9] =	ssyncset.done $0x0  }
0x816: {  	[sflag:s9] =	ssyncadd.s32 $0xFFFFC180  }
0x817: {  	[tilespmem:s28], [sflag:$0x4] =	stream.linear.gather [hbm4b:s25+s3], $0xA00, $0x38;
	[tilespmem:$0x1D080] =	vst v63  }
0x818: {  	_ =	swait.ge [sflag:s26], $0xA00  }
0x819: {  	[sflag:s26] =	ssyncset.done $0x0  }
0x81a: {  	[sflag:s26] =	ssyncadd.s32 $0xFFFFF600  }
0x81b: {  	[spmem:s2] =	stream.indirect.scatter.add.f32 [tilespmem:s13], [sflag:$0x3], $0x80, s28, s29, $0xb8;
	[tilespmem:$0x1D080] =	vst v63  }
0x81c: {  	_ = 	snop  }
0x81d: {  	[spmem:s2] =	stream.indirect.scatter.add.f32 [tilespmem:s13], [sflag:$0x3], $0x80, s19, s29, $0xb8;
	[tilespmem:$0x1D080] =	vst v63  }
0x81e: {  	_ = 	snop  }
0x81f: {  	[spmem:s2] =	stream.indirect.scatter.add.f32 [tilespmem:s13], [sflag:$0x3], $0x80, s1, s29, $0xb8;
	[tilespmem:$0x1D080] =	vst v63  }
0x820: {  	_ = 	snop  }
0x821: {  	[spmem:s2] =	stream.indirect.scatter.add.f32 [tilespmem:s13], [sflag:$0x3], $0x80, s14, s29, $0xb8;
	[tilespmem:$0x1D080] =	vst v63  }
0x822: {  	_ = 	snop  }
0x823: {  	[spmem:s2] =	stream.indirect.scatter.add.f32 [tilespmem:s13], [sflag:$0x3], $0x80, s23, s29, $0xb8;
	[tilespmem:$0x1D080] =	vst v63  }
0x824: {  	_ = 	snop  }
0x825: {  	[spmem:s2] =	stream.indirect.scatter.add.f32 [tilespmem:s13], [sflag:$0x3], $0x80, s12, s29, $0xb8;
	[tilespmem:$0x1D080] =	vst v63  }
0x826: {  	_ = 	snop  }
0x827: {  	[spmem:s2] =	stream.indirect.scatter.add.f32 [tilespmem:s13], [sflag:$0x3], $0x80, s15, s29, $0xb8;
	[tilespmem:$0x1D080] =	vst v63  }
0x828: {  	s25 =	simm.s32 $0xF80  }
0x829: {  	[spmem:s2] =	stream.indirect.scatter.add.f32 [tilespmem:s13], [sflag:$0x3], $0x80, s25, s29, $0xb8;
	[tilespmem:$0x1D080] =	vst v63  }
0x82a: {  	s17 =	simm.s32 $0x1000  }
0x82b: {  	[spmem:s2] =	stream.indirect.scatter.add.f32 [tilespmem:s13], [sflag:$0x3], $0x80, s17, s29, $0xb8;
	[tilespmem:$0x1D080] =	vst v63  }
0x82c: {  	s25 =	simm.s32 $0x1080  }
0x82d: {  	[spmem:s2] =	stream.indirect.scatter.add.f32 [tilespmem:s13], [sflag:$0x3], $0x80, s25, s29, $0xb8;
	[tilespmem:$0x1D080] =	vst v63  }
0x82e: {  	s17 =	simm.s32 $0x1100  }
0x82f: {  	[spmem:s2] =	stream.indirect.scatter.add.f32 [tilespmem:s13], [sflag:$0x3], $0x80, s17, s29, $0xb8;
	[tilespmem:$0x1D080] =	vst v63  }
0x830: {  	s17 =	simm.s32 $0x1180  }
0x831: {  	[spmem:s2] =	stream.indirect.scatter.add.f32 [tilespmem:s13], [sflag:$0x3], $0x80, s17, s29, $0xb8;
	[tilespmem:$0x1D080] =	vst v63  }
0x832: {  	s15 =	simm.s32 $0x1200  }
0x833: {  	[spmem:s2] =	stream.indirect.scatter.add.f32 [tilespmem:s13], [sflag:$0x3], $0x80, s15, s29, $0xb8;
	[tilespmem:$0x1D080] =	vst v63  }
0x834: {  	s15 =	simm.s32 $0x1280  }
0x835: {  	[spmem:s2] =	stream.indirect.scatter.add.f32 [tilespmem:s13], [sflag:$0x3], $0x80, s15, s29, $0xb8;
	[tilespmem:$0x1D080] =	vst v63  }
0x836: {  	s25 =	simm.s32 $0x1300  }
0x837: {  	[spmem:s2] =	stream.indirect.scatter.add.f32 [tilespmem:s13], [sflag:$0x3], $0x80, s25, s29, $0xb8;
	[tilespmem:$0x1D080] =	vst v63  }
0x838: {  	s25 =	simm.s32 $0x1380  }
0x839: {  	[spmem:s2] =	stream.indirect.scatter.add.f32 [tilespmem:s13], [sflag:$0x3], $0x80, s25, s29, $0xb8;
	[tilespmem:$0x1D080] =	vst v63  }
0x83a: {  	s17 =	simm.s32 $0x1400  }
0x83b: {  	[spmem:s2] =	stream.indirect.scatter.add.f32 [tilespmem:s13], [sflag:$0x3], $0x80, s17, s29, $0xb8;
	[tilespmem:$0x1D080] =	vst v63  }
0x83c: {  	s17 =	simm.s32 $0x1480  }
0x83d: {  	[spmem:s2] =	stream.indirect.scatter.add.f32 [tilespmem:s13], [sflag:$0x3], $0x80, s17, s29, $0xb8;
	[tilespmem:$0x1D080] =	vst v63  }
0x83e: {  	s15 =	simm.s32 $0x1500  }
0x83f: {  	[spmem:s2] =	stream.indirect.scatter.add.f32 [tilespmem:s13], [sflag:$0x3], $0x80, s15, s29, $0xb8;
	[tilespmem:$0x1D080] =	vst v63  }
0x840: {  	s25 =	simm.s32 $0x1580  }
0x841: {  	[spmem:s2] =	stream.indirect.scatter.add.f32 [tilespmem:s13], [sflag:$0x3], $0x80, s25, s29, $0xb8;
	[tilespmem:$0x1D080] =	vst v63  }
0x842: {  	_ =	swait.ge [sflag:s9], $0x3E80  }
0x843: {  	[sflag:s9] =	ssyncset.done $0x0  }
0x844: {  	[sflag:s9] =	ssyncadd.s32 $0xFFFFC180  }
0x845: {  	_ =	swait.ge [sflag:s9], $0x3E80  }
0x846: {  	[sflag:s9] =	ssyncset.done $0x0  }
0x847: {  	[sflag:s9] =	ssyncadd.s32 $0xFFFFC180  }
0x848: {  	_ =	swait.ge [sflag:s9], $0x3E80  }
0x849: {  	[sflag:s9] =	ssyncset.done $0x0  }
0x84a: {  	[sflag:s9] =	ssyncadd.s32 $0xFFFFC180  }
0x84b: {  	_ =	swait.ge [sflag:s9], $0x3E80  }
0x84c: {  	[sflag:s9] =	ssyncset.done $0x0  }
0x84d: {  	[sflag:s9] =	ssyncadd.s32 $0xFFFFC180  }
0x84e: {  	_ =	swait.ge [sflag:s9], $0x3E80  }
0x84f: {  	[sflag:s9] =	ssyncset.done $0x0  }
0x850: {  	[sflag:s9] =	ssyncadd.s32 $0xFFFFC180  }
0x851: {  	_ =	swait.ge [sflag:s9], $0x3E80  }
0x852: {  	[sflag:s9] =	ssyncset.done $0x0  }
0x853: {  	[sflag:s9] =	ssyncadd.s32 $0xFFFFC180  }
0x854: {  	_ =	swait.ge [sflag:s9], $0x3E80  }
0x855: {  	[sflag:s9] =	ssyncset.done $0x0  }
0x856: {  	[sflag:s9] =	ssyncadd.s32 $0xFFFFC180  }
0x857: {  	_ =	swait.ge [sflag:s9], $0x3E80  }
0x858: {  	[sflag:s9] =	ssyncset.done $0x0  }
0x859: {  	[sflag:s9] =	ssyncadd.s32 $0xFFFFC180  }
0x85a: {  	_ =	swait.ge [sflag:s9], $0x3E80  }
0x85b: {  	[sflag:s9] =	ssyncset.done $0x0  }
0x85c: {  	[sflag:s9] =	ssyncadd.s32 $0xFFFFC180  }
0x85d: {  	_ =	swait.ge [sflag:s9], $0x3E80  }
0x85e: {  	[sflag:s9] =	ssyncset.done $0x0  }
0x85f: {  	[sflag:s9] =	ssyncadd.s32 $0xFFFFC180  }
0x860: {  	_ =	swait.ge [sflag:s9], $0x3E80  }
0x861: {  	[sflag:s9] =	ssyncset.done $0x0  }
0x862: {  	[sflag:s9] =	ssyncadd.s32 $0xFFFFC180  }
0x863: {  	_ =	swait.ge [sflag:s9], $0x3E80  }
0x864: {  	[sflag:s9] =	ssyncset.done $0x0  }
0x865: {  	[sflag:s9] =	ssyncadd.s32 $0xFFFFC180  }
0x866: {  	_ =	swait.ge [sflag:s9], $0x3E80  }
0x867: {  	[sflag:s9] =	ssyncset.done $0x0  }
0x868: {  	[sflag:s9] =	ssyncadd.s32 $0xFFFFC180  }
0x869: {  	_ =	swait.ge [sflag:s9], $0x3E80  }
0x86a: {  	[sflag:s9] =	ssyncset.done $0x0  }
0x86b: {  	[sflag:s9] =	ssyncadd.s32 $0xFFFFC180  }
0x86c: {  	_ =	swait.ge [sflag:s9], $0x3E80  }
0x86d: {  	[sflag:s9] =	ssyncset.done $0x0  }
0x86e: {  	[sflag:s9] =	ssyncadd.s32 $0xFFFFC180  }
0x86f: {  	_ =	swait.ge [sflag:s9], $0x3E80  }
0x870: {  	[sflag:s9] =	ssyncset.done $0x0  }
0x871: {  	[sflag:s9] =	ssyncadd.s32 $0xFFFFC180  }
0x872: {  	_ =	swait.ge [sflag:s9], $0x3E80  }
0x873: {  	[sflag:s9] =	ssyncset.done $0x0  }
0x874: {  	[sflag:s9] =	ssyncadd.s32 $0xFFFFC180  }
0x875: {  	_ =	swait.ge [sflag:s9], $0x3E80  }
0x876: {  	[sflag:s9] =	ssyncset.done $0x0  }
0x877: {  	[sflag:s9] =	ssyncadd.s32 $0xFFFFC180  }
0x878: {  	_ =	swait.ge [sflag:s9], $0x3E80  }
0x879: {  	[sflag:s9] =	ssyncset.done $0x0  }
0x87a: {  	[sflag:s9] =	ssyncadd.s32 $0xFFFFC180  }
0x87b: {  	_ =	swait.ge [sflag:s9], $0x3E80  }
0x87c: {  	[sflag:s9] =	ssyncset.done $0x0  }
0x87d: {  	[sflag:s9] =	ssyncadd.s32 $0xFFFFC180  }
0x87e: {  	[bflag:$0x0] =	sbarrier.arrive $0xFFFF  }
0x87f: {  	s11 =	rddreg [dreg:$0x1e]  }
0x880: {  	[hbm:s11], [sflag:s8] =	dma.local @p1 [spmem:s18], $0x2800  }
0x881: {  	_ =	swait.ge @p1 [sflag:s0], $0x2800  }
0x882: {  	[sflag:s0] =	ssyncset.done @p1 $0x0  }
.Ltmp5:
0x883: {  	[sflag:s0] =	ssyncadd.s32 @p1 $0xFFFFD800;
	s0 =	rddreg [dreg:$0x1c];
	(pc) =	sbr.rel .LBB2_7-.Ltmp5, $4  }
0x884: {  	[hbm:s0], [sflag:s10] =	dma.local @!p1 [spmem:s6], $0x2700  }
0x885: {  	_ =	swait.ge @!p1 [sflag:s7], $0x2700  }
0x886: {  	[sflag:s7] =	ssyncset.done @!p1 $0x0  }
0x887: {  	s17 =	simm.s32 $0x280;
	s25 =	simm.s32 $0x300;
	[sflag:s7] =	ssyncadd.s32 @!p1 $0xFFFFD900  }
.LBB2_8:
0x888: {  	_ =	sfence.sel $0x180000  }
0x889: {  	[bflag:$0x0] =	sbarrier.arrive $0xFFFF  }
0x88a: {  	_ =	strace $0x90000047  }
0x88b: {  	s0 =	stileid.u32;
	[bflag:$0x2] =	sbarrier.arrive $0xFFFF  }
0x88c: {  	p0 =	sne.s32 s0, $0x0;
	s0 =	rddreg [dreg:$0x3]  }
0x88d: {  	s0 =	sadd.s32 @!p0 $0x100000, s0  }
0x88e: {  	[sflag:s0] =	ssyncadd.tile.s32 @!p0 $0x1;
	_ =	shalt  }
.Lfunc_end2:
_tile_overlayer_lowered:
.L_overlay_start_2:
0x88f: {  	(tag) =	ssettag $0x2  }
0x890: {  	s0 =	rddreg [dreg:$0x0];
	s2 =	stileid.u32  }
0x891: {  	s1 =	rddreg [dreg:$0x1];
	p0 =	sne.s32 s2, $0x0  }
0x892: {  	s3 =	rddreg [dreg:$0x2];
	[bflag:$0x3] =	sbarrier.arrive $0xFFFF;
	s2 =	simm.s32 @!p0 $0x1C04  }
0x893: {  	[timem:s3], [sflag:s2] =	dma.local @!p0 [hbm:s0], s1  }
0x894: {  	s0 =	simm.s32 @!p0 $0x4  }
0x895: {  	_ =	swait.ge @!p0 [sflag:s0], s1  }
0x896: {  	s1 =	ssub.s32 @!p0 $0x0, s1;
	[sflag:s0] =	ssyncset.done @!p0 $0x0  }
0x897: {  	[sflag:s0] =	ssyncadd.s32 @!p0 s1  }
0x898: {  	[bflag:$0x3] =	sbarrier.arrive $0xFFFF  }
0x899: {  	_ =	shalt  }

</sc_bundles>
